<compile_context>
chip_gen: v7x
topology: tpu7x:2x2x1
jax: 0.10.2.dev20260603
libtpu: 0.0.44.dev20260713+nightly
codegen_flags: <defaults>
</compile_context>

<pallas_src>
import functools

import jax
import jax.numpy as jnp
from jax import lax
from jax.experimental import pallas as pl
from jax.experimental.pallas import tpu as pltpu
from jax.experimental.pallas import tpu_sc as plsc

_N = 16 * 512 * 512
_NC, _NS = 2, 16
_NW = _NC * _NS
_Q = _N // _NW
_S = 2048
_SUB = 128
_BATCH = 1024
_ROWS_B = _BATCH // _SUB
_SHIFT = 12
_B = 1 << 19
_Z = _B // _NS
_ROWS = _B // 128
_BLK_R = 512
_NBLK = _ROWS // _BLK_R


def _hist_body(log_hbm, lab_hbm, hp_out, hc_out, hs_out,
               sh_hp, sh_hc, sh_hs,
               log_v, lab_v, idx_v, val_v, pv_v, ones_v):
    cid = lax.axis_index("c")
    sid = lax.axis_index("s")
    wid = cid * _NS + sid

    def _zero16(i, _):
        log_v[pl.ds(i * 16, 16)] = jnp.zeros((16,), jnp.float32)
        return 0
    lax.fori_loop(0, _S // 16, _zero16, 0)
    def _ones16(i, _):
        ones_v[pl.ds(i * 16, 16)] = jnp.ones((16,), jnp.float32)
        return 0
    lax.fori_loop(0, _BATCH // 16, _ones16, 0)

    def _zero_hist(i, _):
        off = sid * _Z + i * _S
        pltpu.sync_copy(log_v, sh_hp.at[pl.ds(off, _S)])
        pltpu.sync_copy(log_v, sh_hc.at[pl.ds(off, _S)])
        pltpu.sync_copy(log_v, sh_hs.at[pl.ds(off, _S)])
        return 0
    lax.fori_loop(0, _Z // _S, _zero_hist, 0)
    plsc.subcore_barrier()

    base = wid * _Q

    def _outer(t, _):
        b0 = base + t * _S
        pltpu.sync_copy(log_hbm.at[pl.ds(b0, _S)], log_v)
        pltpu.sync_copy(lab_hbm.at[pl.ds(b0, _S)], lab_v)

        def _inner(k, _):
            off = k * _BATCH
            for j in range(_BATCH // 16):
                o = off + j * 16
                s = log_v[pl.ds(o, 16)]
                l = lab_v[pl.ds(o, 16)]
                e = 1.0 - s * (2.0 * l - 1.0)
                bits = lax.bitcast_convert_type(e, jnp.int32)
                key = jnp.where(e > 0.0,
                                lax.shift_right_logical(bits, _SHIFT),
                                0)
                idx_v[pl.ds(j * 16, 16)] = key
                val_v[pl.ds(j * 16, 16)] = jnp.maximum(e, 0.0)
                pv_v[pl.ds(j * 16, 16)] = l
            pltpu.sync_copy(val_v, sh_hs.at[idx_v], add=True)
            pltpu.sync_copy(pv_v, sh_hp.at[idx_v], add=True)
            pltpu.sync_copy(ones_v, sh_hc.at[idx_v], add=True)
            return 0
        lax.fori_loop(0, _S // _BATCH, _inner, 0)
        return 0
    lax.fori_loop(0, _Q // _S, _outer, 0)
    plsc.subcore_barrier()

    z0 = sid * _Z
    pltpu.sync_copy(sh_hp.at[pl.ds(z0, _Z)], hp_out.at[cid, pl.ds(z0, _Z)])
    pltpu.sync_copy(sh_hc.at[pl.ds(z0, _Z)], hc_out.at[cid, pl.ds(z0, _Z)])
    pltpu.sync_copy(sh_hs.at[pl.ds(z0, _Z)], hs_out.at[cid, pl.ds(z0, _Z)])


def _make_hist():
  return functools.partial(
    pl.kernel,
    out_type=[jax.ShapeDtypeStruct((_NC, _B), jnp.float32)] * 3,
    mesh=plsc.VectorSubcoreMesh(core_axis_name="c", subcore_axis_name="s",
                                num_cores=_NC, num_subcores=_NS),
    scratch_types=[
        pltpu.VMEM_SHARED((_B,), jnp.float32),
        pltpu.VMEM_SHARED((_B,), jnp.float32),
        pltpu.VMEM_SHARED((_B,), jnp.float32),
        pltpu.VMEM((_S,), jnp.float32),
        pltpu.VMEM((_S,), jnp.float32),
        pltpu.VMEM((_BATCH,), jnp.int32),
        pltpu.VMEM((_BATCH,), jnp.float32),
        pltpu.VMEM((_BATCH,), jnp.float32),
        pltpu.VMEM((_BATCH,), jnp.float32),
    ],
  )(_hist_body)


def _psum_body(hp_ref, o_ref):
    o_ref[0, 0] = jnp.sum(hp_ref[...])


def _scan_body(p_ref, hp_ref, hc_ref, hs_ref, o_ref, acc):
    i = pl.program_id(0)

    @pl.when(i == 0)
    def _():
        acc[0] = 0.0
        acc[1] = 0.0
        acc[2] = 0.0

    Xp = jnp.sum(hp_ref[...], axis=0)
    Xc = jnp.sum(hc_ref[...], axis=0)
    Xs = jnp.sum(hs_ref[...], axis=0)
    P = p_ref[0, 0]

    ci = lax.broadcasted_iota(jnp.int32, (128, 128), 0)
    cj = lax.broadcasted_iota(jnp.int32, (128, 128), 1)
    M = (ci > cj).astype(jnp.float32)
    ri = lax.broadcasted_iota(jnp.int32, (_BLK_R, _BLK_R), 0)
    rj = lax.broadcasted_iota(jnp.int32, (_BLK_R, _BLK_R), 1)
    T = (rj > ri).astype(jnp.float32)

    colsuf_p = jnp.dot(Xp, M, preferred_element_type=jnp.float32)
    colsuf_c = jnp.dot(Xc, M, preferred_element_type=jnp.float32)
    below_p = jnp.sum(jnp.dot(T, Xp, preferred_element_type=jnp.float32),
                      axis=1, keepdims=True)
    below_c = jnp.sum(jnp.dot(T, Xc, preferred_element_type=jnp.float32),
                      axis=1, keepdims=True)

    CP = colsuf_p + below_p + acc[0]
    CC = colsuf_c + below_c + acc[1]
    CN = CC - CP
    p = Xp
    c = Xc
    n = c - p
    D0 = P + CN
    D1 = D0 + n
    num = p * D0 + n * (P - CP)
    delta = jnp.where(D0 > 0.0,
                      num / jnp.maximum(D0 * D1, 1.0),
                      (p + n) / jnp.maximum(D1, 1.0))
    contrib = jnp.where(c > 0.0, Xs / jnp.maximum(c, 1.0), 0.0) * delta
    loss_b = jnp.sum(contrib)

    acc[2] = acc[2] + loss_b
    acc[0] = acc[0] + jnp.sum(Xp)
    acc[1] = acc[1] + jnp.sum(Xc)
    o_ref[0, 0] = acc[2]


def kernel(logits, labels):
    x = logits.reshape(_N)
    lab = labels.astype(jnp.float32).reshape(_N)

    hp, hc, hs = _make_hist()(x, lab)

    hp3 = hp.reshape(_NC, _ROWS, 128)
    hc3 = hc.reshape(_NC, _ROWS, 128)
    hs3 = hs.reshape(_NC, _ROWS, 128)

    ptot = pl.pallas_call(
        _psum_body,
        out_shape=jax.ShapeDtypeStruct((1, 1), jnp.float32),
        in_specs=[pl.BlockSpec((_NC, _ROWS, 128), lambda: (0, 0, 0))],
        out_specs=pl.BlockSpec(memory_space=pltpu.SMEM),
    )(hp3)

    loss = pl.pallas_call(
        _scan_body,
        grid=(_NBLK,),
        out_shape=jax.ShapeDtypeStruct((1, 1), jnp.float32),
        in_specs=[
            pl.BlockSpec(memory_space=pltpu.SMEM),
            pl.BlockSpec((_NC, _BLK_R, 128), lambda i: (0, _NBLK - 1 - i, 0)),
            pl.BlockSpec((_NC, _BLK_R, 128), lambda i: (0, _NBLK - 1 - i, 0)),
            pl.BlockSpec((_NC, _BLK_R, 128), lambda i: (0, _NBLK - 1 - i, 0)),
        ],
        out_specs=pl.BlockSpec(memory_space=pltpu.SMEM),
        scratch_shapes=[pltpu.SMEM((4,), jnp.float32)],
    )(ptot, hp3, hc3, hs3)

    return loss[0, 0]

# --- scband reference (transcript-rebuilt; emitter-appended) ---
"""Pipeline reference for scband-lovasz-loss-11862699671930 (READ-ONLY COPY).

The authoritative reference and input builder live on the scoring server;
editing this copy changes nothing except your own understanding.
"""

import jax, jax.numpy as jnp
import numpy as np


def setup_inputs(seed: int = 0) -> dict:
    key = jax.random.key(seed)
    k1, k2 = jax.random.split(key)
    logits = jax.random.normal(k1, (16, 512, 512), dtype=jnp.float32)
    labels = jax.random.randint(k2, (16, 512, 512), 0, 2, dtype=jnp.int64)
    return {"logits": logits, "labels": labels}


def reference(logits, labels):
    # flatten_binary_scores (ignore=None)
    scores = logits.reshape(-1)
    lab = labels.reshape(-1)
    # lovasz_hinge_flat
    signs = 2.0 * lab.astype(jnp.float32) - 1.0
    errors = 1.0 - scores * signs
    perm = jnp.argsort(-errors)  # descending sort order
    errors_sorted = errors[perm]
    gt_sorted = lab[perm]
    # lovasz_grad
    gtf = gt_sorted.astype(jnp.float32)
    gts = gtf.sum()
    intersection = gts - jnp.cumsum(gtf)
    union = gts + jnp.cumsum(1.0 - gtf)
    jaccard = 1.0 - intersection / union
    grad = jnp.concatenate([jaccard[:1], jaccard[1:] - jaccard[:-1]])
    loss = jnp.dot(jax.nn.relu(errors_sorted), grad)
    return loss

if __name__ == "__main__":
    import jax
    _d = setup_inputs()
    print(jax.jit(kernel)(*tuple(_d.values())))

</pallas_src>

<mosaic_0001>
#map = affine_map<(d0, d1) -> (0)>
#map1 = affine_map<(d0, d1) -> (0, 0)>
module attributes {stable_mosaic.version = 14 : i64} {
  func.func @_hist_body(%arg0: i32, %arg1: i32, %arg2: memref<4194304xf32, #tpu.memory_space<hbm>>, %arg3: memref<4194304xf32, #tpu.memory_space<hbm>>, %arg4: memref<2x524288xf32, #tpu.memory_space<hbm>>, %arg5: memref<2x524288xf32, #tpu.memory_space<hbm>>, %arg6: memref<2x524288xf32, #tpu.memory_space<hbm>>, %arg7: memref<524288xf32, #tpu.memory_space<vmem_shared>>, %arg8: memref<524288xf32, #tpu.memory_space<vmem_shared>>, %arg9: memref<524288xf32, #tpu.memory_space<vmem_shared>>, %arg10: memref<2048xf32, #tpu.memory_space<vmem>>, %arg11: memref<2048xf32, #tpu.memory_space<vmem>>, %arg12: memref<1024xi32, #tpu.memory_space<vmem>>, %arg13: memref<1024xf32, #tpu.memory_space<vmem>>, %arg14: memref<1024xf32, #tpu.memory_space<vmem>>, %arg15: memref<1024xf32, #tpu.memory_space<vmem>>) attributes {dimension_semantics = [#tpu.dimension_semantics<core_parallel>, #tpu.dimension_semantics<subcore_parallel>], iteration_bounds = array<i64: 2, 16>, scalar_prefetch = 0 : i64, scratch_operands = 9 : i64, tpu.core_type = #tpu.core_type<sc_vector_subcore>, window_params = [{transform_indices = #map}, {transform_indices = #map}, {transform_indices = #map1}, {transform_indices = #map1}, {transform_indices = #map1}]} {
    %mul3A = arith.constant 16 : i32
    %mul3A_0 = arith.muli %arg0, %mul3A : i32
    %add3A = arith.addi %mul3A_0, %arg1 : i32
    %scan3A = arith.constant 0 : i32
    %scan3A_1 = arith.constant 0 : i32
    %scan3A_2 = arith.constant 128 : i32
    %scan3A_3 = arith.addi %scan3A_1, %scan3A_2 : i32
    %scan3A_4 = arith.constant 1 : i32
    %scan3A_5 = scf.for %scan3A_33 = %scan3A_1 to %scan3A_3 step %scan3A_4 iter_args(%scan3A_34 = %scan3A) -> (i32)  : i32 {
      %broadcast_in_dim3A = arith.constant 0.000000e+00 : f32
      %broadcast_in_dim3A_35 = vector.broadcast %broadcast_in_dim3A : f32 to vector<16xf32>
      %mul3A_36 = arith.constant 16 : i32
      %mul3A_37 = arith.muli %scan3A_33, %mul3A_36 : i32
      %swap3A = arith.index_cast %mul3A_37 : i32 to index
      %swap3A_38 = tpu.vector_load %arg10[%swap3A] {strides = array<i32>} : memref<2048xf32, #tpu.memory_space<vmem>>, vector<16xf32>,
      %swap3A_39 = vector.shape_cast %swap3A_38 : vector<16xf32> to vector<16xf32>
      %swap3A_40 = vector.shape_cast %broadcast_in_dim3A_35 : vector<16xf32> to vector<16xf32>
      tpu.vector_store %arg10[%swap3A], %swap3A_40 {strides = array<i32>} : memref<2048xf32, #tpu.memory_space<vmem>>, vector<16xf32>,
      %scan3A_41 = arith.constant 0 : i32
      scf.yield %scan3A_41 : i32
    }
    %scan3A_6 = arith.constant 128 : i32
    %scan3A_7 = arith.constant 0 : i32
    %scan3A_8 = arith.constant 0 : i32
    %scan3A_9 = arith.constant 64 : i32
    %scan3A_10 = arith.addi %scan3A_8, %scan3A_9 : i32
    %scan3A_11 = arith.constant 1 : i32
    %scan3A_12 = scf.for %scan3A_33 = %scan3A_8 to %scan3A_10 step %scan3A_11 iter_args(%scan3A_34 = %scan3A_7) -> (i32)  : i32 {
      %broadcast_in_dim3A = arith.constant 1.000000e+00 : f32
      %broadcast_in_dim3A_35 = vector.broadcast %broadcast_in_dim3A : f32 to vector<16xf32>
      %mul3A_36 = arith.constant 16 : i32
      %mul3A_37 = arith.muli %scan3A_33, %mul3A_36 : i32
      %swap3A = arith.index_cast %mul3A_37 : i32 to index
      %swap3A_38 = tpu.vector_load %arg15[%swap3A] {strides = array<i32>} : memref<1024xf32, #tpu.memory_space<vmem>>, vector<16xf32>,
      %swap3A_39 = vector.shape_cast %swap3A_38 : vector<16xf32> to vector<16xf32>
      %swap3A_40 = vector.shape_cast %broadcast_in_dim3A_35 : vector<16xf32> to vector<16xf32>
      tpu.vector_store %arg15[%swap3A], %swap3A_40 {strides = array<i32>} : memref<1024xf32, #tpu.memory_space<vmem>>, vector<16xf32>,
      %scan3A_41 = arith.constant 0 : i32
      scf.yield %scan3A_41 : i32
    }
    %scan3A_13 = arith.constant 64 : i32
    %scan3A_14 = arith.constant 0 : i32
    %scan3A_15 = arith.constant 0 : i32
    %scan3A_16 = arith.constant 16 : i32
    %scan3A_17 = arith.addi %scan3A_15, %scan3A_16 : i32
    %scan3A_18 = arith.constant 1 : i32
    %scan3A_19 = scf.for %scan3A_33 = %scan3A_15 to %scan3A_17 step %scan3A_18 iter_args(%scan3A_34 = %scan3A_14) -> (i32)  : i32 {
      %mul3A_35 = arith.constant 32768 : i32
      %mul3A_36 = arith.muli %arg1, %mul3A_35 : i32
      %mul3A_37 = arith.constant 2048 : i32
      %mul3A_38 = arith.muli %scan3A_33, %mul3A_37 : i32
      %add3A_39 = arith.addi %mul3A_36, %mul3A_38 : i32
      "tpu.region"() ({
        %run_scoped3A = tpu.sem_alloc : memref<!tpu.dma_semaphore, #tpu.memory_space<semaphore_mem>>
        %dma_start3A = tpu.memref_slice %arg7[%add3A_39] : memref<524288xf32, #tpu.memory_space<vmem_shared>> -> memref<2048xf32, #tpu.memory_space<vmem_shared>>
        %dma_start3A_41 = tpu.memref_slice %arg7[%add3A_39] : memref<524288xf32, #tpu.memory_space<vmem_shared>> -> memref<2048xf32, #tpu.memory_space<vmem_shared>>
        tpu.enqueue_dma source(%arg10 : memref<2048xf32, #tpu.memory_space<vmem>>) target(%dma_start3A_41 : memref<2048xf32, #tpu.memory_space<vmem_shared>>) target_semaphore(%run_scoped3A : memref<!tpu.dma_semaphore, #tpu.memory_space<semaphore_mem>>)
        %dma_wait3A = tpu.memref_slice %arg7[%add3A_39] : memref<524288xf32, #tpu.memory_space<vmem_shared>> -> memref<2048xf32, #tpu.memory_space<vmem_shared>>
        %dma_wait3A_42 = tpu.memref_slice %arg7[%add3A_39] : memref<524288xf32, #tpu.memory_space<vmem_shared>> -> memref<2048xf32, #tpu.memory_space<vmem_shared>>
        tpu.wait_dma2 semaphore(%run_scoped3A : memref<!tpu.dma_semaphore, #tpu.memory_space<semaphore_mem>>) src(%arg10 : memref<2048xf32, #tpu.memory_space<vmem>>) dst(%dma_wait3A_42 : memref<2048xf32, #tpu.memory_space<vmem_shared>>)
        tpu.yield
      }) : () -> ()
      "tpu.region"() ({
        %run_scoped3A = tpu.sem_alloc : memref<!tpu.dma_semaphore, #tpu.memory_space<semaphore_mem>>
        %dma_start3A = tpu.memref_slice %arg8[%add3A_39] : memref<524288xf32, #tpu.memory_space<vmem_shared>> -> memref<2048xf32, #tpu.memory_space<vmem_shared>>
        %dma_start3A_41 = tpu.memref_slice %arg8[%add3A_39] : memref<524288xf32, #tpu.memory_space<vmem_shared>> -> memref<2048xf32, #tpu.memory_space<vmem_shared>>
        tpu.enqueue_dma source(%arg10 : memref<2048xf32, #tpu.memory_space<vmem>>) target(%dma_start3A_41 : memref<2048xf32, #tpu.memory_space<vmem_shared>>) target_semaphore(%run_scoped3A : memref<!tpu.dma_semaphore, #tpu.memory_space<semaphore_mem>>)
        %dma_wait3A = tpu.memref_slice %arg8[%add3A_39] : memref<524288xf32, #tpu.memory_space<vmem_shared>> -> memref<2048xf32, #tpu.memory_space<vmem_shared>>
        %dma_wait3A_42 = tpu.memref_slice %arg8[%add3A_39] : memref<524288xf32, #tpu.memory_space<vmem_shared>> -> memref<2048xf32, #tpu.memory_space<vmem_shared>>
        tpu.wait_dma2 semaphore(%run_scoped3A : memref<!tpu.dma_semaphore, #tpu.memory_space<semaphore_mem>>) src(%arg10 : memref<2048xf32, #tpu.memory_space<vmem>>) dst(%dma_wait3A_42 : memref<2048xf32, #tpu.memory_space<vmem_shared>>)
        tpu.yield
      }) : () -> ()
      "tpu.region"() ({
        %run_scoped3A = tpu.sem_alloc : memref<!tpu.dma_semaphore, #tpu.memory_space<semaphore_mem>>
        %dma_start3A = tpu.memref_slice %arg9[%add3A_39] : memref<524288xf32, #tpu.memory_space<vmem_shared>> -> memref<2048xf32, #tpu.memory_space<vmem_shared>>
        %dma_start3A_41 = tpu.memref_slice %arg9[%add3A_39] : memref<524288xf32, #tpu.memory_space<vmem_shared>> -> memref<2048xf32, #tpu.memory_space<vmem_shared>>
        tpu.enqueue_dma source(%arg10 : memref<2048xf32, #tpu.memory_space<vmem>>) target(%dma_start3A_41 : memref<2048xf32, #tpu.memory_space<vmem_shared>>) target_semaphore(%run_scoped3A : memref<!tpu.dma_semaphore, #tpu.memory_space<semaphore_mem>>)
        %dma_wait3A = tpu.memref_slice %arg9[%add3A_39] : memref<524288xf32, #tpu.memory_space<vmem_shared>> -> memref<2048xf32, #tpu.memory_space<vmem_shared>>
        %dma_wait3A_42 = tpu.memref_slice %arg9[%add3A_39] : memref<524288xf32, #tpu.memory_space<vmem_shared>> -> memref<2048xf32, #tpu.memory_space<vmem_shared>>
        tpu.wait_dma2 semaphore(%run_scoped3A : memref<!tpu.dma_semaphore, #tpu.memory_space<semaphore_mem>>) src(%arg10 : memref<2048xf32, #tpu.memory_space<vmem>>) dst(%dma_wait3A_42 : memref<2048xf32, #tpu.memory_space<vmem_shared>>)
        tpu.yield
      }) : () -> ()
      %scan3A_40 = arith.constant 0 : i32
      scf.yield %scan3A_40 : i32
    }
    %scan3A_20 = arith.constant 16 : i32
    %barrier3A = arith.constant 0 : index
    tpu.barrier barrier_id(%barrier3A)
    %mul3A_21 = arith.constant 131072 : i32
    %mul3A_22 = arith.muli %add3A, %mul3A_21 : i32
    %scan3A_23 = arith.constant 0 : i32
    %scan3A_24 = arith.constant 0 : i32
    %scan3A_25 = arith.constant 64 : i32
    %scan3A_26 = arith.addi %scan3A_24, %scan3A_25 : i32
    %scan3A_27 = arith.constant 1 : i32
    %scan3A_28 = scf.for %scan3A_33 = %scan3A_24 to %scan3A_26 step %scan3A_27 iter_args(%scan3A_34 = %scan3A_23) -> (i32)  : i32 {
      %mul3A_35 = arith.constant 2048 : i32
      %mul3A_36 = arith.muli %scan3A_33, %mul3A_35 : i32
      %add3A_37 = arith.addi %mul3A_22, %mul3A_36 : i32
      "tpu.region"() ({
        %run_scoped3A = tpu.sem_alloc : memref<!tpu.dma_semaphore, #tpu.memory_space<semaphore_mem>>
        %dma_start3A = tpu.memref_slice %arg2[%add3A_37] : memref<4194304xf32, #tpu.memory_space<hbm>> -> memref<2048xf32, #tpu.memory_space<hbm>>
        %dma_start3A_46 = tpu.memref_slice %arg2[%add3A_37] : memref<4194304xf32, #tpu.memory_space<hbm>> -> memref<2048xf32, #tpu.memory_space<hbm>>
        tpu.enqueue_dma source(%dma_start3A_46 : memref<2048xf32, #tpu.memory_space<hbm>>) target(%arg10 : memref<2048xf32, #tpu.memory_space<vmem>>) target_semaphore(%run_scoped3A : memref<!tpu.dma_semaphore, #tpu.memory_space<semaphore_mem>>)
        %dma_wait3A = tpu.memref_slice %arg2[%add3A_37] : memref<4194304xf32, #tpu.memory_space<hbm>> -> memref<2048xf32, #tpu.memory_space<hbm>>
        %dma_wait3A_47 = tpu.memref_slice %arg2[%add3A_37] : memref<4194304xf32, #tpu.memory_space<hbm>> -> memref<2048xf32, #tpu.memory_space<hbm>>
        tpu.wait_dma2 semaphore(%run_scoped3A : memref<!tpu.dma_semaphore, #tpu.memory_space<semaphore_mem>>) src(%dma_wait3A_47 : memref<2048xf32, #tpu.memory_space<hbm>>) dst(%arg10 : memref<2048xf32, #tpu.memory_space<vmem>>)
        tpu.yield
      }) : () -> ()
      "tpu.region"() ({
        %run_scoped3A = tpu.sem_alloc : memref<!tpu.dma_semaphore, #tpu.memory_space<semaphore_mem>>
        %dma_start3A = tpu.memref_slice %arg3[%add3A_37] : memref<4194304xf32, #tpu.memory_space<hbm>> -> memref<2048xf32, #tpu.memory_space<hbm>>
        %dma_start3A_46 = tpu.memref_slice %arg3[%add3A_37] : memref<4194304xf32, #tpu.memory_space<hbm>> -> memref<2048xf32, #tpu.memory_space<hbm>>
        tpu.enqueue_dma source(%dma_start3A_46 : memref<2048xf32, #tpu.memory_space<hbm>>) target(%arg11 : memref<2048xf32, #tpu.memory_space<vmem>>) target_semaphore(%run_scoped3A : memref<!tpu.dma_semaphore, #tpu.memory_space<semaphore_mem>>)
        %dma_wait3A = tpu.memref_slice %arg3[%add3A_37] : memref<4194304xf32, #tpu.memory_space<hbm>> -> memref<2048xf32, #tpu.memory_space<hbm>>
        %dma_wait3A_47 = tpu.memref_slice %arg3[%add3A_37] : memref<4194304xf32, #tpu.memory_space<hbm>> -> memref<2048xf32, #tpu.memory_space<hbm>>
        tpu.wait_dma2 semaphore(%run_scoped3A : memref<!tpu.dma_semaphore, #tpu.memory_space<semaphore_mem>>) src(%dma_wait3A_47 : memref<2048xf32, #tpu.memory_space<hbm>>) dst(%arg11 : memref<2048xf32, #tpu.memory_space<vmem>>)
        tpu.yield
      }) : () -> ()
      %scan3A_38 = arith.constant 0 : i32
      %scan3A_39 = arith.constant 0 : i32
      %scan3A_40 = arith.constant 2 : i32
      %scan3A_41 = arith.addi %scan3A_39, %scan3A_40 : i32
      %scan3A_42 = arith.constant 1 : i32
      %scan3A_43 = scf.for %scan3A_46 = %scan3A_39 to %scan3A_41 step %scan3A_42 iter_args(%scan3A_47 = %scan3A_38) -> (i32)  : i32 {
        %mul3A_48 = arith.constant 1024 : i32
        %mul3A_49 = arith.muli %scan3A_46, %mul3A_48 : i32
        %add3A_50 = arith.constant 0 : i32
        %add3A_51 = arith.addi %mul3A_49, %add3A_50 : i32
        %get3A = arith.index_cast %add3A_51 : i32 to index
        %get3A_52 = tpu.vector_load %arg10[%get3A] {strides = array<i32>} : memref<2048xf32, #tpu.memory_space<vmem>>, vector<16xf32>,
        %get3A_53 = vector.shape_cast %get3A_52 : vector<16xf32> to vector<16xf32>
        %get3A_54 = arith.index_cast %add3A_51 : i32 to index
        %get3A_55 = tpu.vector_load %arg11[%get3A_54] {strides = array<i32>} : memref<2048xf32, #tpu.memory_space<vmem>>, vector<16xf32>,
        %get3A_56 = vector.shape_cast %get3A_55 : vector<16xf32> to vector<16xf32>
        %mul3A_57 = arith.constant 2.000000e+00 : f32
        %mul3A_58 = vector.broadcast %mul3A_57 : f32 to vector<16xf32>
        %mul3A_59 = arith.mulf %mul3A_58, %get3A_56 : vector<16xf32>
        %sub3A = arith.constant 1.000000e+00 : f32
        %sub3A_60 = vector.broadcast %sub3A : f32 to vector<16xf32>
        %sub3A_61 = arith.subf %mul3A_59, %sub3A_60 : vector<16xf32>
        %mul3A_62 = arith.mulf %get3A_53, %sub3A_61 : vector<16xf32>
        %sub3A_63 = arith.constant 1.000000e+00 : f32
        %sub3A_64 = vector.broadcast %sub3A_63 : f32 to vector<16xf32>
        %sub3A_65 = arith.subf %sub3A_64, %mul3A_62 : vector<16xf32>
        %bitcast_convert_type3A = tpu.bitcast %sub3A_65 : vector<16xf32> -> vector<16xi32>
        %gt3A = arith.constant 0.000000e+00 : f32
        %gt3A_66 = vector.broadcast %gt3A : f32 to vector<16xf32>
        %gt3A_67 = arith.cmpf ogt, %sub3A_65, %gt3A_66 : vector<16xf32>
        %shift_right_logical3A = arith.constant 12 : i32
        %shift_right_logical3A_68 = vector.broadcast %shift_right_logical3A : i32 to vector<16xi32>
        %shift_right_logical3A_69 = arith.shrui %bitcast_convert_type3A, %shift_right_logical3A_68 : vector<16xi32>
        %jit3A = arith.constant 0 : i32
        %broadcast_in_dim3A = vector.broadcast %jit3A : i32 to vector<16xi32>
        %select_n3A = arith.select %gt3A_67, %shift_right_logical3A_69, %broadcast_in_dim3A : vector<16xi1>, vector<16xi32>
        %swap3A = arith.constant 0 : index
        %swap3A_70 = tpu.vector_load %arg12[%swap3A] {strides = array<i32>} : memref<1024xi32, #tpu.memory_space<vmem>>, vector<16xi32>,
        %swap3A_71 = vector.shape_cast %swap3A_70 : vector<16xi32> to vector<16xi32>
        %swap3A_72 = vector.shape_cast %select_n3A : vector<16xi32> to vector<16xi32>
        tpu.vector_store %arg12[%swap3A], %swap3A_72 {strides = array<i32>} : memref<1024xi32, #tpu.memory_space<vmem>>, vector<16xi32>,
        %max3A = arith.constant 0.000000e+00 : f32
        %max3A_73 = vector.broadcast %max3A : f32 to vector<16xf32>
        %max3A_74 = arith.maximumf %sub3A_65, %max3A_73 : vector<16xf32>
        %swap3A_75 = arith.constant 0 : index
        %swap3A_76 = tpu.vector_load %arg13[%swap3A_75] {strides = array<i32>} : memref<1024xf32, #tpu.memory_space<vmem>>, vector<16xf32>,
        %swap3A_77 = vector.shape_cast %swap3A_76 : vector<16xf32> to vector<16xf32>
        %swap3A_78 = vector.shape_cast %max3A_74 : vector<16xf32> to vector<16xf32>
        tpu.vector_store %arg13[%swap3A_75], %swap3A_78 {strides = array<i32>} : memref<1024xf32, #tpu.memory_space<vmem>>, vector<16xf32>,
        %swap3A_79 = arith.constant 0 : index
        %swap3A_80 = tpu.vector_load %arg14[%swap3A_79] {strides = array<i32>} : memref<1024xf32, #tpu.memory_space<vmem>>, vector<16xf32>,
        %swap3A_81 = vector.shape_cast %swap3A_80 : vector<16xf32> to vector<16xf32>
        %swap3A_82 = vector.shape_cast %get3A_56 : vector<16xf32> to vector<16xf32>
        tpu.vector_store %arg14[%swap3A_79], %swap3A_82 {strides = array<i32>} : memref<1024xf32, #tpu.memory_space<vmem>>, vector<16xf32>,
        %add3A_83 = arith.constant 16 : i32
        %add3A_84 = arith.addi %mul3A_49, %add3A_83 : i32
        %get3A_85 = arith.index_cast %add3A_84 : i32 to index
        %get3A_86 = tpu.vector_load %arg10[%get3A_85] {strides = array<i32>} : memref<2048xf32, #tpu.memory_space<vmem>>, vector<16xf32>,
        %get3A_87 = vector.shape_cast %get3A_86 : vector<16xf32> to vector<16xf32>
        %get3A_88 = arith.index_cast %add3A_84 : i32 to index
        %get3A_89 = tpu.vector_load %arg11[%get3A_88] {strides = array<i32>} : memref<2048xf32, #tpu.memory_space<vmem>>, vector<16xf32>,
        %get3A_90 = vector.shape_cast %get3A_89 : vector<16xf32> to vector<16xf32>
        %mul3A_91 = arith.constant 2.000000e+00 : f32
        %mul3A_92 = vector.broadcast %mul3A_91 : f32 to vector<16xf32>
        %mul3A_93 = arith.mulf %mul3A_92, %get3A_90 : vector<16xf32>
        %sub3A_94 = arith.constant 1.000000e+00 : f32
        %sub3A_95 = vector.broadcast %sub3A_94 : f32 to vector<16xf32>
        %sub3A_96 = arith.subf %mul3A_93, %sub3A_95 : vector<16xf32>
        %mul3A_97 = arith.mulf %get3A_87, %sub3A_96 : vector<16xf32>
        %sub3A_98 = arith.constant 1.000000e+00 : f32
        %sub3A_99 = vector.broadcast %sub3A_98 : f32 to vector<16xf32>
        %sub3A_100 = arith.subf %sub3A_99, %mul3A_97 : vector<16xf32>
        %bitcast_convert_type3A_101 = tpu.bitcast %sub3A_100 : vector<16xf32> -> vector<16xi32>
        %gt3A_102 = arith.constant 0.000000e+00 : f32
        %gt3A_103 = vector.broadcast %gt3A_102 : f32 to vector<16xf32>
        %gt3A_104 = arith.cmpf ogt, %sub3A_100, %gt3A_103 : vector<16xf32>
        %shift_right_logical3A_105 = arith.constant 12 : i32
        %shift_right_logical3A_106 = vector.broadcast %shift_right_logical3A_105 : i32 to vector<16xi32>
        %shift_right_logical3A_107 = arith.shrui %bitcast_convert_type3A_101, %shift_right_logical3A_106 : vector<16xi32>
        %jit3A_108 = arith.constant 0 : i32
        %broadcast_in_dim3A_109 = vector.broadcast %jit3A_108 : i32 to vector<16xi32>
        %select_n3A_110 = arith.select %gt3A_104, %shift_right_logical3A_107, %broadcast_in_dim3A_109 : vector<16xi1>, vector<16xi32>
        %swap3A_111 = arith.constant 16 : index
        %swap3A_112 = tpu.vector_load %arg12[%swap3A_111] {strides = array<i32>} : memref<1024xi32, #tpu.memory_space<vmem>>, vector<16xi32>,
        %swap3A_113 = vector.shape_cast %swap3A_112 : vector<16xi32> to vector<16xi32>
        %swap3A_114 = vector.shape_cast %select_n3A_110 : vector<16xi32> to vector<16xi32>
        tpu.vector_store %arg12[%swap3A_111], %swap3A_114 {strides = array<i32>} : memref<1024xi32, #tpu.memory_space<vmem>>, vector<16xi32>,
        %max3A_115 = arith.constant 0.000000e+00 : f32
        %max3A_116 = vector.broadcast %max3A_115 : f32 to vector<16xf32>
        %max3A_117 = arith.maximumf %sub3A_100, %max3A_116 : vector<16xf32>
        %swap3A_118 = arith.constant 16 : index
        %swap3A_119 = tpu.vector_load %arg13[%swap3A_118] {strides = array<i32>} : memref<1024xf32, #tpu.memory_space<vmem>>, vector<16xf32>,
        %swap3A_120 = vector.shape_cast %swap3A_119 : vector<16xf32> to vector<16xf32>
        %swap3A_121 = vector.shape_cast %max3A_117 : vector<16xf32> to vector<16xf32>
        tpu.vector_store %arg13[%swap3A_118], %swap3A_121 {strides = array<i32>} : memref<1024xf32, #tpu.memory_space<vmem>>, vector<16xf32>,
        %swap3A_122 = arith.constant 16 : index
        %swap3A_123 = tpu.vector_load %arg14[%swap3A_122] {strides = array<i32>} : memref<1024xf32, #tpu.memory_space<vmem>>, vector<16xf32>,
        %swap3A_124 = vector.shape_cast %swap3A_123 : vector<16xf32> to vector<16xf32>
        %swap3A_125 = vector.shape_cast %get3A_90 : vector<16xf32> to vector<16xf32>
        tpu.vector_store %arg14[%swap3A_122], %swap3A_125 {strides = array<i32>} : memref<1024xf32, #tpu.memory_space<vmem>>, vector<16xf32>,
        %add3A_126 = arith.constant 32 : i32
        %add3A_127 = arith.addi %mul3A_49, %add3A_126 : i32
        %get3A_128 = arith.index_cast %add3A_127 : i32 to index
        %get3A_129 = tpu.vector_load %arg10[%get3A_128] {strides = array<i32>} : memref<2048xf32, #tpu.memory_space<vmem>>, vector<16xf32>,
        %get3A_130 = vector.shape_cast %get3A_129 : vector<16xf32> to vector<16xf32>
        %get3A_131 = arith.index_cast %add3A_127 : i32 to index
        %get3A_132 = tpu.vector_load %arg11[%get3A_131] {strides = array<i32>} : memref<2048xf32, #tpu.memory_space<vmem>>, vector<16xf32>,
        %get3A_133 = vector.shape_cast %get3A_132 : vector<16xf32> to vector<16xf32>
        %mul3A_134 = arith.constant 2.000000e+00 : f32
        %mul3A_135 = vector.broadcast %mul3A_134 : f32 to vector<16xf32>
        %mul3A_136 = arith.mulf %mul3A_135, %get3A_133 : vector<16xf32>
        %sub3A_137 = arith.constant 1.000000e+00 : f32
        %sub3A_138 = vector.broadcast %sub3A_137 : f32 to vector<16xf32>
        %sub3A_139 = arith.subf %mul3A_136, %sub3A_138 : vector<16xf32>
        %mul3A_140 = arith.mulf %get3A_130, %sub3A_139 : vector<16xf32>
        %sub3A_141 = arith.constant 1.000000e+00 : f32
        %sub3A_142 = vector.broadcast %sub3A_141 : f32 to vector<16xf32>
        %sub3A_143 = arith.subf %sub3A_142, %mul3A_140 : vector<16xf32>
        %bitcast_convert_type3A_144 = tpu.bitcast %sub3A_143 : vector<16xf32> -> vector<16xi32>
        %gt3A_145 = arith.constant 0.000000e+00 : f32
        %gt3A_146 = vector.broadcast %gt3A_145 : f32 to vector<16xf32>
        %gt3A_147 = arith.cmpf ogt, %sub3A_143, %gt3A_146 : vector<16xf32>
        %shift_right_logical3A_148 = arith.constant 12 : i32
        %shift_right_logical3A_149 = vector.broadcast %shift_right_logical3A_148 : i32 to vector<16xi32>
        %shift_right_logical3A_150 = arith.shrui %bitcast_convert_type3A_144, %shift_right_logical3A_149 : vector<16xi32>
        %jit3A_151 = arith.constant 0 : i32
        %broadcast_in_dim3A_152 = vector.broadcast %jit3A_151 : i32 to vector<16xi32>
        %select_n3A_153 = arith.select %gt3A_147, %shift_right_logical3A_150, %broadcast_in_dim3A_152 : vector<16xi1>, vector<16xi32>
        %swap3A_154 = arith.constant 32 : index
        %swap3A_155 = tpu.vector_load %arg12[%swap3A_154] {strides = array<i32>} : memref<1024xi32, #tpu.memory_space<vmem>>, vector<16xi32>,
        %swap3A_156 = vector.shape_cast %swap3A_155 : vector<16xi32> to vector<16xi32>
        %swap3A_157 = vector.shape_cast %select_n3A_153 : vector<16xi32> to vector<16xi32>
        tpu.vector_store %arg12[%swap3A_154], %swap3A_157 {strides = array<i32>} : memref<1024xi32, #tpu.memory_space<vmem>>, vector<16xi32>,
        %max3A_158 = arith.constant 0.000000e+00 : f32
        %max3A_159 = vector.broadcast %max3A_158 : f32 to vector<16xf32>
        %max3A_160 = arith.maximumf %sub3A_143, %max3A_159 : vector<16xf32>
        %swap3A_161 = arith.constant 32 : index
        %swap3A_162 = tpu.vector_load %arg13[%swap3A_161] {strides = array<i32>} : memref<1024xf32, #tpu.memory_space<vmem>>, vector<16xf32>,
        %swap3A_163 = vector.shape_cast %swap3A_162 : vector<16xf32> to vector<16xf32>
        %swap3A_164 = vector.shape_cast %max3A_160 : vector<16xf32> to vector<16xf32>
        tpu.vector_store %arg13[%swap3A_161], %swap3A_164 {strides = array<i32>} : memref<1024xf32, #tpu.memory_space<vmem>>, vector<16xf32>,
        %swap3A_165 = arith.constant 32 : index
        %swap3A_166 = tpu.vector_load %arg14[%swap3A_165] {strides = array<i32>} : memref<1024xf32, #tpu.memory_space<vmem>>, vector<16xf32>,
        %swap3A_167 = vector.shape_cast %swap3A_166 : vector<16xf32> to vector<16xf32>
        %swap3A_168 = vector.shape_cast %get3A_133 : vector<16xf32> to vector<16xf32>
        tpu.vector_store %arg14[%swap3A_165], %swap3A_168 {strides = array<i32>} : memref<1024xf32, #tpu.memory_space<vmem>>, vector<16xf32>,
        %add3A_169 = arith.constant 48 : i32
        %add3A_170 = arith.addi %mul3A_49, %add3A_169 : i32
        %get3A_171 = arith.index_cast %add3A_170 : i32 to index
        %get3A_172 = tpu.vector_load %arg10[%get3A_171] {strides = array<i32>} : memref<2048xf32, #tpu.memory_space<vmem>>, vector<16xf32>,
        %get3A_173 = vector.shape_cast %get3A_172 : vector<16xf32> to vector<16xf32>
        %get3A_174 = arith.index_cast %add3A_170 : i32 to index
        %get3A_175 = tpu.vector_load %arg11[%get3A_174] {strides = array<i32>} : memref<2048xf32, #tpu.memory_space<vmem>>, vector<16xf32>,
        %get3A_176 = vector.shape_cast %get3A_175 : vector<16xf32> to vector<16xf32>
        %mul3A_177 = arith.constant 2.000000e+00 : f32
        %mul3A_178 = vector.broadcast %mul3A_177 : f32 to vector<16xf32>
        %mul3A_179 = arith.mulf %mul3A_178, %get3A_176 : vector<16xf32>
        %sub3A_180 = arith.constant 1.000000e+00 : f32
        %sub3A_181 = vector.broadcast %sub3A_180 : f32 to vector<16xf32>
        %sub3A_182 = arith.subf %mul3A_179, %sub3A_181 : vector<16xf32>
        %mul3A_183 = arith.mulf %get3A_173, %sub3A_182 : vector<16xf32>
        %sub3A_184 = arith.constant 1.000000e+00 : f32
        %sub3A_185 = vector.broadcast %sub3A_184 : f32 to vector<16xf32>
        %sub3A_186 = arith.subf %sub3A_185, %mul3A_183 : vector<16xf32>
        %bitcast_convert_type3A_187 = tpu.bitcast %sub3A_186 : vector<16xf32> -> vector<16xi32>
        %gt3A_188 = arith.constant 0.000000e+00 : f32
        %gt3A_189 = vector.broadcast %gt3A_188 : f32 to vector<16xf32>
        %gt3A_190 = arith.cmpf ogt, %sub3A_186, %gt3A_189 : vector<16xf32>
        %shift_right_logical3A_191 = arith.constant 12 : i32
        %shift_right_logical3A_192 = vector.broadcast %shift_right_logical3A_191 : i32 to vector<16xi32>
        %shift_right_logical3A_193 = arith.shrui %bitcast_convert_type3A_187, %shift_right_logical3A_192 : vector<16xi32>
        %jit3A_194 = arith.constant 0 : i32
        %broadcast_in_dim3A_195 = vector.broadcast %jit3A_194 : i32 to vector<16xi32>
        %select_n3A_196 = arith.select %gt3A_190, %shift_right_logical3A_193, %broadcast_in_dim3A_195 : vector<16xi1>, vector<16xi32>
        %swap3A_197 = arith.constant 48 : index
        %swap3A_198 = tpu.vector_load %arg12[%swap3A_197] {strides = array<i32>} : memref<1024xi32, #tpu.memory_space<vmem>>, vector<16xi32>,
        %swap3A_199 = vector.shape_cast %swap3A_198 : vector<16xi32> to vector<16xi32>
        %swap3A_200 = vector.shape_cast %select_n3A_196 : vector<16xi32> to vector<16xi32>
        tpu.vector_store %arg12[%swap3A_197], %swap3A_200 {strides = array<i32>} : memref<1024xi32, #tpu.memory_space<vmem>>, vector<16xi32>,
        %max3A_201 = arith.constant 0.000000e+00 : f32
        %max3A_202 = vector.broadcast %max3A_201 : f32 to vector<16xf32>
        %max3A_203 = arith.maximumf %sub3A_186, %max3A_202 : vector<16xf32>
        %swap3A_204 = arith.constant 48 : index
        %swap3A_205 = tpu.vector_load %arg13[%swap3A_204] {strides = array<i32>} : memref<1024xf32, #tpu.memory_space<vmem>>, vector<16xf32>,
        %swap3A_206 = vector.shape_cast %swap3A_205 : vector<16xf32> to vector<16xf32>
        %swap3A_207 = vector.shape_cast %max3A_203 : vector<16xf32> to vector<16xf32>
        tpu.vector_store %arg13[%swap3A_204], %swap3A_207 {strides = array<i32>} : memref<1024xf32, #tpu.memory_space<vmem>>, vector<16xf32>,
        %swap3A_208 = arith.constant 48 : index
        %swap3A_209 = tpu.vector_load %arg14[%swap3A_208] {strides = array<i32>} : memref<1024xf32, #tpu.memory_space<vmem>>, vector<16xf32>,
        %swap3A_210 = vector.shape_cast %swap3A_209 : vector<16xf32> to vector<16xf32>
        %swap3A_211 = vector.shape_cast %get3A_176 : vector<16xf32> to vector<16xf32>
        tpu.vector_store %arg14[%swap3A_208], %swap3A_211 {strides = array<i32>} : memref<1024xf32, #tpu.memory_space<vmem>>, vector<16xf32>,
        %add3A_212 = arith.constant 64 : i32
        %add3A_213 = arith.addi %mul3A_49, %add3A_212 : i32
        %get3A_214 = arith.index_cast %add3A_213 : i32 to index
        %get3A_215 = tpu.vector_load %arg10[%get3A_214] {strides = array<i32>} : memref<2048xf32, #tpu.memory_space<vmem>>, vector<16xf32>,
        %get3A_216 = vector.shape_cast %get3A_215 : vector<16xf32> to vector<16xf32>
        %get3A_217 = arith.index_cast %add3A_213 : i32 to index
        %get3A_218 = tpu.vector_load %arg11[%get3A_217] {strides = array<i32>} : memref<2048xf32, #tpu.memory_space<vmem>>, vector<16xf32>,
        %get3A_219 = vector.shape_cast %get3A_218 : vector<16xf32> to vector<16xf32>
        %mul3A_220 = arith.constant 2.000000e+00 : f32
        %mul3A_221 = vector.broadcast %mul3A_220 : f32 to vector<16xf32>
        %mul3A_222 = arith.mulf %mul3A_221, %get3A_219 : vector<16xf32>
        %sub3A_223 = arith.constant 1.000000e+00 : f32
        %sub3A_224 = vector.broadcast %sub3A_223 : f32 to vector<16xf32>
        %sub3A_225 = arith.subf %mul3A_222, %sub3A_224 : vector<16xf32>
        %mul3A_226 = arith.mulf %get3A_216, %sub3A_225 : vector<16xf32>
        %sub3A_227 = arith.constant 1.000000e+00 : f32
        %sub3A_228 = vector.broadcast %sub3A_227 : f32 to vector<16xf32>
        %sub3A_229 = arith.subf %sub3A_228, %mul3A_226 : vector<16xf32>
        %bitcast_convert_type3A_230 = tpu.bitcast %sub3A_229 : vector<16xf32> -> vector<16xi32>
        %gt3A_231 = arith.constant 0.000000e+00 : f32
        %gt3A_232 = vector.broadcast %gt3A_231 : f32 to vector<16xf32>
        %gt3A_233 = arith.cmpf ogt, %sub3A_229, %gt3A_232 : vector<16xf32>
        %shift_right_logical3A_234 = arith.constant 12 : i32
        %shift_right_logical3A_235 = vector.broadcast %shift_right_logical3A_234 : i32 to vector<16xi32>
        %shift_right_logical3A_236 = arith.shrui %bitcast_convert_type3A_230, %shift_right_logical3A_235 : vector<16xi32>
        %jit3A_237 = arith.constant 0 : i32
        %broadcast_in_dim3A_238 = vector.broadcast %jit3A_237 : i32 to vector<16xi32>
        %select_n3A_239 = arith.select %gt3A_233, %shift_right_logical3A_236, %broadcast_in_dim3A_238 : vector<16xi1>, vector<16xi32>
        %swap3A_240 = arith.constant 64 : index
        %swap3A_241 = tpu.vector_load %arg12[%swap3A_240] {strides = array<i32>} : memref<1024xi32, #tpu.memory_space<vmem>>, vector<16xi32>,
        %swap3A_242 = vector.shape_cast %swap3A_241 : vector<16xi32> to vector<16xi32>
        %swap3A_243 = vector.shape_cast %select_n3A_239 : vector<16xi32> to vector<16xi32>
        tpu.vector_store %arg12[%swap3A_240], %swap3A_243 {strides = array<i32>} : memref<1024xi32, #tpu.memory_space<vmem>>, vector<16xi32>,
        %max3A_244 = arith.constant 0.000000e+00 : f32
        %max3A_245 = vector.broadcast %max3A_244 : f32 to vector<16xf32>
        %max3A_246 = arith.maximumf %sub3A_229, %max3A_245 : vector<16xf32>
        %swap3A_247 = arith.constant 64 : index
        %swap3A_248 = tpu.vector_load %arg13[%swap3A_247] {strides = array<i32>} : memref<1024xf32, #tpu.memory_space<vmem>>, vector<16xf32>,
        %swap3A_249 = vector.shape_cast %swap3A_248 : vector<16xf32> to vector<16xf32>
        %swap3A_250 = vector.shape_cast %max3A_246 : vector<16xf32> to vector<16xf32>
        tpu.vector_store %arg13[%swap3A_247], %swap3A_250 {strides = array<i32>} : memref<1024xf32, #tpu.memory_space<vmem>>, vector<16xf32>,
        %swap3A_251 = arith.constant 64 : index
        %swap3A_252 = tpu.vector_load %arg14[%swap3A_251] {strides = array<i32>} : memref<1024xf32, #tpu.memory_space<vmem>>, vector<16xf32>,
        %swap3A_253 = vector.shape_cast %swap3A_252 : vector<16xf32> to vector<16xf32>
        %swap3A_254 = vector.shape_cast %get3A_219 : vector<16xf32> to vector<16xf32>
        tpu.vector_store %arg14[%swap3A_251], %swap3A_254 {strides = array<i32>} : memref<1024xf32, #tpu.memory_space<vmem>>, vector<16xf32>,
        %add3A_255 = arith.constant 80 : i32
        %add3A_256 = arith.addi %mul3A_49, %add3A_255 : i32
        %get3A_257 = arith.index_cast %add3A_256 : i32 to index
        %get3A_258 = tpu.vector_load %arg10[%get3A_257] {strides = array<i32>} : memref<2048xf32, #tpu.memory_space<vmem>>, vector<16xf32>,
        %get3A_259 = vector.shape_cast %get3A_258 : vector<16xf32> to vector<16xf32>
        %get3A_260 = arith.index_cast %add3A_256 : i32 to index
        %get3A_261 = tpu.vector_load %arg11[%get3A_260] {strides = array<i32>} : memref<2048xf32, #tpu.memory_space<vmem>>, vector<16xf32>,
        %get3A_262 = vector.shape_cast %get3A_261 : vector<16xf32> to vector<16xf32>
        %mul3A_263 = arith.constant 2.000000e+00 : f32
        %mul3A_264 = vector.broadcast %mul3A_263 : f32 to vector<16xf32>
        %mul3A_265 = arith.mulf %mul3A_264, %get3A_262 : vector<16xf32>
        %sub3A_266 = arith.constant 1.000000e+00 : f32
        %sub3A_267 = vector.broadcast %sub3A_266 : f32 to vector<16xf32>
        %sub3A_268 = arith.subf %mul3A_265, %sub3A_267 : vector<16xf32>
        %mul3A_269 = arith.mulf %get3A_259, %sub3A_268 : vector<16xf32>
        %sub3A_270 = arith.constant 1.000000e+00 : f32
        %sub3A_271 = vector.broadcast %sub3A_270 : f32 to vector<16xf32>
        %sub3A_272 = arith.subf %sub3A_271, %mul3A_269 : vector<16xf32>
        %bitcast_convert_type3A_273 = tpu.bitcast %sub3A_272 : vector<16xf32> -> vector<16xi32>
        %gt3A_274 = arith.constant 0.000000e+00 : f32
        %gt3A_275 = vector.broadcast %gt3A_274 : f32 to vector<16xf32>
        %gt3A_276 = arith.cmpf ogt, %sub3A_272, %gt3A_275 : vector<16xf32>
        %shift_right_logical3A_277 = arith.constant 12 : i32
        %shift_right_logical3A_278 = vector.broadcast %shift_right_logical3A_277 : i32 to vector<16xi32>
        %shift_right_logical3A_279 = arith.shrui %bitcast_convert_type3A_273, %shift_right_logical3A_278 : vector<16xi32>
        %jit3A_280 = arith.constant 0 : i32
        %broadcast_in_dim3A_281 = vector.broadcast %jit3A_280 : i32 to vector<16xi32>
        %select_n3A_282 = arith.select %gt3A_276, %shift_right_logical3A_279, %broadcast_in_dim3A_281 : vector<16xi1>, vector<16xi32>
        %swap3A_283 = arith.constant 80 : index
        %swap3A_284 = tpu.vector_load %arg12[%swap3A_283] {strides = array<i32>} : memref<1024xi32, #tpu.memory_space<vmem>>, vector<16xi32>,
        %swap3A_285 = vector.shape_cast %swap3A_284 : vector<16xi32> to vector<16xi32>
        %swap3A_286 = vector.shape_cast %select_n3A_282 : vector<16xi32> to vector<16xi32>
        tpu.vector_store %arg12[%swap3A_283], %swap3A_286 {strides = array<i32>} : memref<1024xi32, #tpu.memory_space<vmem>>, vector<16xi32>,
        %max3A_287 = arith.constant 0.000000e+00 : f32
        %max3A_288 = vector.broadcast %max3A_287 : f32 to vector<16xf32>
        %max3A_289 = arith.maximumf %sub3A_272, %max3A_288 : vector<16xf32>
        %swap3A_290 = arith.constant 80 : index
        %swap3A_291 = tpu.vector_load %arg13[%swap3A_290] {strides = array<i32>} : memref<1024xf32, #tpu.memory_space<vmem>>, vector<16xf32>,
        %swap3A_292 = vector.shape_cast %swap3A_291 : vector<16xf32> to vector<16xf32>
        %swap3A_293 = vector.shape_cast %max3A_289 : vector<16xf32> to vector<16xf32>
        tpu.vector_store %arg13[%swap3A_290], %swap3A_293 {strides = array<i32>} : memref<1024xf32, #tpu.memory_space<vmem>>, vector<16xf32>,
        %swap3A_294 = arith.constant 80 : index
        %swap3A_295 = tpu.vector_load %arg14[%swap3A_294] {strides = array<i32>} : memref<1024xf32, #tpu.memory_space<vmem>>, vector<16xf32>,
        %swap3A_296 = vector.shape_cast %swap3A_295 : vector<16xf32> to vector<16xf32>
        %swap3A_297 = vector.shape_cast %get3A_262 : vector<16xf32> to vector<16xf32>
        tpu.vector_store %arg14[%swap3A_294], %swap3A_297 {strides = array<i32>} : memref<1024xf32, #tpu.memory_space<vmem>>, vector<16xf32>,
        %add3A_298 = arith.constant 96 : i32
        %add3A_299 = arith.addi %mul3A_49, %add3A_298 : i32
        %get3A_300 = arith.index_cast %add3A_299 : i32 to index
        %get3A_301 = tpu.vector_load %arg10[%get3A_300] {strides = array<i32>} : memref<2048xf32, #tpu.memory_space<vmem>>, vector<16xf32>,
        %get3A_302 = vector.shape_cast %get3A_301 : vector<16xf32> to vector<16xf32>
        %get3A_303 = arith.index_cast %add3A_299 : i32 to index
        %get3A_304 = tpu.vector_load %arg11[%get3A_303] {strides = array<i32>} : memref<2048xf32, #tpu.memory_space<vmem>>, vector<16xf32>,
        %get3A_305 = vector.shape_cast %get3A_304 : vector<16xf32> to vector<16xf32>
        %mul3A_306 = arith.constant 2.000000e+00 : f32
        %mul3A_307 = vector.broadcast %mul3A_306 : f32 to vector<16xf32>
        %mul3A_308 = arith.mulf %mul3A_307, %get3A_305 : vector<16xf32>
        %sub3A_309 = arith.constant 1.000000e+00 : f32
        %sub3A_310 = vector.broadcast %sub3A_309 : f32 to vector<16xf32>
        %sub3A_311 = arith.subf %mul3A_308, %sub3A_310 : vector<16xf32>
        %mul3A_312 = arith.mulf %get3A_302, %sub3A_311 : vector<16xf32>
        %sub3A_313 = arith.constant 1.000000e+00 : f32
        %sub3A_314 = vector.broadcast %sub3A_313 : f32 to vector<16xf32>
        %sub3A_315 = arith.subf %sub3A_314, %mul3A_312 : vector<16xf32>
        %bitcast_convert_type3A_316 = tpu.bitcast %sub3A_315 : vector<16xf32> -> vector<16xi32>
        %gt3A_317 = arith.constant 0.000000e+00 : f32
        %gt3A_318 = vector.broadcast %gt3A_317 : f32 to vector<16xf32>
        %gt3A_319 = arith.cmpf ogt, %sub3A_315, %gt3A_318 : vector<16xf32>
        %shift_right_logical3A_320 = arith.constant 12 : i32
        %shift_right_logical3A_321 = vector.broadcast %shift_right_logical3A_320 : i32 to vector<16xi32>
        %shift_right_logical3A_322 = arith.shrui %bitcast_convert_type3A_316, %shift_right_logical3A_321 : vector<16xi32>
        %jit3A_323 = arith.constant 0 : i32
        %broadcast_in_dim3A_324 = vector.broadcast %jit3A_323 : i32 to vector<16xi32>
        %select_n3A_325 = arith.select %gt3A_319, %shift_right_logical3A_322, %broadcast_in_dim3A_324 : vector<16xi1>, vector<16xi32>
        %swap3A_326 = arith.constant 96 : index
        %swap3A_327 = tpu.vector_load %arg12[%swap3A_326] {strides = array<i32>} : memref<1024xi32, #tpu.memory_space<vmem>>, vector<16xi32>,
        %swap3A_328 = vector.shape_cast %swap3A_327 : vector<16xi32> to vector<16xi32>
        %swap3A_329 = vector.shape_cast %select_n3A_325 : vector<16xi32> to vector<16xi32>
        tpu.vector_store %arg12[%swap3A_326], %swap3A_329 {strides = array<i32>} : memref<1024xi32, #tpu.memory_space<vmem>>, vector<16xi32>,
        %max3A_330 = arith.constant 0.000000e+00 : f32
        %max3A_331 = vector.broadcast %max3A_330 : f32 to vector<16xf32>
        %max3A_332 = arith.maximumf %sub3A_315, %max3A_331 : vector<16xf32>
        %swap3A_333 = arith.constant 96 : index
        %swap3A_334 = tpu.vector_load %arg13[%swap3A_333] {strides = array<i32>} : memref<1024xf32, #tpu.memory_space<vmem>>, vector<16xf32>,
        %swap3A_335 = vector.shape_cast %swap3A_334 : vector<16xf32> to vector<16xf32>
        %swap3A_336 = vector.shape_cast %max3A_332 : vector<16xf32> to vector<16xf32>
        tpu.vector_store %arg13[%swap3A_333], %swap3A_336 {strides = array<i32>} : memref<1024xf32, #tpu.memory_space<vmem>>, vector<16xf32>,
        %swap3A_337 = arith.constant 96 : index
        %swap3A_338 = tpu.vector_load %arg14[%swap3A_337] {strides = array<i32>} : memref<1024xf32, #tpu.memory_space<vmem>>, vector<16xf32>,
        %swap3A_339 = vector.shape_cast %swap3A_338 : vector<16xf32> to vector<16xf32>
        %swap3A_340 = vector.shape_cast %get3A_305 : vector<16xf32> to vector<16xf32>
        tpu.vector_store %arg14[%swap3A_337], %swap3A_340 {strides = array<i32>} : memref<1024xf32, #tpu.memory_space<vmem>>, vector<16xf32>,
        %add3A_341 = arith.constant 112 : i32
        %add3A_342 = arith.addi %mul3A_49, %add3A_341 : i32
        %get3A_343 = arith.index_cast %add3A_342 : i32 to index
        %get3A_344 = tpu.vector_load %arg10[%get3A_343] {strides = array<i32>} : memref<2048xf32, #tpu.memory_space<vmem>>, vector<16xf32>,
        %get3A_345 = vector.shape_cast %get3A_344 : vector<16xf32> to vector<16xf32>
        %get3A_346 = arith.index_cast %add3A_342 : i32 to index
        %get3A_347 = tpu.vector_load %arg11[%get3A_346] {strides = array<i32>} : memref<2048xf32, #tpu.memory_space<vmem>>, vector<16xf32>,
        %get3A_348 = vector.shape_cast %get3A_347 : vector<16xf32> to vector<16xf32>
        %mul3A_349 = arith.constant 2.000000e+00 : f32
        %mul3A_350 = vector.broadcast %mul3A_349 : f32 to vector<16xf32>
        %mul3A_351 = arith.mulf %mul3A_350, %get3A_348 : vector<16xf32>
        %sub3A_352 = arith.constant 1.000000e+00 : f32
        %sub3A_353 = vector.broadcast %sub3A_352 : f32 to vector<16xf32>
        %sub3A_354 = arith.subf %mul3A_351, %sub3A_353 : vector<16xf32>
        %mul3A_355 = arith.mulf %get3A_345, %sub3A_354 : vector<16xf32>
        %sub3A_356 = arith.constant 1.000000e+00 : f32
        %sub3A_357 = vector.broadcast %sub3A_356 : f32 to vector<16xf32>
        %sub3A_358 = arith.subf %sub3A_357, %mul3A_355 : vector<16xf32>
        %bitcast_convert_type3A_359 = tpu.bitcast %sub3A_358 : vector<16xf32> -> vector<16xi32>
        %gt3A_360 = arith.constant 0.000000e+00 : f32
        %gt3A_361 = vector.broadcast %gt3A_360 : f32 to vector<16xf32>
        %gt3A_362 = arith.cmpf ogt, %sub3A_358, %gt3A_361 : vector<16xf32>
        %shift_right_logical3A_363 = arith.constant 12 : i32
        %shift_right_logical3A_364 = vector.broadcast %shift_right_logical3A_363 : i32 to vector<16xi32>
        %shift_right_logical3A_365 = arith.shrui %bitcast_convert_type3A_359, %shift_right_logical3A_364 : vector<16xi32>
        %jit3A_366 = arith.constant 0 : i32
        %broadcast_in_dim3A_367 = vector.broadcast %jit3A_366 : i32 to vector<16xi32>
        %select_n3A_368 = arith.select %gt3A_362, %shift_right_logical3A_365, %broadcast_in_dim3A_367 : vector<16xi1>, vector<16xi32>
        %swap3A_369 = arith.constant 112 : index
        %swap3A_370 = tpu.vector_load %arg12[%swap3A_369] {strides = array<i32>} : memref<1024xi32, #tpu.memory_space<vmem>>, vector<16xi32>,
        %swap3A_371 = vector.shape_cast %swap3A_370 : vector<16xi32> to vector<16xi32>
        %swap3A_372 = vector.shape_cast %select_n3A_368 : vector<16xi32> to vector<16xi32>
        tpu.vector_store %arg12[%swap3A_369], %swap3A_372 {strides = array<i32>} : memref<1024xi32, #tpu.memory_space<vmem>>, vector<16xi32>,
        %max3A_373 = arith.constant 0.000000e+00 : f32
        %max3A_374 = vector.broadcast %max3A_373 : f32 to vector<16xf32>
        %max3A_375 = arith.maximumf %sub3A_358, %max3A_374 : vector<16xf32>
        %swap3A_376 = arith.constant 112 : index
        %swap3A_377 = tpu.vector_load %arg13[%swap3A_376] {strides = array<i32>} : memref<1024xf32, #tpu.memory_space<vmem>>, vector<16xf32>,
        %swap3A_378 = vector.shape_cast %swap3A_377 : vector<16xf32> to vector<16xf32>
        %swap3A_379 = vector.shape_cast %max3A_375 : vector<16xf32> to vector<16xf32>
        tpu.vector_store %arg13[%swap3A_376], %swap3A_379 {strides = array<i32>} : memref<1024xf32, #tpu.memory_space<vmem>>, vector<16xf32>,
        %swap3A_380 = arith.constant 112 : index
        %swap3A_381 = tpu.vector_load %arg14[%swap3A_380] {strides = array<i32>} : memref<1024xf32, #tpu.memory_space<vmem>>, vector<16xf32>,
        %swap3A_382 = vector.shape_cast %swap3A_381 : vector<16xf32> to vector<16xf32>
        %swap3A_383 = vector.shape_cast %get3A_348 : vector<16xf32> to vector<16xf32>
        tpu.vector_store %arg14[%swap3A_380], %swap3A_383 {strides = array<i32>} : memref<1024xf32, #tpu.memory_space<vmem>>, vector<16xf32>,
        %add3A_384 = arith.constant 128 : i32
        %add3A_385 = arith.addi %mul3A_49, %add3A_384 : i32
        %get3A_386 = arith.index_cast %add3A_385 : i32 to index
        %get3A_387 = tpu.vector_load %arg10[%get3A_386] {strides = array<i32>} : memref<2048xf32, #tpu.memory_space<vmem>>, vector<16xf32>,
        %get3A_388 = vector.shape_cast %get3A_387 : vector<16xf32> to vector<16xf32>
        %get3A_389 = arith.index_cast %add3A_385 : i32 to index
        %get3A_390 = tpu.vector_load %arg11[%get3A_389] {strides = array<i32>} : memref<2048xf32, #tpu.memory_space<vmem>>, vector<16xf32>,
        %get3A_391 = vector.shape_cast %get3A_390 : vector<16xf32> to vector<16xf32>
        %mul3A_392 = arith.constant 2.000000e+00 : f32
        %mul3A_393 = vector.broadcast %mul3A_392 : f32 to vector<16xf32>
        %mul3A_394 = arith.mulf %mul3A_393, %get3A_391 : vector<16xf32>
        %sub3A_395 = arith.constant 1.000000e+00 : f32
        %sub3A_396 = vector.broadcast %sub3A_395 : f32 to vector<16xf32>
        %sub3A_397 = arith.subf %mul3A_394, %sub3A_396 : vector<16xf32>
        %mul3A_398 = arith.mulf %get3A_388, %sub3A_397 : vector<16xf32>
        %sub3A_399 = arith.constant 1.000000e+00 : f32
        %sub3A_400 = vector.broadcast %sub3A_399 : f32 to vector<16xf32>
        %sub3A_401 = arith.subf %sub3A_400, %mul3A_398 : vector<16xf32>
        %bitcast_convert_type3A_402 = tpu.bitcast %sub3A_401 : vector<16xf32> -> vector<16xi32>
        %gt3A_403 = arith.constant 0.000000e+00 : f32
        %gt3A_404 = vector.broadcast %gt3A_403 : f32 to vector<16xf32>
        %gt3A_405 = arith.cmpf ogt, %sub3A_401, %gt3A_404 : vector<16xf32>
        %shift_right_logical3A_406 = arith.constant 12 : i32
        %shift_right_logical3A_407 = vector.broadcast %shift_right_logical3A_406 : i32 to vector<16xi32>
        %shift_right_logical3A_408 = arith.shrui %bitcast_convert_type3A_402, %shift_right_logical3A_407 : vector<16xi32>
        %jit3A_409 = arith.constant 0 : i32
        %broadcast_in_dim3A_410 = vector.broadcast %jit3A_409 : i32 to vector<16xi32>
        %select_n3A_411 = arith.select %gt3A_405, %shift_right_logical3A_408, %broadcast_in_dim3A_410 : vector<16xi1>, vector<16xi32>
        %swap3A_412 = arith.constant 128 : index
        %swap3A_413 = tpu.vector_load %arg12[%swap3A_412] {strides = array<i32>} : memref<1024xi32, #tpu.memory_space<vmem>>, vector<16xi32>,
        %swap3A_414 = vector.shape_cast %swap3A_413 : vector<16xi32> to vector<16xi32>
        %swap3A_415 = vector.shape_cast %select_n3A_411 : vector<16xi32> to vector<16xi32>
        tpu.vector_store %arg12[%swap3A_412], %swap3A_415 {strides = array<i32>} : memref<1024xi32, #tpu.memory_space<vmem>>, vector<16xi32>,
        %max3A_416 = arith.constant 0.000000e+00 : f32
        %max3A_417 = vector.broadcast %max3A_416 : f32 to vector<16xf32>
        %max3A_418 = arith.maximumf %sub3A_401, %max3A_417 : vector<16xf32>
        %swap3A_419 = arith.constant 128 : index
        %swap3A_420 = tpu.vector_load %arg13[%swap3A_419] {strides = array<i32>} : memref<1024xf32, #tpu.memory_space<vmem>>, vector<16xf32>,
        %swap3A_421 = vector.shape_cast %swap3A_420 : vector<16xf32> to vector<16xf32>
        %swap3A_422 = vector.shape_cast %max3A_418 : vector<16xf32> to vector<16xf32>
        tpu.vector_store %arg13[%swap3A_419], %swap3A_422 {strides = array<i32>} : memref<1024xf32, #tpu.memory_space<vmem>>, vector<16xf32>,
        %swap3A_423 = arith.constant 128 : index
        %swap3A_424 = tpu.vector_load %arg14[%swap3A_423] {strides = array<i32>} : memref<1024xf32, #tpu.memory_space<vmem>>, vector<16xf32>,
        %swap3A_425 = vector.shape_cast %swap3A_424 : vector<16xf32> to vector<16xf32>
        %swap3A_426 = vector.shape_cast %get3A_391 : vector<16xf32> to vector<16xf32>
        tpu.vector_store %arg14[%swap3A_423], %swap3A_426 {strides = array<i32>} : memref<1024xf32, #tpu.memory_space<vmem>>, vector<16xf32>,
        %add3A_427 = arith.constant 144 : i32
        %add3A_428 = arith.addi %mul3A_49, %add3A_427 : i32
        %get3A_429 = arith.index_cast %add3A_428 : i32 to index
        %get3A_430 = tpu.vector_load %arg10[%get3A_429] {strides = array<i32>} : memref<2048xf32, #tpu.memory_space<vmem>>, vector<16xf32>,
        %get3A_431 = vector.shape_cast %get3A_430 : vector<16xf32> to vector<16xf32>
        %get3A_432 = arith.index_cast %add3A_428 : i32 to index
        %get3A_433 = tpu.vector_load %arg11[%get3A_432] {strides = array<i32>} : memref<2048xf32, #tpu.memory_space<vmem>>, vector<16xf32>,
        %get3A_434 = vector.shape_cast %get3A_433 : vector<16xf32> to vector<16xf32>
        %mul3A_435 = arith.constant 2.000000e+00 : f32
        %mul3A_436 = vector.broadcast %mul3A_435 : f32 to vector<16xf32>
        %mul3A_437 = arith.mulf %mul3A_436, %get3A_434 : vector<16xf32>
        %sub3A_438 = arith.constant 1.000000e+00 : f32
        %sub3A_439 = vector.broadcast %sub3A_438 : f32 to vector<16xf32>
        %sub3A_440 = arith.subf %mul3A_437, %sub3A_439 : vector<16xf32>
        %mul3A_441 = arith.mulf %get3A_431, %sub3A_440 : vector<16xf32>
        %sub3A_442 = arith.constant 1.000000e+00 : f32
        %sub3A_443 = vector.broadcast %sub3A_442 : f32 to vector<16xf32>
        %sub3A_444 = arith.subf %sub3A_443, %mul3A_441 : vector<16xf32>
        %bitcast_convert_type3A_445 = tpu.bitcast %sub3A_444 : vector<16xf32> -> vector<16xi32>
        %gt3A_446 = arith.constant 0.000000e+00 : f32
        %gt3A_447 = vector.broadcast %gt3A_446 : f32 to vector<16xf32>
        %gt3A_448 = arith.cmpf ogt, %sub3A_444, %gt3A_447 : vector<16xf32>
        %shift_right_logical3A_449 = arith.constant 12 : i32
        %shift_right_logical3A_450 = vector.broadcast %shift_right_logical3A_449 : i32 to vector<16xi32>
        %shift_right_logical3A_451 = arith.shrui %bitcast_convert_type3A_445, %shift_right_logical3A_450 : vector<16xi32>
        %jit3A_452 = arith.constant 0 : i32
        %broadcast_in_dim3A_453 = vector.broadcast %jit3A_452 : i32 to vector<16xi32>
        %select_n3A_454 = arith.select %gt3A_448, %shift_right_logical3A_451, %broadcast_in_dim3A_453 : vector<16xi1>, vector<16xi32>
        %swap3A_455 = arith.constant 144 : index
        %swap3A_456 = tpu.vector_load %arg12[%swap3A_455] {strides = array<i32>} : memref<1024xi32, #tpu.memory_space<vmem>>, vector<16xi32>,
        %swap3A_457 = vector.shape_cast %swap3A_456 : vector<16xi32> to vector<16xi32>
        %swap3A_458 = vector.shape_cast %select_n3A_454 : vector<16xi32> to vector<16xi32>
        tpu.vector_store %arg12[%swap3A_455], %swap3A_458 {strides = array<i32>} : memref<1024xi32, #tpu.memory_space<vmem>>, vector<16xi32>,
        %max3A_459 = arith.constant 0.000000e+00 : f32
        %max3A_460 = vector.broadcast %max3A_459 : f32 to vector<16xf32>
        %max3A_461 = arith.maximumf %sub3A_444, %max3A_460 : vector<16xf32>
        %swap3A_462 = arith.constant 144 : index
        %swap3A_463 = tpu.vector_load %arg13[%swap3A_462] {strides = array<i32>} : memref<1024xf32, #tpu.memory_space<vmem>>, vector<16xf32>,
        %swap3A_464 = vector.shape_cast %swap3A_463 : vector<16xf32> to vector<16xf32>
        %swap3A_465 = vector.shape_cast %max3A_461 : vector<16xf32> to vector<16xf32>
        tpu.vector_store %arg13[%swap3A_462], %swap3A_465 {strides = array<i32>} : memref<1024xf32, #tpu.memory_space<vmem>>, vector<16xf32>,
        %swap3A_466 = arith.constant 144 : index
        %swap3A_467 = tpu.vector_load %arg14[%swap3A_466] {strides = array<i32>} : memref<1024xf32, #tpu.memory_space<vmem>>, vector<16xf32>,
        %swap3A_468 = vector.shape_cast %swap3A_467 : vector<16xf32> to vector<16xf32>
        %swap3A_469 = vector.shape_cast %get3A_434 : vector<16xf32> to vector<16xf32>
        tpu.vector_store %arg14[%swap3A_466], %swap3A_469 {strides = array<i32>} : memref<1024xf32, #tpu.memory_space<vmem>>, vector<16xf32>,
        %add3A_470 = arith.constant 160 : i32
        %add3A_471 = arith.addi %mul3A_49, %add3A_470 : i32
        %get3A_472 = arith.index_cast %add3A_471 : i32 to index
        %get3A_473 = tpu.vector_load %arg10[%get3A_472] {strides = array<i32>} : memref<2048xf32, #tpu.memory_space<vmem>>, vector<16xf32>,
        %get3A_474 = vector.shape_cast %get3A_473 : vector<16xf32> to vector<16xf32>
        %get3A_475 = arith.index_cast %add3A_471 : i32 to index
        %get3A_476 = tpu.vector_load %arg11[%get3A_475] {strides = array<i32>} : memref<2048xf32, #tpu.memory_space<vmem>>, vector<16xf32>,
        %get3A_477 = vector.shape_cast %get3A_476 : vector<16xf32> to vector<16xf32>
        %mul3A_478 = arith.constant 2.000000e+00 : f32
        %mul3A_479 = vector.broadcast %mul3A_478 : f32 to vector<16xf32>
        %mul3A_480 = arith.mulf %mul3A_479, %get3A_477 : vector<16xf32>
        %sub3A_481 = arith.constant 1.000000e+00 : f32
        %sub3A_482 = vector.broadcast %sub3A_481 : f32 to vector<16xf32>
        %sub3A_483 = arith.subf %mul3A_480, %sub3A_482 : vector<16xf32>
        %mul3A_484 = arith.mulf %get3A_474, %sub3A_483 : vector<16xf32>
        %sub3A_485 = arith.constant 1.000000e+00 : f32
        %sub3A_486 = vector.broadcast %sub3A_485 : f32 to vector<16xf32>
        %sub3A_487 = arith.subf %sub3A_486, %mul3A_484 : vector<16xf32>
        %bitcast_convert_type3A_488 = tpu.bitcast %sub3A_487 : vector<16xf32> -> vector<16xi32>
        %gt3A_489 = arith.constant 0.000000e+00 : f32
        %gt3A_490 = vector.broadcast %gt3A_489 : f32 to vector<16xf32>
        %gt3A_491 = arith.cmpf ogt, %sub3A_487, %gt3A_490 : vector<16xf32>
        %shift_right_logical3A_492 = arith.constant 12 : i32
        %shift_right_logical3A_493 = vector.broadcast %shift_right_logical3A_492 : i32 to vector<16xi32>
        %shift_right_logical3A_494 = arith.shrui %bitcast_convert_type3A_488, %shift_right_logical3A_493 : vector<16xi32>
        %jit3A_495 = arith.constant 0 : i32
        %broadcast_in_dim3A_496 = vector.broadcast %jit3A_495 : i32 to vector<16xi32>
        %select_n3A_497 = arith.select %gt3A_491, %shift_right_logical3A_494, %broadcast_in_dim3A_496 : vector<16xi1>, vector<16xi32>
        %swap3A_498 = arith.constant 160 : index
        %swap3A_499 = tpu.vector_load %arg12[%swap3A_498] {strides = array<i32>} : memref<1024xi32, #tpu.memory_space<vmem>>, vector<16xi32>,
        %swap3A_500 = vector.shape_cast %swap3A_499 : vector<16xi32> to vector<16xi32>
        %swap3A_501 = vector.shape_cast %select_n3A_497 : vector<16xi32> to vector<16xi32>
        tpu.vector_store %arg12[%swap3A_498], %swap3A_501 {strides = array<i32>} : memref<1024xi32, #tpu.memory_space<vmem>>, vector<16xi32>,
        %max3A_502 = arith.constant 0.000000e+00 : f32
        %max3A_503 = vector.broadcast %max3A_502 : f32 to vector<16xf32>
        %max3A_504 = arith.maximumf %sub3A_487, %max3A_503 : vector<16xf32>
        %swap3A_505 = arith.constant 160 : index
        %swap3A_506 = tpu.vector_load %arg13[%swap3A_505] {strides = array<i32>} : memref<1024xf32, #tpu.memory_space<vmem>>, vector<16xf32>,
        %swap3A_507 = vector.shape_cast %swap3A_506 : vector<16xf32> to vector<16xf32>
        %swap3A_508 = vector.shape_cast %max3A_504 : vector<16xf32> to vector<16xf32>
        tpu.vector_store %arg13[%swap3A_505], %swap3A_508 {strides = array<i32>} : memref<1024xf32, #tpu.memory_space<vmem>>, vector<16xf32>,
        %swap3A_509 = arith.constant 160 : index
        %swap3A_510 = tpu.vector_load %arg14[%swap3A_509] {strides = array<i32>} : memref<1024xf32, #tpu.memory_space<vmem>>, vector<16xf32>,
        %swap3A_511 = vector.shape_cast %swap3A_510 : vector<16xf32> to vector<16xf32>
        %swap3A_512 = vector.shape_cast %get3A_477 : vector<16xf32> to vector<16xf32>
        tpu.vector_store %arg14[%swap3A_509], %swap3A_512 {strides = array<i32>} : memref<1024xf32, #tpu.memory_space<vmem>>, vector<16xf32>,
        %add3A_513 = arith.constant 176 : i32
        %add3A_514 = arith.addi %mul3A_49, %add3A_513 : i32
        %get3A_515 = arith.index_cast %add3A_514 : i32 to index
        %get3A_516 = tpu.vector_load %arg10[%get3A_515] {strides = array<i32>} : memref<2048xf32, #tpu.memory_space<vmem>>, vector<16xf32>,
        %get3A_517 = vector.shape_cast %get3A_516 : vector<16xf32> to vector<16xf32>
        %get3A_518 = arith.index_cast %add3A_514 : i32 to index
        %get3A_519 = tpu.vector_load %arg11[%get3A_518] {strides = array<i32>} : memref<2048xf32, #tpu.memory_space<vmem>>, vector<16xf32>,
        %get3A_520 = vector.shape_cast %get3A_519 : vector<16xf32> to vector<16xf32>
        %mul3A_521 = arith.constant 2.000000e+00 : f32
        %mul3A_522 = vector.broadcast %mul3A_521 : f32 to vector<16xf32>
        %mul3A_523 = arith.mulf %mul3A_522, %get3A_520 : vector<16xf32>
        %sub3A_524 = arith.constant 1.000000e+00 : f32
        %sub3A_525 = vector.broadcast %sub3A_524 : f32 to vector<16xf32>
        %sub3A_526 = arith.subf %mul3A_523, %sub3A_525 : vector<16xf32>
        %mul3A_527 = arith.mulf %get3A_517, %sub3A_526 : vector<16xf32>
        %sub3A_528 = arith.constant 1.000000e+00 : f32
        %sub3A_529 = vector.broadcast %sub3A_528 : f32 to vector<16xf32>
        %sub3A_530 = arith.subf %sub3A_529, %mul3A_527 : vector<16xf32>
        %bitcast_convert_type3A_531 = tpu.bitcast %sub3A_530 : vector<16xf32> -> vector<16xi32>
        %gt3A_532 = arith.constant 0.000000e+00 : f32
        %gt3A_533 = vector.broadcast %gt3A_532 : f32 to vector<16xf32>
        %gt3A_534 = arith.cmpf ogt, %sub3A_530, %gt3A_533 : vector<16xf32>
        %shift_right_logical3A_535 = arith.constant 12 : i32
        %shift_right_logical3A_536 = vector.broadcast %shift_right_logical3A_535 : i32 to vector<16xi32>
        %shift_right_logical3A_537 = arith.shrui %bitcast_convert_type3A_531, %shift_right_logical3A_536 : vector<16xi32>
        %jit3A_538 = arith.constant 0 : i32
        %broadcast_in_dim3A_539 = vector.broadcast %jit3A_538 : i32 to vector<16xi32>
        %select_n3A_540 = arith.select %gt3A_534, %shift_right_logical3A_537, %broadcast_in_dim3A_539 : vector<16xi1>, vector<16xi32>
        %swap3A_541 = arith.constant 176 : index
        %swap3A_542 = tpu.vector_load %arg12[%swap3A_541] {strides = array<i32>} : memref<1024xi32, #tpu.memory_space<vmem>>, vector<16xi32>,
        %swap3A_543 = vector.shape_cast %swap3A_542 : vector<16xi32> to vector<16xi32>
        %swap3A_544 = vector.shape_cast %select_n3A_540 : vector<16xi32> to vector<16xi32>
        tpu.vector_store %arg12[%swap3A_541], %swap3A_544 {strides = array<i32>} : memref<1024xi32, #tpu.memory_space<vmem>>, vector<16xi32>,
        %max3A_545 = arith.constant 0.000000e+00 : f32
        %max3A_546 = vector.broadcast %max3A_545 : f32 to vector<16xf32>
        %max3A_547 = arith.maximumf %sub3A_530, %max3A_546 : vector<16xf32>
        %swap3A_548 = arith.constant 176 : index
        %swap3A_549 = tpu.vector_load %arg13[%swap3A_548] {strides = array<i32>} : memref<1024xf32, #tpu.memory_space<vmem>>, vector<16xf32>,
        %swap3A_550 = vector.shape_cast %swap3A_549 : vector<16xf32> to vector<16xf32>
        %swap3A_551 = vector.shape_cast %max3A_547 : vector<16xf32> to vector<16xf32>
        tpu.vector_store %arg13[%swap3A_548], %swap3A_551 {strides = array<i32>} : memref<1024xf32, #tpu.memory_space<vmem>>, vector<16xf32>,
        %swap3A_552 = arith.constant 176 : index
        %swap3A_553 = tpu.vector_load %arg14[%swap3A_552] {strides = array<i32>} : memref<1024xf32, #tpu.memory_space<vmem>>, vector<16xf32>,
        %swap3A_554 = vector.shape_cast %swap3A_553 : vector<16xf32> to vector<16xf32>
        %swap3A_555 = vector.shape_cast %get3A_520 : vector<16xf32> to vector<16xf32>
        tpu.vector_store %arg14[%swap3A_552], %swap3A_555 {strides = array<i32>} : memref<1024xf32, #tpu.memory_space<vmem>>, vector<16xf32>,
        %add3A_556 = arith.constant 192 : i32
        %add3A_557 = arith.addi %mul3A_49, %add3A_556 : i32
        %get3A_558 = arith.index_cast %add3A_557 : i32 to index
        %get3A_559 = tpu.vector_load %arg10[%get3A_558] {strides = array<i32>} : memref<2048xf32, #tpu.memory_space<vmem>>, vector<16xf32>,
        %get3A_560 = vector.shape_cast %get3A_559 : vector<16xf32> to vector<16xf32>
        %get3A_561 = arith.index_cast %add3A_557 : i32 to index
        %get3A_562 = tpu.vector_load %arg11[%get3A_561] {strides = array<i32>} : memref<2048xf32, #tpu.memory_space<vmem>>, vector<16xf32>,
        %get3A_563 = vector.shape_cast %get3A_562 : vector<16xf32> to vector<16xf32>
        %mul3A_564 = arith.constant 2.000000e+00 : f32
        %mul3A_565 = vector.broadcast %mul3A_564 : f32 to vector<16xf32>
        %mul3A_566 = arith.mulf %mul3A_565, %get3A_563 : vector<16xf32>
        %sub3A_567 = arith.constant 1.000000e+00 : f32
        %sub3A_568 = vector.broadcast %sub3A_567 : f32 to vector<16xf32>
        %sub3A_569 = arith.subf %mul3A_566, %sub3A_568 : vector<16xf32>
        %mul3A_570 = arith.mulf %get3A_560, %sub3A_569 : vector<16xf32>
        %sub3A_571 = arith.constant 1.000000e+00 : f32
        %sub3A_572 = vector.broadcast %sub3A_571 : f32 to vector<16xf32>
        %sub3A_573 = arith.subf %sub3A_572, %mul3A_570 : vector<16xf32>
        %bitcast_convert_type3A_574 = tpu.bitcast %sub3A_573 : vector<16xf32> -> vector<16xi32>
        %gt3A_575 = arith.constant 0.000000e+00 : f32
        %gt3A_576 = vector.broadcast %gt3A_575 : f32 to vector<16xf32>
        %gt3A_577 = arith.cmpf ogt, %sub3A_573, %gt3A_576 : vector<16xf32>
        %shift_right_logical3A_578 = arith.constant 12 : i32
        %shift_right_logical3A_579 = vector.broadcast %shift_right_logical3A_578 : i32 to vector<16xi32>
        %shift_right_logical3A_580 = arith.shrui %bitcast_convert_type3A_574, %shift_right_logical3A_579 : vector<16xi32>
        %jit3A_581 = arith.constant 0 : i32
        %broadcast_in_dim3A_582 = vector.broadcast %jit3A_581 : i32 to vector<16xi32>
        %select_n3A_583 = arith.select %gt3A_577, %shift_right_logical3A_580, %broadcast_in_dim3A_582 : vector<16xi1>, vector<16xi32>
        %swap3A_584 = arith.constant 192 : index
        %swap3A_585 = tpu.vector_load %arg12[%swap3A_584] {strides = array<i32>} : memref<1024xi32, #tpu.memory_space<vmem>>, vector<16xi32>,
        %swap3A_586 = vector.shape_cast %swap3A_585 : vector<16xi32> to vector<16xi32>
        %swap3A_587 = vector.shape_cast %select_n3A_583 : vector<16xi32> to vector<16xi32>
        tpu.vector_store %arg12[%swap3A_584], %swap3A_587 {strides = array<i32>} : memref<1024xi32, #tpu.memory_space<vmem>>, vector<16xi32>,
        %max3A_588 = arith.constant 0.000000e+00 : f32
        %max3A_589 = vector.broadcast %max3A_588 : f32 to vector<16xf32>
        %max3A_590 = arith.maximumf %sub3A_573, %max3A_589 : vector<16xf32>
        %swap3A_591 = arith.constant 192 : index
        %swap3A_592 = tpu.vector_load %arg13[%swap3A_591] {strides = array<i32>} : memref<1024xf32, #tpu.memory_space<vmem>>, vector<16xf32>,
        %swap3A_593 = vector.shape_cast %swap3A_592 : vector<16xf32> to vector<16xf32>
        %swap3A_594 = vector.shape_cast %max3A_590 : vector<16xf32> to vector<16xf32>
        tpu.vector_store %arg13[%swap3A_591], %swap3A_594 {strides = array<i32>} : memref<1024xf32, #tpu.memory_space<vmem>>, vector<16xf32>,
        %swap3A_595 = arith.constant 192 : index
        %swap3A_596 = tpu.vector_load %arg14[%swap3A_595] {strides = array<i32>} : memref<1024xf32, #tpu.memory_space<vmem>>, vector<16xf32>,
        %swap3A_597 = vector.shape_cast %swap3A_596 : vector<16xf32> to vector<16xf32>
        %swap3A_598 = vector.shape_cast %get3A_563 : vector<16xf32> to vector<16xf32>
        tpu.vector_store %arg14[%swap3A_595], %swap3A_598 {strides = array<i32>} : memref<1024xf32, #tpu.memory_space<vmem>>, vector<16xf32>,
        %add3A_599 = arith.constant 208 : i32
        %add3A_600 = arith.addi %mul3A_49, %add3A_599 : i32
        %get3A_601 = arith.index_cast %add3A_600 : i32 to index
        %get3A_602 = tpu.vector_load %arg10[%get3A_601] {strides = array<i32>} : memref<2048xf32, #tpu.memory_space<vmem>>, vector<16xf32>,
        %get3A_603 = vector.shape_cast %get3A_602 : vector<16xf32> to vector<16xf32>
        %get3A_604 = arith.index_cast %add3A_600 : i32 to index
        %get3A_605 = tpu.vector_load %arg11[%get3A_604] {strides = array<i32>} : memref<2048xf32, #tpu.memory_space<vmem>>, vector<16xf32>,
        %get3A_606 = vector.shape_cast %get3A_605 : vector<16xf32> to vector<16xf32>
        %mul3A_607 = arith.constant 2.000000e+00 : f32
        %mul3A_608 = vector.broadcast %mul3A_607 : f32 to vector<16xf32>
        %mul3A_609 = arith.mulf %mul3A_608, %get3A_606 : vector<16xf32>
        %sub3A_610 = arith.constant 1.000000e+00 : f32
        %sub3A_611 = vector.broadcast %sub3A_610 : f32 to vector<16xf32>
        %sub3A_612 = arith.subf %mul3A_609, %sub3A_611 : vector<16xf32>
        %mul3A_613 = arith.mulf %get3A_603, %sub3A_612 : vector<16xf32>
        %sub3A_614 = arith.constant 1.000000e+00 : f32
        %sub3A_615 = vector.broadcast %sub3A_614 : f32 to vector<16xf32>
        %sub3A_616 = arith.subf %sub3A_615, %mul3A_613 : vector<16xf32>
        %bitcast_convert_type3A_617 = tpu.bitcast %sub3A_616 : vector<16xf32> -> vector<16xi32>
        %gt3A_618 = arith.constant 0.000000e+00 : f32
        %gt3A_619 = vector.broadcast %gt3A_618 : f32 to vector<16xf32>
        %gt3A_620 = arith.cmpf ogt, %sub3A_616, %gt3A_619 : vector<16xf32>
        %shift_right_logical3A_621 = arith.constant 12 : i32
        %shift_right_logical3A_622 = vector.broadcast %shift_right_logical3A_621 : i32 to vector<16xi32>
        %shift_right_logical3A_623 = arith.shrui %bitcast_convert_type3A_617, %shift_right_logical3A_622 : vector<16xi32>
        %jit3A_624 = arith.constant 0 : i32
        %broadcast_in_dim3A_625 = vector.broadcast %jit3A_624 : i32 to vector<16xi32>
        %select_n3A_626 = arith.select %gt3A_620, %shift_right_logical3A_623, %broadcast_in_dim3A_625 : vector<16xi1>, vector<16xi32>
        %swap3A_627 = arith.constant 208 : index
        %swap3A_628 = tpu.vector_load %arg12[%swap3A_627] {strides = array<i32>} : memref<1024xi32, #tpu.memory_space<vmem>>, vector<16xi32>,
        %swap3A_629 = vector.shape_cast %swap3A_628 : vector<16xi32> to vector<16xi32>
        %swap3A_630 = vector.shape_cast %select_n3A_626 : vector<16xi32> to vector<16xi32>
        tpu.vector_store %arg12[%swap3A_627], %swap3A_630 {strides = array<i32>} : memref<1024xi32, #tpu.memory_space<vmem>>, vector<16xi32>,
        %max3A_631 = arith.constant 0.000000e+00 : f32
        %max3A_632 = vector.broadcast %max3A_631 : f32 to vector<16xf32>
        %max3A_633 = arith.maximumf %sub3A_616, %max3A_632 : vector<16xf32>
        %swap3A_634 = arith.constant 208 : index
        %swap3A_635 = tpu.vector_load %arg13[%swap3A_634] {strides = array<i32>} : memref<1024xf32, #tpu.memory_space<vmem>>, vector<16xf32>,
        %swap3A_636 = vector.shape_cast %swap3A_635 : vector<16xf32> to vector<16xf32>
        %swap3A_637 = vector.shape_cast %max3A_633 : vector<16xf32> to vector<16xf32>
        tpu.vector_store %arg13[%swap3A_634], %swap3A_637 {strides = array<i32>} : memref<1024xf32, #tpu.memory_space<vmem>>, vector<16xf32>,
        %swap3A_638 = arith.constant 208 : index
        %swap3A_639 = tpu.vector_load %arg14[%swap3A_638] {strides = array<i32>} : memref<1024xf32, #tpu.memory_space<vmem>>, vector<16xf32>,
        %swap3A_640 = vector.shape_cast %swap3A_639 : vector<16xf32> to vector<16xf32>
        %swap3A_641 = vector.shape_cast %get3A_606 : vector<16xf32> to vector<16xf32>
        tpu.vector_store %arg14[%swap3A_638], %swap3A_641 {strides = array<i32>} : memref<1024xf32, #tpu.memory_space<vmem>>, vector<16xf32>,
        %add3A_642 = arith.constant 224 : i32
        %add3A_643 = arith.addi %mul3A_49, %add3A_642 : i32
        %get3A_644 = arith.index_cast %add3A_643 : i32 to index
        %get3A_645 = tpu.vector_load %arg10[%get3A_644] {strides = array<i32>} : memref<2048xf32, #tpu.memory_space<vmem>>, vector<16xf32>,
        %get3A_646 = vector.shape_cast %get3A_645 : vector<16xf32> to vector<16xf32>
        %get3A_647 = arith.index_cast %add3A_643 : i32 to index
        %get3A_648 = tpu.vector_load %arg11[%get3A_647] {strides = array<i32>} : memref<2048xf32, #tpu.memory_space<vmem>>, vector<16xf32>,
        %get3A_649 = vector.shape_cast %get3A_648 : vector<16xf32> to vector<16xf32>
        %mul3A_650 = arith.constant 2.000000e+00 : f32
        %mul3A_651 = vector.broadcast %mul3A_650 : f32 to vector<16xf32>
        %mul3A_652 = arith.mulf %mul3A_651, %get3A_649 : vector<16xf32>
        %sub3A_653 = arith.constant 1.000000e+00 : f32
        %sub3A_654 = vector.broadcast %sub3A_653 : f32 to vector<16xf32>
        %sub3A_655 = arith.subf %mul3A_652, %sub3A_654 : vector<16xf32>
        %mul3A_656 = arith.mulf %get3A_646, %sub3A_655 : vector<16xf32>
        %sub3A_657 = arith.constant 1.000000e+00 : f32
        %sub3A_658 = vector.broadcast %sub3A_657 : f32 to vector<16xf32>
        %sub3A_659 = arith.subf %sub3A_658, %mul3A_656 : vector<16xf32>
        %bitcast_convert_type3A_660 = tpu.bitcast %sub3A_659 : vector<16xf32> -> vector<16xi32>
        %gt3A_661 = arith.constant 0.000000e+00 : f32
        %gt3A_662 = vector.broadcast %gt3A_661 : f32 to vector<16xf32>
        %gt3A_663 = arith.cmpf ogt, %sub3A_659, %gt3A_662 : vector<16xf32>
        %shift_right_logical3A_664 = arith.constant 12 : i32
        %shift_right_logical3A_665 = vector.broadcast %shift_right_logical3A_664 : i32 to vector<16xi32>
        %shift_right_logical3A_666 = arith.shrui %bitcast_convert_type3A_660, %shift_right_logical3A_665 : vector<16xi32>
        %jit3A_667 = arith.constant 0 : i32
        %broadcast_in_dim3A_668 = vector.broadcast %jit3A_667 : i32 to vector<16xi32>
        %select_n3A_669 = arith.select %gt3A_663, %shift_right_logical3A_666, %broadcast_in_dim3A_668 : vector<16xi1>, vector<16xi32>
        %swap3A_670 = arith.constant 224 : index
        %swap3A_671 = tpu.vector_load %arg12[%swap3A_670] {strides = array<i32>} : memref<1024xi32, #tpu.memory_space<vmem>>, vector<16xi32>,
        %swap3A_672 = vector.shape_cast %swap3A_671 : vector<16xi32> to vector<16xi32>
        %swap3A_673 = vector.shape_cast %select_n3A_669 : vector<16xi32> to vector<16xi32>
        tpu.vector_store %arg12[%swap3A_670], %swap3A_673 {strides = array<i32>} : memref<1024xi32, #tpu.memory_space<vmem>>, vector<16xi32>,
        %max3A_674 = arith.constant 0.000000e+00 : f32
        %max3A_675 = vector.broadcast %max3A_674 : f32 to vector<16xf32>
        %max3A_676 = arith.maximumf %sub3A_659, %max3A_675 : vector<16xf32>
        %swap3A_677 = arith.constant 224 : index
        %swap3A_678 = tpu.vector_load %arg13[%swap3A_677] {strides = array<i32>} : memref<1024xf32, #tpu.memory_space<vmem>>, vector<16xf32>,
        %swap3A_679 = vector.shape_cast %swap3A_678 : vector<16xf32> to vector<16xf32>
        %swap3A_680 = vector.shape_cast %max3A_676 : vector<16xf32> to vector<16xf32>
        tpu.vector_store %arg13[%swap3A_677], %swap3A_680 {strides = array<i32>} : memref<1024xf32, #tpu.memory_space<vmem>>, vector<16xf32>,
        %swap3A_681 = arith.constant 224 : index
        %swap3A_682 = tpu.vector_load %arg14[%swap3A_681] {strides = array<i32>} : memref<1024xf32, #tpu.memory_space<vmem>>, vector<16xf32>,
        %swap3A_683 = vector.shape_cast %swap3A_682 : vector<16xf32> to vector<16xf32>
        %swap3A_684 = vector.shape_cast %get3A_649 : vector<16xf32> to vector<16xf32>
        tpu.vector_store %arg14[%swap3A_681], %swap3A_684 {strides = array<i32>} : memref<1024xf32, #tpu.memory_space<vmem>>, vector<16xf32>,
        %add3A_685 = arith.constant 240 : i32
        %add3A_686 = arith.addi %mul3A_49, %add3A_685 : i32
        %get3A_687 = arith.index_cast %add3A_686 : i32 to index
        %get3A_688 = tpu.vector_load %arg10[%get3A_687] {strides = array<i32>} : memref<2048xf32, #tpu.memory_space<vmem>>, vector<16xf32>,
        %get3A_689 = vector.shape_cast %get3A_688 : vector<16xf32> to vector<16xf32>
        %get3A_690 = arith.index_cast %add3A_686 : i32 to index
        %get3A_691 = tpu.vector_load %arg11[%get3A_690] {strides = array<i32>} : memref<2048xf32, #tpu.memory_space<vmem>>, vector<16xf32>,
        %get3A_692 = vector.shape_cast %get3A_691 : vector<16xf32> to vector<16xf32>
        %mul3A_693 = arith.constant 2.000000e+00 : f32
        %mul3A_694 = vector.broadcast %mul3A_693 : f32 to vector<16xf32>
        %mul3A_695 = arith.mulf %mul3A_694, %get3A_692 : vector<16xf32>
        %sub3A_696 = arith.constant 1.000000e+00 : f32
        %sub3A_697 = vector.broadcast %sub3A_696 : f32 to vector<16xf32>
        %sub3A_698 = arith.subf %mul3A_695, %sub3A_697 : vector<16xf32>
        %mul3A_699 = arith.mulf %get3A_689, %sub3A_698 : vector<16xf32>
        %sub3A_700 = arith.constant 1.000000e+00 : f32
        %sub3A_701 = vector.broadcast %sub3A_700 : f32 to vector<16xf32>
        %sub3A_702 = arith.subf %sub3A_701, %mul3A_699 : vector<16xf32>
        %bitcast_convert_type3A_703 = tpu.bitcast %sub3A_702 : vector<16xf32> -> vector<16xi32>
        %gt3A_704 = arith.constant 0.000000e+00 : f32
        %gt3A_705 = vector.broadcast %gt3A_704 : f32 to vector<16xf32>
        %gt3A_706 = arith.cmpf ogt, %sub3A_702, %gt3A_705 : vector<16xf32>
        %shift_right_logical3A_707 = arith.constant 12 : i32
        %shift_right_logical3A_708 = vector.broadcast %shift_right_logical3A_707 : i32 to vector<16xi32>
        %shift_right_logical3A_709 = arith.shrui %bitcast_convert_type3A_703, %shift_right_logical3A_708 : vector<16xi32>
        %jit3A_710 = arith.constant 0 : i32
        %broadcast_in_dim3A_711 = vector.broadcast %jit3A_710 : i32 to vector<16xi32>
        %select_n3A_712 = arith.select %gt3A_706, %shift_right_logical3A_709, %broadcast_in_dim3A_711 : vector<16xi1>, vector<16xi32>
        %swap3A_713 = arith.constant 240 : index
        %swap3A_714 = tpu.vector_load %arg12[%swap3A_713] {strides = array<i32>} : memref<1024xi32, #tpu.memory_space<vmem>>, vector<16xi32>,
        %swap3A_715 = vector.shape_cast %swap3A_714 : vector<16xi32> to vector<16xi32>
        %swap3A_716 = vector.shape_cast %select_n3A_712 : vector<16xi32> to vector<16xi32>
        tpu.vector_store %arg12[%swap3A_713], %swap3A_716 {strides = array<i32>} : memref<1024xi32, #tpu.memory_space<vmem>>, vector<16xi32>,
        %max3A_717 = arith.constant 0.000000e+00 : f32
        %max3A_718 = vector.broadcast %max3A_717 : f32 to vector<16xf32>
        %max3A_719 = arith.maximumf %sub3A_702, %max3A_718 : vector<16xf32>
        %swap3A_720 = arith.constant 240 : index
        %swap3A_721 = tpu.vector_load %arg13[%swap3A_720] {strides = array<i32>} : memref<1024xf32, #tpu.memory_space<vmem>>, vector<16xf32>,
        %swap3A_722 = vector.shape_cast %swap3A_721 : vector<16xf32> to vector<16xf32>
        %swap3A_723 = vector.shape_cast %max3A_719 : vector<16xf32> to vector<16xf32>
        tpu.vector_store %arg13[%swap3A_720], %swap3A_723 {strides = array<i32>} : memref<1024xf32, #tpu.memory_space<vmem>>, vector<16xf32>,
        %swap3A_724 = arith.constant 240 : index
        %swap3A_725 = tpu.vector_load %arg14[%swap3A_724] {strides = array<i32>} : memref<1024xf32, #tpu.memory_space<vmem>>, vector<16xf32>,
        %swap3A_726 = vector.shape_cast %swap3A_725 : vector<16xf32> to vector<16xf32>
        %swap3A_727 = vector.shape_cast %get3A_692 : vector<16xf32> to vector<16xf32>
        tpu.vector_store %arg14[%swap3A_724], %swap3A_727 {strides = array<i32>} : memref<1024xf32, #tpu.memory_space<vmem>>, vector<16xf32>,
        %add3A_728 = arith.constant 256 : i32
        %add3A_729 = arith.addi %mul3A_49, %add3A_728 : i32
        %get3A_730 = arith.index_cast %add3A_729 : i32 to index
        %get3A_731 = tpu.vector_load %arg10[%get3A_730] {strides = array<i32>} : memref<2048xf32, #tpu.memory_space<vmem>>, vector<16xf32>,
        %get3A_732 = vector.shape_cast %get3A_731 : vector<16xf32> to vector<16xf32>
        %get3A_733 = arith.index_cast %add3A_729 : i32 to index
        %get3A_734 = tpu.vector_load %arg11[%get3A_733] {strides = array<i32>} : memref<2048xf32, #tpu.memory_space<vmem>>, vector<16xf32>,
        %get3A_735 = vector.shape_cast %get3A_734 : vector<16xf32> to vector<16xf32>
        %mul3A_736 = arith.constant 2.000000e+00 : f32
        %mul3A_737 = vector.broadcast %mul3A_736 : f32 to vector<16xf32>
        %mul3A_738 = arith.mulf %mul3A_737, %get3A_735 : vector<16xf32>
        %sub3A_739 = arith.constant 1.000000e+00 : f32
        %sub3A_740 = vector.broadcast %sub3A_739 : f32 to vector<16xf32>
        %sub3A_741 = arith.subf %mul3A_738, %sub3A_740 : vector<16xf32>
        %mul3A_742 = arith.mulf %get3A_732, %sub3A_741 : vector<16xf32>
        %sub3A_743 = arith.constant 1.000000e+00 : f32
        %sub3A_744 = vector.broadcast %sub3A_743 : f32 to vector<16xf32>
        %sub3A_745 = arith.subf %sub3A_744, %mul3A_742 : vector<16xf32>
        %bitcast_convert_type3A_746 = tpu.bitcast %sub3A_745 : vector<16xf32> -> vector<16xi32>
        %gt3A_747 = arith.constant 0.000000e+00 : f32
        %gt3A_748 = vector.broadcast %gt3A_747 : f32 to vector<16xf32>
        %gt3A_749 = arith.cmpf ogt, %sub3A_745, %gt3A_748 : vector<16xf32>
        %shift_right_logical3A_750 = arith.constant 12 : i32
        %shift_right_logical3A_751 = vector.broadcast %shift_right_logical3A_750 : i32 to vector<16xi32>
        %shift_right_logical3A_752 = arith.shrui %bitcast_convert_type3A_746, %shift_right_logical3A_751 : vector<16xi32>
        %jit3A_753 = arith.constant 0 : i32
        %broadcast_in_dim3A_754 = vector.broadcast %jit3A_753 : i32 to vector<16xi32>
        %select_n3A_755 = arith.select %gt3A_749, %shift_right_logical3A_752, %broadcast_in_dim3A_754 : vector<16xi1>, vector<16xi32>
        %swap3A_756 = arith.constant 256 : index
        %swap3A_757 = tpu.vector_load %arg12[%swap3A_756] {strides = array<i32>} : memref<1024xi32, #tpu.memory_space<vmem>>, vector<16xi32>,
        %swap3A_758 = vector.shape_cast %swap3A_757 : vector<16xi32> to vector<16xi32>
        %swap3A_759 = vector.shape_cast %select_n3A_755 : vector<16xi32> to vector<16xi32>
        tpu.vector_store %arg12[%swap3A_756], %swap3A_759 {strides = array<i32>} : memref<1024xi32, #tpu.memory_space<vmem>>, vector<16xi32>,
        %max3A_760 = arith.constant 0.000000e+00 : f32
        %max3A_761 = vector.broadcast %max3A_760 : f32 to vector<16xf32>
        %max3A_762 = arith.maximumf %sub3A_745, %max3A_761 : vector<16xf32>
        %swap3A_763 = arith.constant 256 : index
        %swap3A_764 = tpu.vector_load %arg13[%swap3A_763] {strides = array<i32>} : memref<1024xf32, #tpu.memory_space<vmem>>, vector<16xf32>,
        %swap3A_765 = vector.shape_cast %swap3A_764 : vector<16xf32> to vector<16xf32>
        %swap3A_766 = vector.shape_cast %max3A_762 : vector<16xf32> to vector<16xf32>
        tpu.vector_store %arg13[%swap3A_763], %swap3A_766 {strides = array<i32>} : memref<1024xf32, #tpu.memory_space<vmem>>, vector<16xf32>,
        %swap3A_767 = arith.constant 256 : index
        %swap3A_768 = tpu.vector_load %arg14[%swap3A_767] {strides = array<i32>} : memref<1024xf32, #tpu.memory_space<vmem>>, vector<16xf32>,
        %swap3A_769 = vector.shape_cast %swap3A_768 : vector<16xf32> to vector<16xf32>
        %swap3A_770 = vector.shape_cast %get3A_735 : vector<16xf32> to vector<16xf32>
        tpu.vector_store %arg14[%swap3A_767], %swap3A_770 {strides = array<i32>} : memref<1024xf32, #tpu.memory_space<vmem>>, vector<16xf32>,
        %add3A_771 = arith.constant 272 : i32
        %add3A_772 = arith.addi %mul3A_49, %add3A_771 : i32
        %get3A_773 = arith.index_cast %add3A_772 : i32 to index
        %get3A_774 = tpu.vector_load %arg10[%get3A_773] {strides = array<i32>} : memref<2048xf32, #tpu.memory_space<vmem>>, vector<16xf32>,
        %get3A_775 = vector.shape_cast %get3A_774 : vector<16xf32> to vector<16xf32>
        %get3A_776 = arith.index_cast %add3A_772 : i32 to index
        %get3A_777 = tpu.vector_load %arg11[%get3A_776] {strides = array<i32>} : memref<2048xf32, #tpu.memory_space<vmem>>, vector<16xf32>,
        %get3A_778 = vector.shape_cast %get3A_777 : vector<16xf32> to vector<16xf32>
        %mul3A_779 = arith.constant 2.000000e+00 : f32
        %mul3A_780 = vector.broadcast %mul3A_779 : f32 to vector<16xf32>
        %mul3A_781 = arith.mulf %mul3A_780, %get3A_778 : vector<16xf32>
        %sub3A_782 = arith.constant 1.000000e+00 : f32
        %sub3A_783 = vector.broadcast %sub3A_782 : f32 to vector<16xf32>
        %sub3A_784 = arith.subf %mul3A_781, %sub3A_783 : vector<16xf32>
        %mul3A_785 = arith.mulf %get3A_775, %sub3A_784 : vector<16xf32>
        %sub3A_786 = arith.constant 1.000000e+00 : f32
        %sub3A_787 = vector.broadcast %sub3A_786 : f32 to vector<16xf32>
        %sub3A_788 = arith.subf %sub3A_787, %mul3A_785 : vector<16xf32>
        %bitcast_convert_type3A_789 = tpu.bitcast %sub3A_788 : vector<16xf32> -> vector<16xi32>
        %gt3A_790 = arith.constant 0.000000e+00 : f32
        %gt3A_791 = vector.broadcast %gt3A_790 : f32 to vector<16xf32>
        %gt3A_792 = arith.cmpf ogt, %sub3A_788, %gt3A_791 : vector<16xf32>
        %shift_right_logical3A_793 = arith.constant 12 : i32
        %shift_right_logical3A_794 = vector.broadcast %shift_right_logical3A_793 : i32 to vector<16xi32>
        %shift_right_logical3A_795 = arith.shrui %bitcast_convert_type3A_789, %shift_right_logical3A_794 : vector<16xi32>
        %jit3A_796 = arith.constant 0 : i32
        %broadcast_in_dim3A_797 = vector.broadcast %jit3A_796 : i32 to vector<16xi32>
        %select_n3A_798 = arith.select %gt3A_792, %shift_right_logical3A_795, %broadcast_in_dim3A_797 : vector<16xi1>, vector<16xi32>
        %swap3A_799 = arith.constant 272 : index
        %swap3A_800 = tpu.vector_load %arg12[%swap3A_799] {strides = array<i32>} : memref<1024xi32, #tpu.memory_space<vmem>>, vector<16xi32>,
        %swap3A_801 = vector.shape_cast %swap3A_800 : vector<16xi32> to vector<16xi32>
        %swap3A_802 = vector.shape_cast %select_n3A_798 : vector<16xi32> to vector<16xi32>
        tpu.vector_store %arg12[%swap3A_799], %swap3A_802 {strides = array<i32>} : memref<1024xi32, #tpu.memory_space<vmem>>, vector<16xi32>,
        %max3A_803 = arith.constant 0.000000e+00 : f32
        %max3A_804 = vector.broadcast %max3A_803 : f32 to vector<16xf32>
        %max3A_805 = arith.maximumf %sub3A_788, %max3A_804 : vector<16xf32>
        %swap3A_806 = arith.constant 272 : index
        %swap3A_807 = tpu.vector_load %arg13[%swap3A_806] {strides = array<i32>} : memref<1024xf32, #tpu.memory_space<vmem>>, vector<16xf32>,
        %swap3A_808 = vector.shape_cast %swap3A_807 : vector<16xf32> to vector<16xf32>
        %swap3A_809 = vector.shape_cast %max3A_805 : vector<16xf32> to vector<16xf32>
        tpu.vector_store %arg13[%swap3A_806], %swap3A_809 {strides = array<i32>} : memref<1024xf32, #tpu.memory_space<vmem>>, vector<16xf32>,
        %swap3A_810 = arith.constant 272 : index
        %swap3A_811 = tpu.vector_load %arg14[%swap3A_810] {strides = array<i32>} : memref<1024xf32, #tpu.memory_space<vmem>>, vector<16xf32>,
        %swap3A_812 = vector.shape_cast %swap3A_811 : vector<16xf32> to vector<16xf32>
        %swap3A_813 = vector.shape_cast %get3A_778 : vector<16xf32> to vector<16xf32>
        tpu.vector_store %arg14[%swap3A_810], %swap3A_813 {strides = array<i32>} : memref<1024xf32, #tpu.memory_space<vmem>>, vector<16xf32>,
        %add3A_814 = arith.constant 288 : i32
        %add3A_815 = arith.addi %mul3A_49, %add3A_814 : i32
        %get3A_816 = arith.index_cast %add3A_815 : i32 to index
        %get3A_817 = tpu.vector_load %arg10[%get3A_816] {strides = array<i32>} : memref<2048xf32, #tpu.memory_space<vmem>>, vector<16xf32>,
        %get3A_818 = vector.shape_cast %get3A_817 : vector<16xf32> to vector<16xf32>
        %get3A_819 = arith.index_cast %add3A_815 : i32 to index
        %get3A_820 = tpu.vector_load %arg11[%get3A_819] {strides = array<i32>} : memref<2048xf32, #tpu.memory_space<vmem>>, vector<16xf32>,
        %get3A_821 = vector.shape_cast %get3A_820 : vector<16xf32> to vector<16xf32>
        %mul3A_822 = arith.constant 2.000000e+00 : f32
        %mul3A_823 = vector.broadcast %mul3A_822 : f32 to vector<16xf32>
        %mul3A_824 = arith.mulf %mul3A_823, %get3A_821 : vector<16xf32>
        %sub3A_825 = arith.constant 1.000000e+00 : f32
        %sub3A_826 = vector.broadcast %sub3A_825 : f32 to vector<16xf32>
        %sub3A_827 = arith.subf %mul3A_824, %sub3A_826 : vector<16xf32>
        %mul3A_828 = arith.mulf %get3A_818, %sub3A_827 : vector<16xf32>
        %sub3A_829 = arith.constant 1.000000e+00 : f32
        %sub3A_830 = vector.broadcast %sub3A_829 : f32 to vector<16xf32>
        %sub3A_831 = arith.subf %sub3A_830, %mul3A_828 : vector<16xf32>
        %bitcast_convert_type3A_832 = tpu.bitcast %sub3A_831 : vector<16xf32> -> vector<16xi32>
        %gt3A_833 = arith.constant 0.000000e+00 : f32
        %gt3A_834 = vector.broadcast %gt3A_833 : f32 to vector<16xf32>
        %gt3A_835 = arith.cmpf ogt, %sub3A_831, %gt3A_834 : vector<16xf32>
        %shift_right_logical3A_836 = arith.constant 12 : i32
        %shift_right_logical3A_837 = vector.broadcast %shift_right_logical3A_836 : i32 to vector<16xi32>
        %shift_right_logical3A_838 = arith.shrui %bitcast_convert_type3A_832, %shift_right_logical3A_837 : vector<16xi32>
        %jit3A_839 = arith.constant 0 : i32
        %broadcast_in_dim3A_840 = vector.broadcast %jit3A_839 : i32 to vector<16xi32>
        %select_n3A_841 = arith.select %gt3A_835, %shift_right_logical3A_838, %broadcast_in_dim3A_840 : vector<16xi1>, vector<16xi32>
        %swap3A_842 = arith.constant 288 : index
        %swap3A_843 = tpu.vector_load %arg12[%swap3A_842] {strides = array<i32>} : memref<1024xi32, #tpu.memory_space<vmem>>, vector<16xi32>,
        %swap3A_844 = vector.shape_cast %swap3A_843 : vector<16xi32> to vector<16xi32>
        %swap3A_845 = vector.shape_cast %select_n3A_841 : vector<16xi32> to vector<16xi32>
        tpu.vector_store %arg12[%swap3A_842], %swap3A_845 {strides = array<i32>} : memref<1024xi32, #tpu.memory_space<vmem>>, vector<16xi32>,
        %max3A_846 = arith.constant 0.000000e+00 : f32
        %max3A_847 = vector.broadcast %max3A_846 : f32 to vector<16xf32>
        %max3A_848 = arith.maximumf %sub3A_831, %max3A_847 : vector<16xf32>
        %swap3A_849 = arith.constant 288 : index
        %swap3A_850 = tpu.vector_load %arg13[%swap3A_849] {strides = array<i32>} : memref<1024xf32, #tpu.memory_space<vmem>>, vector<16xf32>,
        %swap3A_851 = vector.shape_cast %swap3A_850 : vector<16xf32> to vector<16xf32>
        %swap3A_852 = vector.shape_cast %max3A_848 : vector<16xf32> to vector<16xf32>
        tpu.vector_store %arg13[%swap3A_849], %swap3A_852 {strides = array<i32>} : memref<1024xf32, #tpu.memory_space<vmem>>, vector<16xf32>,
        %swap3A_853 = arith.constant 288 : index
        %swap3A_854 = tpu.vector_load %arg14[%swap3A_853] {strides = array<i32>} : memref<1024xf32, #tpu.memory_space<vmem>>, vector<16xf32>,
        %swap3A_855 = vector.shape_cast %swap3A_854 : vector<16xf32> to vector<16xf32>
        %swap3A_856 = vector.shape_cast %get3A_821 : vector<16xf32> to vector<16xf32>
        tpu.vector_store %arg14[%swap3A_853], %swap3A_856 {strides = array<i32>} : memref<1024xf32, #tpu.memory_space<vmem>>, vector<16xf32>,
        %add3A_857 = arith.constant 304 : i32
        %add3A_858 = arith.addi %mul3A_49, %add3A_857 : i32
        %get3A_859 = arith.index_cast %add3A_858 : i32 to index
        %get3A_860 = tpu.vector_load %arg10[%get3A_859] {strides = array<i32>} : memref<2048xf32, #tpu.memory_space<vmem>>, vector<16xf32>,
        %get3A_861 = vector.shape_cast %get3A_860 : vector<16xf32> to vector<16xf32>
        %get3A_862 = arith.index_cast %add3A_858 : i32 to index
        %get3A_863 = tpu.vector_load %arg11[%get3A_862] {strides = array<i32>} : memref<2048xf32, #tpu.memory_space<vmem>>, vector<16xf32>,
        %get3A_864 = vector.shape_cast %get3A_863 : vector<16xf32> to vector<16xf32>
        %mul3A_865 = arith.constant 2.000000e+00 : f32
        %mul3A_866 = vector.broadcast %mul3A_865 : f32 to vector<16xf32>
        %mul3A_867 = arith.mulf %mul3A_866, %get3A_864 : vector<16xf32>
        %sub3A_868 = arith.constant 1.000000e+00 : f32
        %sub3A_869 = vector.broadcast %sub3A_868 : f32 to vector<16xf32>
        %sub3A_870 = arith.subf %mul3A_867, %sub3A_869 : vector<16xf32>
        %mul3A_871 = arith.mulf %get3A_861, %sub3A_870 : vector<16xf32>
        %sub3A_872 = arith.constant 1.000000e+00 : f32
        %sub3A_873 = vector.broadcast %sub3A_872 : f32 to vector<16xf32>
        %sub3A_874 = arith.subf %sub3A_873, %mul3A_871 : vector<16xf32>
        %bitcast_convert_type3A_875 = tpu.bitcast %sub3A_874 : vector<16xf32> -> vector<16xi32>
        %gt3A_876 = arith.constant 0.000000e+00 : f32
        %gt3A_877 = vector.broadcast %gt3A_876 : f32 to vector<16xf32>
        %gt3A_878 = arith.cmpf ogt, %sub3A_874, %gt3A_877 : vector<16xf32>
        %shift_right_logical3A_879 = arith.constant 12 : i32
        %shift_right_logical3A_880 = vector.broadcast %shift_right_logical3A_879 : i32 to vector<16xi32>
        %shift_right_logical3A_881 = arith.shrui %bitcast_convert_type3A_875, %shift_right_logical3A_880 : vector<16xi32>
        %jit3A_882 = arith.constant 0 : i32
        %broadcast_in_dim3A_883 = vector.broadcast %jit3A_882 : i32 to vector<16xi32>
        %select_n3A_884 = arith.select %gt3A_878, %shift_right_logical3A_881, %broadcast_in_dim3A_883 : vector<16xi1>, vector<16xi32>
        %swap3A_885 = arith.constant 304 : index
        %swap3A_886 = tpu.vector_load %arg12[%swap3A_885] {strides = array<i32>} : memref<1024xi32, #tpu.memory_space<vmem>>, vector<16xi32>,
        %swap3A_887 = vector.shape_cast %swap3A_886 : vector<16xi32> to vector<16xi32>
        %swap3A_888 = vector.shape_cast %select_n3A_884 : vector<16xi32> to vector<16xi32>
        tpu.vector_store %arg12[%swap3A_885], %swap3A_888 {strides = array<i32>} : memref<1024xi32, #tpu.memory_space<vmem>>, vector<16xi32>,
        %max3A_889 = arith.constant 0.000000e+00 : f32
        %max3A_890 = vector.broadcast %max3A_889 : f32 to vector<16xf32>
        %max3A_891 = arith.maximumf %sub3A_874, %max3A_890 : vector<16xf32>
        %swap3A_892 = arith.constant 304 : index
        %swap3A_893 = tpu.vector_load %arg13[%swap3A_892] {strides = array<i32>} : memref<1024xf32, #tpu.memory_space<vmem>>, vector<16xf32>,
        %swap3A_894 = vector.shape_cast %swap3A_893 : vector<16xf32> to vector<16xf32>
        %swap3A_895 = vector.shape_cast %max3A_891 : vector<16xf32> to vector<16xf32>
        tpu.vector_store %arg13[%swap3A_892], %swap3A_895 {strides = array<i32>} : memref<1024xf32, #tpu.memory_space<vmem>>, vector<16xf32>,
        %swap3A_896 = arith.constant 304 : index
        %swap3A_897 = tpu.vector_load %arg14[%swap3A_896] {strides = array<i32>} : memref<1024xf32, #tpu.memory_space<vmem>>, vector<16xf32>,
        %swap3A_898 = vector.shape_cast %swap3A_897 : vector<16xf32> to vector<16xf32>
        %swap3A_899 = vector.shape_cast %get3A_864 : vector<16xf32> to vector<16xf32>
        tpu.vector_store %arg14[%swap3A_896], %swap3A_899 {strides = array<i32>} : memref<1024xf32, #tpu.memory_space<vmem>>, vector<16xf32>,
        %add3A_900 = arith.constant 320 : i32
        %add3A_901 = arith.addi %mul3A_49, %add3A_900 : i32
        %get3A_902 = arith.index_cast %add3A_901 : i32 to index
        %get3A_903 = tpu.vector_load %arg10[%get3A_902] {strides = array<i32>} : memref<2048xf32, #tpu.memory_space<vmem>>, vector<16xf32>,
        %get3A_904 = vector.shape_cast %get3A_903 : vector<16xf32> to vector<16xf32>
        %get3A_905 = arith.index_cast %add3A_901 : i32 to index
        %get3A_906 = tpu.vector_load %arg11[%get3A_905] {strides = array<i32>} : memref<2048xf32, #tpu.memory_space<vmem>>, vector<16xf32>,
        %get3A_907 = vector.shape_cast %get3A_906 : vector<16xf32> to vector<16xf32>
        %mul3A_908 = arith.constant 2.000000e+00 : f32
        %mul3A_909 = vector.broadcast %mul3A_908 : f32 to vector<16xf32>
        %mul3A_910 = arith.mulf %mul3A_909, %get3A_907 : vector<16xf32>
        %sub3A_911 = arith.constant 1.000000e+00 : f32
        %sub3A_912 = vector.broadcast %sub3A_911 : f32 to vector<16xf32>
        %sub3A_913 = arith.subf %mul3A_910, %sub3A_912 : vector<16xf32>
        %mul3A_914 = arith.mulf %get3A_904, %sub3A_913 : vector<16xf32>
        %sub3A_915 = arith.constant 1.000000e+00 : f32
        %sub3A_916 = vector.broadcast %sub3A_915 : f32 to vector<16xf32>
        %sub3A_917 = arith.subf %sub3A_916, %mul3A_914 : vector<16xf32>
        %bitcast_convert_type3A_918 = tpu.bitcast %sub3A_917 : vector<16xf32> -> vector<16xi32>
        %gt3A_919 = arith.constant 0.000000e+00 : f32
        %gt3A_920 = vector.broadcast %gt3A_919 : f32 to vector<16xf32>
        %gt3A_921 = arith.cmpf ogt, %sub3A_917, %gt3A_920 : vector<16xf32>
        %shift_right_logical3A_922 = arith.constant 12 : i32
        %shift_right_logical3A_923 = vector.broadcast %shift_right_logical3A_922 : i32 to vector<16xi32>
        %shift_right_logical3A_924 = arith.shrui %bitcast_convert_type3A_918, %shift_right_logical3A_923 : vector<16xi32>
        %jit3A_925 = arith.constant 0 : i32
        %broadcast_in_dim3A_926 = vector.broadcast %jit3A_925 : i32 to vector<16xi32>
        %select_n3A_927 = arith.select %gt3A_921, %shift_right_logical3A_924, %broadcast_in_dim3A_926 : vector<16xi1>, vector<16xi32>
        %swap3A_928 = arith.constant 320 : index
        %swap3A_929 = tpu.vector_load %arg12[%swap3A_928] {strides = array<i32>} : memref<1024xi32, #tpu.memory_space<vmem>>, vector<16xi32>,
        %swap3A_930 = vector.shape_cast %swap3A_929 : vector<16xi32> to vector<16xi32>
        %swap3A_931 = vector.shape_cast %select_n3A_927 : vector<16xi32> to vector<16xi32>
        tpu.vector_store %arg12[%swap3A_928], %swap3A_931 {strides = array<i32>} : memref<1024xi32, #tpu.memory_space<vmem>>, vector<16xi32>,
        %max3A_932 = arith.constant 0.000000e+00 : f32
        %max3A_933 = vector.broadcast %max3A_932 : f32 to vector<16xf32>
        %max3A_934 = arith.maximumf %sub3A_917, %max3A_933 : vector<16xf32>
        %swap3A_935 = arith.constant 320 : index
        %swap3A_936 = tpu.vector_load %arg13[%swap3A_935] {strides = array<i32>} : memref<1024xf32, #tpu.memory_space<vmem>>, vector<16xf32>,
        %swap3A_937 = vector.shape_cast %swap3A_936 : vector<16xf32> to vector<16xf32>
        %swap3A_938 = vector.shape_cast %max3A_934 : vector<16xf32> to vector<16xf32>
        tpu.vector_store %arg13[%swap3A_935], %swap3A_938 {strides = array<i32>} : memref<1024xf32, #tpu.memory_space<vmem>>, vector<16xf32>,
        %swap3A_939 = arith.constant 320 : index
        %swap3A_940 = tpu.vector_load %arg14[%swap3A_939] {strides = array<i32>} : memref<1024xf32, #tpu.memory_space<vmem>>, vector<16xf32>,
        %swap3A_941 = vector.shape_cast %swap3A_940 : vector<16xf32> to vector<16xf32>
        %swap3A_942 = vector.shape_cast %get3A_907 : vector<16xf32> to vector<16xf32>
        tpu.vector_store %arg14[%swap3A_939], %swap3A_942 {strides = array<i32>} : memref<1024xf32, #tpu.memory_space<vmem>>, vector<16xf32>,
        %add3A_943 = arith.constant 336 : i32
        %add3A_944 = arith.addi %mul3A_49, %add3A_943 : i32
        %get3A_945 = arith.index_cast %add3A_944 : i32 to index
        %get3A_946 = tpu.vector_load %arg10[%get3A_945] {strides = array<i32>} : memref<2048xf32, #tpu.memory_space<vmem>>, vector<16xf32>,
        %get3A_947 = vector.shape_cast %get3A_946 : vector<16xf32> to vector<16xf32>
        %get3A_948 = arith.index_cast %add3A_944 : i32 to index
        %get3A_949 = tpu.vector_load %arg11[%get3A_948] {strides = array<i32>} : memref<2048xf32, #tpu.memory_space<vmem>>, vector<16xf32>,
        %get3A_950 = vector.shape_cast %get3A_949 : vector<16xf32> to vector<16xf32>
        %mul3A_951 = arith.constant 2.000000e+00 : f32
        %mul3A_952 = vector.broadcast %mul3A_951 : f32 to vector<16xf32>
        %mul3A_953 = arith.mulf %mul3A_952, %get3A_950 : vector<16xf32>
        %sub3A_954 = arith.constant 1.000000e+00 : f32
        %sub3A_955 = vector.broadcast %sub3A_954 : f32 to vector<16xf32>
        %sub3A_956 = arith.subf %mul3A_953, %sub3A_955 : vector<16xf32>
        %mul3A_957 = arith.mulf %get3A_947, %sub3A_956 : vector<16xf32>
        %sub3A_958 = arith.constant 1.000000e+00 : f32
        %sub3A_959 = vector.broadcast %sub3A_958 : f32 to vector<16xf32>
        %sub3A_960 = arith.subf %sub3A_959, %mul3A_957 : vector<16xf32>
        %bitcast_convert_type3A_961 = tpu.bitcast %sub3A_960 : vector<16xf32> -> vector<16xi32>
        %gt3A_962 = arith.constant 0.000000e+00 : f32
        %gt3A_963 = vector.broadcast %gt3A_962 : f32 to vector<16xf32>
        %gt3A_964 = arith.cmpf ogt, %sub3A_960, %gt3A_963 : vector<16xf32>
        %shift_right_logical3A_965 = arith.constant 12 : i32
        %shift_right_logical3A_966 = vector.broadcast %shift_right_logical3A_965 : i32 to vector<16xi32>
        %shift_right_logical3A_967 = arith.shrui %bitcast_convert_type3A_961, %shift_right_logical3A_966 : vector<16xi32>
        %jit3A_968 = arith.constant 0 : i32
        %broadcast_in_dim3A_969 = vector.broadcast %jit3A_968 : i32 to vector<16xi32>
        %select_n3A_970 = arith.select %gt3A_964, %shift_right_logical3A_967, %broadcast_in_dim3A_969 : vector<16xi1>, vector<16xi32>
        %swap3A_971 = arith.constant 336 : index
        %swap3A_972 = tpu.vector_load %arg12[%swap3A_971] {strides = array<i32>} : memref<1024xi32, #tpu.memory_space<vmem>>, vector<16xi32>,
        %swap3A_973 = vector.shape_cast %swap3A_972 : vector<16xi32> to vector<16xi32>
        %swap3A_974 = vector.shape_cast %select_n3A_970 : vector<16xi32> to vector<16xi32>
        tpu.vector_store %arg12[%swap3A_971], %swap3A_974 {strides = array<i32>} : memref<1024xi32, #tpu.memory_space<vmem>>, vector<16xi32>,
        %max3A_975 = arith.constant 0.000000e+00 : f32
        %max3A_976 = vector.broadcast %max3A_975 : f32 to vector<16xf32>
        %max3A_977 = arith.maximumf %sub3A_960, %max3A_976 : vector<16xf32>
        %swap3A_978 = arith.constant 336 : index
        %swap3A_979 = tpu.vector_load %arg13[%swap3A_978] {strides = array<i32>} : memref<1024xf32, #tpu.memory_space<vmem>>, vector<16xf32>,
        %swap3A_980 = vector.shape_cast %swap3A_979 : vector<16xf32> to vector<16xf32>
        %swap3A_981 = vector.shape_cast %max3A_977 : vector<16xf32> to vector<16xf32>
        tpu.vector_store %arg13[%swap3A_978], %swap3A_981 {strides = array<i32>} : memref<1024xf32, #tpu.memory_space<vmem>>, vector<16xf32>,
        %swap3A_982 = arith.constant 336 : index
        %swap3A_983 = tpu.vector_load %arg14[%swap3A_982] {strides = array<i32>} : memref<1024xf32, #tpu.memory_space<vmem>>, vector<16xf32>,
        %swap3A_984 = vector.shape_cast %swap3A_983 : vector<16xf32> to vector<16xf32>
        %swap3A_985 = vector.shape_cast %get3A_950 : vector<16xf32> to vector<16xf32>
        tpu.vector_store %arg14[%swap3A_982], %swap3A_985 {strides = array<i32>} : memref<1024xf32, #tpu.memory_space<vmem>>, vector<16xf32>,
        %add3A_986 = arith.constant 352 : i32
        %add3A_987 = arith.addi %mul3A_49, %add3A_986 : i32
        %get3A_988 = arith.index_cast %add3A_987 : i32 to index
        %get3A_989 = tpu.vector_load %arg10[%get3A_988] {strides = array<i32>} : memref<2048xf32, #tpu.memory_space<vmem>>, vector<16xf32>,
        %get3A_990 = vector.shape_cast %get3A_989 : vector<16xf32> to vector<16xf32>
        %get3A_991 = arith.index_cast %add3A_987 : i32 to index
        %get3A_992 = tpu.vector_load %arg11[%get3A_991] {strides = array<i32>} : memref<2048xf32, #tpu.memory_space<vmem>>, vector<16xf32>,
        %get3A_993 = vector.shape_cast %get3A_992 : vector<16xf32> to vector<16xf32>
        %mul3A_994 = arith.constant 2.000000e+00 : f32
        %mul3A_995 = vector.broadcast %mul3A_994 : f32 to vector<16xf32>
        %mul3A_996 = arith.mulf %mul3A_995, %get3A_993 : vector<16xf32>
        %sub3A_997 = arith.constant 1.000000e+00 : f32
        %sub3A_998 = vector.broadcast %sub3A_997 : f32 to vector<16xf32>
        %sub3A_999 = arith.subf %mul3A_996, %sub3A_998 : vector<16xf32>
        %mul3A_1000 = arith.mulf %get3A_990, %sub3A_999 : vector<16xf32>
        %sub3A_1001 = arith.constant 1.000000e+00 : f32
        %sub3A_1002 = vector.broadcast %sub3A_1001 : f32 to vector<16xf32>
        %sub3A_1003 = arith.subf %sub3A_1002, %mul3A_1000 : vector<16xf32>
        %bitcast_convert_type3A_1004 = tpu.bitcast %sub3A_1003 : vector<16xf32> -> vector<16xi32>
        %gt3A_1005 = arith.constant 0.000000e+00 : f32
        %gt3A_1006 = vector.broadcast %gt3A_1005 : f32 to vector<16xf32>
        %gt3A_1007 = arith.cmpf ogt, %sub3A_1003, %gt3A_1006 : vector<16xf32>
        %shift_right_logical3A_1008 = arith.constant 12 : i32
        %shift_right_logical3A_1009 = vector.broadcast %shift_right_logical3A_1008 : i32 to vector<16xi32>
        %shift_right_logical3A_1010 = arith.shrui %bitcast_convert_type3A_1004, %shift_right_logical3A_1009 : vector<16xi32>
        %jit3A_1011 = arith.constant 0 : i32
        %broadcast_in_dim3A_1012 = vector.broadcast %jit3A_1011 : i32 to vector<16xi32>
        %select_n3A_1013 = arith.select %gt3A_1007, %shift_right_logical3A_1010, %broadcast_in_dim3A_1012 : vector<16xi1>, vector<16xi32>
        %swap3A_1014 = arith.constant 352 : index
        %swap3A_1015 = tpu.vector_load %arg12[%swap3A_1014] {strides = array<i32>} : memref<1024xi32, #tpu.memory_space<vmem>>, vector<16xi32>,
        %swap3A_1016 = vector.shape_cast %swap3A_1015 : vector<16xi32> to vector<16xi32>
        %swap3A_1017 = vector.shape_cast %select_n3A_1013 : vector<16xi32> to vector<16xi32>
        tpu.vector_store %arg12[%swap3A_1014], %swap3A_1017 {strides = array<i32>} : memref<1024xi32, #tpu.memory_space<vmem>>, vector<16xi32>,
        %max3A_1018 = arith.constant 0.000000e+00 : f32
        %max3A_1019 = vector.broadcast %max3A_1018 : f32 to vector<16xf32>
        %max3A_1020 = arith.maximumf %sub3A_1003, %max3A_1019 : vector<16xf32>
        %swap3A_1021 = arith.constant 352 : index
        %swap3A_1022 = tpu.vector_load %arg13[%swap3A_1021] {strides = array<i32>} : memref<1024xf32, #tpu.memory_space<vmem>>, vector<16xf32>,
        %swap3A_1023 = vector.shape_cast %swap3A_1022 : vector<16xf32> to vector<16xf32>
        %swap3A_1024 = vector.shape_cast %max3A_1020 : vector<16xf32> to vector<16xf32>
        tpu.vector_store %arg13[%swap3A_1021], %swap3A_1024 {strides = array<i32>} : memref<1024xf32, #tpu.memory_space<vmem>>, vector<16xf32>,
        %swap3A_1025 = arith.constant 352 : index
        %swap3A_1026 = tpu.vector_load %arg14[%swap3A_1025] {strides = array<i32>} : memref<1024xf32, #tpu.memory_space<vmem>>, vector<16xf32>,
        %swap3A_1027 = vector.shape_cast %swap3A_1026 : vector<16xf32> to vector<16xf32>
        %swap3A_1028 = vector.shape_cast %get3A_993 : vector<16xf32> to vector<16xf32>
        tpu.vector_store %arg14[%swap3A_1025], %swap3A_1028 {strides = array<i32>} : memref<1024xf32, #tpu.memory_space<vmem>>, vector<16xf32>,
        %add3A_1029 = arith.constant 368 : i32
        %add3A_1030 = arith.addi %mul3A_49, %add3A_1029 : i32
        %get3A_1031 = arith.index_cast %add3A_1030 : i32 to index
        %get3A_1032 = tpu.vector_load %arg10[%get3A_1031] {strides = array<i32>} : memref<2048xf32, #tpu.memory_space<vmem>>, vector<16xf32>,
        %get3A_1033 = vector.shape_cast %get3A_1032 : vector<16xf32> to vector<16xf32>
        %get3A_1034 = arith.index_cast %add3A_1030 : i32 to index
        %get3A_1035 = tpu.vector_load %arg11[%get3A_1034] {strides = array<i32>} : memref<2048xf32, #tpu.memory_space<vmem>>, vector<16xf32>,
        %get3A_1036 = vector.shape_cast %get3A_1035 : vector<16xf32> to vector<16xf32>
        %mul3A_1037 = arith.constant 2.000000e+00 : f32
        %mul3A_1038 = vector.broadcast %mul3A_1037 : f32 to vector<16xf32>
        %mul3A_1039 = arith.mulf %mul3A_1038, %get3A_1036 : vector<16xf32>
        %sub3A_1040 = arith.constant 1.000000e+00 : f32
        %sub3A_1041 = vector.broadcast %sub3A_1040 : f32 to vector<16xf32>
        %sub3A_1042 = arith.subf %mul3A_1039, %sub3A_1041 : vector<16xf32>
        %mul3A_1043 = arith.mulf %get3A_1033, %sub3A_1042 : vector<16xf32>
        %sub3A_1044 = arith.constant 1.000000e+00 : f32
        %sub3A_1045 = vector.broadcast %sub3A_1044 : f32 to vector<16xf32>
        %sub3A_1046 = arith.subf %sub3A_1045, %mul3A_1043 : vector<16xf32>
        %bitcast_convert_type3A_1047 = tpu.bitcast %sub3A_1046 : vector<16xf32> -> vector<16xi32>
        %gt3A_1048 = arith.constant 0.000000e+00 : f32
        %gt3A_1049 = vector.broadcast %gt3A_1048 : f32 to vector<16xf32>
        %gt3A_1050 = arith.cmpf ogt, %sub3A_1046, %gt3A_1049 : vector<16xf32>
        %shift_right_logical3A_1051 = arith.constant 12 : i32
        %shift_right_logical3A_1052 = vector.broadcast %shift_right_logical3A_1051 : i32 to vector<16xi32>
        %shift_right_logical3A_1053 = arith.shrui %bitcast_convert_type3A_1047, %shift_right_logical3A_1052 : vector<16xi32>
        %jit3A_1054 = arith.constant 0 : i32
        %broadcast_in_dim3A_1055 = vector.broadcast %jit3A_1054 : i32 to vector<16xi32>
        %select_n3A_1056 = arith.select %gt3A_1050, %shift_right_logical3A_1053, %broadcast_in_dim3A_1055 : vector<16xi1>, vector<16xi32>
        %swap3A_1057 = arith.constant 368 : index
        %swap3A_1058 = tpu.vector_load %arg12[%swap3A_1057] {strides = array<i32>} : memref<1024xi32, #tpu.memory_space<vmem>>, vector<16xi32>,
        %swap3A_1059 = vector.shape_cast %swap3A_1058 : vector<16xi32> to vector<16xi32>
        %swap3A_1060 = vector.shape_cast %select_n3A_1056 : vector<16xi32> to vector<16xi32>
        tpu.vector_store %arg12[%swap3A_1057], %swap3A_1060 {strides = array<i32>} : memref<1024xi32, #tpu.memory_space<vmem>>, vector<16xi32>,
        %max3A_1061 = arith.constant 0.000000e+00 : f32
        %max3A_1062 = vector.broadcast %max3A_1061 : f32 to vector<16xf32>
        %max3A_1063 = arith.maximumf %sub3A_1046, %max3A_1062 : vector<16xf32>
        %swap3A_1064 = arith.constant 368 : index
        %swap3A_1065 = tpu.vector_load %arg13[%swap3A_1064] {strides = array<i32>} : memref<1024xf32, #tpu.memory_space<vmem>>, vector<16xf32>,
        %swap3A_1066 = vector.shape_cast %swap3A_1065 : vector<16xf32> to vector<16xf32>
        %swap3A_1067 = vector.shape_cast %max3A_1063 : vector<16xf32> to vector<16xf32>
        tpu.vector_store %arg13[%swap3A_1064], %swap3A_1067 {strides = array<i32>} : memref<1024xf32, #tpu.memory_space<vmem>>, vector<16xf32>,
        %swap3A_1068 = arith.constant 368 : index
        %swap3A_1069 = tpu.vector_load %arg14[%swap3A_1068] {strides = array<i32>} : memref<1024xf32, #tpu.memory_space<vmem>>, vector<16xf32>,
        %swap3A_1070 = vector.shape_cast %swap3A_1069 : vector<16xf32> to vector<16xf32>
        %swap3A_1071 = vector.shape_cast %get3A_1036 : vector<16xf32> to vector<16xf32>
        tpu.vector_store %arg14[%swap3A_1068], %swap3A_1071 {strides = array<i32>} : memref<1024xf32, #tpu.memory_space<vmem>>, vector<16xf32>,
        %add3A_1072 = arith.constant 384 : i32
        %add3A_1073 = arith.addi %mul3A_49, %add3A_1072 : i32
        %get3A_1074 = arith.index_cast %add3A_1073 : i32 to index
        %get3A_1075 = tpu.vector_load %arg10[%get3A_1074] {strides = array<i32>} : memref<2048xf32, #tpu.memory_space<vmem>>, vector<16xf32>,
        %get3A_1076 = vector.shape_cast %get3A_1075 : vector<16xf32> to vector<16xf32>
        %get3A_1077 = arith.index_cast %add3A_1073 : i32 to index
        %get3A_1078 = tpu.vector_load %arg11[%get3A_1077] {strides = array<i32>} : memref<2048xf32, #tpu.memory_space<vmem>>, vector<16xf32>,
        %get3A_1079 = vector.shape_cast %get3A_1078 : vector<16xf32> to vector<16xf32>
        %mul3A_1080 = arith.constant 2.000000e+00 : f32
        %mul3A_1081 = vector.broadcast %mul3A_1080 : f32 to vector<16xf32>
        %mul3A_1082 = arith.mulf %mul3A_1081, %get3A_1079 : vector<16xf32>
        %sub3A_1083 = arith.constant 1.000000e+00 : f32
        %sub3A_1084 = vector.broadcast %sub3A_1083 : f32 to vector<16xf32>
        %sub3A_1085 = arith.subf %mul3A_1082, %sub3A_1084 : vector<16xf32>
        %mul3A_1086 = arith.mulf %get3A_1076, %sub3A_1085 : vector<16xf32>
        %sub3A_1087 = arith.constant 1.000000e+00 : f32
        %sub3A_1088 = vector.broadcast %sub3A_1087 : f32 to vector<16xf32>
        %sub3A_1089 = arith.subf %sub3A_1088, %mul3A_1086 : vector<16xf32>
        %bitcast_convert_type3A_1090 = tpu.bitcast %sub3A_1089 : vector<16xf32> -> vector<16xi32>
        %gt3A_1091 = arith.constant 0.000000e+00 : f32
        %gt3A_1092 = vector.broadcast %gt3A_1091 : f32 to vector<16xf32>
        %gt3A_1093 = arith.cmpf ogt, %sub3A_1089, %gt3A_1092 : vector<16xf32>
        %shift_right_logical3A_1094 = arith.constant 12 : i32
        %shift_right_logical3A_1095 = vector.broadcast %shift_right_logical3A_1094 : i32 to vector<16xi32>
        %shift_right_logical3A_1096 = arith.shrui %bitcast_convert_type3A_1090, %shift_right_logical3A_1095 : vector<16xi32>
        %jit3A_1097 = arith.constant 0 : i32
        %broadcast_in_dim3A_1098 = vector.broadcast %jit3A_1097 : i32 to vector<16xi32>
        %select_n3A_1099 = arith.select %gt3A_1093, %shift_right_logical3A_1096, %broadcast_in_dim3A_1098 : vector<16xi1>, vector<16xi32>
        %swap3A_1100 = arith.constant 384 : index
        %swap3A_1101 = tpu.vector_load %arg12[%swap3A_1100] {strides = array<i32>} : memref<1024xi32, #tpu.memory_space<vmem>>, vector<16xi32>,
        %swap3A_1102 = vector.shape_cast %swap3A_1101 : vector<16xi32> to vector<16xi32>
        %swap3A_1103 = vector.shape_cast %select_n3A_1099 : vector<16xi32> to vector<16xi32>
        tpu.vector_store %arg12[%swap3A_1100], %swap3A_1103 {strides = array<i32>} : memref<1024xi32, #tpu.memory_space<vmem>>, vector<16xi32>,
        %max3A_1104 = arith.constant 0.000000e+00 : f32
        %max3A_1105 = vector.broadcast %max3A_1104 : f32 to vector<16xf32>
        %max3A_1106 = arith.maximumf %sub3A_1089, %max3A_1105 : vector<16xf32>
        %swap3A_1107 = arith.constant 384 : index
        %swap3A_1108 = tpu.vector_load %arg13[%swap3A_1107] {strides = array<i32>} : memref<1024xf32, #tpu.memory_space<vmem>>, vector<16xf32>,
        %swap3A_1109 = vector.shape_cast %swap3A_1108 : vector<16xf32> to vector<16xf32>
        %swap3A_1110 = vector.shape_cast %max3A_1106 : vector<16xf32> to vector<16xf32>
        tpu.vector_store %arg13[%swap3A_1107], %swap3A_1110 {strides = array<i32>} : memref<1024xf32, #tpu.memory_space<vmem>>, vector<16xf32>,
        %swap3A_1111 = arith.constant 384 : index
        %swap3A_1112 = tpu.vector_load %arg14[%swap3A_1111] {strides = array<i32>} : memref<1024xf32, #tpu.memory_space<vmem>>, vector<16xf32>,
        %swap3A_1113 = vector.shape_cast %swap3A_1112 : vector<16xf32> to vector<16xf32>
        %swap3A_1114 = vector.shape_cast %get3A_1079 : vector<16xf32> to vector<16xf32>
        tpu.vector_store %arg14[%swap3A_1111], %swap3A_1114 {strides = array<i32>} : memref<1024xf32, #tpu.memory_space<vmem>>, vector<16xf32>,
        %add3A_1115 = arith.constant 400 : i32
        %add3A_1116 = arith.addi %mul3A_49, %add3A_1115 : i32
        %get3A_1117 = arith.index_cast %add3A_1116 : i32 to index
        %get3A_1118 = tpu.vector_load %arg10[%get3A_1117] {strides = array<i32>} : memref<2048xf32, #tpu.memory_space<vmem>>, vector<16xf32>,
        %get3A_1119 = vector.shape_cast %get3A_1118 : vector<16xf32> to vector<16xf32>
        %get3A_1120 = arith.index_cast %add3A_1116 : i32 to index
        %get3A_1121 = tpu.vector_load %arg11[%get3A_1120] {strides = array<i32>} : memref<2048xf32, #tpu.memory_space<vmem>>, vector<16xf32>,
        %get3A_1122 = vector.shape_cast %get3A_1121 : vector<16xf32> to vector<16xf32>
        %mul3A_1123 = arith.constant 2.000000e+00 : f32
        %mul3A_1124 = vector.broadcast %mul3A_1123 : f32 to vector<16xf32>
        %mul3A_1125 = arith.mulf %mul3A_1124, %get3A_1122 : vector<16xf32>
        %sub3A_1126 = arith.constant 1.000000e+00 : f32
        %sub3A_1127 = vector.broadcast %sub3A_1126 : f32 to vector<16xf32>
        %sub3A_1128 = arith.subf %mul3A_1125, %sub3A_1127 : vector<16xf32>
        %mul3A_1129 = arith.mulf %get3A_1119, %sub3A_1128 : vector<16xf32>
        %sub3A_1130 = arith.constant 1.000000e+00 : f32
        %sub3A_1131 = vector.broadcast %sub3A_1130 : f32 to vector<16xf32>
        %sub3A_1132 = arith.subf %sub3A_1131, %mul3A_1129 : vector<16xf32>
        %bitcast_convert_type3A_1133 = tpu.bitcast %sub3A_1132 : vector<16xf32> -> vector<16xi32>
        %gt3A_1134 = arith.constant 0.000000e+00 : f32
        %gt3A_1135 = vector.broadcast %gt3A_1134 : f32 to vector<16xf32>
        %gt3A_1136 = arith.cmpf ogt, %sub3A_1132, %gt3A_1135 : vector<16xf32>
        %shift_right_logical3A_1137 = arith.constant 12 : i32
        %shift_right_logical3A_1138 = vector.broadcast %shift_right_logical3A_1137 : i32 to vector<16xi32>
        %shift_right_logical3A_1139 = arith.shrui %bitcast_convert_type3A_1133, %shift_right_logical3A_1138 : vector<16xi32>
        %jit3A_1140 = arith.constant 0 : i32
        %broadcast_in_dim3A_1141 = vector.broadcast %jit3A_1140 : i32 to vector<16xi32>
        %select_n3A_1142 = arith.select %gt3A_1136, %shift_right_logical3A_1139, %broadcast_in_dim3A_1141 : vector<16xi1>, vector<16xi32>
        %swap3A_1143 = arith.constant 400 : index
        %swap3A_1144 = tpu.vector_load %arg12[%swap3A_1143] {strides = array<i32>} : memref<1024xi32, #tpu.memory_space<vmem>>, vector<16xi32>,
        %swap3A_1145 = vector.shape_cast %swap3A_1144 : vector<16xi32> to vector<16xi32>
        %swap3A_1146 = vector.shape_cast %select_n3A_1142 : vector<16xi32> to vector<16xi32>
        tpu.vector_store %arg12[%swap3A_1143], %swap3A_1146 {strides = array<i32>} : memref<1024xi32, #tpu.memory_space<vmem>>, vector<16xi32>,
        %max3A_1147 = arith.constant 0.000000e+00 : f32
        %max3A_1148 = vector.broadcast %max3A_1147 : f32 to vector<16xf32>
        %max3A_1149 = arith.maximumf %sub3A_1132, %max3A_1148 : vector<16xf32>
        %swap3A_1150 = arith.constant 400 : index
        %swap3A_1151 = tpu.vector_load %arg13[%swap3A_1150] {strides = array<i32>} : memref<1024xf32, #tpu.memory_space<vmem>>, vector<16xf32>,
        %swap3A_1152 = vector.shape_cast %swap3A_1151 : vector<16xf32> to vector<16xf32>
        %swap3A_1153 = vector.shape_cast %max3A_1149 : vector<16xf32> to vector<16xf32>
        tpu.vector_store %arg13[%swap3A_1150], %swap3A_1153 {strides = array<i32>} : memref<1024xf32, #tpu.memory_space<vmem>>, vector<16xf32>,
        %swap3A_1154 = arith.constant 400 : index
        %swap3A_1155 = tpu.vector_load %arg14[%swap3A_1154] {strides = array<i32>} : memref<1024xf32, #tpu.memory_space<vmem>>, vector<16xf32>,
        %swap3A_1156 = vector.shape_cast %swap3A_1155 : vector<16xf32> to vector<16xf32>
        %swap3A_1157 = vector.shape_cast %get3A_1122 : vector<16xf32> to vector<16xf32>
        tpu.vector_store %arg14[%swap3A_1154], %swap3A_1157 {strides = array<i32>} : memref<1024xf32, #tpu.memory_space<vmem>>, vector<16xf32>,
        %add3A_1158 = arith.constant 416 : i32
        %add3A_1159 = arith.addi %mul3A_49, %add3A_1158 : i32
        %get3A_1160 = arith.index_cast %add3A_1159 : i32 to index
        %get3A_1161 = tpu.vector_load %arg10[%get3A_1160] {strides = array<i32>} : memref<2048xf32, #tpu.memory_space<vmem>>, vector<16xf32>,
        %get3A_1162 = vector.shape_cast %get3A_1161 : vector<16xf32> to vector<16xf32>
        %get3A_1163 = arith.index_cast %add3A_1159 : i32 to index
        %get3A_1164 = tpu.vector_load %arg11[%get3A_1163] {strides = array<i32>} : memref<2048xf32, #tpu.memory_space<vmem>>, vector<16xf32>,
        %get3A_1165 = vector.shape_cast %get3A_1164 : vector<16xf32> to vector<16xf32>
        %mul3A_1166 = arith.constant 2.000000e+00 : f32
        %mul3A_1167 = vector.broadcast %mul3A_1166 : f32 to vector<16xf32>
        %mul3A_1168 = arith.mulf %mul3A_1167, %get3A_1165 : vector<16xf32>
        %sub3A_1169 = arith.constant 1.000000e+00 : f32
        %sub3A_1170 = vector.broadcast %sub3A_1169 : f32 to vector<16xf32>
        %sub3A_1171 = arith.subf %mul3A_1168, %sub3A_1170 : vector<16xf32>
        %mul3A_1172 = arith.mulf %get3A_1162, %sub3A_1171 : vector<16xf32>
        %sub3A_1173 = arith.constant 1.000000e+00 : f32
        %sub3A_1174 = vector.broadcast %sub3A_1173 : f32 to vector<16xf32>
        %sub3A_1175 = arith.subf %sub3A_1174, %mul3A_1172 : vector<16xf32>
        %bitcast_convert_type3A_1176 = tpu.bitcast %sub3A_1175 : vector<16xf32> -> vector<16xi32>
        %gt3A_1177 = arith.constant 0.000000e+00 : f32
        %gt3A_1178 = vector.broadcast %gt3A_1177 : f32 to vector<16xf32>
        %gt3A_1179 = arith.cmpf ogt, %sub3A_1175, %gt3A_1178 : vector<16xf32>
        %shift_right_logical3A_1180 = arith.constant 12 : i32
        %shift_right_logical3A_1181 = vector.broadcast %shift_right_logical3A_1180 : i32 to vector<16xi32>
        %shift_right_logical3A_1182 = arith.shrui %bitcast_convert_type3A_1176, %shift_right_logical3A_1181 : vector<16xi32>
        %jit3A_1183 = arith.constant 0 : i32
        %broadcast_in_dim3A_1184 = vector.broadcast %jit3A_1183 : i32 to vector<16xi32>
        %select_n3A_1185 = arith.select %gt3A_1179, %shift_right_logical3A_1182, %broadcast_in_dim3A_1184 : vector<16xi1>, vector<16xi32>
        %swap3A_1186 = arith.constant 416 : index
        %swap3A_1187 = tpu.vector_load %arg12[%swap3A_1186] {strides = array<i32>} : memref<1024xi32, #tpu.memory_space<vmem>>, vector<16xi32>,
        %swap3A_1188 = vector.shape_cast %swap3A_1187 : vector<16xi32> to vector<16xi32>
        %swap3A_1189 = vector.shape_cast %select_n3A_1185 : vector<16xi32> to vector<16xi32>
        tpu.vector_store %arg12[%swap3A_1186], %swap3A_1189 {strides = array<i32>} : memref<1024xi32, #tpu.memory_space<vmem>>, vector<16xi32>,
        %max3A_1190 = arith.constant 0.000000e+00 : f32
        %max3A_1191 = vector.broadcast %max3A_1190 : f32 to vector<16xf32>
        %max3A_1192 = arith.maximumf %sub3A_1175, %max3A_1191 : vector<16xf32>
        %swap3A_1193 = arith.constant 416 : index
        %swap3A_1194 = tpu.vector_load %arg13[%swap3A_1193] {strides = array<i32>} : memref<1024xf32, #tpu.memory_space<vmem>>, vector<16xf32>,
        %swap3A_1195 = vector.shape_cast %swap3A_1194 : vector<16xf32> to vector<16xf32>
        %swap3A_1196 = vector.shape_cast %max3A_1192 : vector<16xf32> to vector<16xf32>
        tpu.vector_store %arg13[%swap3A_1193], %swap3A_1196 {strides = array<i32>} : memref<1024xf32, #tpu.memory_space<vmem>>, vector<16xf32>,
        %swap3A_1197 = arith.constant 416 : index
        %swap3A_1198 = tpu.vector_load %arg14[%swap3A_1197] {strides = array<i32>} : memref<1024xf32, #tpu.memory_space<vmem>>, vector<16xf32>,
        %swap3A_1199 = vector.shape_cast %swap3A_1198 : vector<16xf32> to vector<16xf32>
        %swap3A_1200 = vector.shape_cast %get3A_1165 : vector<16xf32> to vector<16xf32>
        tpu.vector_store %arg14[%swap3A_1197], %swap3A_1200 {strides = array<i32>} : memref<1024xf32, #tpu.memory_space<vmem>>, vector<16xf32>,
        %add3A_1201 = arith.constant 432 : i32
        %add3A_1202 = arith.addi %mul3A_49, %add3A_1201 : i32
        %get3A_1203 = arith.index_cast %add3A_1202 : i32 to index
        %get3A_1204 = tpu.vector_load %arg10[%get3A_1203] {strides = array<i32>} : memref<2048xf32, #tpu.memory_space<vmem>>, vector<16xf32>,
        %get3A_1205 = vector.shape_cast %get3A_1204 : vector<16xf32> to vector<16xf32>
        %get3A_1206 = arith.index_cast %add3A_1202 : i32 to index
        %get3A_1207 = tpu.vector_load %arg11[%get3A_1206] {strides = array<i32>} : memref<2048xf32, #tpu.memory_space<vmem>>, vector<16xf32>,
        %get3A_1208 = vector.shape_cast %get3A_1207 : vector<16xf32> to vector<16xf32>
        %mul3A_1209 = arith.constant 2.000000e+00 : f32
        %mul3A_1210 = vector.broadcast %mul3A_1209 : f32 to vector<16xf32>
        %mul3A_1211 = arith.mulf %mul3A_1210, %get3A_1208 : vector<16xf32>
        %sub3A_1212 = arith.constant 1.000000e+00 : f32
        %sub3A_1213 = vector.broadcast %sub3A_1212 : f32 to vector<16xf32>
        %sub3A_1214 = arith.subf %mul3A_1211, %sub3A_1213 : vector<16xf32>
        %mul3A_1215 = arith.mulf %get3A_1205, %sub3A_1214 : vector<16xf32>
        %sub3A_1216 = arith.constant 1.000000e+00 : f32
        %sub3A_1217 = vector.broadcast %sub3A_1216 : f32 to vector<16xf32>
        %sub3A_1218 = arith.subf %sub3A_1217, %mul3A_1215 : vector<16xf32>
        %bitcast_convert_type3A_1219 = tpu.bitcast %sub3A_1218 : vector<16xf32> -> vector<16xi32>
        %gt3A_1220 = arith.constant 0.000000e+00 : f32
        %gt3A_1221 = vector.broadcast %gt3A_1220 : f32 to vector<16xf32>
        %gt3A_1222 = arith.cmpf ogt, %sub3A_1218, %gt3A_1221 : vector<16xf32>
        %shift_right_logical3A_1223 = arith.constant 12 : i32
        %shift_right_logical3A_1224 = vector.broadcast %shift_right_logical3A_1223 : i32 to vector<16xi32>
        %shift_right_logical3A_1225 = arith.shrui %bitcast_convert_type3A_1219, %shift_right_logical3A_1224 : vector<16xi32>
        %jit3A_1226 = arith.constant 0 : i32
        %broadcast_in_dim3A_1227 = vector.broadcast %jit3A_1226 : i32 to vector<16xi32>
        %select_n3A_1228 = arith.select %gt3A_1222, %shift_right_logical3A_1225, %broadcast_in_dim3A_1227 : vector<16xi1>, vector<16xi32>
        %swap3A_1229 = arith.constant 432 : index
        %swap3A_1230 = tpu.vector_load %arg12[%swap3A_1229] {strides = array<i32>} : memref<1024xi32, #tpu.memory_space<vmem>>, vector<16xi32>,
        %swap3A_1231 = vector.shape_cast %swap3A_1230 : vector<16xi32> to vector<16xi32>
        %swap3A_1232 = vector.shape_cast %select_n3A_1228 : vector<16xi32> to vector<16xi32>
        tpu.vector_store %arg12[%swap3A_1229], %swap3A_1232 {strides = array<i32>} : memref<1024xi32, #tpu.memory_space<vmem>>, vector<16xi32>,
        %max3A_1233 = arith.constant 0.000000e+00 : f32
        %max3A_1234 = vector.broadcast %max3A_1233 : f32 to vector<16xf32>
        %max3A_1235 = arith.maximumf %sub3A_1218, %max3A_1234 : vector<16xf32>
        %swap3A_1236 = arith.constant 432 : index
        %swap3A_1237 = tpu.vector_load %arg13[%swap3A_1236] {strides = array<i32>} : memref<1024xf32, #tpu.memory_space<vmem>>, vector<16xf32>,
        %swap3A_1238 = vector.shape_cast %swap3A_1237 : vector<16xf32> to vector<16xf32>
        %swap3A_1239 = vector.shape_cast %max3A_1235 : vector<16xf32> to vector<16xf32>
        tpu.vector_store %arg13[%swap3A_1236], %swap3A_1239 {strides = array<i32>} : memref<1024xf32, #tpu.memory_space<vmem>>, vector<16xf32>,
        %swap3A_1240 = arith.constant 432 : index
        %swap3A_1241 = tpu.vector_load %arg14[%swap3A_1240] {strides = array<i32>} : memref<1024xf32, #tpu.memory_space<vmem>>, vector<16xf32>,
        %swap3A_1242 = vector.shape_cast %swap3A_1241 : vector<16xf32> to vector<16xf32>
        %swap3A_1243 = vector.shape_cast %get3A_1208 : vector<16xf32> to vector<16xf32>
        tpu.vector_store %arg14[%swap3A_1240], %swap3A_1243 {strides = array<i32>} : memref<1024xf32, #tpu.memory_space<vmem>>, vector<16xf32>,
        %add3A_1244 = arith.constant 448 : i32
        %add3A_1245 = arith.addi %mul3A_49, %add3A_1244 : i32
        %get3A_1246 = arith.index_cast %add3A_1245 : i32 to index
        %get3A_1247 = tpu.vector_load %arg10[%get3A_1246] {strides = array<i32>} : memref<2048xf32, #tpu.memory_space<vmem>>, vector<16xf32>,
        %get3A_1248 = vector.shape_cast %get3A_1247 : vector<16xf32> to vector<16xf32>
        %get3A_1249 = arith.index_cast %add3A_1245 : i32 to index
        %get3A_1250 = tpu.vector_load %arg11[%get3A_1249] {strides = array<i32>} : memref<2048xf32, #tpu.memory_space<vmem>>, vector<16xf32>,
        %get3A_1251 = vector.shape_cast %get3A_1250 : vector<16xf32> to vector<16xf32>
        %mul3A_1252 = arith.constant 2.000000e+00 : f32
        %mul3A_1253 = vector.broadcast %mul3A_1252 : f32 to vector<16xf32>
        %mul3A_1254 = arith.mulf %mul3A_1253, %get3A_1251 : vector<16xf32>
        %sub3A_1255 = arith.constant 1.000000e+00 : f32
        %sub3A_1256 = vector.broadcast %sub3A_1255 : f32 to vector<16xf32>
        %sub3A_1257 = arith.subf %mul3A_1254, %sub3A_1256 : vector<16xf32>
        %mul3A_1258 = arith.mulf %get3A_1248, %sub3A_1257 : vector<16xf32>
        %sub3A_1259 = arith.constant 1.000000e+00 : f32
        %sub3A_1260 = vector.broadcast %sub3A_1259 : f32 to vector<16xf32>
        %sub3A_1261 = arith.subf %sub3A_1260, %mul3A_1258 : vector<16xf32>
        %bitcast_convert_type3A_1262 = tpu.bitcast %sub3A_1261 : vector<16xf32> -> vector<16xi32>
        %gt3A_1263 = arith.constant 0.000000e+00 : f32
        %gt3A_1264 = vector.broadcast %gt3A_1263 : f32 to vector<16xf32>
        %gt3A_1265 = arith.cmpf ogt, %sub3A_1261, %gt3A_1264 : vector<16xf32>
        %shift_right_logical3A_1266 = arith.constant 12 : i32
        %shift_right_logical3A_1267 = vector.broadcast %shift_right_logical3A_1266 : i32 to vector<16xi32>
        %shift_right_logical3A_1268 = arith.shrui %bitcast_convert_type3A_1262, %shift_right_logical3A_1267 : vector<16xi32>
        %jit3A_1269 = arith.constant 0 : i32
        %broadcast_in_dim3A_1270 = vector.broadcast %jit3A_1269 : i32 to vector<16xi32>
        %select_n3A_1271 = arith.select %gt3A_1265, %shift_right_logical3A_1268, %broadcast_in_dim3A_1270 : vector<16xi1>, vector<16xi32>
        %swap3A_1272 = arith.constant 448 : index
        %swap3A_1273 = tpu.vector_load %arg12[%swap3A_1272] {strides = array<i32>} : memref<1024xi32, #tpu.memory_space<vmem>>, vector<16xi32>,
        %swap3A_1274 = vector.shape_cast %swap3A_1273 : vector<16xi32> to vector<16xi32>
        %swap3A_1275 = vector.shape_cast %select_n3A_1271 : vector<16xi32> to vector<16xi32>
        tpu.vector_store %arg12[%swap3A_1272], %swap3A_1275 {strides = array<i32>} : memref<1024xi32, #tpu.memory_space<vmem>>, vector<16xi32>,
        %max3A_1276 = arith.constant 0.000000e+00 : f32
        %max3A_1277 = vector.broadcast %max3A_1276 : f32 to vector<16xf32>
        %max3A_1278 = arith.maximumf %sub3A_1261, %max3A_1277 : vector<16xf32>
        %swap3A_1279 = arith.constant 448 : index
        %swap3A_1280 = tpu.vector_load %arg13[%swap3A_1279] {strides = array<i32>} : memref<1024xf32, #tpu.memory_space<vmem>>, vector<16xf32>,
        %swap3A_1281 = vector.shape_cast %swap3A_1280 : vector<16xf32> to vector<16xf32>
        %swap3A_1282 = vector.shape_cast %max3A_1278 : vector<16xf32> to vector<16xf32>
        tpu.vector_store %arg13[%swap3A_1279], %swap3A_1282 {strides = array<i32>} : memref<1024xf32, #tpu.memory_space<vmem>>, vector<16xf32>,
        %swap3A_1283 = arith.constant 448 : index
        %swap3A_1284 = tpu.vector_load %arg14[%swap3A_1283] {strides = array<i32>} : memref<1024xf32, #tpu.memory_space<vmem>>, vector<16xf32>,
        %swap3A_1285 = vector.shape_cast %swap3A_1284 : vector<16xf32> to vector<16xf32>
        %swap3A_1286 = vector.shape_cast %get3A_1251 : vector<16xf32> to vector<16xf32>
        tpu.vector_store %arg14[%swap3A_1283], %swap3A_1286 {strides = array<i32>} : memref<1024xf32, #tpu.memory_space<vmem>>, vector<16xf32>,
        %add3A_1287 = arith.constant 464 : i32
        %add3A_1288 = arith.addi %mul3A_49, %add3A_1287 : i32
        %get3A_1289 = arith.index_cast %add3A_1288 : i32 to index
        %get3A_1290 = tpu.vector_load %arg10[%get3A_1289] {strides = array<i32>} : memref<2048xf32, #tpu.memory_space<vmem>>, vector<16xf32>,
        %get3A_1291 = vector.shape_cast %get3A_1290 : vector<16xf32> to vector<16xf32>
        %get3A_1292 = arith.index_cast %add3A_1288 : i32 to index
        %get3A_1293 = tpu.vector_load %arg11[%get3A_1292] {strides = array<i32>} : memref<2048xf32, #tpu.memory_space<vmem>>, vector<16xf32>,
        %get3A_1294 = vector.shape_cast %get3A_1293 : vector<16xf32> to vector<16xf32>
        %mul3A_1295 = arith.constant 2.000000e+00 : f32
        %mul3A_1296 = vector.broadcast %mul3A_1295 : f32 to vector<16xf32>
        %mul3A_1297 = arith.mulf %mul3A_1296, %get3A_1294 : vector<16xf32>
        %sub3A_1298 = arith.constant 1.000000e+00 : f32
        %sub3A_1299 = vector.broadcast %sub3A_1298 : f32 to vector<16xf32>
        %sub3A_1300 = arith.subf %mul3A_1297, %sub3A_1299 : vector<16xf32>
        %mul3A_1301 = arith.mulf %get3A_1291, %sub3A_1300 : vector<16xf32>
        %sub3A_1302 = arith.constant 1.000000e+00 : f32
        %sub3A_1303 = vector.broadcast %sub3A_1302 : f32 to vector<16xf32>
        %sub3A_1304 = arith.subf %sub3A_1303, %mul3A_1301 : vector<16xf32>
        %bitcast_convert_type3A_1305 = tpu.bitcast %sub3A_1304 : vector<16xf32> -> vector<16xi32>
        %gt3A_1306 = arith.constant 0.000000e+00 : f32
        %gt3A_1307 = vector.broadcast %gt3A_1306 : f32 to vector<16xf32>
        %gt3A_1308 = arith.cmpf ogt, %sub3A_1304, %gt3A_1307 : vector<16xf32>
        %shift_right_logical3A_1309 = arith.constant 12 : i32
        %shift_right_logical3A_1310 = vector.broadcast %shift_right_logical3A_1309 : i32 to vector<16xi32>
        %shift_right_logical3A_1311 = arith.shrui %bitcast_convert_type3A_1305, %shift_right_logical3A_1310 : vector<16xi32>
        %jit3A_1312 = arith.constant 0 : i32
        %broadcast_in_dim3A_1313 = vector.broadcast %jit3A_1312 : i32 to vector<16xi32>
        %select_n3A_1314 = arith.select %gt3A_1308, %shift_right_logical3A_1311, %broadcast_in_dim3A_1313 : vector<16xi1>, vector<16xi32>
        %swap3A_1315 = arith.constant 464 : index
        %swap3A_1316 = tpu.vector_load %arg12[%swap3A_1315] {strides = array<i32>} : memref<1024xi32, #tpu.memory_space<vmem>>, vector<16xi32>,
        %swap3A_1317 = vector.shape_cast %swap3A_1316 : vector<16xi32> to vector<16xi32>
        %swap3A_1318 = vector.shape_cast %select_n3A_1314 : vector<16xi32> to vector<16xi32>
        tpu.vector_store %arg12[%swap3A_1315], %swap3A_1318 {strides = array<i32>} : memref<1024xi32, #tpu.memory_space<vmem>>, vector<16xi32>,
        %max3A_1319 = arith.constant 0.000000e+00 : f32
        %max3A_1320 = vector.broadcast %max3A_1319 : f32 to vector<16xf32>
        %max3A_1321 = arith.maximumf %sub3A_1304, %max3A_1320 : vector<16xf32>
        %swap3A_1322 = arith.constant 464 : index
        %swap3A_1323 = tpu.vector_load %arg13[%swap3A_1322] {strides = array<i32>} : memref<1024xf32, #tpu.memory_space<vmem>>, vector<16xf32>,
        %swap3A_1324 = vector.shape_cast %swap3A_1323 : vector<16xf32> to vector<16xf32>
        %swap3A_1325 = vector.shape_cast %max3A_1321 : vector<16xf32> to vector<16xf32>
        tpu.vector_store %arg13[%swap3A_1322], %swap3A_1325 {strides = array<i32>} : memref<1024xf32, #tpu.memory_space<vmem>>, vector<16xf32>,
        %swap3A_1326 = arith.constant 464 : index
        %swap3A_1327 = tpu.vector_load %arg14[%swap3A_1326] {strides = array<i32>} : memref<1024xf32, #tpu.memory_space<vmem>>, vector<16xf32>,
        %swap3A_1328 = vector.shape_cast %swap3A_1327 : vector<16xf32> to vector<16xf32>
        %swap3A_1329 = vector.shape_cast %get3A_1294 : vector<16xf32> to vector<16xf32>
        tpu.vector_store %arg14[%swap3A_1326], %swap3A_1329 {strides = array<i32>} : memref<1024xf32, #tpu.memory_space<vmem>>, vector<16xf32>,
        %add3A_1330 = arith.constant 480 : i32
        %add3A_1331 = arith.addi %mul3A_49, %add3A_1330 : i32
        %get3A_1332 = arith.index_cast %add3A_1331 : i32 to index
        %get3A_1333 = tpu.vector_load %arg10[%get3A_1332] {strides = array<i32>} : memref<2048xf32, #tpu.memory_space<vmem>>, vector<16xf32>,
        %get3A_1334 = vector.shape_cast %get3A_1333 : vector<16xf32> to vector<16xf32>
        %get3A_1335 = arith.index_cast %add3A_1331 : i32 to index
        %get3A_1336 = tpu.vector_load %arg11[%get3A_1335] {strides = array<i32>} : memref<2048xf32, #tpu.memory_space<vmem>>, vector<16xf32>,
        %get3A_1337 = vector.shape_cast %get3A_1336 : vector<16xf32> to vector<16xf32>
        %mul3A_1338 = arith.constant 2.000000e+00 : f32
        %mul3A_1339 = vector.broadcast %mul3A_1338 : f32 to vector<16xf32>
        %mul3A_1340 = arith.mulf %mul3A_1339, %get3A_1337 : vector<16xf32>
        %sub3A_1341 = arith.constant 1.000000e+00 : f32
        %sub3A_1342 = vector.broadcast %sub3A_1341 : f32 to vector<16xf32>
        %sub3A_1343 = arith.subf %mul3A_1340, %sub3A_1342 : vector<16xf32>
        %mul3A_1344 = arith.mulf %get3A_1334, %sub3A_1343 : vector<16xf32>
        %sub3A_1345 = arith.constant 1.000000e+00 : f32
        %sub3A_1346 = vector.broadcast %sub3A_1345 : f32 to vector<16xf32>
        %sub3A_1347 = arith.subf %sub3A_1346, %mul3A_1344 : vector<16xf32>
        %bitcast_convert_type3A_1348 = tpu.bitcast %sub3A_1347 : vector<16xf32> -> vector<16xi32>
        %gt3A_1349 = arith.constant 0.000000e+00 : f32
        %gt3A_1350 = vector.broadcast %gt3A_1349 : f32 to vector<16xf32>
        %gt3A_1351 = arith.cmpf ogt, %sub3A_1347, %gt3A_1350 : vector<16xf32>
        %shift_right_logical3A_1352 = arith.constant 12 : i32
        %shift_right_logical3A_1353 = vector.broadcast %shift_right_logical3A_1352 : i32 to vector<16xi32>
        %shift_right_logical3A_1354 = arith.shrui %bitcast_convert_type3A_1348, %shift_right_logical3A_1353 : vector<16xi32>
        %jit3A_1355 = arith.constant 0 : i32
        %broadcast_in_dim3A_1356 = vector.broadcast %jit3A_1355 : i32 to vector<16xi32>
        %select_n3A_1357 = arith.select %gt3A_1351, %shift_right_logical3A_1354, %broadcast_in_dim3A_1356 : vector<16xi1>, vector<16xi32>
        %swap3A_1358 = arith.constant 480 : index
        %swap3A_1359 = tpu.vector_load %arg12[%swap3A_1358] {strides = array<i32>} : memref<1024xi32, #tpu.memory_space<vmem>>, vector<16xi32>,
        %swap3A_1360 = vector.shape_cast %swap3A_1359 : vector<16xi32> to vector<16xi32>
        %swap3A_1361 = vector.shape_cast %select_n3A_1357 : vector<16xi32> to vector<16xi32>
        tpu.vector_store %arg12[%swap3A_1358], %swap3A_1361 {strides = array<i32>} : memref<1024xi32, #tpu.memory_space<vmem>>, vector<16xi32>,
        %max3A_1362 = arith.constant 0.000000e+00 : f32
        %max3A_1363 = vector.broadcast %max3A_1362 : f32 to vector<16xf32>
        %max3A_1364 = arith.maximumf %sub3A_1347, %max3A_1363 : vector<16xf32>
        %swap3A_1365 = arith.constant 480 : index
        %swap3A_1366 = tpu.vector_load %arg13[%swap3A_1365] {strides = array<i32>} : memref<1024xf32, #tpu.memory_space<vmem>>, vector<16xf32>,
        %swap3A_1367 = vector.shape_cast %swap3A_1366 : vector<16xf32> to vector<16xf32>
        %swap3A_1368 = vector.shape_cast %max3A_1364 : vector<16xf32> to vector<16xf32>
        tpu.vector_store %arg13[%swap3A_1365], %swap3A_1368 {strides = array<i32>} : memref<1024xf32, #tpu.memory_space<vmem>>, vector<16xf32>,
        %swap3A_1369 = arith.constant 480 : index
        %swap3A_1370 = tpu.vector_load %arg14[%swap3A_1369] {strides = array<i32>} : memref<1024xf32, #tpu.memory_space<vmem>>, vector<16xf32>,
        %swap3A_1371 = vector.shape_cast %swap3A_1370 : vector<16xf32> to vector<16xf32>
        %swap3A_1372 = vector.shape_cast %get3A_1337 : vector<16xf32> to vector<16xf32>
        tpu.vector_store %arg14[%swap3A_1369], %swap3A_1372 {strides = array<i32>} : memref<1024xf32, #tpu.memory_space<vmem>>, vector<16xf32>,
        %add3A_1373 = arith.constant 496 : i32
        %add3A_1374 = arith.addi %mul3A_49, %add3A_1373 : i32
        %get3A_1375 = arith.index_cast %add3A_1374 : i32 to index
        %get3A_1376 = tpu.vector_load %arg10[%get3A_1375] {strides = array<i32>} : memref<2048xf32, #tpu.memory_space<vmem>>, vector<16xf32>,
        %get3A_1377 = vector.shape_cast %get3A_1376 : vector<16xf32> to vector<16xf32>
        %get3A_1378 = arith.index_cast %add3A_1374 : i32 to index
        %get3A_1379 = tpu.vector_load %arg11[%get3A_1378] {strides = array<i32>} : memref<2048xf32, #tpu.memory_space<vmem>>, vector<16xf32>,
        %get3A_1380 = vector.shape_cast %get3A_1379 : vector<16xf32> to vector<16xf32>
        %mul3A_1381 = arith.constant 2.000000e+00 : f32
        %mul3A_1382 = vector.broadcast %mul3A_1381 : f32 to vector<16xf32>
        %mul3A_1383 = arith.mulf %mul3A_1382, %get3A_1380 : vector<16xf32>
        %sub3A_1384 = arith.constant 1.000000e+00 : f32
        %sub3A_1385 = vector.broadcast %sub3A_1384 : f32 to vector<16xf32>
        %sub3A_1386 = arith.subf %mul3A_1383, %sub3A_1385 : vector<16xf32>
        %mul3A_1387 = arith.mulf %get3A_1377, %sub3A_1386 : vector<16xf32>
        %sub3A_1388 = arith.constant 1.000000e+00 : f32
        %sub3A_1389 = vector.broadcast %sub3A_1388 : f32 to vector<16xf32>
        %sub3A_1390 = arith.subf %sub3A_1389, %mul3A_1387 : vector<16xf32>
        %bitcast_convert_type3A_1391 = tpu.bitcast %sub3A_1390 : vector<16xf32> -> vector<16xi32>
        %gt3A_1392 = arith.constant 0.000000e+00 : f32
        %gt3A_1393 = vector.broadcast %gt3A_1392 : f32 to vector<16xf32>
        %gt3A_1394 = arith.cmpf ogt, %sub3A_1390, %gt3A_1393 : vector<16xf32>
        %shift_right_logical3A_1395 = arith.constant 12 : i32
        %shift_right_logical3A_1396 = vector.broadcast %shift_right_logical3A_1395 : i32 to vector<16xi32>
        %shift_right_logical3A_1397 = arith.shrui %bitcast_convert_type3A_1391, %shift_right_logical3A_1396 : vector<16xi32>
        %jit3A_1398 = arith.constant 0 : i32
        %broadcast_in_dim3A_1399 = vector.broadcast %jit3A_1398 : i32 to vector<16xi32>
        %select_n3A_1400 = arith.select %gt3A_1394, %shift_right_logical3A_1397, %broadcast_in_dim3A_1399 : vector<16xi1>, vector<16xi32>
        %swap3A_1401 = arith.constant 496 : index
        %swap3A_1402 = tpu.vector_load %arg12[%swap3A_1401] {strides = array<i32>} : memref<1024xi32, #tpu.memory_space<vmem>>, vector<16xi32>,
        %swap3A_1403 = vector.shape_cast %swap3A_1402 : vector<16xi32> to vector<16xi32>
        %swap3A_1404 = vector.shape_cast %select_n3A_1400 : vector<16xi32> to vector<16xi32>
        tpu.vector_store %arg12[%swap3A_1401], %swap3A_1404 {strides = array<i32>} : memref<1024xi32, #tpu.memory_space<vmem>>, vector<16xi32>,
        %max3A_1405 = arith.constant 0.000000e+00 : f32
        %max3A_1406 = vector.broadcast %max3A_1405 : f32 to vector<16xf32>
        %max3A_1407 = arith.maximumf %sub3A_1390, %max3A_1406 : vector<16xf32>
        %swap3A_1408 = arith.constant 496 : index
        %swap3A_1409 = tpu.vector_load %arg13[%swap3A_1408] {strides = array<i32>} : memref<1024xf32, #tpu.memory_space<vmem>>, vector<16xf32>,
        %swap3A_1410 = vector.shape_cast %swap3A_1409 : vector<16xf32> to vector<16xf32>
        %swap3A_1411 = vector.shape_cast %max3A_1407 : vector<16xf32> to vector<16xf32>
        tpu.vector_store %arg13[%swap3A_1408], %swap3A_1411 {strides = array<i32>} : memref<1024xf32, #tpu.memory_space<vmem>>, vector<16xf32>,
        %swap3A_1412 = arith.constant 496 : index
        %swap3A_1413 = tpu.vector_load %arg14[%swap3A_1412] {strides = array<i32>} : memref<1024xf32, #tpu.memory_space<vmem>>, vector<16xf32>,
        %swap3A_1414 = vector.shape_cast %swap3A_1413 : vector<16xf32> to vector<16xf32>
        %swap3A_1415 = vector.shape_cast %get3A_1380 : vector<16xf32> to vector<16xf32>
        tpu.vector_store %arg14[%swap3A_1412], %swap3A_1415 {strides = array<i32>} : memref<1024xf32, #tpu.memory_space<vmem>>, vector<16xf32>,
        %add3A_1416 = arith.constant 512 : i32
        %add3A_1417 = arith.addi %mul3A_49, %add3A_1416 : i32
        %get3A_1418 = arith.index_cast %add3A_1417 : i32 to index
        %get3A_1419 = tpu.vector_load %arg10[%get3A_1418] {strides = array<i32>} : memref<2048xf32, #tpu.memory_space<vmem>>, vector<16xf32>,
        %get3A_1420 = vector.shape_cast %get3A_1419 : vector<16xf32> to vector<16xf32>
        %get3A_1421 = arith.index_cast %add3A_1417 : i32 to index
        %get3A_1422 = tpu.vector_load %arg11[%get3A_1421] {strides = array<i32>} : memref<2048xf32, #tpu.memory_space<vmem>>, vector<16xf32>,
        %get3A_1423 = vector.shape_cast %get3A_1422 : vector<16xf32> to vector<16xf32>
        %mul3A_1424 = arith.constant 2.000000e+00 : f32
        %mul3A_1425 = vector.broadcast %mul3A_1424 : f32 to vector<16xf32>
        %mul3A_1426 = arith.mulf %mul3A_1425, %get3A_1423 : vector<16xf32>
        %sub3A_1427 = arith.constant 1.000000e+00 : f32
        %sub3A_1428 = vector.broadcast %sub3A_1427 : f32 to vector<16xf32>
        %sub3A_1429 = arith.subf %mul3A_1426, %sub3A_1428 : vector<16xf32>
        %mul3A_1430 = arith.mulf %get3A_1420, %sub3A_1429 : vector<16xf32>
        %sub3A_1431 = arith.constant 1.000000e+00 : f32
        %sub3A_1432 = vector.broadcast %sub3A_1431 : f32 to vector<16xf32>
        %sub3A_1433 = arith.subf %sub3A_1432, %mul3A_1430 : vector<16xf32>
        %bitcast_convert_type3A_1434 = tpu.bitcast %sub3A_1433 : vector<16xf32> -> vector<16xi32>
        %gt3A_1435 = arith.constant 0.000000e+00 : f32
        %gt3A_1436 = vector.broadcast %gt3A_1435 : f32 to vector<16xf32>
        %gt3A_1437 = arith.cmpf ogt, %sub3A_1433, %gt3A_1436 : vector<16xf32>
        %shift_right_logical3A_1438 = arith.constant 12 : i32
        %shift_right_logical3A_1439 = vector.broadcast %shift_right_logical3A_1438 : i32 to vector<16xi32>
        %shift_right_logical3A_1440 = arith.shrui %bitcast_convert_type3A_1434, %shift_right_logical3A_1439 : vector<16xi32>
        %jit3A_1441 = arith.constant 0 : i32
        %broadcast_in_dim3A_1442 = vector.broadcast %jit3A_1441 : i32 to vector<16xi32>
        %select_n3A_1443 = arith.select %gt3A_1437, %shift_right_logical3A_1440, %broadcast_in_dim3A_1442 : vector<16xi1>, vector<16xi32>
        %swap3A_1444 = arith.constant 512 : index
        %swap3A_1445 = tpu.vector_load %arg12[%swap3A_1444] {strides = array<i32>} : memref<1024xi32, #tpu.memory_space<vmem>>, vector<16xi32>,
        %swap3A_1446 = vector.shape_cast %swap3A_1445 : vector<16xi32> to vector<16xi32>
        %swap3A_1447 = vector.shape_cast %select_n3A_1443 : vector<16xi32> to vector<16xi32>
        tpu.vector_store %arg12[%swap3A_1444], %swap3A_1447 {strides = array<i32>} : memref<1024xi32, #tpu.memory_space<vmem>>, vector<16xi32>,
        %max3A_1448 = arith.constant 0.000000e+00 : f32
        %max3A_1449 = vector.broadcast %max3A_1448 : f32 to vector<16xf32>
        %max3A_1450 = arith.maximumf %sub3A_1433, %max3A_1449 : vector<16xf32>
        %swap3A_1451 = arith.constant 512 : index
        %swap3A_1452 = tpu.vector_load %arg13[%swap3A_1451] {strides = array<i32>} : memref<1024xf32, #tpu.memory_space<vmem>>, vector<16xf32>,
        %swap3A_1453 = vector.shape_cast %swap3A_1452 : vector<16xf32> to vector<16xf32>
        %swap3A_1454 = vector.shape_cast %max3A_1450 : vector<16xf32> to vector<16xf32>
        tpu.vector_store %arg13[%swap3A_1451], %swap3A_1454 {strides = array<i32>} : memref<1024xf32, #tpu.memory_space<vmem>>, vector<16xf32>,
        %swap3A_1455 = arith.constant 512 : index
        %swap3A_1456 = tpu.vector_load %arg14[%swap3A_1455] {strides = array<i32>} : memref<1024xf32, #tpu.memory_space<vmem>>, vector<16xf32>,
        %swap3A_1457 = vector.shape_cast %swap3A_1456 : vector<16xf32> to vector<16xf32>
        %swap3A_1458 = vector.shape_cast %get3A_1423 : vector<16xf32> to vector<16xf32>
        tpu.vector_store %arg14[%swap3A_1455], %swap3A_1458 {strides = array<i32>} : memref<1024xf32, #tpu.memory_space<vmem>>, vector<16xf32>,
        %add3A_1459 = arith.constant 528 : i32
        %add3A_1460 = arith.addi %mul3A_49, %add3A_1459 : i32
        %get3A_1461 = arith.index_cast %add3A_1460 : i32 to index
        %get3A_1462 = tpu.vector_load %arg10[%get3A_1461] {strides = array<i32>} : memref<2048xf32, #tpu.memory_space<vmem>>, vector<16xf32>,
        %get3A_1463 = vector.shape_cast %get3A_1462 : vector<16xf32> to vector<16xf32>
        %get3A_1464 = arith.index_cast %add3A_1460 : i32 to index
        %get3A_1465 = tpu.vector_load %arg11[%get3A_1464] {strides = array<i32>} : memref<2048xf32, #tpu.memory_space<vmem>>, vector<16xf32>,
        %get3A_1466 = vector.shape_cast %get3A_1465 : vector<16xf32> to vector<16xf32>
        %mul3A_1467 = arith.constant 2.000000e+00 : f32
        %mul3A_1468 = vector.broadcast %mul3A_1467 : f32 to vector<16xf32>
        %mul3A_1469 = arith.mulf %mul3A_1468, %get3A_1466 : vector<16xf32>
        %sub3A_1470 = arith.constant 1.000000e+00 : f32
        %sub3A_1471 = vector.broadcast %sub3A_1470 : f32 to vector<16xf32>
        %sub3A_1472 = arith.subf %mul3A_1469, %sub3A_1471 : vector<16xf32>
        %mul3A_1473 = arith.mulf %get3A_1463, %sub3A_1472 : vector<16xf32>
        %sub3A_1474 = arith.constant 1.000000e+00 : f32
        %sub3A_1475 = vector.broadcast %sub3A_1474 : f32 to vector<16xf32>
        %sub3A_1476 = arith.subf %sub3A_1475, %mul3A_1473 : vector<16xf32>
        %bitcast_convert_type3A_1477 = tpu.bitcast %sub3A_1476 : vector<16xf32> -> vector<16xi32>
        %gt3A_1478 = arith.constant 0.000000e+00 : f32
        %gt3A_1479 = vector.broadcast %gt3A_1478 : f32 to vector<16xf32>
        %gt3A_1480 = arith.cmpf ogt, %sub3A_1476, %gt3A_1479 : vector<16xf32>
        %shift_right_logical3A_1481 = arith.constant 12 : i32
        %shift_right_logical3A_1482 = vector.broadcast %shift_right_logical3A_1481 : i32 to vector<16xi32>
        %shift_right_logical3A_1483 = arith.shrui %bitcast_convert_type3A_1477, %shift_right_logical3A_1482 : vector<16xi32>
        %jit3A_1484 = arith.constant 0 : i32
        %broadcast_in_dim3A_1485 = vector.broadcast %jit3A_1484 : i32 to vector<16xi32>
        %select_n3A_1486 = arith.select %gt3A_1480, %shift_right_logical3A_1483, %broadcast_in_dim3A_1485 : vector<16xi1>, vector<16xi32>
        %swap3A_1487 = arith.constant 528 : index
        %swap3A_1488 = tpu.vector_load %arg12[%swap3A_1487] {strides = array<i32>} : memref<1024xi32, #tpu.memory_space<vmem>>, vector<16xi32>,
        %swap3A_1489 = vector.shape_cast %swap3A_1488 : vector<16xi32> to vector<16xi32>
        %swap3A_1490 = vector.shape_cast %select_n3A_1486 : vector<16xi32> to vector<16xi32>
        tpu.vector_store %arg12[%swap3A_1487], %swap3A_1490 {strides = array<i32>} : memref<1024xi32, #tpu.memory_space<vmem>>, vector<16xi32>,
        %max3A_1491 = arith.constant 0.000000e+00 : f32
        %max3A_1492 = vector.broadcast %max3A_1491 : f32 to vector<16xf32>
        %max3A_1493 = arith.maximumf %sub3A_1476, %max3A_1492 : vector<16xf32>
        %swap3A_1494 = arith.constant 528 : index
        %swap3A_1495 = tpu.vector_load %arg13[%swap3A_1494] {strides = array<i32>} : memref<1024xf32, #tpu.memory_space<vmem>>, vector<16xf32>,
        %swap3A_1496 = vector.shape_cast %swap3A_1495 : vector<16xf32> to vector<16xf32>
        %swap3A_1497 = vector.shape_cast %max3A_1493 : vector<16xf32> to vector<16xf32>
        tpu.vector_store %arg13[%swap3A_1494], %swap3A_1497 {strides = array<i32>} : memref<1024xf32, #tpu.memory_space<vmem>>, vector<16xf32>,
        %swap3A_1498 = arith.constant 528 : index
        %swap3A_1499 = tpu.vector_load %arg14[%swap3A_1498] {strides = array<i32>} : memref<1024xf32, #tpu.memory_space<vmem>>, vector<16xf32>,
        %swap3A_1500 = vector.shape_cast %swap3A_1499 : vector<16xf32> to vector<16xf32>
        %swap3A_1501 = vector.shape_cast %get3A_1466 : vector<16xf32> to vector<16xf32>
        tpu.vector_store %arg14[%swap3A_1498], %swap3A_1501 {strides = array<i32>} : memref<1024xf32, #tpu.memory_space<vmem>>, vector<16xf32>,
        %add3A_1502 = arith.constant 544 : i32
        %add3A_1503 = arith.addi %mul3A_49, %add3A_1502 : i32
        %get3A_1504 = arith.index_cast %add3A_1503 : i32 to index
        %get3A_1505 = tpu.vector_load %arg10[%get3A_1504] {strides = array<i32>} : memref<2048xf32, #tpu.memory_space<vmem>>, vector<16xf32>,
        %get3A_1506 = vector.shape_cast %get3A_1505 : vector<16xf32> to vector<16xf32>
        %get3A_1507 = arith.index_cast %add3A_1503 : i32 to index
        %get3A_1508 = tpu.vector_load %arg11[%get3A_1507] {strides = array<i32>} : memref<2048xf32, #tpu.memory_space<vmem>>, vector<16xf32>,
        %get3A_1509 = vector.shape_cast %get3A_1508 : vector<16xf32> to vector<16xf32>
        %mul3A_1510 = arith.constant 2.000000e+00 : f32
        %mul3A_1511 = vector.broadcast %mul3A_1510 : f32 to vector<16xf32>
        %mul3A_1512 = arith.mulf %mul3A_1511, %get3A_1509 : vector<16xf32>
        %sub3A_1513 = arith.constant 1.000000e+00 : f32
        %sub3A_1514 = vector.broadcast %sub3A_1513 : f32 to vector<16xf32>
        %sub3A_1515 = arith.subf %mul3A_1512, %sub3A_1514 : vector<16xf32>
        %mul3A_1516 = arith.mulf %get3A_1506, %sub3A_1515 : vector<16xf32>
        %sub3A_1517 = arith.constant 1.000000e+00 : f32
        %sub3A_1518 = vector.broadcast %sub3A_1517 : f32 to vector<16xf32>
        %sub3A_1519 = arith.subf %sub3A_1518, %mul3A_1516 : vector<16xf32>
        %bitcast_convert_type3A_1520 = tpu.bitcast %sub3A_1519 : vector<16xf32> -> vector<16xi32>
        %gt3A_1521 = arith.constant 0.000000e+00 : f32
        %gt3A_1522 = vector.broadcast %gt3A_1521 : f32 to vector<16xf32>
        %gt3A_1523 = arith.cmpf ogt, %sub3A_1519, %gt3A_1522 : vector<16xf32>
        %shift_right_logical3A_1524 = arith.constant 12 : i32
        %shift_right_logical3A_1525 = vector.broadcast %shift_right_logical3A_1524 : i32 to vector<16xi32>
        %shift_right_logical3A_1526 = arith.shrui %bitcast_convert_type3A_1520, %shift_right_logical3A_1525 : vector<16xi32>
        %jit3A_1527 = arith.constant 0 : i32
        %broadcast_in_dim3A_1528 = vector.broadcast %jit3A_1527 : i32 to vector<16xi32>
        %select_n3A_1529 = arith.select %gt3A_1523, %shift_right_logical3A_1526, %broadcast_in_dim3A_1528 : vector<16xi1>, vector<16xi32>
        %swap3A_1530 = arith.constant 544 : index
        %swap3A_1531 = tpu.vector_load %arg12[%swap3A_1530] {strides = array<i32>} : memref<1024xi32, #tpu.memory_space<vmem>>, vector<16xi32>,
        %swap3A_1532 = vector.shape_cast %swap3A_1531 : vector<16xi32> to vector<16xi32>
        %swap3A_1533 = vector.shape_cast %select_n3A_1529 : vector<16xi32> to vector<16xi32>
        tpu.vector_store %arg12[%swap3A_1530], %swap3A_1533 {strides = array<i32>} : memref<1024xi32, #tpu.memory_space<vmem>>, vector<16xi32>,
        %max3A_1534 = arith.constant 0.000000e+00 : f32
        %max3A_1535 = vector.broadcast %max3A_1534 : f32 to vector<16xf32>
        %max3A_1536 = arith.maximumf %sub3A_1519, %max3A_1535 : vector<16xf32>
        %swap3A_1537 = arith.constant 544 : index
        %swap3A_1538 = tpu.vector_load %arg13[%swap3A_1537] {strides = array<i32>} : memref<1024xf32, #tpu.memory_space<vmem>>, vector<16xf32>,
        %swap3A_1539 = vector.shape_cast %swap3A_1538 : vector<16xf32> to vector<16xf32>
        %swap3A_1540 = vector.shape_cast %max3A_1536 : vector<16xf32> to vector<16xf32>
        tpu.vector_store %arg13[%swap3A_1537], %swap3A_1540 {strides = array<i32>} : memref<1024xf32, #tpu.memory_space<vmem>>, vector<16xf32>,
        %swap3A_1541 = arith.constant 544 : index
        %swap3A_1542 = tpu.vector_load %arg14[%swap3A_1541] {strides = array<i32>} : memref<1024xf32, #tpu.memory_space<vmem>>, vector<16xf32>,
        %swap3A_1543 = vector.shape_cast %swap3A_1542 : vector<16xf32> to vector<16xf32>
        %swap3A_1544 = vector.shape_cast %get3A_1509 : vector<16xf32> to vector<16xf32>
        tpu.vector_store %arg14[%swap3A_1541], %swap3A_1544 {strides = array<i32>} : memref<1024xf32, #tpu.memory_space<vmem>>, vector<16xf32>,
        %add3A_1545 = arith.constant 560 : i32
        %add3A_1546 = arith.addi %mul3A_49, %add3A_1545 : i32
        %get3A_1547 = arith.index_cast %add3A_1546 : i32 to index
        %get3A_1548 = tpu.vector_load %arg10[%get3A_1547] {strides = array<i32>} : memref<2048xf32, #tpu.memory_space<vmem>>, vector<16xf32>,
        %get3A_1549 = vector.shape_cast %get3A_1548 : vector<16xf32> to vector<16xf32>
        %get3A_1550 = arith.index_cast %add3A_1546 : i32 to index
        %get3A_1551 = tpu.vector_load %arg11[%get3A_1550] {strides = array<i32>} : memref<2048xf32, #tpu.memory_space<vmem>>, vector<16xf32>,
        %get3A_1552 = vector.shape_cast %get3A_1551 : vector<16xf32> to vector<16xf32>
        %mul3A_1553 = arith.constant 2.000000e+00 : f32
        %mul3A_1554 = vector.broadcast %mul3A_1553 : f32 to vector<16xf32>
        %mul3A_1555 = arith.mulf %mul3A_1554, %get3A_1552 : vector<16xf32>
        %sub3A_1556 = arith.constant 1.000000e+00 : f32
        %sub3A_1557 = vector.broadcast %sub3A_1556 : f32 to vector<16xf32>
        %sub3A_1558 = arith.subf %mul3A_1555, %sub3A_1557 : vector<16xf32>
        %mul3A_1559 = arith.mulf %get3A_1549, %sub3A_1558 : vector<16xf32>
        %sub3A_1560 = arith.constant 1.000000e+00 : f32
        %sub3A_1561 = vector.broadcast %sub3A_1560 : f32 to vector<16xf32>
        %sub3A_1562 = arith.subf %sub3A_1561, %mul3A_1559 : vector<16xf32>
        %bitcast_convert_type3A_1563 = tpu.bitcast %sub3A_1562 : vector<16xf32> -> vector<16xi32>
        %gt3A_1564 = arith.constant 0.000000e+00 : f32
        %gt3A_1565 = vector.broadcast %gt3A_1564 : f32 to vector<16xf32>
        %gt3A_1566 = arith.cmpf ogt, %sub3A_1562, %gt3A_1565 : vector<16xf32>
        %shift_right_logical3A_1567 = arith.constant 12 : i32
        %shift_right_logical3A_1568 = vector.broadcast %shift_right_logical3A_1567 : i32 to vector<16xi32>
        %shift_right_logical3A_1569 = arith.shrui %bitcast_convert_type3A_1563, %shift_right_logical3A_1568 : vector<16xi32>
        %jit3A_1570 = arith.constant 0 : i32
        %broadcast_in_dim3A_1571 = vector.broadcast %jit3A_1570 : i32 to vector<16xi32>
        %select_n3A_1572 = arith.select %gt3A_1566, %shift_right_logical3A_1569, %broadcast_in_dim3A_1571 : vector<16xi1>, vector<16xi32>
        %swap3A_1573 = arith.constant 560 : index
        %swap3A_1574 = tpu.vector_load %arg12[%swap3A_1573] {strides = array<i32>} : memref<1024xi32, #tpu.memory_space<vmem>>, vector<16xi32>,
        %swap3A_1575 = vector.shape_cast %swap3A_1574 : vector<16xi32> to vector<16xi32>
        %swap3A_1576 = vector.shape_cast %select_n3A_1572 : vector<16xi32> to vector<16xi32>
        tpu.vector_store %arg12[%swap3A_1573], %swap3A_1576 {strides = array<i32>} : memref<1024xi32, #tpu.memory_space<vmem>>, vector<16xi32>,
        %max3A_1577 = arith.constant 0.000000e+00 : f32
        %max3A_1578 = vector.broadcast %max3A_1577 : f32 to vector<16xf32>
        %max3A_1579 = arith.maximumf %sub3A_1562, %max3A_1578 : vector<16xf32>
        %swap3A_1580 = arith.constant 560 : index
        %swap3A_1581 = tpu.vector_load %arg13[%swap3A_1580] {strides = array<i32>} : memref<1024xf32, #tpu.memory_space<vmem>>, vector<16xf32>,
        %swap3A_1582 = vector.shape_cast %swap3A_1581 : vector<16xf32> to vector<16xf32>
        %swap3A_1583 = vector.shape_cast %max3A_1579 : vector<16xf32> to vector<16xf32>
        tpu.vector_store %arg13[%swap3A_1580], %swap3A_1583 {strides = array<i32>} : memref<1024xf32, #tpu.memory_space<vmem>>, vector<16xf32>,
        %swap3A_1584 = arith.constant 560 : index
        %swap3A_1585 = tpu.vector_load %arg14[%swap3A_1584] {strides = array<i32>} : memref<1024xf32, #tpu.memory_space<vmem>>, vector<16xf32>,
        %swap3A_1586 = vector.shape_cast %swap3A_1585 : vector<16xf32> to vector<16xf32>
        %swap3A_1587 = vector.shape_cast %get3A_1552 : vector<16xf32> to vector<16xf32>
        tpu.vector_store %arg14[%swap3A_1584], %swap3A_1587 {strides = array<i32>} : memref<1024xf32, #tpu.memory_space<vmem>>, vector<16xf32>,
        %add3A_1588 = arith.constant 576 : i32
        %add3A_1589 = arith.addi %mul3A_49, %add3A_1588 : i32
        %get3A_1590 = arith.index_cast %add3A_1589 : i32 to index
        %get3A_1591 = tpu.vector_load %arg10[%get3A_1590] {strides = array<i32>} : memref<2048xf32, #tpu.memory_space<vmem>>, vector<16xf32>,
        %get3A_1592 = vector.shape_cast %get3A_1591 : vector<16xf32> to vector<16xf32>
        %get3A_1593 = arith.index_cast %add3A_1589 : i32 to index
        %get3A_1594 = tpu.vector_load %arg11[%get3A_1593] {strides = array<i32>} : memref<2048xf32, #tpu.memory_space<vmem>>, vector<16xf32>,
        %get3A_1595 = vector.shape_cast %get3A_1594 : vector<16xf32> to vector<16xf32>
        %mul3A_1596 = arith.constant 2.000000e+00 : f32
        %mul3A_1597 = vector.broadcast %mul3A_1596 : f32 to vector<16xf32>
        %mul3A_1598 = arith.mulf %mul3A_1597, %get3A_1595 : vector<16xf32>
        %sub3A_1599 = arith.constant 1.000000e+00 : f32
        %sub3A_1600 = vector.broadcast %sub3A_1599 : f32 to vector<16xf32>
        %sub3A_1601 = arith.subf %mul3A_1598, %sub3A_1600 : vector<16xf32>
        %mul3A_1602 = arith.mulf %get3A_1592, %sub3A_1601 : vector<16xf32>
        %sub3A_1603 = arith.constant 1.000000e+00 : f32
        %sub3A_1604 = vector.broadcast %sub3A_1603 : f32 to vector<16xf32>
        %sub3A_1605 = arith.subf %sub3A_1604, %mul3A_1602 : vector<16xf32>
        %bitcast_convert_type3A_1606 = tpu.bitcast %sub3A_1605 : vector<16xf32> -> vector<16xi32>
        %gt3A_1607 = arith.constant 0.000000e+00 : f32
        %gt3A_1608 = vector.broadcast %gt3A_1607 : f32 to vector<16xf32>
        %gt3A_1609 = arith.cmpf ogt, %sub3A_1605, %gt3A_1608 : vector<16xf32>
        %shift_right_logical3A_1610 = arith.constant 12 : i32
        %shift_right_logical3A_1611 = vector.broadcast %shift_right_logical3A_1610 : i32 to vector<16xi32>
        %shift_right_logical3A_1612 = arith.shrui %bitcast_convert_type3A_1606, %shift_right_logical3A_1611 : vector<16xi32>
        %jit3A_1613 = arith.constant 0 : i32
        %broadcast_in_dim3A_1614 = vector.broadcast %jit3A_1613 : i32 to vector<16xi32>
        %select_n3A_1615 = arith.select %gt3A_1609, %shift_right_logical3A_1612, %broadcast_in_dim3A_1614 : vector<16xi1>, vector<16xi32>
        %swap3A_1616 = arith.constant 576 : index
        %swap3A_1617 = tpu.vector_load %arg12[%swap3A_1616] {strides = array<i32>} : memref<1024xi32, #tpu.memory_space<vmem>>, vector<16xi32>,
        %swap3A_1618 = vector.shape_cast %swap3A_1617 : vector<16xi32> to vector<16xi32>
        %swap3A_1619 = vector.shape_cast %select_n3A_1615 : vector<16xi32> to vector<16xi32>
        tpu.vector_store %arg12[%swap3A_1616], %swap3A_1619 {strides = array<i32>} : memref<1024xi32, #tpu.memory_space<vmem>>, vector<16xi32>,
        %max3A_1620 = arith.constant 0.000000e+00 : f32
        %max3A_1621 = vector.broadcast %max3A_1620 : f32 to vector<16xf32>
        %max3A_1622 = arith.maximumf %sub3A_1605, %max3A_1621 : vector<16xf32>
        %swap3A_1623 = arith.constant 576 : index
        %swap3A_1624 = tpu.vector_load %arg13[%swap3A_1623] {strides = array<i32>} : memref<1024xf32, #tpu.memory_space<vmem>>, vector<16xf32>,
        %swap3A_1625 = vector.shape_cast %swap3A_1624 : vector<16xf32> to vector<16xf32>
        %swap3A_1626 = vector.shape_cast %max3A_1622 : vector<16xf32> to vector<16xf32>
        tpu.vector_store %arg13[%swap3A_1623], %swap3A_1626 {strides = array<i32>} : memref<1024xf32, #tpu.memory_space<vmem>>, vector<16xf32>,
        %swap3A_1627 = arith.constant 576 : index
        %swap3A_1628 = tpu.vector_load %arg14[%swap3A_1627] {strides = array<i32>} : memref<1024xf32, #tpu.memory_space<vmem>>, vector<16xf32>,
        %swap3A_1629 = vector.shape_cast %swap3A_1628 : vector<16xf32> to vector<16xf32>
        %swap3A_1630 = vector.shape_cast %get3A_1595 : vector<16xf32> to vector<16xf32>
        tpu.vector_store %arg14[%swap3A_1627], %swap3A_1630 {strides = array<i32>} : memref<1024xf32, #tpu.memory_space<vmem>>, vector<16xf32>,
        %add3A_1631 = arith.constant 592 : i32
        %add3A_1632 = arith.addi %mul3A_49, %add3A_1631 : i32
        %get3A_1633 = arith.index_cast %add3A_1632 : i32 to index
        %get3A_1634 = tpu.vector_load %arg10[%get3A_1633] {strides = array<i32>} : memref<2048xf32, #tpu.memory_space<vmem>>, vector<16xf32>,
        %get3A_1635 = vector.shape_cast %get3A_1634 : vector<16xf32> to vector<16xf32>
        %get3A_1636 = arith.index_cast %add3A_1632 : i32 to index
        %get3A_1637 = tpu.vector_load %arg11[%get3A_1636] {strides = array<i32>} : memref<2048xf32, #tpu.memory_space<vmem>>, vector<16xf32>,
        %get3A_1638 = vector.shape_cast %get3A_1637 : vector<16xf32> to vector<16xf32>
        %mul3A_1639 = arith.constant 2.000000e+00 : f32
        %mul3A_1640 = vector.broadcast %mul3A_1639 : f32 to vector<16xf32>
        %mul3A_1641 = arith.mulf %mul3A_1640, %get3A_1638 : vector<16xf32>
        %sub3A_1642 = arith.constant 1.000000e+00 : f32
        %sub3A_1643 = vector.broadcast %sub3A_1642 : f32 to vector<16xf32>
        %sub3A_1644 = arith.subf %mul3A_1641, %sub3A_1643 : vector<16xf32>
        %mul3A_1645 = arith.mulf %get3A_1635, %sub3A_1644 : vector<16xf32>
        %sub3A_1646 = arith.constant 1.000000e+00 : f32
        %sub3A_1647 = vector.broadcast %sub3A_1646 : f32 to vector<16xf32>
        %sub3A_1648 = arith.subf %sub3A_1647, %mul3A_1645 : vector<16xf32>
        %bitcast_convert_type3A_1649 = tpu.bitcast %sub3A_1648 : vector<16xf32> -> vector<16xi32>
        %gt3A_1650 = arith.constant 0.000000e+00 : f32
        %gt3A_1651 = vector.broadcast %gt3A_1650 : f32 to vector<16xf32>
        %gt3A_1652 = arith.cmpf ogt, %sub3A_1648, %gt3A_1651 : vector<16xf32>
        %shift_right_logical3A_1653 = arith.constant 12 : i32
        %shift_right_logical3A_1654 = vector.broadcast %shift_right_logical3A_1653 : i32 to vector<16xi32>
        %shift_right_logical3A_1655 = arith.shrui %bitcast_convert_type3A_1649, %shift_right_logical3A_1654 : vector<16xi32>
        %jit3A_1656 = arith.constant 0 : i32
        %broadcast_in_dim3A_1657 = vector.broadcast %jit3A_1656 : i32 to vector<16xi32>
        %select_n3A_1658 = arith.select %gt3A_1652, %shift_right_logical3A_1655, %broadcast_in_dim3A_1657 : vector<16xi1>, vector<16xi32>
        %swap3A_1659 = arith.constant 592 : index
        %swap3A_1660 = tpu.vector_load %arg12[%swap3A_1659] {strides = array<i32>} : memref<1024xi32, #tpu.memory_space<vmem>>, vector<16xi32>,
        %swap3A_1661 = vector.shape_cast %swap3A_1660 : vector<16xi32> to vector<16xi32>
        %swap3A_1662 = vector.shape_cast %select_n3A_1658 : vector<16xi32> to vector<16xi32>
        tpu.vector_store %arg12[%swap3A_1659], %swap3A_1662 {strides = array<i32>} : memref<1024xi32, #tpu.memory_space<vmem>>, vector<16xi32>,
        %max3A_1663 = arith.constant 0.000000e+00 : f32
        %max3A_1664 = vector.broadcast %max3A_1663 : f32 to vector<16xf32>
        %max3A_1665 = arith.maximumf %sub3A_1648, %max3A_1664 : vector<16xf32>
        %swap3A_1666 = arith.constant 592 : index
        %swap3A_1667 = tpu.vector_load %arg13[%swap3A_1666] {strides = array<i32>} : memref<1024xf32, #tpu.memory_space<vmem>>, vector<16xf32>,
        %swap3A_1668 = vector.shape_cast %swap3A_1667 : vector<16xf32> to vector<16xf32>
        %swap3A_1669 = vector.shape_cast %max3A_1665 : vector<16xf32> to vector<16xf32>
        tpu.vector_store %arg13[%swap3A_1666], %swap3A_1669 {strides = array<i32>} : memref<1024xf32, #tpu.memory_space<vmem>>, vector<16xf32>,
        %swap3A_1670 = arith.constant 592 : index
        %swap3A_1671 = tpu.vector_load %arg14[%swap3A_1670] {strides = array<i32>} : memref<1024xf32, #tpu.memory_space<vmem>>, vector<16xf32>,
        %swap3A_1672 = vector.shape_cast %swap3A_1671 : vector<16xf32> to vector<16xf32>
        %swap3A_1673 = vector.shape_cast %get3A_1638 : vector<16xf32> to vector<16xf32>
        tpu.vector_store %arg14[%swap3A_1670], %swap3A_1673 {strides = array<i32>} : memref<1024xf32, #tpu.memory_space<vmem>>, vector<16xf32>,
        %add3A_1674 = arith.constant 608 : i32
        %add3A_1675 = arith.addi %mul3A_49, %add3A_1674 : i32
        %get3A_1676 = arith.index_cast %add3A_1675 : i32 to index
        %get3A_1677 = tpu.vector_load %arg10[%get3A_1676] {strides = array<i32>} : memref<2048xf32, #tpu.memory_space<vmem>>, vector<16xf32>,
        %get3A_1678 = vector.shape_cast %get3A_1677 : vector<16xf32> to vector<16xf32>
        %get3A_1679 = arith.index_cast %add3A_1675 : i32 to index
        %get3A_1680 = tpu.vector_load %arg11[%get3A_1679] {strides = array<i32>} : memref<2048xf32, #tpu.memory_space<vmem>>, vector<16xf32>,
        %get3A_1681 = vector.shape_cast %get3A_1680 : vector<16xf32> to vector<16xf32>
        %mul3A_1682 = arith.constant 2.000000e+00 : f32
        %mul3A_1683 = vector.broadcast %mul3A_1682 : f32 to vector<16xf32>
        %mul3A_1684 = arith.mulf %mul3A_1683, %get3A_1681 : vector<16xf32>
        %sub3A_1685 = arith.constant 1.000000e+00 : f32
        %sub3A_1686 = vector.broadcast %sub3A_1685 : f32 to vector<16xf32>
        %sub3A_1687 = arith.subf %mul3A_1684, %sub3A_1686 : vector<16xf32>
        %mul3A_1688 = arith.mulf %get3A_1678, %sub3A_1687 : vector<16xf32>
        %sub3A_1689 = arith.constant 1.000000e+00 : f32
        %sub3A_1690 = vector.broadcast %sub3A_1689 : f32 to vector<16xf32>
        %sub3A_1691 = arith.subf %sub3A_1690, %mul3A_1688 : vector<16xf32>
        %bitcast_convert_type3A_1692 = tpu.bitcast %sub3A_1691 : vector<16xf32> -> vector<16xi32>
        %gt3A_1693 = arith.constant 0.000000e+00 : f32
        %gt3A_1694 = vector.broadcast %gt3A_1693 : f32 to vector<16xf32>
        %gt3A_1695 = arith.cmpf ogt, %sub3A_1691, %gt3A_1694 : vector<16xf32>
        %shift_right_logical3A_1696 = arith.constant 12 : i32
        %shift_right_logical3A_1697 = vector.broadcast %shift_right_logical3A_1696 : i32 to vector<16xi32>
        %shift_right_logical3A_1698 = arith.shrui %bitcast_convert_type3A_1692, %shift_right_logical3A_1697 : vector<16xi32>
        %jit3A_1699 = arith.constant 0 : i32
        %broadcast_in_dim3A_1700 = vector.broadcast %jit3A_1699 : i32 to vector<16xi32>
        %select_n3A_1701 = arith.select %gt3A_1695, %shift_right_logical3A_1698, %broadcast_in_dim3A_1700 : vector<16xi1>, vector<16xi32>
        %swap3A_1702 = arith.constant 608 : index
        %swap3A_1703 = tpu.vector_load %arg12[%swap3A_1702] {strides = array<i32>} : memref<1024xi32, #tpu.memory_space<vmem>>, vector<16xi32>,
        %swap3A_1704 = vector.shape_cast %swap3A_1703 : vector<16xi32> to vector<16xi32>
        %swap3A_1705 = vector.shape_cast %select_n3A_1701 : vector<16xi32> to vector<16xi32>
        tpu.vector_store %arg12[%swap3A_1702], %swap3A_1705 {strides = array<i32>} : memref<1024xi32, #tpu.memory_space<vmem>>, vector<16xi32>,
        %max3A_1706 = arith.constant 0.000000e+00 : f32
        %max3A_1707 = vector.broadcast %max3A_1706 : f32 to vector<16xf32>
        %max3A_1708 = arith.maximumf %sub3A_1691, %max3A_1707 : vector<16xf32>
        %swap3A_1709 = arith.constant 608 : index
        %swap3A_1710 = tpu.vector_load %arg13[%swap3A_1709] {strides = array<i32>} : memref<1024xf32, #tpu.memory_space<vmem>>, vector<16xf32>,
        %swap3A_1711 = vector.shape_cast %swap3A_1710 : vector<16xf32> to vector<16xf32>
        %swap3A_1712 = vector.shape_cast %max3A_1708 : vector<16xf32> to vector<16xf32>
        tpu.vector_store %arg13[%swap3A_1709], %swap3A_1712 {strides = array<i32>} : memref<1024xf32, #tpu.memory_space<vmem>>, vector<16xf32>,
        %swap3A_1713 = arith.constant 608 : index
        %swap3A_1714 = tpu.vector_load %arg14[%swap3A_1713] {strides = array<i32>} : memref<1024xf32, #tpu.memory_space<vmem>>, vector<16xf32>,
        %swap3A_1715 = vector.shape_cast %swap3A_1714 : vector<16xf32> to vector<16xf32>
        %swap3A_1716 = vector.shape_cast %get3A_1681 : vector<16xf32> to vector<16xf32>
        tpu.vector_store %arg14[%swap3A_1713], %swap3A_1716 {strides = array<i32>} : memref<1024xf32, #tpu.memory_space<vmem>>, vector<16xf32>,
        %add3A_1717 = arith.constant 624 : i32
        %add3A_1718 = arith.addi %mul3A_49, %add3A_1717 : i32
        %get3A_1719 = arith.index_cast %add3A_1718 : i32 to index
        %get3A_1720 = tpu.vector_load %arg10[%get3A_1719] {strides = array<i32>} : memref<2048xf32, #tpu.memory_space<vmem>>, vector<16xf32>,
        %get3A_1721 = vector.shape_cast %get3A_1720 : vector<16xf32> to vector<16xf32>
        %get3A_1722 = arith.index_cast %add3A_1718 : i32 to index
        %get3A_1723 = tpu.vector_load %arg11[%get3A_1722] {strides = array<i32>} : memref<2048xf32, #tpu.memory_space<vmem>>, vector<16xf32>,
        %get3A_1724 = vector.shape_cast %get3A_1723 : vector<16xf32> to vector<16xf32>
        %mul3A_1725 = arith.constant 2.000000e+00 : f32
        %mul3A_1726 = vector.broadcast %mul3A_1725 : f32 to vector<16xf32>
        %mul3A_1727 = arith.mulf %mul3A_1726, %get3A_1724 : vector<16xf32>
        %sub3A_1728 = arith.constant 1.000000e+00 : f32
        %sub3A_1729 = vector.broadcast %sub3A_1728 : f32 to vector<16xf32>
        %sub3A_1730 = arith.subf %mul3A_1727, %sub3A_1729 : vector<16xf32>
        %mul3A_1731 = arith.mulf %get3A_1721, %sub3A_1730 : vector<16xf32>
        %sub3A_1732 = arith.constant 1.000000e+00 : f32
        %sub3A_1733 = vector.broadcast %sub3A_1732 : f32 to vector<16xf32>
        %sub3A_1734 = arith.subf %sub3A_1733, %mul3A_1731 : vector<16xf32>
        %bitcast_convert_type3A_1735 = tpu.bitcast %sub3A_1734 : vector<16xf32> -> vector<16xi32>
        %gt3A_1736 = arith.constant 0.000000e+00 : f32
        %gt3A_1737 = vector.broadcast %gt3A_1736 : f32 to vector<16xf32>
        %gt3A_1738 = arith.cmpf ogt, %sub3A_1734, %gt3A_1737 : vector<16xf32>
        %shift_right_logical3A_1739 = arith.constant 12 : i32
        %shift_right_logical3A_1740 = vector.broadcast %shift_right_logical3A_1739 : i32 to vector<16xi32>
        %shift_right_logical3A_1741 = arith.shrui %bitcast_convert_type3A_1735, %shift_right_logical3A_1740 : vector<16xi32>
        %jit3A_1742 = arith.constant 0 : i32
        %broadcast_in_dim3A_1743 = vector.broadcast %jit3A_1742 : i32 to vector<16xi32>
        %select_n3A_1744 = arith.select %gt3A_1738, %shift_right_logical3A_1741, %broadcast_in_dim3A_1743 : vector<16xi1>, vector<16xi32>
        %swap3A_1745 = arith.constant 624 : index
        %swap3A_1746 = tpu.vector_load %arg12[%swap3A_1745] {strides = array<i32>} : memref<1024xi32, #tpu.memory_space<vmem>>, vector<16xi32>,
        %swap3A_1747 = vector.shape_cast %swap3A_1746 : vector<16xi32> to vector<16xi32>
        %swap3A_1748 = vector.shape_cast %select_n3A_1744 : vector<16xi32> to vector<16xi32>
        tpu.vector_store %arg12[%swap3A_1745], %swap3A_1748 {strides = array<i32>} : memref<1024xi32, #tpu.memory_space<vmem>>, vector<16xi32>,
        %max3A_1749 = arith.constant 0.000000e+00 : f32
        %max3A_1750 = vector.broadcast %max3A_1749 : f32 to vector<16xf32>
        %max3A_1751 = arith.maximumf %sub3A_1734, %max3A_1750 : vector<16xf32>
        %swap3A_1752 = arith.constant 624 : index
        %swap3A_1753 = tpu.vector_load %arg13[%swap3A_1752] {strides = array<i32>} : memref<1024xf32, #tpu.memory_space<vmem>>, vector<16xf32>,
        %swap3A_1754 = vector.shape_cast %swap3A_1753 : vector<16xf32> to vector<16xf32>
        %swap3A_1755 = vector.shape_cast %max3A_1751 : vector<16xf32> to vector<16xf32>
        tpu.vector_store %arg13[%swap3A_1752], %swap3A_1755 {strides = array<i32>} : memref<1024xf32, #tpu.memory_space<vmem>>, vector<16xf32>,
        %swap3A_1756 = arith.constant 624 : index
        %swap3A_1757 = tpu.vector_load %arg14[%swap3A_1756] {strides = array<i32>} : memref<1024xf32, #tpu.memory_space<vmem>>, vector<16xf32>,
        %swap3A_1758 = vector.shape_cast %swap3A_1757 : vector<16xf32> to vector<16xf32>
        %swap3A_1759 = vector.shape_cast %get3A_1724 : vector<16xf32> to vector<16xf32>
        tpu.vector_store %arg14[%swap3A_1756], %swap3A_1759 {strides = array<i32>} : memref<1024xf32, #tpu.memory_space<vmem>>, vector<16xf32>,
        %add3A_1760 = arith.constant 640 : i32
        %add3A_1761 = arith.addi %mul3A_49, %add3A_1760 : i32
        %get3A_1762 = arith.index_cast %add3A_1761 : i32 to index
        %get3A_1763 = tpu.vector_load %arg10[%get3A_1762] {strides = array<i32>} : memref<2048xf32, #tpu.memory_space<vmem>>, vector<16xf32>,
        %get3A_1764 = vector.shape_cast %get3A_1763 : vector<16xf32> to vector<16xf32>
        %get3A_1765 = arith.index_cast %add3A_1761 : i32 to index
        %get3A_1766 = tpu.vector_load %arg11[%get3A_1765] {strides = array<i32>} : memref<2048xf32, #tpu.memory_space<vmem>>, vector<16xf32>,
        %get3A_1767 = vector.shape_cast %get3A_1766 : vector<16xf32> to vector<16xf32>
        %mul3A_1768 = arith.constant 2.000000e+00 : f32
        %mul3A_1769 = vector.broadcast %mul3A_1768 : f32 to vector<16xf32>
        %mul3A_1770 = arith.mulf %mul3A_1769, %get3A_1767 : vector<16xf32>
        %sub3A_1771 = arith.constant 1.000000e+00 : f32
        %sub3A_1772 = vector.broadcast %sub3A_1771 : f32 to vector<16xf32>
        %sub3A_1773 = arith.subf %mul3A_1770, %sub3A_1772 : vector<16xf32>
        %mul3A_1774 = arith.mulf %get3A_1764, %sub3A_1773 : vector<16xf32>
        %sub3A_1775 = arith.constant 1.000000e+00 : f32
        %sub3A_1776 = vector.broadcast %sub3A_1775 : f32 to vector<16xf32>
        %sub3A_1777 = arith.subf %sub3A_1776, %mul3A_1774 : vector<16xf32>
        %bitcast_convert_type3A_1778 = tpu.bitcast %sub3A_1777 : vector<16xf32> -> vector<16xi32>
        %gt3A_1779 = arith.constant 0.000000e+00 : f32
        %gt3A_1780 = vector.broadcast %gt3A_1779 : f32 to vector<16xf32>
        %gt3A_1781 = arith.cmpf ogt, %sub3A_1777, %gt3A_1780 : vector<16xf32>
        %shift_right_logical3A_1782 = arith.constant 12 : i32
        %shift_right_logical3A_1783 = vector.broadcast %shift_right_logical3A_1782 : i32 to vector<16xi32>
        %shift_right_logical3A_1784 = arith.shrui %bitcast_convert_type3A_1778, %shift_right_logical3A_1783 : vector<16xi32>
        %jit3A_1785 = arith.constant 0 : i32
        %broadcast_in_dim3A_1786 = vector.broadcast %jit3A_1785 : i32 to vector<16xi32>
        %select_n3A_1787 = arith.select %gt3A_1781, %shift_right_logical3A_1784, %broadcast_in_dim3A_1786 : vector<16xi1>, vector<16xi32>
        %swap3A_1788 = arith.constant 640 : index
        %swap3A_1789 = tpu.vector_load %arg12[%swap3A_1788] {strides = array<i32>} : memref<1024xi32, #tpu.memory_space<vmem>>, vector<16xi32>,
        %swap3A_1790 = vector.shape_cast %swap3A_1789 : vector<16xi32> to vector<16xi32>
        %swap3A_1791 = vector.shape_cast %select_n3A_1787 : vector<16xi32> to vector<16xi32>
        tpu.vector_store %arg12[%swap3A_1788], %swap3A_1791 {strides = array<i32>} : memref<1024xi32, #tpu.memory_space<vmem>>, vector<16xi32>,
        %max3A_1792 = arith.constant 0.000000e+00 : f32
        %max3A_1793 = vector.broadcast %max3A_1792 : f32 to vector<16xf32>
        %max3A_1794 = arith.maximumf %sub3A_1777, %max3A_1793 : vector<16xf32>
        %swap3A_1795 = arith.constant 640 : index
        %swap3A_1796 = tpu.vector_load %arg13[%swap3A_1795] {strides = array<i32>} : memref<1024xf32, #tpu.memory_space<vmem>>, vector<16xf32>,
        %swap3A_1797 = vector.shape_cast %swap3A_1796 : vector<16xf32> to vector<16xf32>
        %swap3A_1798 = vector.shape_cast %max3A_1794 : vector<16xf32> to vector<16xf32>
        tpu.vector_store %arg13[%swap3A_1795], %swap3A_1798 {strides = array<i32>} : memref<1024xf32, #tpu.memory_space<vmem>>, vector<16xf32>,
        %swap3A_1799 = arith.constant 640 : index
        %swap3A_1800 = tpu.vector_load %arg14[%swap3A_1799] {strides = array<i32>} : memref<1024xf32, #tpu.memory_space<vmem>>, vector<16xf32>,
        %swap3A_1801 = vector.shape_cast %swap3A_1800 : vector<16xf32> to vector<16xf32>
        %swap3A_1802 = vector.shape_cast %get3A_1767 : vector<16xf32> to vector<16xf32>
        tpu.vector_store %arg14[%swap3A_1799], %swap3A_1802 {strides = array<i32>} : memref<1024xf32, #tpu.memory_space<vmem>>, vector<16xf32>,
        %add3A_1803 = arith.constant 656 : i32
        %add3A_1804 = arith.addi %mul3A_49, %add3A_1803 : i32
        %get3A_1805 = arith.index_cast %add3A_1804 : i32 to index
        %get3A_1806 = tpu.vector_load %arg10[%get3A_1805] {strides = array<i32>} : memref<2048xf32, #tpu.memory_space<vmem>>, vector<16xf32>,
        %get3A_1807 = vector.shape_cast %get3A_1806 : vector<16xf32> to vector<16xf32>
        %get3A_1808 = arith.index_cast %add3A_1804 : i32 to index
        %get3A_1809 = tpu.vector_load %arg11[%get3A_1808] {strides = array<i32>} : memref<2048xf32, #tpu.memory_space<vmem>>, vector<16xf32>,
        %get3A_1810 = vector.shape_cast %get3A_1809 : vector<16xf32> to vector<16xf32>
        %mul3A_1811 = arith.constant 2.000000e+00 : f32
        %mul3A_1812 = vector.broadcast %mul3A_1811 : f32 to vector<16xf32>
        %mul3A_1813 = arith.mulf %mul3A_1812, %get3A_1810 : vector<16xf32>
        %sub3A_1814 = arith.constant 1.000000e+00 : f32
        %sub3A_1815 = vector.broadcast %sub3A_1814 : f32 to vector<16xf32>
        %sub3A_1816 = arith.subf %mul3A_1813, %sub3A_1815 : vector<16xf32>
        %mul3A_1817 = arith.mulf %get3A_1807, %sub3A_1816 : vector<16xf32>
        %sub3A_1818 = arith.constant 1.000000e+00 : f32
        %sub3A_1819 = vector.broadcast %sub3A_1818 : f32 to vector<16xf32>
        %sub3A_1820 = arith.subf %sub3A_1819, %mul3A_1817 : vector<16xf32>
        %bitcast_convert_type3A_1821 = tpu.bitcast %sub3A_1820 : vector<16xf32> -> vector<16xi32>
        %gt3A_1822 = arith.constant 0.000000e+00 : f32
        %gt3A_1823 = vector.broadcast %gt3A_1822 : f32 to vector<16xf32>
        %gt3A_1824 = arith.cmpf ogt, %sub3A_1820, %gt3A_1823 : vector<16xf32>
        %shift_right_logical3A_1825 = arith.constant 12 : i32
        %shift_right_logical3A_1826 = vector.broadcast %shift_right_logical3A_1825 : i32 to vector<16xi32>
        %shift_right_logical3A_1827 = arith.shrui %bitcast_convert_type3A_1821, %shift_right_logical3A_1826 : vector<16xi32>
        %jit3A_1828 = arith.constant 0 : i32
        %broadcast_in_dim3A_1829 = vector.broadcast %jit3A_1828 : i32 to vector<16xi32>
        %select_n3A_1830 = arith.select %gt3A_1824, %shift_right_logical3A_1827, %broadcast_in_dim3A_1829 : vector<16xi1>, vector<16xi32>
        %swap3A_1831 = arith.constant 656 : index
        %swap3A_1832 = tpu.vector_load %arg12[%swap3A_1831] {strides = array<i32>} : memref<1024xi32, #tpu.memory_space<vmem>>, vector<16xi32>,
        %swap3A_1833 = vector.shape_cast %swap3A_1832 : vector<16xi32> to vector<16xi32>
        %swap3A_1834 = vector.shape_cast %select_n3A_1830 : vector<16xi32> to vector<16xi32>
        tpu.vector_store %arg12[%swap3A_1831], %swap3A_1834 {strides = array<i32>} : memref<1024xi32, #tpu.memory_space<vmem>>, vector<16xi32>,
        %max3A_1835 = arith.constant 0.000000e+00 : f32
        %max3A_1836 = vector.broadcast %max3A_1835 : f32 to vector<16xf32>
        %max3A_1837 = arith.maximumf %sub3A_1820, %max3A_1836 : vector<16xf32>
        %swap3A_1838 = arith.constant 656 : index
        %swap3A_1839 = tpu.vector_load %arg13[%swap3A_1838] {strides = array<i32>} : memref<1024xf32, #tpu.memory_space<vmem>>, vector<16xf32>,
        %swap3A_1840 = vector.shape_cast %swap3A_1839 : vector<16xf32> to vector<16xf32>
        %swap3A_1841 = vector.shape_cast %max3A_1837 : vector<16xf32> to vector<16xf32>
        tpu.vector_store %arg13[%swap3A_1838], %swap3A_1841 {strides = array<i32>} : memref<1024xf32, #tpu.memory_space<vmem>>, vector<16xf32>,
        %swap3A_1842 = arith.constant 656 : index
        %swap3A_1843 = tpu.vector_load %arg14[%swap3A_1842] {strides = array<i32>} : memref<1024xf32, #tpu.memory_space<vmem>>, vector<16xf32>,
        %swap3A_1844 = vector.shape_cast %swap3A_1843 : vector<16xf32> to vector<16xf32>
        %swap3A_1845 = vector.shape_cast %get3A_1810 : vector<16xf32> to vector<16xf32>
        tpu.vector_store %arg14[%swap3A_1842], %swap3A_1845 {strides = array<i32>} : memref<1024xf32, #tpu.memory_space<vmem>>, vector<16xf32>,
        %add3A_1846 = arith.constant 672 : i32
        %add3A_1847 = arith.addi %mul3A_49, %add3A_1846 : i32
        %get3A_1848 = arith.index_cast %add3A_1847 : i32 to index
        %get3A_1849 = tpu.vector_load %arg10[%get3A_1848] {strides = array<i32>} : memref<2048xf32, #tpu.memory_space<vmem>>, vector<16xf32>,
        %get3A_1850 = vector.shape_cast %get3A_1849 : vector<16xf32> to vector<16xf32>
        %get3A_1851 = arith.index_cast %add3A_1847 : i32 to index
        %get3A_1852 = tpu.vector_load %arg11[%get3A_1851] {strides = array<i32>} : memref<2048xf32, #tpu.memory_space<vmem>>, vector<16xf32>,
        %get3A_1853 = vector.shape_cast %get3A_1852 : vector<16xf32> to vector<16xf32>
        %mul3A_1854 = arith.constant 2.000000e+00 : f32
        %mul3A_1855 = vector.broadcast %mul3A_1854 : f32 to vector<16xf32>
        %mul3A_1856 = arith.mulf %mul3A_1855, %get3A_1853 : vector<16xf32>
        %sub3A_1857 = arith.constant 1.000000e+00 : f32
        %sub3A_1858 = vector.broadcast %sub3A_1857 : f32 to vector<16xf32>
        %sub3A_1859 = arith.subf %mul3A_1856, %sub3A_1858 : vector<16xf32>
        %mul3A_1860 = arith.mulf %get3A_1850, %sub3A_1859 : vector<16xf32>
        %sub3A_1861 = arith.constant 1.000000e+00 : f32
        %sub3A_1862 = vector.broadcast %sub3A_1861 : f32 to vector<16xf32>
        %sub3A_1863 = arith.subf %sub3A_1862, %mul3A_1860 : vector<16xf32>
        %bitcast_convert_type3A_1864 = tpu.bitcast %sub3A_1863 : vector<16xf32> -> vector<16xi32>
        %gt3A_1865 = arith.constant 0.000000e+00 : f32
        %gt3A_1866 = vector.broadcast %gt3A_1865 : f32 to vector<16xf32>
        %gt3A_1867 = arith.cmpf ogt, %sub3A_1863, %gt3A_1866 : vector<16xf32>
        %shift_right_logical3A_1868 = arith.constant 12 : i32
        %shift_right_logical3A_1869 = vector.broadcast %shift_right_logical3A_1868 : i32 to vector<16xi32>
        %shift_right_logical3A_1870 = arith.shrui %bitcast_convert_type3A_1864, %shift_right_logical3A_1869 : vector<16xi32>
        %jit3A_1871 = arith.constant 0 : i32
        %broadcast_in_dim3A_1872 = vector.broadcast %jit3A_1871 : i32 to vector<16xi32>
        %select_n3A_1873 = arith.select %gt3A_1867, %shift_right_logical3A_1870, %broadcast_in_dim3A_1872 : vector<16xi1>, vector<16xi32>
        %swap3A_1874 = arith.constant 672 : index
        %swap3A_1875 = tpu.vector_load %arg12[%swap3A_1874] {strides = array<i32>} : memref<1024xi32, #tpu.memory_space<vmem>>, vector<16xi32>,
        %swap3A_1876 = vector.shape_cast %swap3A_1875 : vector<16xi32> to vector<16xi32>
        %swap3A_1877 = vector.shape_cast %select_n3A_1873 : vector<16xi32> to vector<16xi32>
        tpu.vector_store %arg12[%swap3A_1874], %swap3A_1877 {strides = array<i32>} : memref<1024xi32, #tpu.memory_space<vmem>>, vector<16xi32>,
        %max3A_1878 = arith.constant 0.000000e+00 : f32
        %max3A_1879 = vector.broadcast %max3A_1878 : f32 to vector<16xf32>
        %max3A_1880 = arith.maximumf %sub3A_1863, %max3A_1879 : vector<16xf32>
        %swap3A_1881 = arith.constant 672 : index
        %swap3A_1882 = tpu.vector_load %arg13[%swap3A_1881] {strides = array<i32>} : memref<1024xf32, #tpu.memory_space<vmem>>, vector<16xf32>,
        %swap3A_1883 = vector.shape_cast %swap3A_1882 : vector<16xf32> to vector<16xf32>
        %swap3A_1884 = vector.shape_cast %max3A_1880 : vector<16xf32> to vector<16xf32>
        tpu.vector_store %arg13[%swap3A_1881], %swap3A_1884 {strides = array<i32>} : memref<1024xf32, #tpu.memory_space<vmem>>, vector<16xf32>,
        %swap3A_1885 = arith.constant 672 : index
        %swap3A_1886 = tpu.vector_load %arg14[%swap3A_1885] {strides = array<i32>} : memref<1024xf32, #tpu.memory_space<vmem>>, vector<16xf32>,
        %swap3A_1887 = vector.shape_cast %swap3A_1886 : vector<16xf32> to vector<16xf32>
        %swap3A_1888 = vector.shape_cast %get3A_1853 : vector<16xf32> to vector<16xf32>
        tpu.vector_store %arg14[%swap3A_1885], %swap3A_1888 {strides = array<i32>} : memref<1024xf32, #tpu.memory_space<vmem>>, vector<16xf32>,
        %add3A_1889 = arith.constant 688 : i32
        %add3A_1890 = arith.addi %mul3A_49, %add3A_1889 : i32
        %get3A_1891 = arith.index_cast %add3A_1890 : i32 to index
        %get3A_1892 = tpu.vector_load %arg10[%get3A_1891] {strides = array<i32>} : memref<2048xf32, #tpu.memory_space<vmem>>, vector<16xf32>,
        %get3A_1893 = vector.shape_cast %get3A_1892 : vector<16xf32> to vector<16xf32>
        %get3A_1894 = arith.index_cast %add3A_1890 : i32 to index
        %get3A_1895 = tpu.vector_load %arg11[%get3A_1894] {strides = array<i32>} : memref<2048xf32, #tpu.memory_space<vmem>>, vector<16xf32>,
        %get3A_1896 = vector.shape_cast %get3A_1895 : vector<16xf32> to vector<16xf32>
        %mul3A_1897 = arith.constant 2.000000e+00 : f32
        %mul3A_1898 = vector.broadcast %mul3A_1897 : f32 to vector<16xf32>
        %mul3A_1899 = arith.mulf %mul3A_1898, %get3A_1896 : vector<16xf32>
        %sub3A_1900 = arith.constant 1.000000e+00 : f32
        %sub3A_1901 = vector.broadcast %sub3A_1900 : f32 to vector<16xf32>
        %sub3A_1902 = arith.subf %mul3A_1899, %sub3A_1901 : vector<16xf32>
        %mul3A_1903 = arith.mulf %get3A_1893, %sub3A_1902 : vector<16xf32>
        %sub3A_1904 = arith.constant 1.000000e+00 : f32
        %sub3A_1905 = vector.broadcast %sub3A_1904 : f32 to vector<16xf32>
        %sub3A_1906 = arith.subf %sub3A_1905, %mul3A_1903 : vector<16xf32>
        %bitcast_convert_type3A_1907 = tpu.bitcast %sub3A_1906 : vector<16xf32> -> vector<16xi32>
        %gt3A_1908 = arith.constant 0.000000e+00 : f32
        %gt3A_1909 = vector.broadcast %gt3A_1908 : f32 to vector<16xf32>
        %gt3A_1910 = arith.cmpf ogt, %sub3A_1906, %gt3A_1909 : vector<16xf32>
        %shift_right_logical3A_1911 = arith.constant 12 : i32
        %shift_right_logical3A_1912 = vector.broadcast %shift_right_logical3A_1911 : i32 to vector<16xi32>
        %shift_right_logical3A_1913 = arith.shrui %bitcast_convert_type3A_1907, %shift_right_logical3A_1912 : vector<16xi32>
        %jit3A_1914 = arith.constant 0 : i32
        %broadcast_in_dim3A_1915 = vector.broadcast %jit3A_1914 : i32 to vector<16xi32>
        %select_n3A_1916 = arith.select %gt3A_1910, %shift_right_logical3A_1913, %broadcast_in_dim3A_1915 : vector<16xi1>, vector<16xi32>
        %swap3A_1917 = arith.constant 688 : index
        %swap3A_1918 = tpu.vector_load %arg12[%swap3A_1917] {strides = array<i32>} : memref<1024xi32, #tpu.memory_space<vmem>>, vector<16xi32>,
        %swap3A_1919 = vector.shape_cast %swap3A_1918 : vector<16xi32> to vector<16xi32>
        %swap3A_1920 = vector.shape_cast %select_n3A_1916 : vector<16xi32> to vector<16xi32>
        tpu.vector_store %arg12[%swap3A_1917], %swap3A_1920 {strides = array<i32>} : memref<1024xi32, #tpu.memory_space<vmem>>, vector<16xi32>,
        %max3A_1921 = arith.constant 0.000000e+00 : f32
        %max3A_1922 = vector.broadcast %max3A_1921 : f32 to vector<16xf32>
        %max3A_1923 = arith.maximumf %sub3A_1906, %max3A_1922 : vector<16xf32>
        %swap3A_1924 = arith.constant 688 : index
        %swap3A_1925 = tpu.vector_load %arg13[%swap3A_1924] {strides = array<i32>} : memref<1024xf32, #tpu.memory_space<vmem>>, vector<16xf32>,
        %swap3A_1926 = vector.shape_cast %swap3A_1925 : vector<16xf32> to vector<16xf32>
        %swap3A_1927 = vector.shape_cast %max3A_1923 : vector<16xf32> to vector<16xf32>
        tpu.vector_store %arg13[%swap3A_1924], %swap3A_1927 {strides = array<i32>} : memref<1024xf32, #tpu.memory_space<vmem>>, vector<16xf32>,
        %swap3A_1928 = arith.constant 688 : index
        %swap3A_1929 = tpu.vector_load %arg14[%swap3A_1928] {strides = array<i32>} : memref<1024xf32, #tpu.memory_space<vmem>>, vector<16xf32>,
        %swap3A_1930 = vector.shape_cast %swap3A_1929 : vector<16xf32> to vector<16xf32>
        %swap3A_1931 = vector.shape_cast %get3A_1896 : vector<16xf32> to vector<16xf32>
        tpu.vector_store %arg14[%swap3A_1928], %swap3A_1931 {strides = array<i32>} : memref<1024xf32, #tpu.memory_space<vmem>>, vector<16xf32>,
        %add3A_1932 = arith.constant 704 : i32
        %add3A_1933 = arith.addi %mul3A_49, %add3A_1932 : i32
        %get3A_1934 = arith.index_cast %add3A_1933 : i32 to index
        %get3A_1935 = tpu.vector_load %arg10[%get3A_1934] {strides = array<i32>} : memref<2048xf32, #tpu.memory_space<vmem>>, vector<16xf32>,
        %get3A_1936 = vector.shape_cast %get3A_1935 : vector<16xf32> to vector<16xf32>
        %get3A_1937 = arith.index_cast %add3A_1933 : i32 to index
        %get3A_1938 = tpu.vector_load %arg11[%get3A_1937] {strides = array<i32>} : memref<2048xf32, #tpu.memory_space<vmem>>, vector<16xf32>,
        %get3A_1939 = vector.shape_cast %get3A_1938 : vector<16xf32> to vector<16xf32>
        %mul3A_1940 = arith.constant 2.000000e+00 : f32
        %mul3A_1941 = vector.broadcast %mul3A_1940 : f32 to vector<16xf32>
        %mul3A_1942 = arith.mulf %mul3A_1941, %get3A_1939 : vector<16xf32>
        %sub3A_1943 = arith.constant 1.000000e+00 : f32
        %sub3A_1944 = vector.broadcast %sub3A_1943 : f32 to vector<16xf32>
        %sub3A_1945 = arith.subf %mul3A_1942, %sub3A_1944 : vector<16xf32>
        %mul3A_1946 = arith.mulf %get3A_1936, %sub3A_1945 : vector<16xf32>
        %sub3A_1947 = arith.constant 1.000000e+00 : f32
        %sub3A_1948 = vector.broadcast %sub3A_1947 : f32 to vector<16xf32>
        %sub3A_1949 = arith.subf %sub3A_1948, %mul3A_1946 : vector<16xf32>
        %bitcast_convert_type3A_1950 = tpu.bitcast %sub3A_1949 : vector<16xf32> -> vector<16xi32>
        %gt3A_1951 = arith.constant 0.000000e+00 : f32
        %gt3A_1952 = vector.broadcast %gt3A_1951 : f32 to vector<16xf32>
        %gt3A_1953 = arith.cmpf ogt, %sub3A_1949, %gt3A_1952 : vector<16xf32>
        %shift_right_logical3A_1954 = arith.constant 12 : i32
        %shift_right_logical3A_1955 = vector.broadcast %shift_right_logical3A_1954 : i32 to vector<16xi32>
        %shift_right_logical3A_1956 = arith.shrui %bitcast_convert_type3A_1950, %shift_right_logical3A_1955 : vector<16xi32>
        %jit3A_1957 = arith.constant 0 : i32
        %broadcast_in_dim3A_1958 = vector.broadcast %jit3A_1957 : i32 to vector<16xi32>
        %select_n3A_1959 = arith.select %gt3A_1953, %shift_right_logical3A_1956, %broadcast_in_dim3A_1958 : vector<16xi1>, vector<16xi32>
        %swap3A_1960 = arith.constant 704 : index
        %swap3A_1961 = tpu.vector_load %arg12[%swap3A_1960] {strides = array<i32>} : memref<1024xi32, #tpu.memory_space<vmem>>, vector<16xi32>,
        %swap3A_1962 = vector.shape_cast %swap3A_1961 : vector<16xi32> to vector<16xi32>
        %swap3A_1963 = vector.shape_cast %select_n3A_1959 : vector<16xi32> to vector<16xi32>
        tpu.vector_store %arg12[%swap3A_1960], %swap3A_1963 {strides = array<i32>} : memref<1024xi32, #tpu.memory_space<vmem>>, vector<16xi32>,
        %max3A_1964 = arith.constant 0.000000e+00 : f32
        %max3A_1965 = vector.broadcast %max3A_1964 : f32 to vector<16xf32>
        %max3A_1966 = arith.maximumf %sub3A_1949, %max3A_1965 : vector<16xf32>
        %swap3A_1967 = arith.constant 704 : index
        %swap3A_1968 = tpu.vector_load %arg13[%swap3A_1967] {strides = array<i32>} : memref<1024xf32, #tpu.memory_space<vmem>>, vector<16xf32>,
        %swap3A_1969 = vector.shape_cast %swap3A_1968 : vector<16xf32> to vector<16xf32>
        %swap3A_1970 = vector.shape_cast %max3A_1966 : vector<16xf32> to vector<16xf32>
        tpu.vector_store %arg13[%swap3A_1967], %swap3A_1970 {strides = array<i32>} : memref<1024xf32, #tpu.memory_space<vmem>>, vector<16xf32>,
        %swap3A_1971 = arith.constant 704 : index
        %swap3A_1972 = tpu.vector_load %arg14[%swap3A_1971] {strides = array<i32>} : memref<1024xf32, #tpu.memory_space<vmem>>, vector<16xf32>,
        %swap3A_1973 = vector.shape_cast %swap3A_1972 : vector<16xf32> to vector<16xf32>
        %swap3A_1974 = vector.shape_cast %get3A_1939 : vector<16xf32> to vector<16xf32>
        tpu.vector_store %arg14[%swap3A_1971], %swap3A_1974 {strides = array<i32>} : memref<1024xf32, #tpu.memory_space<vmem>>, vector<16xf32>,
        %add3A_1975 = arith.constant 720 : i32
        %add3A_1976 = arith.addi %mul3A_49, %add3A_1975 : i32
        %get3A_1977 = arith.index_cast %add3A_1976 : i32 to index
        %get3A_1978 = tpu.vector_load %arg10[%get3A_1977] {strides = array<i32>} : memref<2048xf32, #tpu.memory_space<vmem>>, vector<16xf32>,
        %get3A_1979 = vector.shape_cast %get3A_1978 : vector<16xf32> to vector<16xf32>
        %get3A_1980 = arith.index_cast %add3A_1976 : i32 to index
        %get3A_1981 = tpu.vector_load %arg11[%get3A_1980] {strides = array<i32>} : memref<2048xf32, #tpu.memory_space<vmem>>, vector<16xf32>,
        %get3A_1982 = vector.shape_cast %get3A_1981 : vector<16xf32> to vector<16xf32>
        %mul3A_1983 = arith.constant 2.000000e+00 : f32
        %mul3A_1984 = vector.broadcast %mul3A_1983 : f32 to vector<16xf32>
        %mul3A_1985 = arith.mulf %mul3A_1984, %get3A_1982 : vector<16xf32>
        %sub3A_1986 = arith.constant 1.000000e+00 : f32
        %sub3A_1987 = vector.broadcast %sub3A_1986 : f32 to vector<16xf32>
        %sub3A_1988 = arith.subf %mul3A_1985, %sub3A_1987 : vector<16xf32>
        %mul3A_1989 = arith.mulf %get3A_1979, %sub3A_1988 : vector<16xf32>
        %sub3A_1990 = arith.constant 1.000000e+00 : f32
        %sub3A_1991 = vector.broadcast %sub3A_1990 : f32 to vector<16xf32>
        %sub3A_1992 = arith.subf %sub3A_1991, %mul3A_1989 : vector<16xf32>
        %bitcast_convert_type3A_1993 = tpu.bitcast %sub3A_1992 : vector<16xf32> -> vector<16xi32>
        %gt3A_1994 = arith.constant 0.000000e+00 : f32
        %gt3A_1995 = vector.broadcast %gt3A_1994 : f32 to vector<16xf32>
        %gt3A_1996 = arith.cmpf ogt, %sub3A_1992, %gt3A_1995 : vector<16xf32>
        %shift_right_logical3A_1997 = arith.constant 12 : i32
        %shift_right_logical3A_1998 = vector.broadcast %shift_right_logical3A_1997 : i32 to vector<16xi32>
        %shift_right_logical3A_1999 = arith.shrui %bitcast_convert_type3A_1993, %shift_right_logical3A_1998 : vector<16xi32>
        %jit3A_2000 = arith.constant 0 : i32
        %broadcast_in_dim3A_2001 = vector.broadcast %jit3A_2000 : i32 to vector<16xi32>
        %select_n3A_2002 = arith.select %gt3A_1996, %shift_right_logical3A_1999, %broadcast_in_dim3A_2001 : vector<16xi1>, vector<16xi32>
        %swap3A_2003 = arith.constant 720 : index
        %swap3A_2004 = tpu.vector_load %arg12[%swap3A_2003] {strides = array<i32>} : memref<1024xi32, #tpu.memory_space<vmem>>, vector<16xi32>,
        %swap3A_2005 = vector.shape_cast %swap3A_2004 : vector<16xi32> to vector<16xi32>
        %swap3A_2006 = vector.shape_cast %select_n3A_2002 : vector<16xi32> to vector<16xi32>
        tpu.vector_store %arg12[%swap3A_2003], %swap3A_2006 {strides = array<i32>} : memref<1024xi32, #tpu.memory_space<vmem>>, vector<16xi32>,
        %max3A_2007 = arith.constant 0.000000e+00 : f32
        %max3A_2008 = vector.broadcast %max3A_2007 : f32 to vector<16xf32>
        %max3A_2009 = arith.maximumf %sub3A_1992, %max3A_2008 : vector<16xf32>
        %swap3A_2010 = arith.constant 720 : index
        %swap3A_2011 = tpu.vector_load %arg13[%swap3A_2010] {strides = array<i32>} : memref<1024xf32, #tpu.memory_space<vmem>>, vector<16xf32>,
        %swap3A_2012 = vector.shape_cast %swap3A_2011 : vector<16xf32> to vector<16xf32>
        %swap3A_2013 = vector.shape_cast %max3A_2009 : vector<16xf32> to vector<16xf32>
        tpu.vector_store %arg13[%swap3A_2010], %swap3A_2013 {strides = array<i32>} : memref<1024xf32, #tpu.memory_space<vmem>>, vector<16xf32>,
        %swap3A_2014 = arith.constant 720 : index
        %swap3A_2015 = tpu.vector_load %arg14[%swap3A_2014] {strides = array<i32>} : memref<1024xf32, #tpu.memory_space<vmem>>, vector<16xf32>,
        %swap3A_2016 = vector.shape_cast %swap3A_2015 : vector<16xf32> to vector<16xf32>
        %swap3A_2017 = vector.shape_cast %get3A_1982 : vector<16xf32> to vector<16xf32>
        tpu.vector_store %arg14[%swap3A_2014], %swap3A_2017 {strides = array<i32>} : memref<1024xf32, #tpu.memory_space<vmem>>, vector<16xf32>,
        %add3A_2018 = arith.constant 736 : i32
        %add3A_2019 = arith.addi %mul3A_49, %add3A_2018 : i32
        %get3A_2020 = arith.index_cast %add3A_2019 : i32 to index
        %get3A_2021 = tpu.vector_load %arg10[%get3A_2020] {strides = array<i32>} : memref<2048xf32, #tpu.memory_space<vmem>>, vector<16xf32>,
        %get3A_2022 = vector.shape_cast %get3A_2021 : vector<16xf32> to vector<16xf32>
        %get3A_2023 = arith.index_cast %add3A_2019 : i32 to index
        %get3A_2024 = tpu.vector_load %arg11[%get3A_2023] {strides = array<i32>} : memref<2048xf32, #tpu.memory_space<vmem>>, vector<16xf32>,
        %get3A_2025 = vector.shape_cast %get3A_2024 : vector<16xf32> to vector<16xf32>
        %mul3A_2026 = arith.constant 2.000000e+00 : f32
        %mul3A_2027 = vector.broadcast %mul3A_2026 : f32 to vector<16xf32>
        %mul3A_2028 = arith.mulf %mul3A_2027, %get3A_2025 : vector<16xf32>
        %sub3A_2029 = arith.constant 1.000000e+00 : f32
        %sub3A_2030 = vector.broadcast %sub3A_2029 : f32 to vector<16xf32>
        %sub3A_2031 = arith.subf %mul3A_2028, %sub3A_2030 : vector<16xf32>
        %mul3A_2032 = arith.mulf %get3A_2022, %sub3A_2031 : vector<16xf32>
        %sub3A_2033 = arith.constant 1.000000e+00 : f32
        %sub3A_2034 = vector.broadcast %sub3A_2033 : f32 to vector<16xf32>
        %sub3A_2035 = arith.subf %sub3A_2034, %mul3A_2032 : vector<16xf32>
        %bitcast_convert_type3A_2036 = tpu.bitcast %sub3A_2035 : vector<16xf32> -> vector<16xi32>
        %gt3A_2037 = arith.constant 0.000000e+00 : f32
        %gt3A_2038 = vector.broadcast %gt3A_2037 : f32 to vector<16xf32>
        %gt3A_2039 = arith.cmpf ogt, %sub3A_2035, %gt3A_2038 : vector<16xf32>
        %shift_right_logical3A_2040 = arith.constant 12 : i32
        %shift_right_logical3A_2041 = vector.broadcast %shift_right_logical3A_2040 : i32 to vector<16xi32>
        %shift_right_logical3A_2042 = arith.shrui %bitcast_convert_type3A_2036, %shift_right_logical3A_2041 : vector<16xi32>
        %jit3A_2043 = arith.constant 0 : i32
        %broadcast_in_dim3A_2044 = vector.broadcast %jit3A_2043 : i32 to vector<16xi32>
        %select_n3A_2045 = arith.select %gt3A_2039, %shift_right_logical3A_2042, %broadcast_in_dim3A_2044 : vector<16xi1>, vector<16xi32>
        %swap3A_2046 = arith.constant 736 : index
        %swap3A_2047 = tpu.vector_load %arg12[%swap3A_2046] {strides = array<i32>} : memref<1024xi32, #tpu.memory_space<vmem>>, vector<16xi32>,
        %swap3A_2048 = vector.shape_cast %swap3A_2047 : vector<16xi32> to vector<16xi32>
        %swap3A_2049 = vector.shape_cast %select_n3A_2045 : vector<16xi32> to vector<16xi32>
        tpu.vector_store %arg12[%swap3A_2046], %swap3A_2049 {strides = array<i32>} : memref<1024xi32, #tpu.memory_space<vmem>>, vector<16xi32>,
        %max3A_2050 = arith.constant 0.000000e+00 : f32
        %max3A_2051 = vector.broadcast %max3A_2050 : f32 to vector<16xf32>
        %max3A_2052 = arith.maximumf %sub3A_2035, %max3A_2051 : vector<16xf32>
        %swap3A_2053 = arith.constant 736 : index
        %swap3A_2054 = tpu.vector_load %arg13[%swap3A_2053] {strides = array<i32>} : memref<1024xf32, #tpu.memory_space<vmem>>, vector<16xf32>,
        %swap3A_2055 = vector.shape_cast %swap3A_2054 : vector<16xf32> to vector<16xf32>
        %swap3A_2056 = vector.shape_cast %max3A_2052 : vector<16xf32> to vector<16xf32>
        tpu.vector_store %arg13[%swap3A_2053], %swap3A_2056 {strides = array<i32>} : memref<1024xf32, #tpu.memory_space<vmem>>, vector<16xf32>,
        %swap3A_2057 = arith.constant 736 : index
        %swap3A_2058 = tpu.vector_load %arg14[%swap3A_2057] {strides = array<i32>} : memref<1024xf32, #tpu.memory_space<vmem>>, vector<16xf32>,
        %swap3A_2059 = vector.shape_cast %swap3A_2058 : vector<16xf32> to vector<16xf32>
        %swap3A_2060 = vector.shape_cast %get3A_2025 : vector<16xf32> to vector<16xf32>
        tpu.vector_store %arg14[%swap3A_2057], %swap3A_2060 {strides = array<i32>} : memref<1024xf32, #tpu.memory_space<vmem>>, vector<16xf32>,
        %add3A_2061 = arith.constant 752 : i32
        %add3A_2062 = arith.addi %mul3A_49, %add3A_2061 : i32
        %get3A_2063 = arith.index_cast %add3A_2062 : i32 to index
        %get3A_2064 = tpu.vector_load %arg10[%get3A_2063] {strides = array<i32>} : memref<2048xf32, #tpu.memory_space<vmem>>, vector<16xf32>,
        %get3A_2065 = vector.shape_cast %get3A_2064 : vector<16xf32> to vector<16xf32>
        %get3A_2066 = arith.index_cast %add3A_2062 : i32 to index
        %get3A_2067 = tpu.vector_load %arg11[%get3A_2066] {strides = array<i32>} : memref<2048xf32, #tpu.memory_space<vmem>>, vector<16xf32>,
        %get3A_2068 = vector.shape_cast %get3A_2067 : vector<16xf32> to vector<16xf32>
        %mul3A_2069 = arith.constant 2.000000e+00 : f32
        %mul3A_2070 = vector.broadcast %mul3A_2069 : f32 to vector<16xf32>
        %mul3A_2071 = arith.mulf %mul3A_2070, %get3A_2068 : vector<16xf32>
        %sub3A_2072 = arith.constant 1.000000e+00 : f32
        %sub3A_2073 = vector.broadcast %sub3A_2072 : f32 to vector<16xf32>
        %sub3A_2074 = arith.subf %mul3A_2071, %sub3A_2073 : vector<16xf32>
        %mul3A_2075 = arith.mulf %get3A_2065, %sub3A_2074 : vector<16xf32>
        %sub3A_2076 = arith.constant 1.000000e+00 : f32
        %sub3A_2077 = vector.broadcast %sub3A_2076 : f32 to vector<16xf32>
        %sub3A_2078 = arith.subf %sub3A_2077, %mul3A_2075 : vector<16xf32>
        %bitcast_convert_type3A_2079 = tpu.bitcast %sub3A_2078 : vector<16xf32> -> vector<16xi32>
        %gt3A_2080 = arith.constant 0.000000e+00 : f32
        %gt3A_2081 = vector.broadcast %gt3A_2080 : f32 to vector<16xf32>
        %gt3A_2082 = arith.cmpf ogt, %sub3A_2078, %gt3A_2081 : vector<16xf32>
        %shift_right_logical3A_2083 = arith.constant 12 : i32
        %shift_right_logical3A_2084 = vector.broadcast %shift_right_logical3A_2083 : i32 to vector<16xi32>
        %shift_right_logical3A_2085 = arith.shrui %bitcast_convert_type3A_2079, %shift_right_logical3A_2084 : vector<16xi32>
        %jit3A_2086 = arith.constant 0 : i32
        %broadcast_in_dim3A_2087 = vector.broadcast %jit3A_2086 : i32 to vector<16xi32>
        %select_n3A_2088 = arith.select %gt3A_2082, %shift_right_logical3A_2085, %broadcast_in_dim3A_2087 : vector<16xi1>, vector<16xi32>
        %swap3A_2089 = arith.constant 752 : index
        %swap3A_2090 = tpu.vector_load %arg12[%swap3A_2089] {strides = array<i32>} : memref<1024xi32, #tpu.memory_space<vmem>>, vector<16xi32>,
        %swap3A_2091 = vector.shape_cast %swap3A_2090 : vector<16xi32> to vector<16xi32>
        %swap3A_2092 = vector.shape_cast %select_n3A_2088 : vector<16xi32> to vector<16xi32>
        tpu.vector_store %arg12[%swap3A_2089], %swap3A_2092 {strides = array<i32>} : memref<1024xi32, #tpu.memory_space<vmem>>, vector<16xi32>,
        %max3A_2093 = arith.constant 0.000000e+00 : f32
        %max3A_2094 = vector.broadcast %max3A_2093 : f32 to vector<16xf32>
        %max3A_2095 = arith.maximumf %sub3A_2078, %max3A_2094 : vector<16xf32>
        %swap3A_2096 = arith.constant 752 : index
        %swap3A_2097 = tpu.vector_load %arg13[%swap3A_2096] {strides = array<i32>} : memref<1024xf32, #tpu.memory_space<vmem>>, vector<16xf32>,
        %swap3A_2098 = vector.shape_cast %swap3A_2097 : vector<16xf32> to vector<16xf32>
        %swap3A_2099 = vector.shape_cast %max3A_2095 : vector<16xf32> to vector<16xf32>
        tpu.vector_store %arg13[%swap3A_2096], %swap3A_2099 {strides = array<i32>} : memref<1024xf32, #tpu.memory_space<vmem>>, vector<16xf32>,
        %swap3A_2100 = arith.constant 752 : index
        %swap3A_2101 = tpu.vector_load %arg14[%swap3A_2100] {strides = array<i32>} : memref<1024xf32, #tpu.memory_space<vmem>>, vector<16xf32>,
        %swap3A_2102 = vector.shape_cast %swap3A_2101 : vector<16xf32> to vector<16xf32>
        %swap3A_2103 = vector.shape_cast %get3A_2068 : vector<16xf32> to vector<16xf32>
        tpu.vector_store %arg14[%swap3A_2100], %swap3A_2103 {strides = array<i32>} : memref<1024xf32, #tpu.memory_space<vmem>>, vector<16xf32>,
        %add3A_2104 = arith.constant 768 : i32
        %add3A_2105 = arith.addi %mul3A_49, %add3A_2104 : i32
        %get3A_2106 = arith.index_cast %add3A_2105 : i32 to index
        %get3A_2107 = tpu.vector_load %arg10[%get3A_2106] {strides = array<i32>} : memref<2048xf32, #tpu.memory_space<vmem>>, vector<16xf32>,
        %get3A_2108 = vector.shape_cast %get3A_2107 : vector<16xf32> to vector<16xf32>
        %get3A_2109 = arith.index_cast %add3A_2105 : i32 to index
        %get3A_2110 = tpu.vector_load %arg11[%get3A_2109] {strides = array<i32>} : memref<2048xf32, #tpu.memory_space<vmem>>, vector<16xf32>,
        %get3A_2111 = vector.shape_cast %get3A_2110 : vector<16xf32> to vector<16xf32>
        %mul3A_2112 = arith.constant 2.000000e+00 : f32
        %mul3A_2113 = vector.broadcast %mul3A_2112 : f32 to vector<16xf32>
        %mul3A_2114 = arith.mulf %mul3A_2113, %get3A_2111 : vector<16xf32>
        %sub3A_2115 = arith.constant 1.000000e+00 : f32
        %sub3A_2116 = vector.broadcast %sub3A_2115 : f32 to vector<16xf32>
        %sub3A_2117 = arith.subf %mul3A_2114, %sub3A_2116 : vector<16xf32>
        %mul3A_2118 = arith.mulf %get3A_2108, %sub3A_2117 : vector<16xf32>
        %sub3A_2119 = arith.constant 1.000000e+00 : f32
        %sub3A_2120 = vector.broadcast %sub3A_2119 : f32 to vector<16xf32>
        %sub3A_2121 = arith.subf %sub3A_2120, %mul3A_2118 : vector<16xf32>
        %bitcast_convert_type3A_2122 = tpu.bitcast %sub3A_2121 : vector<16xf32> -> vector<16xi32>
        %gt3A_2123 = arith.constant 0.000000e+00 : f32
        %gt3A_2124 = vector.broadcast %gt3A_2123 : f32 to vector<16xf32>
        %gt3A_2125 = arith.cmpf ogt, %sub3A_2121, %gt3A_2124 : vector<16xf32>
        %shift_right_logical3A_2126 = arith.constant 12 : i32
        %shift_right_logical3A_2127 = vector.broadcast %shift_right_logical3A_2126 : i32 to vector<16xi32>
        %shift_right_logical3A_2128 = arith.shrui %bitcast_convert_type3A_2122, %shift_right_logical3A_2127 : vector<16xi32>
        %jit3A_2129 = arith.constant 0 : i32
        %broadcast_in_dim3A_2130 = vector.broadcast %jit3A_2129 : i32 to vector<16xi32>
        %select_n3A_2131 = arith.select %gt3A_2125, %shift_right_logical3A_2128, %broadcast_in_dim3A_2130 : vector<16xi1>, vector<16xi32>
        %swap3A_2132 = arith.constant 768 : index
        %swap3A_2133 = tpu.vector_load %arg12[%swap3A_2132] {strides = array<i32>} : memref<1024xi32, #tpu.memory_space<vmem>>, vector<16xi32>,
        %swap3A_2134 = vector.shape_cast %swap3A_2133 : vector<16xi32> to vector<16xi32>
        %swap3A_2135 = vector.shape_cast %select_n3A_2131 : vector<16xi32> to vector<16xi32>
        tpu.vector_store %arg12[%swap3A_2132], %swap3A_2135 {strides = array<i32>} : memref<1024xi32, #tpu.memory_space<vmem>>, vector<16xi32>,
        %max3A_2136 = arith.constant 0.000000e+00 : f32
        %max3A_2137 = vector.broadcast %max3A_2136 : f32 to vector<16xf32>
        %max3A_2138 = arith.maximumf %sub3A_2121, %max3A_2137 : vector<16xf32>
        %swap3A_2139 = arith.constant 768 : index
        %swap3A_2140 = tpu.vector_load %arg13[%swap3A_2139] {strides = array<i32>} : memref<1024xf32, #tpu.memory_space<vmem>>, vector<16xf32>,
        %swap3A_2141 = vector.shape_cast %swap3A_2140 : vector<16xf32> to vector<16xf32>
        %swap3A_2142 = vector.shape_cast %max3A_2138 : vector<16xf32> to vector<16xf32>
        tpu.vector_store %arg13[%swap3A_2139], %swap3A_2142 {strides = array<i32>} : memref<1024xf32, #tpu.memory_space<vmem>>, vector<16xf32>,
        %swap3A_2143 = arith.constant 768 : index
        %swap3A_2144 = tpu.vector_load %arg14[%swap3A_2143] {strides = array<i32>} : memref<1024xf32, #tpu.memory_space<vmem>>, vector<16xf32>,
        %swap3A_2145 = vector.shape_cast %swap3A_2144 : vector<16xf32> to vector<16xf32>
        %swap3A_2146 = vector.shape_cast %get3A_2111 : vector<16xf32> to vector<16xf32>
        tpu.vector_store %arg14[%swap3A_2143], %swap3A_2146 {strides = array<i32>} : memref<1024xf32, #tpu.memory_space<vmem>>, vector<16xf32>,
        %add3A_2147 = arith.constant 784 : i32
        %add3A_2148 = arith.addi %mul3A_49, %add3A_2147 : i32
        %get3A_2149 = arith.index_cast %add3A_2148 : i32 to index
        %get3A_2150 = tpu.vector_load %arg10[%get3A_2149] {strides = array<i32>} : memref<2048xf32, #tpu.memory_space<vmem>>, vector<16xf32>,
        %get3A_2151 = vector.shape_cast %get3A_2150 : vector<16xf32> to vector<16xf32>
        %get3A_2152 = arith.index_cast %add3A_2148 : i32 to index
        %get3A_2153 = tpu.vector_load %arg11[%get3A_2152] {strides = array<i32>} : memref<2048xf32, #tpu.memory_space<vmem>>, vector<16xf32>,
        %get3A_2154 = vector.shape_cast %get3A_2153 : vector<16xf32> to vector<16xf32>
        %mul3A_2155 = arith.constant 2.000000e+00 : f32
        %mul3A_2156 = vector.broadcast %mul3A_2155 : f32 to vector<16xf32>
        %mul3A_2157 = arith.mulf %mul3A_2156, %get3A_2154 : vector<16xf32>
        %sub3A_2158 = arith.constant 1.000000e+00 : f32
        %sub3A_2159 = vector.broadcast %sub3A_2158 : f32 to vector<16xf32>
        %sub3A_2160 = arith.subf %mul3A_2157, %sub3A_2159 : vector<16xf32>
        %mul3A_2161 = arith.mulf %get3A_2151, %sub3A_2160 : vector<16xf32>
        %sub3A_2162 = arith.constant 1.000000e+00 : f32
        %sub3A_2163 = vector.broadcast %sub3A_2162 : f32 to vector<16xf32>
        %sub3A_2164 = arith.subf %sub3A_2163, %mul3A_2161 : vector<16xf32>
        %bitcast_convert_type3A_2165 = tpu.bitcast %sub3A_2164 : vector<16xf32> -> vector<16xi32>
        %gt3A_2166 = arith.constant 0.000000e+00 : f32
        %gt3A_2167 = vector.broadcast %gt3A_2166 : f32 to vector<16xf32>
        %gt3A_2168 = arith.cmpf ogt, %sub3A_2164, %gt3A_2167 : vector<16xf32>
        %shift_right_logical3A_2169 = arith.constant 12 : i32
        %shift_right_logical3A_2170 = vector.broadcast %shift_right_logical3A_2169 : i32 to vector<16xi32>
        %shift_right_logical3A_2171 = arith.shrui %bitcast_convert_type3A_2165, %shift_right_logical3A_2170 : vector<16xi32>
        %jit3A_2172 = arith.constant 0 : i32
        %broadcast_in_dim3A_2173 = vector.broadcast %jit3A_2172 : i32 to vector<16xi32>
        %select_n3A_2174 = arith.select %gt3A_2168, %shift_right_logical3A_2171, %broadcast_in_dim3A_2173 : vector<16xi1>, vector<16xi32>
        %swap3A_2175 = arith.constant 784 : index
        %swap3A_2176 = tpu.vector_load %arg12[%swap3A_2175] {strides = array<i32>} : memref<1024xi32, #tpu.memory_space<vmem>>, vector<16xi32>,
        %swap3A_2177 = vector.shape_cast %swap3A_2176 : vector<16xi32> to vector<16xi32>
        %swap3A_2178 = vector.shape_cast %select_n3A_2174 : vector<16xi32> to vector<16xi32>
        tpu.vector_store %arg12[%swap3A_2175], %swap3A_2178 {strides = array<i32>} : memref<1024xi32, #tpu.memory_space<vmem>>, vector<16xi32>,
        %max3A_2179 = arith.constant 0.000000e+00 : f32
        %max3A_2180 = vector.broadcast %max3A_2179 : f32 to vector<16xf32>
        %max3A_2181 = arith.maximumf %sub3A_2164, %max3A_2180 : vector<16xf32>
        %swap3A_2182 = arith.constant 784 : index
        %swap3A_2183 = tpu.vector_load %arg13[%swap3A_2182] {strides = array<i32>} : memref<1024xf32, #tpu.memory_space<vmem>>, vector<16xf32>,
        %swap3A_2184 = vector.shape_cast %swap3A_2183 : vector<16xf32> to vector<16xf32>
        %swap3A_2185 = vector.shape_cast %max3A_2181 : vector<16xf32> to vector<16xf32>
        tpu.vector_store %arg13[%swap3A_2182], %swap3A_2185 {strides = array<i32>} : memref<1024xf32, #tpu.memory_space<vmem>>, vector<16xf32>,
        %swap3A_2186 = arith.constant 784 : index
        %swap3A_2187 = tpu.vector_load %arg14[%swap3A_2186] {strides = array<i32>} : memref<1024xf32, #tpu.memory_space<vmem>>, vector<16xf32>,
        %swap3A_2188 = vector.shape_cast %swap3A_2187 : vector<16xf32> to vector<16xf32>
        %swap3A_2189 = vector.shape_cast %get3A_2154 : vector<16xf32> to vector<16xf32>
        tpu.vector_store %arg14[%swap3A_2186], %swap3A_2189 {strides = array<i32>} : memref<1024xf32, #tpu.memory_space<vmem>>, vector<16xf32>,
        %add3A_2190 = arith.constant 800 : i32
        %add3A_2191 = arith.addi %mul3A_49, %add3A_2190 : i32
        %get3A_2192 = arith.index_cast %add3A_2191 : i32 to index
        %get3A_2193 = tpu.vector_load %arg10[%get3A_2192] {strides = array<i32>} : memref<2048xf32, #tpu.memory_space<vmem>>, vector<16xf32>,
        %get3A_2194 = vector.shape_cast %get3A_2193 : vector<16xf32> to vector<16xf32>
        %get3A_2195 = arith.index_cast %add3A_2191 : i32 to index
        %get3A_2196 = tpu.vector_load %arg11[%get3A_2195] {strides = array<i32>} : memref<2048xf32, #tpu.memory_space<vmem>>, vector<16xf32>,
        %get3A_2197 = vector.shape_cast %get3A_2196 : vector<16xf32> to vector<16xf32>
        %mul3A_2198 = arith.constant 2.000000e+00 : f32
        %mul3A_2199 = vector.broadcast %mul3A_2198 : f32 to vector<16xf32>
        %mul3A_2200 = arith.mulf %mul3A_2199, %get3A_2197 : vector<16xf32>
        %sub3A_2201 = arith.constant 1.000000e+00 : f32
        %sub3A_2202 = vector.broadcast %sub3A_2201 : f32 to vector<16xf32>
        %sub3A_2203 = arith.subf %mul3A_2200, %sub3A_2202 : vector<16xf32>
        %mul3A_2204 = arith.mulf %get3A_2194, %sub3A_2203 : vector<16xf32>
        %sub3A_2205 = arith.constant 1.000000e+00 : f32
        %sub3A_2206 = vector.broadcast %sub3A_2205 : f32 to vector<16xf32>
        %sub3A_2207 = arith.subf %sub3A_2206, %mul3A_2204 : vector<16xf32>
        %bitcast_convert_type3A_2208 = tpu.bitcast %sub3A_2207 : vector<16xf32> -> vector<16xi32>
        %gt3A_2209 = arith.constant 0.000000e+00 : f32
        %gt3A_2210 = vector.broadcast %gt3A_2209 : f32 to vector<16xf32>
        %gt3A_2211 = arith.cmpf ogt, %sub3A_2207, %gt3A_2210 : vector<16xf32>
        %shift_right_logical3A_2212 = arith.constant 12 : i32
        %shift_right_logical3A_2213 = vector.broadcast %shift_right_logical3A_2212 : i32 to vector<16xi32>
        %shift_right_logical3A_2214 = arith.shrui %bitcast_convert_type3A_2208, %shift_right_logical3A_2213 : vector<16xi32>
        %jit3A_2215 = arith.constant 0 : i32
        %broadcast_in_dim3A_2216 = vector.broadcast %jit3A_2215 : i32 to vector<16xi32>
        %select_n3A_2217 = arith.select %gt3A_2211, %shift_right_logical3A_2214, %broadcast_in_dim3A_2216 : vector<16xi1>, vector<16xi32>
        %swap3A_2218 = arith.constant 800 : index
        %swap3A_2219 = tpu.vector_load %arg12[%swap3A_2218] {strides = array<i32>} : memref<1024xi32, #tpu.memory_space<vmem>>, vector<16xi32>,
        %swap3A_2220 = vector.shape_cast %swap3A_2219 : vector<16xi32> to vector<16xi32>
        %swap3A_2221 = vector.shape_cast %select_n3A_2217 : vector<16xi32> to vector<16xi32>
        tpu.vector_store %arg12[%swap3A_2218], %swap3A_2221 {strides = array<i32>} : memref<1024xi32, #tpu.memory_space<vmem>>, vector<16xi32>,
        %max3A_2222 = arith.constant 0.000000e+00 : f32
        %max3A_2223 = vector.broadcast %max3A_2222 : f32 to vector<16xf32>
        %max3A_2224 = arith.maximumf %sub3A_2207, %max3A_2223 : vector<16xf32>
        %swap3A_2225 = arith.constant 800 : index
        %swap3A_2226 = tpu.vector_load %arg13[%swap3A_2225] {strides = array<i32>} : memref<1024xf32, #tpu.memory_space<vmem>>, vector<16xf32>,
        %swap3A_2227 = vector.shape_cast %swap3A_2226 : vector<16xf32> to vector<16xf32>
        %swap3A_2228 = vector.shape_cast %max3A_2224 : vector<16xf32> to vector<16xf32>
        tpu.vector_store %arg13[%swap3A_2225], %swap3A_2228 {strides = array<i32>} : memref<1024xf32, #tpu.memory_space<vmem>>, vector<16xf32>,
        %swap3A_2229 = arith.constant 800 : index
        %swap3A_2230 = tpu.vector_load %arg14[%swap3A_2229] {strides = array<i32>} : memref<1024xf32, #tpu.memory_space<vmem>>, vector<16xf32>,
        %swap3A_2231 = vector.shape_cast %swap3A_2230 : vector<16xf32> to vector<16xf32>
        %swap3A_2232 = vector.shape_cast %get3A_2197 : vector<16xf32> to vector<16xf32>
        tpu.vector_store %arg14[%swap3A_2229], %swap3A_2232 {strides = array<i32>} : memref<1024xf32, #tpu.memory_space<vmem>>, vector<16xf32>,
        %add3A_2233 = arith.constant 816 : i32
        %add3A_2234 = arith.addi %mul3A_49, %add3A_2233 : i32
        %get3A_2235 = arith.index_cast %add3A_2234 : i32 to index
        %get3A_2236 = tpu.vector_load %arg10[%get3A_2235] {strides = array<i32>} : memref<2048xf32, #tpu.memory_space<vmem>>, vector<16xf32>,
        %get3A_2237 = vector.shape_cast %get3A_2236 : vector<16xf32> to vector<16xf32>
        %get3A_2238 = arith.index_cast %add3A_2234 : i32 to index
        %get3A_2239 = tpu.vector_load %arg11[%get3A_2238] {strides = array<i32>} : memref<2048xf32, #tpu.memory_space<vmem>>, vector<16xf32>,
        %get3A_2240 = vector.shape_cast %get3A_2239 : vector<16xf32> to vector<16xf32>
        %mul3A_2241 = arith.constant 2.000000e+00 : f32
        %mul3A_2242 = vector.broadcast %mul3A_2241 : f32 to vector<16xf32>
        %mul3A_2243 = arith.mulf %mul3A_2242, %get3A_2240 : vector<16xf32>
        %sub3A_2244 = arith.constant 1.000000e+00 : f32
        %sub3A_2245 = vector.broadcast %sub3A_2244 : f32 to vector<16xf32>
        %sub3A_2246 = arith.subf %mul3A_2243, %sub3A_2245 : vector<16xf32>
        %mul3A_2247 = arith.mulf %get3A_2237, %sub3A_2246 : vector<16xf32>
        %sub3A_2248 = arith.constant 1.000000e+00 : f32
        %sub3A_2249 = vector.broadcast %sub3A_2248 : f32 to vector<16xf32>
        %sub3A_2250 = arith.subf %sub3A_2249, %mul3A_2247 : vector<16xf32>
        %bitcast_convert_type3A_2251 = tpu.bitcast %sub3A_2250 : vector<16xf32> -> vector<16xi32>
        %gt3A_2252 = arith.constant 0.000000e+00 : f32
        %gt3A_2253 = vector.broadcast %gt3A_2252 : f32 to vector<16xf32>
        %gt3A_2254 = arith.cmpf ogt, %sub3A_2250, %gt3A_2253 : vector<16xf32>
        %shift_right_logical3A_2255 = arith.constant 12 : i32
        %shift_right_logical3A_2256 = vector.broadcast %shift_right_logical3A_2255 : i32 to vector<16xi32>
        %shift_right_logical3A_2257 = arith.shrui %bitcast_convert_type3A_2251, %shift_right_logical3A_2256 : vector<16xi32>
        %jit3A_2258 = arith.constant 0 : i32
        %broadcast_in_dim3A_2259 = vector.broadcast %jit3A_2258 : i32 to vector<16xi32>
        %select_n3A_2260 = arith.select %gt3A_2254, %shift_right_logical3A_2257, %broadcast_in_dim3A_2259 : vector<16xi1>, vector<16xi32>
        %swap3A_2261 = arith.constant 816 : index
        %swap3A_2262 = tpu.vector_load %arg12[%swap3A_2261] {strides = array<i32>} : memref<1024xi32, #tpu.memory_space<vmem>>, vector<16xi32>,
        %swap3A_2263 = vector.shape_cast %swap3A_2262 : vector<16xi32> to vector<16xi32>
        %swap3A_2264 = vector.shape_cast %select_n3A_2260 : vector<16xi32> to vector<16xi32>
        tpu.vector_store %arg12[%swap3A_2261], %swap3A_2264 {strides = array<i32>} : memref<1024xi32, #tpu.memory_space<vmem>>, vector<16xi32>,
        %max3A_2265 = arith.constant 0.000000e+00 : f32
        %max3A_2266 = vector.broadcast %max3A_2265 : f32 to vector<16xf32>
        %max3A_2267 = arith.maximumf %sub3A_2250, %max3A_2266 : vector<16xf32>
        %swap3A_2268 = arith.constant 816 : index
        %swap3A_2269 = tpu.vector_load %arg13[%swap3A_2268] {strides = array<i32>} : memref<1024xf32, #tpu.memory_space<vmem>>, vector<16xf32>,
        %swap3A_2270 = vector.shape_cast %swap3A_2269 : vector<16xf32> to vector<16xf32>
        %swap3A_2271 = vector.shape_cast %max3A_2267 : vector<16xf32> to vector<16xf32>
        tpu.vector_store %arg13[%swap3A_2268], %swap3A_2271 {strides = array<i32>} : memref<1024xf32, #tpu.memory_space<vmem>>, vector<16xf32>,
        %swap3A_2272 = arith.constant 816 : index
        %swap3A_2273 = tpu.vector_load %arg14[%swap3A_2272] {strides = array<i32>} : memref<1024xf32, #tpu.memory_space<vmem>>, vector<16xf32>,
        %swap3A_2274 = vector.shape_cast %swap3A_2273 : vector<16xf32> to vector<16xf32>
        %swap3A_2275 = vector.shape_cast %get3A_2240 : vector<16xf32> to vector<16xf32>
        tpu.vector_store %arg14[%swap3A_2272], %swap3A_2275 {strides = array<i32>} : memref<1024xf32, #tpu.memory_space<vmem>>, vector<16xf32>,
        %add3A_2276 = arith.constant 832 : i32
        %add3A_2277 = arith.addi %mul3A_49, %add3A_2276 : i32
        %get3A_2278 = arith.index_cast %add3A_2277 : i32 to index
        %get3A_2279 = tpu.vector_load %arg10[%get3A_2278] {strides = array<i32>} : memref<2048xf32, #tpu.memory_space<vmem>>, vector<16xf32>,
        %get3A_2280 = vector.shape_cast %get3A_2279 : vector<16xf32> to vector<16xf32>
        %get3A_2281 = arith.index_cast %add3A_2277 : i32 to index
        %get3A_2282 = tpu.vector_load %arg11[%get3A_2281] {strides = array<i32>} : memref<2048xf32, #tpu.memory_space<vmem>>, vector<16xf32>,
        %get3A_2283 = vector.shape_cast %get3A_2282 : vector<16xf32> to vector<16xf32>
        %mul3A_2284 = arith.constant 2.000000e+00 : f32
        %mul3A_2285 = vector.broadcast %mul3A_2284 : f32 to vector<16xf32>
        %mul3A_2286 = arith.mulf %mul3A_2285, %get3A_2283 : vector<16xf32>
        %sub3A_2287 = arith.constant 1.000000e+00 : f32
        %sub3A_2288 = vector.broadcast %sub3A_2287 : f32 to vector<16xf32>
        %sub3A_2289 = arith.subf %mul3A_2286, %sub3A_2288 : vector<16xf32>
        %mul3A_2290 = arith.mulf %get3A_2280, %sub3A_2289 : vector<16xf32>
        %sub3A_2291 = arith.constant 1.000000e+00 : f32
        %sub3A_2292 = vector.broadcast %sub3A_2291 : f32 to vector<16xf32>
        %sub3A_2293 = arith.subf %sub3A_2292, %mul3A_2290 : vector<16xf32>
        %bitcast_convert_type3A_2294 = tpu.bitcast %sub3A_2293 : vector<16xf32> -> vector<16xi32>
        %gt3A_2295 = arith.constant 0.000000e+00 : f32
        %gt3A_2296 = vector.broadcast %gt3A_2295 : f32 to vector<16xf32>
        %gt3A_2297 = arith.cmpf ogt, %sub3A_2293, %gt3A_2296 : vector<16xf32>
        %shift_right_logical3A_2298 = arith.constant 12 : i32
        %shift_right_logical3A_2299 = vector.broadcast %shift_right_logical3A_2298 : i32 to vector<16xi32>
        %shift_right_logical3A_2300 = arith.shrui %bitcast_convert_type3A_2294, %shift_right_logical3A_2299 : vector<16xi32>
        %jit3A_2301 = arith.constant 0 : i32
        %broadcast_in_dim3A_2302 = vector.broadcast %jit3A_2301 : i32 to vector<16xi32>
        %select_n3A_2303 = arith.select %gt3A_2297, %shift_right_logical3A_2300, %broadcast_in_dim3A_2302 : vector<16xi1>, vector<16xi32>
        %swap3A_2304 = arith.constant 832 : index
        %swap3A_2305 = tpu.vector_load %arg12[%swap3A_2304] {strides = array<i32>} : memref<1024xi32, #tpu.memory_space<vmem>>, vector<16xi32>,
        %swap3A_2306 = vector.shape_cast %swap3A_2305 : vector<16xi32> to vector<16xi32>
        %swap3A_2307 = vector.shape_cast %select_n3A_2303 : vector<16xi32> to vector<16xi32>
        tpu.vector_store %arg12[%swap3A_2304], %swap3A_2307 {strides = array<i32>} : memref<1024xi32, #tpu.memory_space<vmem>>, vector<16xi32>,
        %max3A_2308 = arith.constant 0.000000e+00 : f32
        %max3A_2309 = vector.broadcast %max3A_2308 : f32 to vector<16xf32>
        %max3A_2310 = arith.maximumf %sub3A_2293, %max3A_2309 : vector<16xf32>
        %swap3A_2311 = arith.constant 832 : index
        %swap3A_2312 = tpu.vector_load %arg13[%swap3A_2311] {strides = array<i32>} : memref<1024xf32, #tpu.memory_space<vmem>>, vector<16xf32>,
        %swap3A_2313 = vector.shape_cast %swap3A_2312 : vector<16xf32> to vector<16xf32>
        %swap3A_2314 = vector.shape_cast %max3A_2310 : vector<16xf32> to vector<16xf32>
        tpu.vector_store %arg13[%swap3A_2311], %swap3A_2314 {strides = array<i32>} : memref<1024xf32, #tpu.memory_space<vmem>>, vector<16xf32>,
        %swap3A_2315 = arith.constant 832 : index
        %swap3A_2316 = tpu.vector_load %arg14[%swap3A_2315] {strides = array<i32>} : memref<1024xf32, #tpu.memory_space<vmem>>, vector<16xf32>,
        %swap3A_2317 = vector.shape_cast %swap3A_2316 : vector<16xf32> to vector<16xf32>
        %swap3A_2318 = vector.shape_cast %get3A_2283 : vector<16xf32> to vector<16xf32>
        tpu.vector_store %arg14[%swap3A_2315], %swap3A_2318 {strides = array<i32>} : memref<1024xf32, #tpu.memory_space<vmem>>, vector<16xf32>,
        %add3A_2319 = arith.constant 848 : i32
        %add3A_2320 = arith.addi %mul3A_49, %add3A_2319 : i32
        %get3A_2321 = arith.index_cast %add3A_2320 : i32 to index
        %get3A_2322 = tpu.vector_load %arg10[%get3A_2321] {strides = array<i32>} : memref<2048xf32, #tpu.memory_space<vmem>>, vector<16xf32>,
        %get3A_2323 = vector.shape_cast %get3A_2322 : vector<16xf32> to vector<16xf32>
        %get3A_2324 = arith.index_cast %add3A_2320 : i32 to index
        %get3A_2325 = tpu.vector_load %arg11[%get3A_2324] {strides = array<i32>} : memref<2048xf32, #tpu.memory_space<vmem>>, vector<16xf32>,
        %get3A_2326 = vector.shape_cast %get3A_2325 : vector<16xf32> to vector<16xf32>
        %mul3A_2327 = arith.constant 2.000000e+00 : f32
        %mul3A_2328 = vector.broadcast %mul3A_2327 : f32 to vector<16xf32>
        %mul3A_2329 = arith.mulf %mul3A_2328, %get3A_2326 : vector<16xf32>
        %sub3A_2330 = arith.constant 1.000000e+00 : f32
        %sub3A_2331 = vector.broadcast %sub3A_2330 : f32 to vector<16xf32>
        %sub3A_2332 = arith.subf %mul3A_2329, %sub3A_2331 : vector<16xf32>
        %mul3A_2333 = arith.mulf %get3A_2323, %sub3A_2332 : vector<16xf32>
        %sub3A_2334 = arith.constant 1.000000e+00 : f32
        %sub3A_2335 = vector.broadcast %sub3A_2334 : f32 to vector<16xf32>
        %sub3A_2336 = arith.subf %sub3A_2335, %mul3A_2333 : vector<16xf32>
        %bitcast_convert_type3A_2337 = tpu.bitcast %sub3A_2336 : vector<16xf32> -> vector<16xi32>
        %gt3A_2338 = arith.constant 0.000000e+00 : f32
        %gt3A_2339 = vector.broadcast %gt3A_2338 : f32 to vector<16xf32>
        %gt3A_2340 = arith.cmpf ogt, %sub3A_2336, %gt3A_2339 : vector<16xf32>
        %shift_right_logical3A_2341 = arith.constant 12 : i32
        %shift_right_logical3A_2342 = vector.broadcast %shift_right_logical3A_2341 : i32 to vector<16xi32>
        %shift_right_logical3A_2343 = arith.shrui %bitcast_convert_type3A_2337, %shift_right_logical3A_2342 : vector<16xi32>
        %jit3A_2344 = arith.constant 0 : i32
        %broadcast_in_dim3A_2345 = vector.broadcast %jit3A_2344 : i32 to vector<16xi32>
        %select_n3A_2346 = arith.select %gt3A_2340, %shift_right_logical3A_2343, %broadcast_in_dim3A_2345 : vector<16xi1>, vector<16xi32>
        %swap3A_2347 = arith.constant 848 : index
        %swap3A_2348 = tpu.vector_load %arg12[%swap3A_2347] {strides = array<i32>} : memref<1024xi32, #tpu.memory_space<vmem>>, vector<16xi32>,
        %swap3A_2349 = vector.shape_cast %swap3A_2348 : vector<16xi32> to vector<16xi32>
        %swap3A_2350 = vector.shape_cast %select_n3A_2346 : vector<16xi32> to vector<16xi32>
        tpu.vector_store %arg12[%swap3A_2347], %swap3A_2350 {strides = array<i32>} : memref<1024xi32, #tpu.memory_space<vmem>>, vector<16xi32>,
        %max3A_2351 = arith.constant 0.000000e+00 : f32
        %max3A_2352 = vector.broadcast %max3A_2351 : f32 to vector<16xf32>
        %max3A_2353 = arith.maximumf %sub3A_2336, %max3A_2352 : vector<16xf32>
        %swap3A_2354 = arith.constant 848 : index
        %swap3A_2355 = tpu.vector_load %arg13[%swap3A_2354] {strides = array<i32>} : memref<1024xf32, #tpu.memory_space<vmem>>, vector<16xf32>,
        %swap3A_2356 = vector.shape_cast %swap3A_2355 : vector<16xf32> to vector<16xf32>
        %swap3A_2357 = vector.shape_cast %max3A_2353 : vector<16xf32> to vector<16xf32>
        tpu.vector_store %arg13[%swap3A_2354], %swap3A_2357 {strides = array<i32>} : memref<1024xf32, #tpu.memory_space<vmem>>, vector<16xf32>,
        %swap3A_2358 = arith.constant 848 : index
        %swap3A_2359 = tpu.vector_load %arg14[%swap3A_2358] {strides = array<i32>} : memref<1024xf32, #tpu.memory_space<vmem>>, vector<16xf32>,
        %swap3A_2360 = vector.shape_cast %swap3A_2359 : vector<16xf32> to vector<16xf32>
        %swap3A_2361 = vector.shape_cast %get3A_2326 : vector<16xf32> to vector<16xf32>
        tpu.vector_store %arg14[%swap3A_2358], %swap3A_2361 {strides = array<i32>} : memref<1024xf32, #tpu.memory_space<vmem>>, vector<16xf32>,
        %add3A_2362 = arith.constant 864 : i32
        %add3A_2363 = arith.addi %mul3A_49, %add3A_2362 : i32
        %get3A_2364 = arith.index_cast %add3A_2363 : i32 to index
        %get3A_2365 = tpu.vector_load %arg10[%get3A_2364] {strides = array<i32>} : memref<2048xf32, #tpu.memory_space<vmem>>, vector<16xf32>,
        %get3A_2366 = vector.shape_cast %get3A_2365 : vector<16xf32> to vector<16xf32>
        %get3A_2367 = arith.index_cast %add3A_2363 : i32 to index
        %get3A_2368 = tpu.vector_load %arg11[%get3A_2367] {strides = array<i32>} : memref<2048xf32, #tpu.memory_space<vmem>>, vector<16xf32>,
        %get3A_2369 = vector.shape_cast %get3A_2368 : vector<16xf32> to vector<16xf32>
        %mul3A_2370 = arith.constant 2.000000e+00 : f32
        %mul3A_2371 = vector.broadcast %mul3A_2370 : f32 to vector<16xf32>
        %mul3A_2372 = arith.mulf %mul3A_2371, %get3A_2369 : vector<16xf32>
        %sub3A_2373 = arith.constant 1.000000e+00 : f32
        %sub3A_2374 = vector.broadcast %sub3A_2373 : f32 to vector<16xf32>
        %sub3A_2375 = arith.subf %mul3A_2372, %sub3A_2374 : vector<16xf32>
        %mul3A_2376 = arith.mulf %get3A_2366, %sub3A_2375 : vector<16xf32>
        %sub3A_2377 = arith.constant 1.000000e+00 : f32
        %sub3A_2378 = vector.broadcast %sub3A_2377 : f32 to vector<16xf32>
        %sub3A_2379 = arith.subf %sub3A_2378, %mul3A_2376 : vector<16xf32>
        %bitcast_convert_type3A_2380 = tpu.bitcast %sub3A_2379 : vector<16xf32> -> vector<16xi32>
        %gt3A_2381 = arith.constant 0.000000e+00 : f32
        %gt3A_2382 = vector.broadcast %gt3A_2381 : f32 to vector<16xf32>
        %gt3A_2383 = arith.cmpf ogt, %sub3A_2379, %gt3A_2382 : vector<16xf32>
        %shift_right_logical3A_2384 = arith.constant 12 : i32
        %shift_right_logical3A_2385 = vector.broadcast %shift_right_logical3A_2384 : i32 to vector<16xi32>
        %shift_right_logical3A_2386 = arith.shrui %bitcast_convert_type3A_2380, %shift_right_logical3A_2385 : vector<16xi32>
        %jit3A_2387 = arith.constant 0 : i32
        %broadcast_in_dim3A_2388 = vector.broadcast %jit3A_2387 : i32 to vector<16xi32>
        %select_n3A_2389 = arith.select %gt3A_2383, %shift_right_logical3A_2386, %broadcast_in_dim3A_2388 : vector<16xi1>, vector<16xi32>
        %swap3A_2390 = arith.constant 864 : index
        %swap3A_2391 = tpu.vector_load %arg12[%swap3A_2390] {strides = array<i32>} : memref<1024xi32, #tpu.memory_space<vmem>>, vector<16xi32>,
        %swap3A_2392 = vector.shape_cast %swap3A_2391 : vector<16xi32> to vector<16xi32>
        %swap3A_2393 = vector.shape_cast %select_n3A_2389 : vector<16xi32> to vector<16xi32>
        tpu.vector_store %arg12[%swap3A_2390], %swap3A_2393 {strides = array<i32>} : memref<1024xi32, #tpu.memory_space<vmem>>, vector<16xi32>,
        %max3A_2394 = arith.constant 0.000000e+00 : f32
        %max3A_2395 = vector.broadcast %max3A_2394 : f32 to vector<16xf32>
        %max3A_2396 = arith.maximumf %sub3A_2379, %max3A_2395 : vector<16xf32>
        %swap3A_2397 = arith.constant 864 : index
        %swap3A_2398 = tpu.vector_load %arg13[%swap3A_2397] {strides = array<i32>} : memref<1024xf32, #tpu.memory_space<vmem>>, vector<16xf32>,
        %swap3A_2399 = vector.shape_cast %swap3A_2398 : vector<16xf32> to vector<16xf32>
        %swap3A_2400 = vector.shape_cast %max3A_2396 : vector<16xf32> to vector<16xf32>
        tpu.vector_store %arg13[%swap3A_2397], %swap3A_2400 {strides = array<i32>} : memref<1024xf32, #tpu.memory_space<vmem>>, vector<16xf32>,
        %swap3A_2401 = arith.constant 864 : index
        %swap3A_2402 = tpu.vector_load %arg14[%swap3A_2401] {strides = array<i32>} : memref<1024xf32, #tpu.memory_space<vmem>>, vector<16xf32>,
        %swap3A_2403 = vector.shape_cast %swap3A_2402 : vector<16xf32> to vector<16xf32>
        %swap3A_2404 = vector.shape_cast %get3A_2369 : vector<16xf32> to vector<16xf32>
        tpu.vector_store %arg14[%swap3A_2401], %swap3A_2404 {strides = array<i32>} : memref<1024xf32, #tpu.memory_space<vmem>>, vector<16xf32>,
        %add3A_2405 = arith.constant 880 : i32
        %add3A_2406 = arith.addi %mul3A_49, %add3A_2405 : i32
        %get3A_2407 = arith.index_cast %add3A_2406 : i32 to index
        %get3A_2408 = tpu.vector_load %arg10[%get3A_2407] {strides = array<i32>} : memref<2048xf32, #tpu.memory_space<vmem>>, vector<16xf32>,
        %get3A_2409 = vector.shape_cast %get3A_2408 : vector<16xf32> to vector<16xf32>
        %get3A_2410 = arith.index_cast %add3A_2406 : i32 to index
        %get3A_2411 = tpu.vector_load %arg11[%get3A_2410] {strides = array<i32>} : memref<2048xf32, #tpu.memory_space<vmem>>, vector<16xf32>,
        %get3A_2412 = vector.shape_cast %get3A_2411 : vector<16xf32> to vector<16xf32>
        %mul3A_2413 = arith.constant 2.000000e+00 : f32
        %mul3A_2414 = vector.broadcast %mul3A_2413 : f32 to vector<16xf32>
        %mul3A_2415 = arith.mulf %mul3A_2414, %get3A_2412 : vector<16xf32>
        %sub3A_2416 = arith.constant 1.000000e+00 : f32
        %sub3A_2417 = vector.broadcast %sub3A_2416 : f32 to vector<16xf32>
        %sub3A_2418 = arith.subf %mul3A_2415, %sub3A_2417 : vector<16xf32>
        %mul3A_2419 = arith.mulf %get3A_2409, %sub3A_2418 : vector<16xf32>
        %sub3A_2420 = arith.constant 1.000000e+00 : f32
        %sub3A_2421 = vector.broadcast %sub3A_2420 : f32 to vector<16xf32>
        %sub3A_2422 = arith.subf %sub3A_2421, %mul3A_2419 : vector<16xf32>
        %bitcast_convert_type3A_2423 = tpu.bitcast %sub3A_2422 : vector<16xf32> -> vector<16xi32>
        %gt3A_2424 = arith.constant 0.000000e+00 : f32
        %gt3A_2425 = vector.broadcast %gt3A_2424 : f32 to vector<16xf32>
        %gt3A_2426 = arith.cmpf ogt, %sub3A_2422, %gt3A_2425 : vector<16xf32>
        %shift_right_logical3A_2427 = arith.constant 12 : i32
        %shift_right_logical3A_2428 = vector.broadcast %shift_right_logical3A_2427 : i32 to vector<16xi32>
        %shift_right_logical3A_2429 = arith.shrui %bitcast_convert_type3A_2423, %shift_right_logical3A_2428 : vector<16xi32>
        %jit3A_2430 = arith.constant 0 : i32
        %broadcast_in_dim3A_2431 = vector.broadcast %jit3A_2430 : i32 to vector<16xi32>
        %select_n3A_2432 = arith.select %gt3A_2426, %shift_right_logical3A_2429, %broadcast_in_dim3A_2431 : vector<16xi1>, vector<16xi32>
        %swap3A_2433 = arith.constant 880 : index
        %swap3A_2434 = tpu.vector_load %arg12[%swap3A_2433] {strides = array<i32>} : memref<1024xi32, #tpu.memory_space<vmem>>, vector<16xi32>,
        %swap3A_2435 = vector.shape_cast %swap3A_2434 : vector<16xi32> to vector<16xi32>
        %swap3A_2436 = vector.shape_cast %select_n3A_2432 : vector<16xi32> to vector<16xi32>
        tpu.vector_store %arg12[%swap3A_2433], %swap3A_2436 {strides = array<i32>} : memref<1024xi32, #tpu.memory_space<vmem>>, vector<16xi32>,
        %max3A_2437 = arith.constant 0.000000e+00 : f32
        %max3A_2438 = vector.broadcast %max3A_2437 : f32 to vector<16xf32>
        %max3A_2439 = arith.maximumf %sub3A_2422, %max3A_2438 : vector<16xf32>
        %swap3A_2440 = arith.constant 880 : index
        %swap3A_2441 = tpu.vector_load %arg13[%swap3A_2440] {strides = array<i32>} : memref<1024xf32, #tpu.memory_space<vmem>>, vector<16xf32>,
        %swap3A_2442 = vector.shape_cast %swap3A_2441 : vector<16xf32> to vector<16xf32>
        %swap3A_2443 = vector.shape_cast %max3A_2439 : vector<16xf32> to vector<16xf32>
        tpu.vector_store %arg13[%swap3A_2440], %swap3A_2443 {strides = array<i32>} : memref<1024xf32, #tpu.memory_space<vmem>>, vector<16xf32>,
        %swap3A_2444 = arith.constant 880 : index
        %swap3A_2445 = tpu.vector_load %arg14[%swap3A_2444] {strides = array<i32>} : memref<1024xf32, #tpu.memory_space<vmem>>, vector<16xf32>,
        %swap3A_2446 = vector.shape_cast %swap3A_2445 : vector<16xf32> to vector<16xf32>
        %swap3A_2447 = vector.shape_cast %get3A_2412 : vector<16xf32> to vector<16xf32>
        tpu.vector_store %arg14[%swap3A_2444], %swap3A_2447 {strides = array<i32>} : memref<1024xf32, #tpu.memory_space<vmem>>, vector<16xf32>,
        %add3A_2448 = arith.constant 896 : i32
        %add3A_2449 = arith.addi %mul3A_49, %add3A_2448 : i32
        %get3A_2450 = arith.index_cast %add3A_2449 : i32 to index
        %get3A_2451 = tpu.vector_load %arg10[%get3A_2450] {strides = array<i32>} : memref<2048xf32, #tpu.memory_space<vmem>>, vector<16xf32>,
        %get3A_2452 = vector.shape_cast %get3A_2451 : vector<16xf32> to vector<16xf32>
        %get3A_2453 = arith.index_cast %add3A_2449 : i32 to index
        %get3A_2454 = tpu.vector_load %arg11[%get3A_2453] {strides = array<i32>} : memref<2048xf32, #tpu.memory_space<vmem>>, vector<16xf32>,
        %get3A_2455 = vector.shape_cast %get3A_2454 : vector<16xf32> to vector<16xf32>
        %mul3A_2456 = arith.constant 2.000000e+00 : f32
        %mul3A_2457 = vector.broadcast %mul3A_2456 : f32 to vector<16xf32>
        %mul3A_2458 = arith.mulf %mul3A_2457, %get3A_2455 : vector<16xf32>
        %sub3A_2459 = arith.constant 1.000000e+00 : f32
        %sub3A_2460 = vector.broadcast %sub3A_2459 : f32 to vector<16xf32>
        %sub3A_2461 = arith.subf %mul3A_2458, %sub3A_2460 : vector<16xf32>
        %mul3A_2462 = arith.mulf %get3A_2452, %sub3A_2461 : vector<16xf32>
        %sub3A_2463 = arith.constant 1.000000e+00 : f32
        %sub3A_2464 = vector.broadcast %sub3A_2463 : f32 to vector<16xf32>
        %sub3A_2465 = arith.subf %sub3A_2464, %mul3A_2462 : vector<16xf32>
        %bitcast_convert_type3A_2466 = tpu.bitcast %sub3A_2465 : vector<16xf32> -> vector<16xi32>
        %gt3A_2467 = arith.constant 0.000000e+00 : f32
        %gt3A_2468 = vector.broadcast %gt3A_2467 : f32 to vector<16xf32>
        %gt3A_2469 = arith.cmpf ogt, %sub3A_2465, %gt3A_2468 : vector<16xf32>
        %shift_right_logical3A_2470 = arith.constant 12 : i32
        %shift_right_logical3A_2471 = vector.broadcast %shift_right_logical3A_2470 : i32 to vector<16xi32>
        %shift_right_logical3A_2472 = arith.shrui %bitcast_convert_type3A_2466, %shift_right_logical3A_2471 : vector<16xi32>
        %jit3A_2473 = arith.constant 0 : i32
        %broadcast_in_dim3A_2474 = vector.broadcast %jit3A_2473 : i32 to vector<16xi32>
        %select_n3A_2475 = arith.select %gt3A_2469, %shift_right_logical3A_2472, %broadcast_in_dim3A_2474 : vector<16xi1>, vector<16xi32>
        %swap3A_2476 = arith.constant 896 : index
        %swap3A_2477 = tpu.vector_load %arg12[%swap3A_2476] {strides = array<i32>} : memref<1024xi32, #tpu.memory_space<vmem>>, vector<16xi32>,
        %swap3A_2478 = vector.shape_cast %swap3A_2477 : vector<16xi32> to vector<16xi32>
        %swap3A_2479 = vector.shape_cast %select_n3A_2475 : vector<16xi32> to vector<16xi32>
        tpu.vector_store %arg12[%swap3A_2476], %swap3A_2479 {strides = array<i32>} : memref<1024xi32, #tpu.memory_space<vmem>>, vector<16xi32>,
        %max3A_2480 = arith.constant 0.000000e+00 : f32
        %max3A_2481 = vector.broadcast %max3A_2480 : f32 to vector<16xf32>
        %max3A_2482 = arith.maximumf %sub3A_2465, %max3A_2481 : vector<16xf32>
        %swap3A_2483 = arith.constant 896 : index
        %swap3A_2484 = tpu.vector_load %arg13[%swap3A_2483] {strides = array<i32>} : memref<1024xf32, #tpu.memory_space<vmem>>, vector<16xf32>,
        %swap3A_2485 = vector.shape_cast %swap3A_2484 : vector<16xf32> to vector<16xf32>
        %swap3A_2486 = vector.shape_cast %max3A_2482 : vector<16xf32> to vector<16xf32>
        tpu.vector_store %arg13[%swap3A_2483], %swap3A_2486 {strides = array<i32>} : memref<1024xf32, #tpu.memory_space<vmem>>, vector<16xf32>,
        %swap3A_2487 = arith.constant 896 : index
        %swap3A_2488 = tpu.vector_load %arg14[%swap3A_2487] {strides = array<i32>} : memref<1024xf32, #tpu.memory_space<vmem>>, vector<16xf32>,
        %swap3A_2489 = vector.shape_cast %swap3A_2488 : vector<16xf32> to vector<16xf32>
        %swap3A_2490 = vector.shape_cast %get3A_2455 : vector<16xf32> to vector<16xf32>
        tpu.vector_store %arg14[%swap3A_2487], %swap3A_2490 {strides = array<i32>} : memref<1024xf32, #tpu.memory_space<vmem>>, vector<16xf32>,
        %add3A_2491 = arith.constant 912 : i32
        %add3A_2492 = arith.addi %mul3A_49, %add3A_2491 : i32
        %get3A_2493 = arith.index_cast %add3A_2492 : i32 to index
        %get3A_2494 = tpu.vector_load %arg10[%get3A_2493] {strides = array<i32>} : memref<2048xf32, #tpu.memory_space<vmem>>, vector<16xf32>,
        %get3A_2495 = vector.shape_cast %get3A_2494 : vector<16xf32> to vector<16xf32>
        %get3A_2496 = arith.index_cast %add3A_2492 : i32 to index
        %get3A_2497 = tpu.vector_load %arg11[%get3A_2496] {strides = array<i32>} : memref<2048xf32, #tpu.memory_space<vmem>>, vector<16xf32>,
        %get3A_2498 = vector.shape_cast %get3A_2497 : vector<16xf32> to vector<16xf32>
        %mul3A_2499 = arith.constant 2.000000e+00 : f32
        %mul3A_2500 = vector.broadcast %mul3A_2499 : f32 to vector<16xf32>
        %mul3A_2501 = arith.mulf %mul3A_2500, %get3A_2498 : vector<16xf32>
        %sub3A_2502 = arith.constant 1.000000e+00 : f32
        %sub3A_2503 = vector.broadcast %sub3A_2502 : f32 to vector<16xf32>
        %sub3A_2504 = arith.subf %mul3A_2501, %sub3A_2503 : vector<16xf32>
        %mul3A_2505 = arith.mulf %get3A_2495, %sub3A_2504 : vector<16xf32>
        %sub3A_2506 = arith.constant 1.000000e+00 : f32
        %sub3A_2507 = vector.broadcast %sub3A_2506 : f32 to vector<16xf32>
        %sub3A_2508 = arith.subf %sub3A_2507, %mul3A_2505 : vector<16xf32>
        %bitcast_convert_type3A_2509 = tpu.bitcast %sub3A_2508 : vector<16xf32> -> vector<16xi32>
        %gt3A_2510 = arith.constant 0.000000e+00 : f32
        %gt3A_2511 = vector.broadcast %gt3A_2510 : f32 to vector<16xf32>
        %gt3A_2512 = arith.cmpf ogt, %sub3A_2508, %gt3A_2511 : vector<16xf32>
        %shift_right_logical3A_2513 = arith.constant 12 : i32
        %shift_right_logical3A_2514 = vector.broadcast %shift_right_logical3A_2513 : i32 to vector<16xi32>
        %shift_right_logical3A_2515 = arith.shrui %bitcast_convert_type3A_2509, %shift_right_logical3A_2514 : vector<16xi32>
        %jit3A_2516 = arith.constant 0 : i32
        %broadcast_in_dim3A_2517 = vector.broadcast %jit3A_2516 : i32 to vector<16xi32>
        %select_n3A_2518 = arith.select %gt3A_2512, %shift_right_logical3A_2515, %broadcast_in_dim3A_2517 : vector<16xi1>, vector<16xi32>
        %swap3A_2519 = arith.constant 912 : index
        %swap3A_2520 = tpu.vector_load %arg12[%swap3A_2519] {strides = array<i32>} : memref<1024xi32, #tpu.memory_space<vmem>>, vector<16xi32>,
        %swap3A_2521 = vector.shape_cast %swap3A_2520 : vector<16xi32> to vector<16xi32>
        %swap3A_2522 = vector.shape_cast %select_n3A_2518 : vector<16xi32> to vector<16xi32>
        tpu.vector_store %arg12[%swap3A_2519], %swap3A_2522 {strides = array<i32>} : memref<1024xi32, #tpu.memory_space<vmem>>, vector<16xi32>,
        %max3A_2523 = arith.constant 0.000000e+00 : f32
        %max3A_2524 = vector.broadcast %max3A_2523 : f32 to vector<16xf32>
        %max3A_2525 = arith.maximumf %sub3A_2508, %max3A_2524 : vector<16xf32>
        %swap3A_2526 = arith.constant 912 : index
        %swap3A_2527 = tpu.vector_load %arg13[%swap3A_2526] {strides = array<i32>} : memref<1024xf32, #tpu.memory_space<vmem>>, vector<16xf32>,
        %swap3A_2528 = vector.shape_cast %swap3A_2527 : vector<16xf32> to vector<16xf32>
        %swap3A_2529 = vector.shape_cast %max3A_2525 : vector<16xf32> to vector<16xf32>
        tpu.vector_store %arg13[%swap3A_2526], %swap3A_2529 {strides = array<i32>} : memref<1024xf32, #tpu.memory_space<vmem>>, vector<16xf32>,
        %swap3A_2530 = arith.constant 912 : index
        %swap3A_2531 = tpu.vector_load %arg14[%swap3A_2530] {strides = array<i32>} : memref<1024xf32, #tpu.memory_space<vmem>>, vector<16xf32>,
        %swap3A_2532 = vector.shape_cast %swap3A_2531 : vector<16xf32> to vector<16xf32>
        %swap3A_2533 = vector.shape_cast %get3A_2498 : vector<16xf32> to vector<16xf32>
        tpu.vector_store %arg14[%swap3A_2530], %swap3A_2533 {strides = array<i32>} : memref<1024xf32, #tpu.memory_space<vmem>>, vector<16xf32>,
        %add3A_2534 = arith.constant 928 : i32
        %add3A_2535 = arith.addi %mul3A_49, %add3A_2534 : i32
        %get3A_2536 = arith.index_cast %add3A_2535 : i32 to index
        %get3A_2537 = tpu.vector_load %arg10[%get3A_2536] {strides = array<i32>} : memref<2048xf32, #tpu.memory_space<vmem>>, vector<16xf32>,
        %get3A_2538 = vector.shape_cast %get3A_2537 : vector<16xf32> to vector<16xf32>
        %get3A_2539 = arith.index_cast %add3A_2535 : i32 to index
        %get3A_2540 = tpu.vector_load %arg11[%get3A_2539] {strides = array<i32>} : memref<2048xf32, #tpu.memory_space<vmem>>, vector<16xf32>,
        %get3A_2541 = vector.shape_cast %get3A_2540 : vector<16xf32> to vector<16xf32>
        %mul3A_2542 = arith.constant 2.000000e+00 : f32
        %mul3A_2543 = vector.broadcast %mul3A_2542 : f32 to vector<16xf32>
        %mul3A_2544 = arith.mulf %mul3A_2543, %get3A_2541 : vector<16xf32>
        %sub3A_2545 = arith.constant 1.000000e+00 : f32
        %sub3A_2546 = vector.broadcast %sub3A_2545 : f32 to vector<16xf32>
        %sub3A_2547 = arith.subf %mul3A_2544, %sub3A_2546 : vector<16xf32>
        %mul3A_2548 = arith.mulf %get3A_2538, %sub3A_2547 : vector<16xf32>
        %sub3A_2549 = arith.constant 1.000000e+00 : f32
        %sub3A_2550 = vector.broadcast %sub3A_2549 : f32 to vector<16xf32>
        %sub3A_2551 = arith.subf %sub3A_2550, %mul3A_2548 : vector<16xf32>
        %bitcast_convert_type3A_2552 = tpu.bitcast %sub3A_2551 : vector<16xf32> -> vector<16xi32>
        %gt3A_2553 = arith.constant 0.000000e+00 : f32
        %gt3A_2554 = vector.broadcast %gt3A_2553 : f32 to vector<16xf32>
        %gt3A_2555 = arith.cmpf ogt, %sub3A_2551, %gt3A_2554 : vector<16xf32>
        %shift_right_logical3A_2556 = arith.constant 12 : i32
        %shift_right_logical3A_2557 = vector.broadcast %shift_right_logical3A_2556 : i32 to vector<16xi32>
        %shift_right_logical3A_2558 = arith.shrui %bitcast_convert_type3A_2552, %shift_right_logical3A_2557 : vector<16xi32>
        %jit3A_2559 = arith.constant 0 : i32
        %broadcast_in_dim3A_2560 = vector.broadcast %jit3A_2559 : i32 to vector<16xi32>
        %select_n3A_2561 = arith.select %gt3A_2555, %shift_right_logical3A_2558, %broadcast_in_dim3A_2560 : vector<16xi1>, vector<16xi32>
        %swap3A_2562 = arith.constant 928 : index
        %swap3A_2563 = tpu.vector_load %arg12[%swap3A_2562] {strides = array<i32>} : memref<1024xi32, #tpu.memory_space<vmem>>, vector<16xi32>,
        %swap3A_2564 = vector.shape_cast %swap3A_2563 : vector<16xi32> to vector<16xi32>
        %swap3A_2565 = vector.shape_cast %select_n3A_2561 : vector<16xi32> to vector<16xi32>
        tpu.vector_store %arg12[%swap3A_2562], %swap3A_2565 {strides = array<i32>} : memref<1024xi32, #tpu.memory_space<vmem>>, vector<16xi32>,
        %max3A_2566 = arith.constant 0.000000e+00 : f32
        %max3A_2567 = vector.broadcast %max3A_2566 : f32 to vector<16xf32>
        %max3A_2568 = arith.maximumf %sub3A_2551, %max3A_2567 : vector<16xf32>
        %swap3A_2569 = arith.constant 928 : index
        %swap3A_2570 = tpu.vector_load %arg13[%swap3A_2569] {strides = array<i32>} : memref<1024xf32, #tpu.memory_space<vmem>>, vector<16xf32>,
        %swap3A_2571 = vector.shape_cast %swap3A_2570 : vector<16xf32> to vector<16xf32>
        %swap3A_2572 = vector.shape_cast %max3A_2568 : vector<16xf32> to vector<16xf32>
        tpu.vector_store %arg13[%swap3A_2569], %swap3A_2572 {strides = array<i32>} : memref<1024xf32, #tpu.memory_space<vmem>>, vector<16xf32>,
        %swap3A_2573 = arith.constant 928 : index
        %swap3A_2574 = tpu.vector_load %arg14[%swap3A_2573] {strides = array<i32>} : memref<1024xf32, #tpu.memory_space<vmem>>, vector<16xf32>,
        %swap3A_2575 = vector.shape_cast %swap3A_2574 : vector<16xf32> to vector<16xf32>
        %swap3A_2576 = vector.shape_cast %get3A_2541 : vector<16xf32> to vector<16xf32>
        tpu.vector_store %arg14[%swap3A_2573], %swap3A_2576 {strides = array<i32>} : memref<1024xf32, #tpu.memory_space<vmem>>, vector<16xf32>,
        %add3A_2577 = arith.constant 944 : i32
        %add3A_2578 = arith.addi %mul3A_49, %add3A_2577 : i32
        %get3A_2579 = arith.index_cast %add3A_2578 : i32 to index
        %get3A_2580 = tpu.vector_load %arg10[%get3A_2579] {strides = array<i32>} : memref<2048xf32, #tpu.memory_space<vmem>>, vector<16xf32>,
        %get3A_2581 = vector.shape_cast %get3A_2580 : vector<16xf32> to vector<16xf32>
        %get3A_2582 = arith.index_cast %add3A_2578 : i32 to index
        %get3A_2583 = tpu.vector_load %arg11[%get3A_2582] {strides = array<i32>} : memref<2048xf32, #tpu.memory_space<vmem>>, vector<16xf32>,
        %get3A_2584 = vector.shape_cast %get3A_2583 : vector<16xf32> to vector<16xf32>
        %mul3A_2585 = arith.constant 2.000000e+00 : f32
        %mul3A_2586 = vector.broadcast %mul3A_2585 : f32 to vector<16xf32>
        %mul3A_2587 = arith.mulf %mul3A_2586, %get3A_2584 : vector<16xf32>
        %sub3A_2588 = arith.constant 1.000000e+00 : f32
        %sub3A_2589 = vector.broadcast %sub3A_2588 : f32 to vector<16xf32>
        %sub3A_2590 = arith.subf %mul3A_2587, %sub3A_2589 : vector<16xf32>
        %mul3A_2591 = arith.mulf %get3A_2581, %sub3A_2590 : vector<16xf32>
        %sub3A_2592 = arith.constant 1.000000e+00 : f32
        %sub3A_2593 = vector.broadcast %sub3A_2592 : f32 to vector<16xf32>
        %sub3A_2594 = arith.subf %sub3A_2593, %mul3A_2591 : vector<16xf32>
        %bitcast_convert_type3A_2595 = tpu.bitcast %sub3A_2594 : vector<16xf32> -> vector<16xi32>
        %gt3A_2596 = arith.constant 0.000000e+00 : f32
        %gt3A_2597 = vector.broadcast %gt3A_2596 : f32 to vector<16xf32>
        %gt3A_2598 = arith.cmpf ogt, %sub3A_2594, %gt3A_2597 : vector<16xf32>
        %shift_right_logical3A_2599 = arith.constant 12 : i32
        %shift_right_logical3A_2600 = vector.broadcast %shift_right_logical3A_2599 : i32 to vector<16xi32>
        %shift_right_logical3A_2601 = arith.shrui %bitcast_convert_type3A_2595, %shift_right_logical3A_2600 : vector<16xi32>
        %jit3A_2602 = arith.constant 0 : i32
        %broadcast_in_dim3A_2603 = vector.broadcast %jit3A_2602 : i32 to vector<16xi32>
        %select_n3A_2604 = arith.select %gt3A_2598, %shift_right_logical3A_2601, %broadcast_in_dim3A_2603 : vector<16xi1>, vector<16xi32>
        %swap3A_2605 = arith.constant 944 : index
        %swap3A_2606 = tpu.vector_load %arg12[%swap3A_2605] {strides = array<i32>} : memref<1024xi32, #tpu.memory_space<vmem>>, vector<16xi32>,
        %swap3A_2607 = vector.shape_cast %swap3A_2606 : vector<16xi32> to vector<16xi32>
        %swap3A_2608 = vector.shape_cast %select_n3A_2604 : vector<16xi32> to vector<16xi32>
        tpu.vector_store %arg12[%swap3A_2605], %swap3A_2608 {strides = array<i32>} : memref<1024xi32, #tpu.memory_space<vmem>>, vector<16xi32>,
        %max3A_2609 = arith.constant 0.000000e+00 : f32
        %max3A_2610 = vector.broadcast %max3A_2609 : f32 to vector<16xf32>
        %max3A_2611 = arith.maximumf %sub3A_2594, %max3A_2610 : vector<16xf32>
        %swap3A_2612 = arith.constant 944 : index
        %swap3A_2613 = tpu.vector_load %arg13[%swap3A_2612] {strides = array<i32>} : memref<1024xf32, #tpu.memory_space<vmem>>, vector<16xf32>,
        %swap3A_2614 = vector.shape_cast %swap3A_2613 : vector<16xf32> to vector<16xf32>
        %swap3A_2615 = vector.shape_cast %max3A_2611 : vector<16xf32> to vector<16xf32>
        tpu.vector_store %arg13[%swap3A_2612], %swap3A_2615 {strides = array<i32>} : memref<1024xf32, #tpu.memory_space<vmem>>, vector<16xf32>,
        %swap3A_2616 = arith.constant 944 : index
        %swap3A_2617 = tpu.vector_load %arg14[%swap3A_2616] {strides = array<i32>} : memref<1024xf32, #tpu.memory_space<vmem>>, vector<16xf32>,
        %swap3A_2618 = vector.shape_cast %swap3A_2617 : vector<16xf32> to vector<16xf32>
        %swap3A_2619 = vector.shape_cast %get3A_2584 : vector<16xf32> to vector<16xf32>
        tpu.vector_store %arg14[%swap3A_2616], %swap3A_2619 {strides = array<i32>} : memref<1024xf32, #tpu.memory_space<vmem>>, vector<16xf32>,
        %add3A_2620 = arith.constant 960 : i32
        %add3A_2621 = arith.addi %mul3A_49, %add3A_2620 : i32
        %get3A_2622 = arith.index_cast %add3A_2621 : i32 to index
        %get3A_2623 = tpu.vector_load %arg10[%get3A_2622] {strides = array<i32>} : memref<2048xf32, #tpu.memory_space<vmem>>, vector<16xf32>,
        %get3A_2624 = vector.shape_cast %get3A_2623 : vector<16xf32> to vector<16xf32>
        %get3A_2625 = arith.index_cast %add3A_2621 : i32 to index
        %get3A_2626 = tpu.vector_load %arg11[%get3A_2625] {strides = array<i32>} : memref<2048xf32, #tpu.memory_space<vmem>>, vector<16xf32>,
        %get3A_2627 = vector.shape_cast %get3A_2626 : vector<16xf32> to vector<16xf32>
        %mul3A_2628 = arith.constant 2.000000e+00 : f32
        %mul3A_2629 = vector.broadcast %mul3A_2628 : f32 to vector<16xf32>
        %mul3A_2630 = arith.mulf %mul3A_2629, %get3A_2627 : vector<16xf32>
        %sub3A_2631 = arith.constant 1.000000e+00 : f32
        %sub3A_2632 = vector.broadcast %sub3A_2631 : f32 to vector<16xf32>
        %sub3A_2633 = arith.subf %mul3A_2630, %sub3A_2632 : vector<16xf32>
        %mul3A_2634 = arith.mulf %get3A_2624, %sub3A_2633 : vector<16xf32>
        %sub3A_2635 = arith.constant 1.000000e+00 : f32
        %sub3A_2636 = vector.broadcast %sub3A_2635 : f32 to vector<16xf32>
        %sub3A_2637 = arith.subf %sub3A_2636, %mul3A_2634 : vector<16xf32>
        %bitcast_convert_type3A_2638 = tpu.bitcast %sub3A_2637 : vector<16xf32> -> vector<16xi32>
        %gt3A_2639 = arith.constant 0.000000e+00 : f32
        %gt3A_2640 = vector.broadcast %gt3A_2639 : f32 to vector<16xf32>
        %gt3A_2641 = arith.cmpf ogt, %sub3A_2637, %gt3A_2640 : vector<16xf32>
        %shift_right_logical3A_2642 = arith.constant 12 : i32
        %shift_right_logical3A_2643 = vector.broadcast %shift_right_logical3A_2642 : i32 to vector<16xi32>
        %shift_right_logical3A_2644 = arith.shrui %bitcast_convert_type3A_2638, %shift_right_logical3A_2643 : vector<16xi32>
        %jit3A_2645 = arith.constant 0 : i32
        %broadcast_in_dim3A_2646 = vector.broadcast %jit3A_2645 : i32 to vector<16xi32>
        %select_n3A_2647 = arith.select %gt3A_2641, %shift_right_logical3A_2644, %broadcast_in_dim3A_2646 : vector<16xi1>, vector<16xi32>
        %swap3A_2648 = arith.constant 960 : index
        %swap3A_2649 = tpu.vector_load %arg12[%swap3A_2648] {strides = array<i32>} : memref<1024xi32, #tpu.memory_space<vmem>>, vector<16xi32>,
        %swap3A_2650 = vector.shape_cast %swap3A_2649 : vector<16xi32> to vector<16xi32>
        %swap3A_2651 = vector.shape_cast %select_n3A_2647 : vector<16xi32> to vector<16xi32>
        tpu.vector_store %arg12[%swap3A_2648], %swap3A_2651 {strides = array<i32>} : memref<1024xi32, #tpu.memory_space<vmem>>, vector<16xi32>,
        %max3A_2652 = arith.constant 0.000000e+00 : f32
        %max3A_2653 = vector.broadcast %max3A_2652 : f32 to vector<16xf32>
        %max3A_2654 = arith.maximumf %sub3A_2637, %max3A_2653 : vector<16xf32>
        %swap3A_2655 = arith.constant 960 : index
        %swap3A_2656 = tpu.vector_load %arg13[%swap3A_2655] {strides = array<i32>} : memref<1024xf32, #tpu.memory_space<vmem>>, vector<16xf32>,
        %swap3A_2657 = vector.shape_cast %swap3A_2656 : vector<16xf32> to vector<16xf32>
        %swap3A_2658 = vector.shape_cast %max3A_2654 : vector<16xf32> to vector<16xf32>
        tpu.vector_store %arg13[%swap3A_2655], %swap3A_2658 {strides = array<i32>} : memref<1024xf32, #tpu.memory_space<vmem>>, vector<16xf32>,
        %swap3A_2659 = arith.constant 960 : index
        %swap3A_2660 = tpu.vector_load %arg14[%swap3A_2659] {strides = array<i32>} : memref<1024xf32, #tpu.memory_space<vmem>>, vector<16xf32>,
        %swap3A_2661 = vector.shape_cast %swap3A_2660 : vector<16xf32> to vector<16xf32>
        %swap3A_2662 = vector.shape_cast %get3A_2627 : vector<16xf32> to vector<16xf32>
        tpu.vector_store %arg14[%swap3A_2659], %swap3A_2662 {strides = array<i32>} : memref<1024xf32, #tpu.memory_space<vmem>>, vector<16xf32>,
        %add3A_2663 = arith.constant 976 : i32
        %add3A_2664 = arith.addi %mul3A_49, %add3A_2663 : i32
        %get3A_2665 = arith.index_cast %add3A_2664 : i32 to index
        %get3A_2666 = tpu.vector_load %arg10[%get3A_2665] {strides = array<i32>} : memref<2048xf32, #tpu.memory_space<vmem>>, vector<16xf32>,
        %get3A_2667 = vector.shape_cast %get3A_2666 : vector<16xf32> to vector<16xf32>
        %get3A_2668 = arith.index_cast %add3A_2664 : i32 to index
        %get3A_2669 = tpu.vector_load %arg11[%get3A_2668] {strides = array<i32>} : memref<2048xf32, #tpu.memory_space<vmem>>, vector<16xf32>,
        %get3A_2670 = vector.shape_cast %get3A_2669 : vector<16xf32> to vector<16xf32>
        %mul3A_2671 = arith.constant 2.000000e+00 : f32
        %mul3A_2672 = vector.broadcast %mul3A_2671 : f32 to vector<16xf32>
        %mul3A_2673 = arith.mulf %mul3A_2672, %get3A_2670 : vector<16xf32>
        %sub3A_2674 = arith.constant 1.000000e+00 : f32
        %sub3A_2675 = vector.broadcast %sub3A_2674 : f32 to vector<16xf32>
        %sub3A_2676 = arith.subf %mul3A_2673, %sub3A_2675 : vector<16xf32>
        %mul3A_2677 = arith.mulf %get3A_2667, %sub3A_2676 : vector<16xf32>
        %sub3A_2678 = arith.constant 1.000000e+00 : f32
        %sub3A_2679 = vector.broadcast %sub3A_2678 : f32 to vector<16xf32>
        %sub3A_2680 = arith.subf %sub3A_2679, %mul3A_2677 : vector<16xf32>
        %bitcast_convert_type3A_2681 = tpu.bitcast %sub3A_2680 : vector<16xf32> -> vector<16xi32>
        %gt3A_2682 = arith.constant 0.000000e+00 : f32
        %gt3A_2683 = vector.broadcast %gt3A_2682 : f32 to vector<16xf32>
        %gt3A_2684 = arith.cmpf ogt, %sub3A_2680, %gt3A_2683 : vector<16xf32>
        %shift_right_logical3A_2685 = arith.constant 12 : i32
        %shift_right_logical3A_2686 = vector.broadcast %shift_right_logical3A_2685 : i32 to vector<16xi32>
        %shift_right_logical3A_2687 = arith.shrui %bitcast_convert_type3A_2681, %shift_right_logical3A_2686 : vector<16xi32>
        %jit3A_2688 = arith.constant 0 : i32
        %broadcast_in_dim3A_2689 = vector.broadcast %jit3A_2688 : i32 to vector<16xi32>
        %select_n3A_2690 = arith.select %gt3A_2684, %shift_right_logical3A_2687, %broadcast_in_dim3A_2689 : vector<16xi1>, vector<16xi32>
        %swap3A_2691 = arith.constant 976 : index
        %swap3A_2692 = tpu.vector_load %arg12[%swap3A_2691] {strides = array<i32>} : memref<1024xi32, #tpu.memory_space<vmem>>, vector<16xi32>,
        %swap3A_2693 = vector.shape_cast %swap3A_2692 : vector<16xi32> to vector<16xi32>
        %swap3A_2694 = vector.shape_cast %select_n3A_2690 : vector<16xi32> to vector<16xi32>
        tpu.vector_store %arg12[%swap3A_2691], %swap3A_2694 {strides = array<i32>} : memref<1024xi32, #tpu.memory_space<vmem>>, vector<16xi32>,
        %max3A_2695 = arith.constant 0.000000e+00 : f32
        %max3A_2696 = vector.broadcast %max3A_2695 : f32 to vector<16xf32>
        %max3A_2697 = arith.maximumf %sub3A_2680, %max3A_2696 : vector<16xf32>
        %swap3A_2698 = arith.constant 976 : index
        %swap3A_2699 = tpu.vector_load %arg13[%swap3A_2698] {strides = array<i32>} : memref<1024xf32, #tpu.memory_space<vmem>>, vector<16xf32>,
        %swap3A_2700 = vector.shape_cast %swap3A_2699 : vector<16xf32> to vector<16xf32>
        %swap3A_2701 = vector.shape_cast %max3A_2697 : vector<16xf32> to vector<16xf32>
        tpu.vector_store %arg13[%swap3A_2698], %swap3A_2701 {strides = array<i32>} : memref<1024xf32, #tpu.memory_space<vmem>>, vector<16xf32>,
        %swap3A_2702 = arith.constant 976 : index
        %swap3A_2703 = tpu.vector_load %arg14[%swap3A_2702] {strides = array<i32>} : memref<1024xf32, #tpu.memory_space<vmem>>, vector<16xf32>,
        %swap3A_2704 = vector.shape_cast %swap3A_2703 : vector<16xf32> to vector<16xf32>
        %swap3A_2705 = vector.shape_cast %get3A_2670 : vector<16xf32> to vector<16xf32>
        tpu.vector_store %arg14[%swap3A_2702], %swap3A_2705 {strides = array<i32>} : memref<1024xf32, #tpu.memory_space<vmem>>, vector<16xf32>,
        %add3A_2706 = arith.constant 992 : i32
        %add3A_2707 = arith.addi %mul3A_49, %add3A_2706 : i32
        %get3A_2708 = arith.index_cast %add3A_2707 : i32 to index
        %get3A_2709 = tpu.vector_load %arg10[%get3A_2708] {strides = array<i32>} : memref<2048xf32, #tpu.memory_space<vmem>>, vector<16xf32>,
        %get3A_2710 = vector.shape_cast %get3A_2709 : vector<16xf32> to vector<16xf32>
        %get3A_2711 = arith.index_cast %add3A_2707 : i32 to index
        %get3A_2712 = tpu.vector_load %arg11[%get3A_2711] {strides = array<i32>} : memref<2048xf32, #tpu.memory_space<vmem>>, vector<16xf32>,
        %get3A_2713 = vector.shape_cast %get3A_2712 : vector<16xf32> to vector<16xf32>
        %mul3A_2714 = arith.constant 2.000000e+00 : f32
        %mul3A_2715 = vector.broadcast %mul3A_2714 : f32 to vector<16xf32>
        %mul3A_2716 = arith.mulf %mul3A_2715, %get3A_2713 : vector<16xf32>
        %sub3A_2717 = arith.constant 1.000000e+00 : f32
        %sub3A_2718 = vector.broadcast %sub3A_2717 : f32 to vector<16xf32>
        %sub3A_2719 = arith.subf %mul3A_2716, %sub3A_2718 : vector<16xf32>
        %mul3A_2720 = arith.mulf %get3A_2710, %sub3A_2719 : vector<16xf32>
        %sub3A_2721 = arith.constant 1.000000e+00 : f32
        %sub3A_2722 = vector.broadcast %sub3A_2721 : f32 to vector<16xf32>
        %sub3A_2723 = arith.subf %sub3A_2722, %mul3A_2720 : vector<16xf32>
        %bitcast_convert_type3A_2724 = tpu.bitcast %sub3A_2723 : vector<16xf32> -> vector<16xi32>
        %gt3A_2725 = arith.constant 0.000000e+00 : f32
        %gt3A_2726 = vector.broadcast %gt3A_2725 : f32 to vector<16xf32>
        %gt3A_2727 = arith.cmpf ogt, %sub3A_2723, %gt3A_2726 : vector<16xf32>
        %shift_right_logical3A_2728 = arith.constant 12 : i32
        %shift_right_logical3A_2729 = vector.broadcast %shift_right_logical3A_2728 : i32 to vector<16xi32>
        %shift_right_logical3A_2730 = arith.shrui %bitcast_convert_type3A_2724, %shift_right_logical3A_2729 : vector<16xi32>
        %jit3A_2731 = arith.constant 0 : i32
        %broadcast_in_dim3A_2732 = vector.broadcast %jit3A_2731 : i32 to vector<16xi32>
        %select_n3A_2733 = arith.select %gt3A_2727, %shift_right_logical3A_2730, %broadcast_in_dim3A_2732 : vector<16xi1>, vector<16xi32>
        %swap3A_2734 = arith.constant 992 : index
        %swap3A_2735 = tpu.vector_load %arg12[%swap3A_2734] {strides = array<i32>} : memref<1024xi32, #tpu.memory_space<vmem>>, vector<16xi32>,
        %swap3A_2736 = vector.shape_cast %swap3A_2735 : vector<16xi32> to vector<16xi32>
        %swap3A_2737 = vector.shape_cast %select_n3A_2733 : vector<16xi32> to vector<16xi32>
        tpu.vector_store %arg12[%swap3A_2734], %swap3A_2737 {strides = array<i32>} : memref<1024xi32, #tpu.memory_space<vmem>>, vector<16xi32>,
        %max3A_2738 = arith.constant 0.000000e+00 : f32
        %max3A_2739 = vector.broadcast %max3A_2738 : f32 to vector<16xf32>
        %max3A_2740 = arith.maximumf %sub3A_2723, %max3A_2739 : vector<16xf32>
        %swap3A_2741 = arith.constant 992 : index
        %swap3A_2742 = tpu.vector_load %arg13[%swap3A_2741] {strides = array<i32>} : memref<1024xf32, #tpu.memory_space<vmem>>, vector<16xf32>,
        %swap3A_2743 = vector.shape_cast %swap3A_2742 : vector<16xf32> to vector<16xf32>
        %swap3A_2744 = vector.shape_cast %max3A_2740 : vector<16xf32> to vector<16xf32>
        tpu.vector_store %arg13[%swap3A_2741], %swap3A_2744 {strides = array<i32>} : memref<1024xf32, #tpu.memory_space<vmem>>, vector<16xf32>,
        %swap3A_2745 = arith.constant 992 : index
        %swap3A_2746 = tpu.vector_load %arg14[%swap3A_2745] {strides = array<i32>} : memref<1024xf32, #tpu.memory_space<vmem>>, vector<16xf32>,
        %swap3A_2747 = vector.shape_cast %swap3A_2746 : vector<16xf32> to vector<16xf32>
        %swap3A_2748 = vector.shape_cast %get3A_2713 : vector<16xf32> to vector<16xf32>
        tpu.vector_store %arg14[%swap3A_2745], %swap3A_2748 {strides = array<i32>} : memref<1024xf32, #tpu.memory_space<vmem>>, vector<16xf32>,
        %add3A_2749 = arith.constant 1008 : i32
        %add3A_2750 = arith.addi %mul3A_49, %add3A_2749 : i32
        %get3A_2751 = arith.index_cast %add3A_2750 : i32 to index
        %get3A_2752 = tpu.vector_load %arg10[%get3A_2751] {strides = array<i32>} : memref<2048xf32, #tpu.memory_space<vmem>>, vector<16xf32>,
        %get3A_2753 = vector.shape_cast %get3A_2752 : vector<16xf32> to vector<16xf32>
        %get3A_2754 = arith.index_cast %add3A_2750 : i32 to index
        %get3A_2755 = tpu.vector_load %arg11[%get3A_2754] {strides = array<i32>} : memref<2048xf32, #tpu.memory_space<vmem>>, vector<16xf32>,
        %get3A_2756 = vector.shape_cast %get3A_2755 : vector<16xf32> to vector<16xf32>
        %mul3A_2757 = arith.constant 2.000000e+00 : f32
        %mul3A_2758 = vector.broadcast %mul3A_2757 : f32 to vector<16xf32>
        %mul3A_2759 = arith.mulf %mul3A_2758, %get3A_2756 : vector<16xf32>
        %sub3A_2760 = arith.constant 1.000000e+00 : f32
        %sub3A_2761 = vector.broadcast %sub3A_2760 : f32 to vector<16xf32>
        %sub3A_2762 = arith.subf %mul3A_2759, %sub3A_2761 : vector<16xf32>
        %mul3A_2763 = arith.mulf %get3A_2753, %sub3A_2762 : vector<16xf32>
        %sub3A_2764 = arith.constant 1.000000e+00 : f32
        %sub3A_2765 = vector.broadcast %sub3A_2764 : f32 to vector<16xf32>
        %sub3A_2766 = arith.subf %sub3A_2765, %mul3A_2763 : vector<16xf32>
        %bitcast_convert_type3A_2767 = tpu.bitcast %sub3A_2766 : vector<16xf32> -> vector<16xi32>
        %gt3A_2768 = arith.constant 0.000000e+00 : f32
        %gt3A_2769 = vector.broadcast %gt3A_2768 : f32 to vector<16xf32>
        %gt3A_2770 = arith.cmpf ogt, %sub3A_2766, %gt3A_2769 : vector<16xf32>
        %shift_right_logical3A_2771 = arith.constant 12 : i32
        %shift_right_logical3A_2772 = vector.broadcast %shift_right_logical3A_2771 : i32 to vector<16xi32>
        %shift_right_logical3A_2773 = arith.shrui %bitcast_convert_type3A_2767, %shift_right_logical3A_2772 : vector<16xi32>
        %jit3A_2774 = arith.constant 0 : i32
        %broadcast_in_dim3A_2775 = vector.broadcast %jit3A_2774 : i32 to vector<16xi32>
        %select_n3A_2776 = arith.select %gt3A_2770, %shift_right_logical3A_2773, %broadcast_in_dim3A_2775 : vector<16xi1>, vector<16xi32>
        %swap3A_2777 = arith.constant 1008 : index
        %swap3A_2778 = tpu.vector_load %arg12[%swap3A_2777] {strides = array<i32>} : memref<1024xi32, #tpu.memory_space<vmem>>, vector<16xi32>,
        %swap3A_2779 = vector.shape_cast %swap3A_2778 : vector<16xi32> to vector<16xi32>
        %swap3A_2780 = vector.shape_cast %select_n3A_2776 : vector<16xi32> to vector<16xi32>
        tpu.vector_store %arg12[%swap3A_2777], %swap3A_2780 {strides = array<i32>} : memref<1024xi32, #tpu.memory_space<vmem>>, vector<16xi32>,
        %max3A_2781 = arith.constant 0.000000e+00 : f32
        %max3A_2782 = vector.broadcast %max3A_2781 : f32 to vector<16xf32>
        %max3A_2783 = arith.maximumf %sub3A_2766, %max3A_2782 : vector<16xf32>
        %swap3A_2784 = arith.constant 1008 : index
        %swap3A_2785 = tpu.vector_load %arg13[%swap3A_2784] {strides = array<i32>} : memref<1024xf32, #tpu.memory_space<vmem>>, vector<16xf32>,
        %swap3A_2786 = vector.shape_cast %swap3A_2785 : vector<16xf32> to vector<16xf32>
        %swap3A_2787 = vector.shape_cast %max3A_2783 : vector<16xf32> to vector<16xf32>
        tpu.vector_store %arg13[%swap3A_2784], %swap3A_2787 {strides = array<i32>} : memref<1024xf32, #tpu.memory_space<vmem>>, vector<16xf32>,
        %swap3A_2788 = arith.constant 1008 : index
        %swap3A_2789 = tpu.vector_load %arg14[%swap3A_2788] {strides = array<i32>} : memref<1024xf32, #tpu.memory_space<vmem>>, vector<16xf32>,
        %swap3A_2790 = vector.shape_cast %swap3A_2789 : vector<16xf32> to vector<16xf32>
        %swap3A_2791 = vector.shape_cast %get3A_2756 : vector<16xf32> to vector<16xf32>
        tpu.vector_store %arg14[%swap3A_2788], %swap3A_2791 {strides = array<i32>} : memref<1024xf32, #tpu.memory_space<vmem>>, vector<16xf32>,
        "tpu.region"() ({
          %run_scoped3A = tpu.sem_alloc : memref<!tpu.dma_semaphore, #tpu.memory_space<semaphore_mem>>
          %dma_start3A = arith.constant 0 : i32
          %dma_start3A_2793 = tpu.memref_slice %arg9[%dma_start3A] : memref<524288xf32, #tpu.memory_space<vmem_shared>> -> memref<524288xf32, #tpu.memory_space<vmem_shared>>
          tpu.enqueue_indirect_dma source(%arg13 : memref<1024xf32, #tpu.memory_space<vmem>>) target(%dma_start3A_2793 : memref<524288xf32, #tpu.memory_space<vmem_shared>>) offsets(%arg12 : memref<1024xi32, #tpu.memory_space<vmem>>) semaphore(%run_scoped3A : memref<!tpu.dma_semaphore, #tpu.memory_space<semaphore_mem>>) {add = true}
          %dma_wait3A = arith.constant 0 : i32
          %dma_wait3A_2794 = tpu.memref_slice %arg9[%dma_wait3A] : memref<524288xf32, #tpu.memory_space<vmem_shared>> -> memref<524288xf32, #tpu.memory_space<vmem_shared>>
          tpu.wait_indirect_dma semaphore(%run_scoped3A : memref<!tpu.dma_semaphore, #tpu.memory_space<semaphore_mem>>) src(%arg13 : memref<1024xf32, #tpu.memory_space<vmem>>) dst(%dma_wait3A_2794 : memref<524288xf32, #tpu.memory_space<vmem_shared>>)
          tpu.yield
        }) : () -> ()
        "tpu.region"() ({
          %run_scoped3A = tpu.sem_alloc : memref<!tpu.dma_semaphore, #tpu.memory_space<semaphore_mem>>
          %dma_start3A = arith.constant 0 : i32
          %dma_start3A_2793 = tpu.memref_slice %arg7[%dma_start3A] : memref<524288xf32, #tpu.memory_space<vmem_shared>> -> memref<524288xf32, #tpu.memory_space<vmem_shared>>
          tpu.enqueue_indirect_dma source(%arg14 : memref<1024xf32, #tpu.memory_space<vmem>>) target(%dma_start3A_2793 : memref<524288xf32, #tpu.memory_space<vmem_shared>>) offsets(%arg12 : memref<1024xi32, #tpu.memory_space<vmem>>) semaphore(%run_scoped3A : memref<!tpu.dma_semaphore, #tpu.memory_space<semaphore_mem>>) {add = true}
          %dma_wait3A = arith.constant 0 : i32
          %dma_wait3A_2794 = tpu.memref_slice %arg7[%dma_wait3A] : memref<524288xf32, #tpu.memory_space<vmem_shared>> -> memref<524288xf32, #tpu.memory_space<vmem_shared>>
          tpu.wait_indirect_dma semaphore(%run_scoped3A : memref<!tpu.dma_semaphore, #tpu.memory_space<semaphore_mem>>) src(%arg14 : memref<1024xf32, #tpu.memory_space<vmem>>) dst(%dma_wait3A_2794 : memref<524288xf32, #tpu.memory_space<vmem_shared>>)
          tpu.yield
        }) : () -> ()
        "tpu.region"() ({
          %run_scoped3A = tpu.sem_alloc : memref<!tpu.dma_semaphore, #tpu.memory_space<semaphore_mem>>
          %dma_start3A = arith.constant 0 : i32
          %dma_start3A_2793 = tpu.memref_slice %arg8[%dma_start3A] : memref<524288xf32, #tpu.memory_space<vmem_shared>> -> memref<524288xf32, #tpu.memory_space<vmem_shared>>
          tpu.enqueue_indirect_dma source(%arg15 : memref<1024xf32, #tpu.memory_space<vmem>>) target(%dma_start3A_2793 : memref<524288xf32, #tpu.memory_space<vmem_shared>>) offsets(%arg12 : memref<1024xi32, #tpu.memory_space<vmem>>) semaphore(%run_scoped3A : memref<!tpu.dma_semaphore, #tpu.memory_space<semaphore_mem>>) {add = true}
          %dma_wait3A = arith.constant 0 : i32
          %dma_wait3A_2794 = tpu.memref_slice %arg8[%dma_wait3A] : memref<524288xf32, #tpu.memory_space<vmem_shared>> -> memref<524288xf32, #tpu.memory_space<vmem_shared>>
          tpu.wait_indirect_dma semaphore(%run_scoped3A : memref<!tpu.dma_semaphore, #tpu.memory_space<semaphore_mem>>) src(%arg15 : memref<1024xf32, #tpu.memory_space<vmem>>) dst(%dma_wait3A_2794 : memref<524288xf32, #tpu.memory_space<vmem_shared>>)
          tpu.yield
        }) : () -> ()
        %scan3A_2792 = arith.constant 0 : i32
        scf.yield %scan3A_2792 : i32
      }
      %scan3A_44 = arith.constant 2 : i32
      %scan3A_45 = arith.constant 0 : i32
      scf.yield %scan3A_45 : i32
    }
    %scan3A_29 = arith.constant 64 : i32
    %barrier3A_30 = arith.constant 0 : index
    tpu.barrier barrier_id(%barrier3A_30)
    %mul3A_31 = arith.constant 32768 : i32
    %mul3A_32 = arith.muli %arg1, %mul3A_31 : i32
    "tpu.region"() ({
      %run_scoped3A = tpu.sem_alloc : memref<!tpu.dma_semaphore, #tpu.memory_space<semaphore_mem>>
      %dma_start3A = tpu.memref_slice %arg4[%arg0, %mul3A_32] : memref<2x524288xf32, #tpu.memory_space<hbm>> -> memref<1x32768xf32, #tpu.memory_space<hbm>>
      %dma_start3A_33 = tpu.memref_squeeze %dma_start3A : memref<1x32768xf32, #tpu.memory_space<hbm>> -> memref<32768xf32, #tpu.memory_space<hbm>>
      %dma_start3A_34 = tpu.memref_slice %arg7[%mul3A_32] : memref<524288xf32, #tpu.memory_space<vmem_shared>> -> memref<32768xf32, #tpu.memory_space<vmem_shared>>
      tpu.enqueue_dma source(%dma_start3A_34 : memref<32768xf32, #tpu.memory_space<vmem_shared>>) target(%dma_start3A_33 : memref<32768xf32, #tpu.memory_space<hbm>>) target_semaphore(%run_scoped3A : memref<!tpu.dma_semaphore, #tpu.memory_space<semaphore_mem>>)
      %dma_wait3A = tpu.memref_slice %arg4[%arg0, %mul3A_32] : memref<2x524288xf32, #tpu.memory_space<hbm>> -> memref<1x32768xf32, #tpu.memory_space<hbm>>
      %dma_wait3A_35 = tpu.memref_squeeze %dma_wait3A : memref<1x32768xf32, #tpu.memory_space<hbm>> -> memref<32768xf32, #tpu.memory_space<hbm>>
      %dma_wait3A_36 = tpu.memref_slice %arg7[%mul3A_32] : memref<524288xf32, #tpu.memory_space<vmem_shared>> -> memref<32768xf32, #tpu.memory_space<vmem_shared>>
      tpu.wait_dma2 semaphore(%run_scoped3A : memref<!tpu.dma_semaphore, #tpu.memory_space<semaphore_mem>>) src(%dma_wait3A_36 : memref<32768xf32, #tpu.memory_space<vmem_shared>>) dst(%dma_wait3A_35 : memref<32768xf32, #tpu.memory_space<hbm>>)
      tpu.yield
    }) : () -> ()
    "tpu.region"() ({
      %run_scoped3A = tpu.sem_alloc : memref<!tpu.dma_semaphore, #tpu.memory_space<semaphore_mem>>
      %dma_start3A = tpu.memref_slice %arg5[%arg0, %mul3A_32] : memref<2x524288xf32, #tpu.memory_space<hbm>> -> memref<1x32768xf32, #tpu.memory_space<hbm>>
      %dma_start3A_33 = tpu.memref_squeeze %dma_start3A : memref<1x32768xf32, #tpu.memory_space<hbm>> -> memref<32768xf32, #tpu.memory_space<hbm>>
      %dma_start3A_34 = tpu.memref_slice %arg8[%mul3A_32] : memref<524288xf32, #tpu.memory_space<vmem_shared>> -> memref<32768xf32, #tpu.memory_space<vmem_shared>>
      tpu.enqueue_dma source(%dma_start3A_34 : memref<32768xf32, #tpu.memory_space<vmem_shared>>) target(%dma_start3A_33 : memref<32768xf32, #tpu.memory_space<hbm>>) target_semaphore(%run_scoped3A : memref<!tpu.dma_semaphore, #tpu.memory_space<semaphore_mem>>)
      %dma_wait3A = tpu.memref_slice %arg5[%arg0, %mul3A_32] : memref<2x524288xf32, #tpu.memory_space<hbm>> -> memref<1x32768xf32, #tpu.memory_space<hbm>>
      %dma_wait3A_35 = tpu.memref_squeeze %dma_wait3A : memref<1x32768xf32, #tpu.memory_space<hbm>> -> memref<32768xf32, #tpu.memory_space<hbm>>
      %dma_wait3A_36 = tpu.memref_slice %arg8[%mul3A_32] : memref<524288xf32, #tpu.memory_space<vmem_shared>> -> memref<32768xf32, #tpu.memory_space<vmem_shared>>
      tpu.wait_dma2 semaphore(%run_scoped3A : memref<!tpu.dma_semaphore, #tpu.memory_space<semaphore_mem>>) src(%dma_wait3A_36 : memref<32768xf32, #tpu.memory_space<vmem_shared>>) dst(%dma_wait3A_35 : memref<32768xf32, #tpu.memory_space<hbm>>)
      tpu.yield
    }) : () -> ()
    "tpu.region"() ({
      %run_scoped3A = tpu.sem_alloc : memref<!tpu.dma_semaphore, #tpu.memory_space<semaphore_mem>>
      %dma_start3A = tpu.memref_slice %arg6[%arg0, %mul3A_32] : memref<2x524288xf32, #tpu.memory_space<hbm>> -> memref<1x32768xf32, #tpu.memory_space<hbm>>
      %dma_start3A_33 = tpu.memref_squeeze %dma_start3A : memref<1x32768xf32, #tpu.memory_space<hbm>> -> memref<32768xf32, #tpu.memory_space<hbm>>
      %dma_start3A_34 = tpu.memref_slice %arg9[%mul3A_32] : memref<524288xf32, #tpu.memory_space<vmem_shared>> -> memref<32768xf32, #tpu.memory_space<vmem_shared>>
      tpu.enqueue_dma source(%dma_start3A_34 : memref<32768xf32, #tpu.memory_space<vmem_shared>>) target(%dma_start3A_33 : memref<32768xf32, #tpu.memory_space<hbm>>) target_semaphore(%run_scoped3A : memref<!tpu.dma_semaphore, #tpu.memory_space<semaphore_mem>>)
      %dma_wait3A = tpu.memref_slice %arg6[%arg0, %mul3A_32] : memref<2x524288xf32, #tpu.memory_space<hbm>> -> memref<1x32768xf32, #tpu.memory_space<hbm>>
      %dma_wait3A_35 = tpu.memref_squeeze %dma_wait3A : memref<1x32768xf32, #tpu.memory_space<hbm>> -> memref<32768xf32, #tpu.memory_space<hbm>>
      %dma_wait3A_36 = tpu.memref_slice %arg9[%mul3A_32] : memref<524288xf32, #tpu.memory_space<vmem_shared>> -> memref<32768xf32, #tpu.memory_space<vmem_shared>>
      tpu.wait_dma2 semaphore(%run_scoped3A : memref<!tpu.dma_semaphore, #tpu.memory_space<semaphore_mem>>) src(%dma_wait3A_36 : memref<32768xf32, #tpu.memory_space<vmem_shared>>) dst(%dma_wait3A_35 : memref<32768xf32, #tpu.memory_space<hbm>>)
      tpu.yield
    }) : () -> ()
    return
  }
}

module attributes {stable_mosaic.version = 14 : i64} {
  func.func @_psum_body(%arg0: memref<2x4096x128xf32, #tpu.memory_space<vmem>>, %arg1: memref<1x1xf32, #tpu.memory_space<smem>>) attributes {dimension_semantics = [], scalar_prefetch = 0 : i64, scratch_operands = 0 : i64, tpu.core_type = #tpu.core_type<tc>} {
    %get3A = arith.constant 0 : index
    %get3A_0 = arith.constant 0 : index
    %get3A_1 = arith.constant 0 : index
    %get3A_2 = vector.load %arg0[%get3A, %get3A_0, %get3A_1] : memref<2x4096x128xf32, #tpu.memory_space<vmem>>, vector<2x4096x128xf32>
    %reduce_sum3A = vector.shape_cast %get3A_2 : vector<2x4096x128xf32> to vector<1x2x4096x128xf32>
    %reduce_sum3A_3 = arith.constant dense<0.000000e+00> : vector<1xf32>
    %reduce_sum3A_4 = vector.multi_reduction <add>, %reduce_sum3A, %reduce_sum3A_3 [1, 2, 3] : vector<1x2x4096x128xf32> to vector<1xf32>
    %reduce_sum3A_5 = vector.shape_cast %reduce_sum3A_4 : vector<1xf32> to vector<1x1x1x1xf32>
    %reduce_sum3A_6 = vector.extract %reduce_sum3A_5[0, 0, 0, 0] : f32 from vector<1x1x1x1xf32>
    %swap3A = arith.constant 0 : index
    %swap3A_7 = arith.constant 0 : index
    %swap3A_8 = memref.load %arg1[%swap3A, %swap3A_7] : memref<1x1xf32, #tpu.memory_space<smem>>
    memref.store %reduce_sum3A_6, %arg1[%swap3A, %swap3A_7] : memref<1x1xf32, #tpu.memory_space<smem>>
    return
  }
}

module attributes {stable_mosaic.version = 14 : i64} {
  func.func @_scan_body(%arg0: i32, %arg1: memref<1x1xf32, #tpu.memory_space<smem>>, %arg2: memref<2x512x128xf32, #tpu.memory_space<vmem>>, %arg3: memref<2x512x128xf32, #tpu.memory_space<vmem>>, %arg4: memref<2x512x128xf32, #tpu.memory_space<vmem>>, %arg5: memref<1x1xf32, #tpu.memory_space<smem>>, %arg6: memref<4xf32, #tpu.memory_space<smem>>) attributes {dimension_semantics = [#tpu.dimension_semantics<arbitrary>], iteration_bounds = array<i64: 8>, scalar_prefetch = 0 : i64, scratch_operands = 1 : i64, tpu.core_type = #tpu.core_type<tc>, window_params = [{transform_indices = @transform_0, window_bounds = array<i64: 1, 1>}, {transform_indices = @transform_1, window_bounds = array<i64: 2, 512, 128>}, {transform_indices = @transform_2, window_bounds = array<i64: 2, 512, 128>}, {transform_indices = @transform_3, window_bounds = array<i64: 2, 512, 128>}, {transform_indices = @transform_4, window_bounds = array<i64: 1, 1>}]} {
    %eq3A = arith.constant 0 : i32
    %eq3A_0 = arith.cmpi eq, %arg0, %eq3A : i32
    %convert_element_type3A = arith.extui %eq3A_0 : i1 to i32
    %cond3A = arith.constant 0 : i32
    %cond3A_1 = arith.cmpi ne, %convert_element_type3A, %cond3A : i32
    scf.if %cond3A_1 {
      %swap3A_115 = arith.constant 0.000000e+00 : f32
      %swap3A_116 = arith.constant 0 : index
      %swap3A_117 = memref.load %arg6[%swap3A_116] : memref<4xf32, #tpu.memory_space<smem>>
      memref.store %swap3A_115, %arg6[%swap3A_116] : memref<4xf32, #tpu.memory_space<smem>>
      %swap3A_118 = arith.constant 0.000000e+00 : f32
      %swap3A_119 = arith.constant 1 : index
      %swap3A_120 = memref.load %arg6[%swap3A_119] : memref<4xf32, #tpu.memory_space<smem>>
      memref.store %swap3A_118, %arg6[%swap3A_119] : memref<4xf32, #tpu.memory_space<smem>>
      %swap3A_121 = arith.constant 0.000000e+00 : f32
      %swap3A_122 = arith.constant 2 : index
      %swap3A_123 = memref.load %arg6[%swap3A_122] : memref<4xf32, #tpu.memory_space<smem>>
      memref.store %swap3A_121, %arg6[%swap3A_122] : memref<4xf32, #tpu.memory_space<smem>>
    } else {
    }
    %get3A = arith.constant 0 : index
    %get3A_2 = arith.constant 0 : index
    %get3A_3 = arith.constant 0 : index
    %get3A_4 = vector.load %arg2[%get3A, %get3A_2, %get3A_3] : memref<2x512x128xf32, #tpu.memory_space<vmem>>, vector<2x512x128xf32>
    %reduce_sum3A = arith.constant dense<0.000000e+00> : vector<512x128xf32>
    %reduce_sum3A_5 = vector.multi_reduction <add>, %get3A_4, %reduce_sum3A [0] : vector<2x512x128xf32> to vector<512x128xf32>
    %get3A_6 = arith.constant 0 : index
    %get3A_7 = arith.constant 0 : index
    %get3A_8 = arith.constant 0 : index
    %get3A_9 = vector.load %arg3[%get3A_6, %get3A_7, %get3A_8] : memref<2x512x128xf32, #tpu.memory_space<vmem>>, vector<2x512x128xf32>
    %reduce_sum3A_10 = arith.constant dense<0.000000e+00> : vector<512x128xf32>
    %reduce_sum3A_11 = vector.multi_reduction <add>, %get3A_9, %reduce_sum3A_10 [0] : vector<2x512x128xf32> to vector<512x128xf32>
    %get3A_12 = arith.constant 0 : index
    %get3A_13 = arith.constant 0 : index
    %get3A_14 = arith.constant 0 : index
    %get3A_15 = vector.load %arg4[%get3A_12, %get3A_13, %get3A_14] : memref<2x512x128xf32, #tpu.memory_space<vmem>>, vector<2x512x128xf32>
    %reduce_sum3A_16 = arith.constant dense<0.000000e+00> : vector<512x128xf32>
    %reduce_sum3A_17 = vector.multi_reduction <add>, %get3A_15, %reduce_sum3A_16 [0] : vector<2x512x128xf32> to vector<512x128xf32>
    %get3A_18 = arith.constant 0 : index
    %get3A_19 = arith.constant 0 : index
    %get3A_20 = memref.load %arg1[%get3A_18, %get3A_19] : memref<1x1xf32, #tpu.memory_space<smem>>
    %iota3A = tpu.iota {dimensions = array<i32: 0>} : vector<128x128xi32>
    %iota3A_21 = tpu.iota {dimensions = array<i32: 1>} : vector<128x128xi32>
    %gt3A = arith.cmpi sgt, %iota3A, %iota3A_21 : vector<128x128xi32>
    %convert_element_type3A_22 = arith.extui %gt3A : vector<128x128xi1> to vector<128x128xi32>
    %convert_element_type3A_23 = arith.sitofp %convert_element_type3A_22 : vector<128x128xi32> to vector<128x128xf32>
    %iota3A_24 = tpu.iota {dimensions = array<i32: 0>} : vector<512x512xi32>
    %iota3A_25 = tpu.iota {dimensions = array<i32: 1>} : vector<512x512xi32>
    %gt3A_26 = arith.cmpi sgt, %iota3A_25, %iota3A_24 : vector<512x512xi32>
    %convert_element_type3A_27 = arith.extui %gt3A_26 : vector<512x512xi1> to vector<512x512xi32>
    %convert_element_type3A_28 = arith.sitofp %convert_element_type3A_27 : vector<512x512xi32> to vector<512x512xf32>
    %dot_general3A = arith.constant dense<0.000000e+00> : vector<512x128xf32>
    %dot_general3A_29 = tpu.matmul %reduce_sum3A_5, %convert_element_type3A_23, %dot_general3A {dimension_numbers = #tpu.dot_dimension_numbers<[1], [0], [0], [1], [0, 0, 1, 1], [], []>, transpose_lhs_hint = false} : vector<512x128xf32>, vector<128x128xf32>, vector<512x128xf32> -> vector<512x128xf32>
    %dot_general3A_30 = arith.constant dense<0.000000e+00> : vector<512x128xf32>
    %dot_general3A_31 = tpu.matmul %reduce_sum3A_11, %convert_element_type3A_23, %dot_general3A_30 {dimension_numbers = #tpu.dot_dimension_numbers<[1], [0], [0], [1], [0, 0, 1, 1], [], []>, transpose_lhs_hint = false} : vector<512x128xf32>, vector<128x128xf32>, vector<512x128xf32> -> vector<512x128xf32>
    %dot_general3A_32 = arith.constant dense<0.000000e+00> : vector<512x128xf32>
    %dot_general3A_33 = tpu.matmul %convert_element_type3A_28, %reduce_sum3A_5, %dot_general3A_32 {dimension_numbers = #tpu.dot_dimension_numbers<[1], [0], [0], [1], [0, 0, 1, 1], [], []>, transpose_lhs_hint = false} : vector<512x512xf32>, vector<512x128xf32>, vector<512x128xf32> -> vector<512x128xf32>
    %reduce_sum3A_34 = arith.constant dense<0.000000e+00> : vector<512xf32>
    %reduce_sum3A_35 = vector.multi_reduction <add>, %dot_general3A_33, %reduce_sum3A_34 [1] : vector<512x128xf32> to vector<512xf32>
    %broadcast_in_dim3A = vector.shape_cast %reduce_sum3A_35 : vector<512xf32> to vector<512x1xf32>
    %dot_general3A_36 = arith.constant dense<0.000000e+00> : vector<512x128xf32>
    %dot_general3A_37 = tpu.matmul %convert_element_type3A_28, %reduce_sum3A_11, %dot_general3A_36 {dimension_numbers = #tpu.dot_dimension_numbers<[1], [0], [0], [1], [0, 0, 1, 1], [], []>, transpose_lhs_hint = false} : vector<512x512xf32>, vector<512x128xf32>, vector<512x128xf32> -> vector<512x128xf32>
    %reduce_sum3A_38 = arith.constant dense<0.000000e+00> : vector<512xf32>
    %reduce_sum3A_39 = vector.multi_reduction <add>, %dot_general3A_37, %reduce_sum3A_38 [1] : vector<512x128xf32> to vector<512xf32>
    %broadcast_in_dim3A_40 = vector.shape_cast %reduce_sum3A_39 : vector<512xf32> to vector<512x1xf32>
    %add3A = vector.broadcast %broadcast_in_dim3A : vector<512x1xf32> to vector<512x128xf32>
    %add3A_41 = arith.addf %dot_general3A_29, %add3A : vector<512x128xf32>
    %get3A_42 = arith.constant 0 : index
    %get3A_43 = memref.load %arg6[%get3A_42] : memref<4xf32, #tpu.memory_space<smem>>
    %add3A_44 = vector.broadcast %get3A_43 : f32 to vector<512x128xf32>
    %add3A_45 = arith.addf %add3A_41, %add3A_44 : vector<512x128xf32>
    %add3A_46 = vector.broadcast %broadcast_in_dim3A_40 : vector<512x1xf32> to vector<512x128xf32>
    %add3A_47 = arith.addf %dot_general3A_31, %add3A_46 : vector<512x128xf32>
    %get3A_48 = arith.constant 1 : index
    %get3A_49 = memref.load %arg6[%get3A_48] : memref<4xf32, #tpu.memory_space<smem>>
    %add3A_50 = vector.broadcast %get3A_49 : f32 to vector<512x128xf32>
    %add3A_51 = arith.addf %add3A_47, %add3A_50 : vector<512x128xf32>
    %sub3A = arith.subf %add3A_51, %add3A_45 : vector<512x128xf32>
    %sub3A_52 = arith.subf %reduce_sum3A_11, %reduce_sum3A_5 : vector<512x128xf32>
    %add3A_53 = vector.broadcast %get3A_20 : f32 to vector<512x128xf32>
    %add3A_54 = arith.addf %add3A_53, %sub3A : vector<512x128xf32>
    %add3A_55 = arith.addf %add3A_54, %sub3A_52 : vector<512x128xf32>
    %mul3A = arith.mulf %reduce_sum3A_5, %add3A_54 : vector<512x128xf32>
    %sub3A_56 = vector.broadcast %get3A_20 : f32 to vector<512x128xf32>
    %sub3A_57 = arith.subf %sub3A_56, %add3A_45 : vector<512x128xf32>
    %mul3A_58 = arith.mulf %sub3A_52, %sub3A_57 : vector<512x128xf32>
    %add3A_59 = arith.addf %mul3A, %mul3A_58 : vector<512x128xf32>
    %gt3A_60 = arith.constant 0.000000e+00 : f32
    %gt3A_61 = vector.broadcast %gt3A_60 : f32 to vector<512x128xf32>
    %gt3A_62 = arith.cmpf ogt, %add3A_54, %gt3A_61 : vector<512x128xf32>
    %mul3A_63 = arith.mulf %add3A_54, %add3A_55 : vector<512x128xf32>
    %max3A = arith.constant 1.000000e+00 : f32
    %max3A_64 = vector.broadcast %max3A : f32 to vector<512x128xf32>
    %max3A_65 = arith.maximumf %mul3A_63, %max3A_64 : vector<512x128xf32>
    %div3A = arith.divf %add3A_59, %max3A_65 : vector<512x128xf32>
    %add3A_66 = arith.addf %reduce_sum3A_5, %sub3A_52 : vector<512x128xf32>
    %max3A_67 = arith.constant 1.000000e+00 : f32
    %max3A_68 = vector.broadcast %max3A_67 : f32 to vector<512x128xf32>
    %max3A_69 = arith.maximumf %add3A_55, %max3A_68 : vector<512x128xf32>
    %div3A_70 = arith.divf %add3A_66, %max3A_69 : vector<512x128xf32>
    %select_n3A = arith.select %gt3A_62, %div3A, %div3A_70 : vector<512x128xi1>, vector<512x128xf32>
    %gt3A_71 = arith.constant 0.000000e+00 : f32
    %gt3A_72 = vector.broadcast %gt3A_71 : f32 to vector<512x128xf32>
    %gt3A_73 = arith.cmpf ogt, %reduce_sum3A_11, %gt3A_72 : vector<512x128xf32>
    %max3A_74 = arith.constant 1.000000e+00 : f32
    %max3A_75 = vector.broadcast %max3A_74 : f32 to vector<512x128xf32>
    %max3A_76 = arith.maximumf %reduce_sum3A_11, %max3A_75 : vector<512x128xf32>
    %div3A_77 = arith.divf %reduce_sum3A_17, %max3A_76 : vector<512x128xf32>
    %jit3A = arith.constant 0.000000e+00 : f32
    %broadcast_in_dim3A_78 = vector.broadcast %jit3A : f32 to vector<512x128xf32>
    %select_n3A_79 = arith.select %gt3A_73, %div3A_77, %broadcast_in_dim3A_78 : vector<512x128xi1>, vector<512x128xf32>
    %mul3A_80 = arith.mulf %select_n3A_79, %select_n3A : vector<512x128xf32>
    %reduce_sum3A_81 = vector.shape_cast %mul3A_80 : vector<512x128xf32> to vector<1x512x128xf32>
    %reduce_sum3A_82 = arith.constant dense<0.000000e+00> : vector<1xf32>
    %reduce_sum3A_83 = vector.multi_reduction <add>, %reduce_sum3A_81, %reduce_sum3A_82 [1, 2] : vector<1x512x128xf32> to vector<1xf32>
    %reduce_sum3A_84 = vector.shape_cast %reduce_sum3A_83 : vector<1xf32> to vector<1x1x1xf32>
    %reduce_sum3A_85 = vector.extract %reduce_sum3A_84[0, 0, 0] : f32 from vector<1x1x1xf32>
    %get3A_86 = arith.constant 2 : index
    %get3A_87 = memref.load %arg6[%get3A_86] : memref<4xf32, #tpu.memory_space<smem>>
    %add3A_88 = arith.addf %get3A_87, %reduce_sum3A_85 : f32
    %swap3A = arith.constant 2 : index
    %swap3A_89 = memref.load %arg6[%swap3A] : memref<4xf32, #tpu.memory_space<smem>>
    memref.store %add3A_88, %arg6[%swap3A] : memref<4xf32, #tpu.memory_space<smem>>
    %get3A_90 = arith.constant 0 : index
    %get3A_91 = memref.load %arg6[%get3A_90] : memref<4xf32, #tpu.memory_space<smem>>
    %reduce_sum3A_92 = vector.shape_cast %reduce_sum3A_5 : vector<512x128xf32> to vector<1x512x128xf32>
    %reduce_sum3A_93 = arith.constant dense<0.000000e+00> : vector<1xf32>
    %reduce_sum3A_94 = vector.multi_reduction <add>, %reduce_sum3A_92, %reduce_sum3A_93 [1, 2] : vector<1x512x128xf32> to vector<1xf32>
    %reduce_sum3A_95 = vector.shape_cast %reduce_sum3A_94 : vector<1xf32> to vector<1x1x1xf32>
    %reduce_sum3A_96 = vector.extract %reduce_sum3A_95[0, 0, 0] : f32 from vector<1x1x1xf32>
    %add3A_97 = arith.addf %get3A_91, %reduce_sum3A_96 : f32
    %swap3A_98 = arith.constant 0 : index
    %swap3A_99 = memref.load %arg6[%swap3A_98] : memref<4xf32, #tpu.memory_space<smem>>
    memref.store %add3A_97, %arg6[%swap3A_98] : memref<4xf32, #tpu.memory_space<smem>>
    %get3A_100 = arith.constant 1 : index
    %get3A_101 = memref.load %arg6[%get3A_100] : memref<4xf32, #tpu.memory_space<smem>>
    %reduce_sum3A_102 = vector.shape_cast %reduce_sum3A_11 : vector<512x128xf32> to vector<1x512x128xf32>
    %reduce_sum3A_103 = arith.constant dense<0.000000e+00> : vector<1xf32>
    %reduce_sum3A_104 = vector.multi_reduction <add>, %reduce_sum3A_102, %reduce_sum3A_103 [1, 2] : vector<1x512x128xf32> to vector<1xf32>
    %reduce_sum3A_105 = vector.shape_cast %reduce_sum3A_104 : vector<1xf32> to vector<1x1x1xf32>
    %reduce_sum3A_106 = vector.extract %reduce_sum3A_105[0, 0, 0] : f32 from vector<1x1x1xf32>
    %add3A_107 = arith.addf %get3A_101, %reduce_sum3A_106 : f32
    %swap3A_108 = arith.constant 1 : index
    %swap3A_109 = memref.load %arg6[%swap3A_108] : memref<4xf32, #tpu.memory_space<smem>>
    memref.store %add3A_107, %arg6[%swap3A_108] : memref<4xf32, #tpu.memory_space<smem>>
    %get3A_110 = arith.constant 2 : index
    %get3A_111 = memref.load %arg6[%get3A_110] : memref<4xf32, #tpu.memory_space<smem>>
    %swap3A_112 = arith.constant 0 : index
    %swap3A_113 = arith.constant 0 : index
    %swap3A_114 = memref.load %arg5[%swap3A_112, %swap3A_113] : memref<1x1xf32, #tpu.memory_space<smem>>
    memref.store %get3A_111, %arg5[%swap3A_112, %swap3A_113] : memref<1x1xf32, #tpu.memory_space<smem>>
    return
  }
  func.func @transform_0(%arg0: i32) -> (i32, i32) {
    %c0_i32 = arith.constant 0 : i32
    %c0_i32_0 = arith.constant 0 : i32
    %c0_i32_1 = arith.constant 0 : i32
    return %c0_i32, %c0_i32_0 : i32, i32
  }
  func.func @transform_1(%arg0: i32) -> (i32, i32, i32) {
    %sub3A = arith.constant 7 : i32
    %sub3A_0 = arith.subi %sub3A, %arg0 : i32
    %c0_i32 = arith.constant 0 : i32
    %c0_i32_1 = arith.constant 0 : i32
    %c0_i32_2 = arith.constant 0 : i32
    return %c0_i32, %sub3A_0, %c0_i32_1 : i32, i32, i32
  }
  func.func @transform_2(%arg0: i32) -> (i32, i32, i32) {
    %sub3A = arith.constant 7 : i32
    %sub3A_0 = arith.subi %sub3A, %arg0 : i32
    %c0_i32 = arith.constant 0 : i32
    %c0_i32_1 = arith.constant 0 : i32
    %c0_i32_2 = arith.constant 0 : i32
    return %c0_i32, %sub3A_0, %c0_i32_1 : i32, i32, i32
  }
  func.func @transform_3(%arg0: i32) -> (i32, i32, i32) {
    %sub3A = arith.constant 7 : i32
    %sub3A_0 = arith.subi %sub3A, %arg0 : i32
    %c0_i32 = arith.constant 0 : i32
    %c0_i32_1 = arith.constant 0 : i32
    %c0_i32_2 = arith.constant 0 : i32
    return %c0_i32, %sub3A_0, %c0_i32_1 : i32, i32, i32
  }
  func.func @transform_4(%arg0: i32) -> (i32, i32) {
    %c0_i32 = arith.constant 0 : i32
    %c0_i32_0 = arith.constant 0 : i32
    %c0_i32_1 = arith.constant 0 : i32
    return %c0_i32, %c0_i32_0 : i32, i32
  }
}

</mosaic_0001>

<sc_bundles>
// kernel: kernel.5.cloned.1.call-start
scs
__scs_entry_jumppad:
0x0: {  	(pc) =	sbr.rel $0x88, $3  }
0x1: {  	(tag) =	ssettag $0x0;
	lr =	simm.s32 $0x1  }
0x2: {  	[smem:$0x3F9F] =	sst lr;
	_ =	strace $0xD0000000  }
0x3: {  	_ = 	snop  }
0x4: {  	_ = 	snop  }
0x5: {  	_ = 	snop  }
0x6: {  	_ = 	snop  }
0x7: {  	_ = 	snop  }
__scs_overlays_trampoline_lowered:
0x8: {  	[smem:$0x3FAE] =	sst s0  }
0x9: {  	[smem:$0x3FAF] =	sst s1  }
0xa: {  	[smem:$0x3FB0] =	sst s2  }
0xb: {  	[smem:$0x3FB1] =	sst s3  }
0xc: {  	[smem:$0x3FB2] =	sst s4  }
0xd: {  	[smem:$0x3FB3] =	sst s5  }
0xe: {  	[smem:$0x3FB4] =	sst s6  }
0xf: {  	[smem:$0x3FB5] =	sst s7  }
0x10: {  	[smem:$0x3FB6] =	sst s8  }
0x11: {  	[smem:$0x3FB7] =	sst s9;
	s0 =	simm.s32 @!p0 $0x0  }
0x12: {  	s1 =	sld [smem:$0x3F9D];
	s0 =	simm.s32 @p0 $0x1  }
0x13: {  	[smem:$0x3FB8] =	sst s0;
	s0 =	simm.s32 @!p1 $0x0  }
0x14: {  	s2 =	sld [smem:$0x3F9C];
	s0 =	simm.s32 @p1 $0x1  }
0x15: {  	[smem:$0x3FB9] =	sst s0;
	s0 =	simm.s32 @!p2 $0x0  }
0x16: {  	s3 =	sld [smem:$0x3FDB];
	s0 =	simm.s32 @p2 $0x1  }
0x17: {  	s4 =	simm.s32 $0x1BF5;
	[smem:$0x3FBB] =	sst s0  }
0x18: {  	s0 =	sld [smem:$0x3F9E];
	_ =	swait.ge [sflag:s4], $0x0  }
0x19: {  	s7 =	sld [smem:$0x3F9F]  }
0x1a: {  	s8 =	sadd.s32 $0xFFFFE003, lr  }
0x1b: {  	s9 =	sadd.s32 $0xFFFFFEF7, lr;
	s5 =	simm.s32 $0xFFFFFFFF;
	p2 =	slt.u32 s8, $0xFFFFF086  }
0x1c: {  	p1 =	slt.u32 s9, $0xF7A;
	s5 =	simm.s32 @!p2 $0x0  }
0x1d: {  	s5 =	simm.s32 @p1 $0x1;
	p0 =	seq.s32 s7, s2  }
0x1e: {  	s7 =	smul.u32 @!p0 $0xF7A, s2;
	p2 =	seq.s32 @!p0 s5, $0x0  }
0x1f: {  	s9 =	smul.u32 $0xF7A, s1;
	s8 =	simm.s32 @!p0 $0x1BF5;
	p2 =	por !p2, p0  }
0x20: {  	[sflag:s8] =	ssyncset.s32 @!p0 $0xFFFFF086;
	s6 =	sadd.s32 @!p0 s3, s7;
	s7 =	simm.s32 @!p0 $0x108  }
0x21: {  	s3 =	sadd.s32 s3, s9;
	s6 =	sadd.s32 @!p0 $0x88, s6;
	s7 =	simm.s32 @p2 $0x1082  }
0x22: {  	[simem:s7], [sflag:s8] =	dma.local @!p0 [hbm:s6], $0xF7A  }
0x23: {  	s9 =	sor.u32 $0xD0000000, s2;
	s6 =	simm.s32 $0x108;
	_ =	swait.ge @!p0 [sflag:s8], $0x0  }
0x24: {  	s3 =	sadd.s32 $0x88, s3;
	s6 =	simm.s32 @!p1 $0x1082;
	[sflag:s4] =	ssyncset.s32 $0xFFFFF086  }
0x25: {  	[simem:s6], [sflag:s4] =	dma.local [hbm:s3], $0xF7A  }
0x26: {  	[smem:$0x3F9F] =	sst s1;
	(tag) =	ssettag s2;
	_ =	strace s9  }
0x27: {  	s1 =	sld [smem:$0x3FAF]  }
0x28: {  	s2 =	sld [smem:$0x3FB0]  }
0x29: {  	s4 =	sld [smem:$0x3FB2]  }
0x2a: {  	p0 =	seq.s32 s5, $0x0;
	s5 =	sld [smem:$0x3FB3]  }
0x2b: {  	s6 =	sld [smem:$0x3FB4]  }
0x2c: {  	s7 =	sld [smem:$0x3FB5]  }
0x2d: {  	s3 =	simm.s32 $0x108;
	s8 =	sld [smem:$0x3FB6]  }
0x2e: {  	s3 =	simm.s32 @!p0 $0x1082;
	s9 =	sld [smem:$0x3FB7]  }
0x2f: {  	lr =	sadd.s32 s0, s3;
	s0 =	sld [smem:$0x3FAE]  }
0x30: {  	s3 =	sld [smem:$0x3FB1]  }
0x31: {  	[smem:$0x3FBA] =	sst s10  }
0x32: {  	s10 =	sld [smem:$0x3FB8];
	_ =	sdelay $0x3  }
0x33: {  	p0 =	seq.s32 s10, $0x1;
	s10 =	sld [smem:$0x3FBA];
	_ =	sdelay $0x3  }
0x34: {  	[smem:$0x3FBA] =	sst s10  }
0x35: {  	s10 =	sld [smem:$0x3FB9];
	_ =	sdelay $0x3  }
0x36: {  	p1 =	seq.s32 s10, $0x1;
	s10 =	sld [smem:$0x3FBA];
	_ =	sdelay $0x3  }
0x37: {  	[smem:$0x3FBA] =	sst s10  }
0x38: {  	s10 =	sld [smem:$0x3FBB]  }
0x39: {  	_ = 	snop;
	(pc) =	sbr.ind lr, $3  }
0x3a: {  	_ = 	snop  }
0x3b: {  	_ = 	snop  }
0x3c: {  	p2 =	seq.s32 s10, $0x1;
	s10 =	sld [smem:$0x3FBA]  }
0x3d: {  	_ =	shalt  }
0x3e: {  	_ =	shalt  }
0x3f: {  	_ =	shalt  }
0x40: {  	_ =	shalt  }
0x41: {  	_ =	shalt  }
0x42: {  	_ =	shalt  }
0x43: {  	_ =	shalt  }
0x44: {  	_ =	shalt  }
0x45: {  	_ =	shalt  }
0x46: {  	_ =	shalt  }
0x47: {  	_ =	shalt  }
0x48: {  	_ =	shalt  }
0x49: {  	_ =	shalt  }
0x4a: {  	_ =	shalt  }
0x4b: {  	_ =	shalt  }
0x4c: {  	_ =	shalt  }
0x4d: {  	_ =	shalt  }
0x4e: {  	_ =	shalt  }
0x4f: {  	_ =	shalt  }
0x50: {  	_ =	shalt  }
0x51: {  	_ =	shalt  }
0x52: {  	_ =	shalt  }
0x53: {  	_ =	shalt  }
0x54: {  	_ =	shalt  }
0x55: {  	_ =	shalt  }
0x56: {  	_ =	shalt  }
0x57: {  	_ =	shalt  }
0x58: {  	_ =	shalt  }
0x59: {  	_ =	shalt  }
0x5a: {  	_ =	shalt  }
0x5b: {  	_ =	shalt  }
0x5c: {  	_ =	shalt  }
0x5d: {  	_ =	shalt  }
0x5e: {  	_ =	shalt  }
0x5f: {  	_ =	shalt  }
0x60: {  	_ =	shalt  }
0x61: {  	_ =	shalt  }
0x62: {  	_ =	shalt  }
0x63: {  	_ =	shalt  }
0x64: {  	_ =	shalt  }
0x65: {  	_ =	shalt  }
0x66: {  	_ =	shalt  }
0x67: {  	_ =	shalt  }
0x68: {  	_ =	shalt  }
0x69: {  	_ =	shalt  }
0x6a: {  	_ =	shalt  }
0x6b: {  	_ =	shalt  }
0x6c: {  	_ =	shalt  }
0x6d: {  	_ =	shalt  }
0x6e: {  	_ =	shalt  }
0x6f: {  	_ =	shalt  }
0x70: {  	_ =	shalt  }
0x71: {  	_ =	shalt  }
0x72: {  	_ =	shalt  }
0x73: {  	_ =	shalt  }
0x74: {  	_ =	shalt  }
0x75: {  	_ =	shalt  }
0x76: {  	_ =	shalt  }
0x77: {  	_ =	shalt  }
0x78: {  	_ =	shalt  }
0x79: {  	_ =	shalt  }
0x7a: {  	_ =	shalt  }
0x7b: {  	_ =	shalt  }
0x7c: {  	_ =	shalt  }
0x7d: {  	_ =	shalt  }
0x7e: {  	_ =	shalt  }
0x7f: {  	_ =	shalt  }
0x80: {  	_ =	shalt  }
0x81: {  	_ =	shalt  }
0x82: {  	_ =	shalt  }
0x83: {  	_ =	shalt  }
0x84: {  	_ =	shalt  }
0x85: {  	_ =	shalt  }
0x86: {  	_ =	shalt  }
0x87: {  	_ =	shalt  }
.Lfunc_end0:
.L_simem_size_0:
called_computation_lowered:
.L_overlay_start_0:
0x88: {  	s2 =	sld [smem:$0x3FD9]  }
0x89: {  	s3 =	sld [smem:$0x3FFE];
	_ =	sdelay $0x1  }
0x8a: {  	s1 =	srdreg.scid  }
0x8b: {  	s0 =	sand.u32 $0x1, s1  }
0x8c: {  	s16 =	sshll.u32 s0, $0xA;
	s2 =	sadd.s32 s3, s2  }
0x8d: {  	s2 =	sadd.s32 s2, s16  }
0x8e: {  	[smem:$0x3FC6] =	sst s2  }
0x8f: {  	_ = 	snop  }
0x90: {  	(tm) =	ssettm $0x1  }
0x91: {  	s17 =	sld [smem:$0x3FFB];
	_ =	sdelay $0x3  }
0x92: {  	_ =	strace s17  }
0x93: {  	s2 =	sld [smem:$0x3FFC];
	_ =	sdelay $0x3  }
0x94: {  	_ =	strace s2  }
0x95: {  	s2 =	sld [smem:$0x3FFD];
	_ =	sdelay $0x3  }
0x96: {  	_ =	strace s2  }
0x97: {  	_ =	strace $0x8FFFFFFF  }
0x98: {  	s18 =	sld [smem:$0x3FDB];
	_ =	sdelay $0x1  }
0x99: {  	s19 =	simm.s32 $_scs_section_size  }
0x9a: {  	s4 =	simm.s32 $_size__tile_overlayer_lowered;
	s5 =	simm.s32 $_tile_overlayer_lowered  }
0x9b: {  	s22 =	simm.s32 $0x1BFF;
	s21 =	sshll.u32 s5, $0x1;
	s2 =	sadd.s32 s19, s18  }
0x9c: {  	s6 =	simm.s32 $0x0;
	s20 =	sshll.u32 s4, $0x1;
	s4 =	sadd.s32 s21, s2  }
0x9d: {  	[timem:s6], [sflag:s22] =	dma.local [hbm:s4], s20  }
0x9e: {  	_ =	swait.ge [sflag:s22], s20  }
0x9f: {  	s3 =	ssub.s32 $0x0, s20;
	[sflag:s22] =	ssyncset.done $0x0  }
0xa0: {  	[sflag:s22] =	ssyncadd.s32 s3;
	_ =	sdelay $0x1  }
0xa1: {  	s23 =	simm.s32 $0x1B8B  }
0xa2: {  	_ =	swait.ge [sflag:s23], $0x1  }
0xa3: {  	[sflag:s23] =	ssyncset.done $0x0  }
0xa4: {  	s25 =	simm.s32 $0x1B8E;
	s24 =	sld [smem:$0x3FFE];
	[sflag:s23] =	ssyncadd.s32 $0xFFFFFFFF  }
0xa5: {  	s26 =	simm.s32 $execute0_lowered;
	[smem:$0x3FD2] =	sst s25  }
0xa6: {  	s4 =	sshll.u32 s26, $0x1;
	_ =	strace $0x80000046;
	[dreg:$0x1] =	wrdreg $0xFFFFFFFF  }
0xa7: {  	s28 =	simm.s32 $_size_execute0_lowered;
	s2 =	sadd.s32 s2, s4;
	[dreg:$0x0] =	wrdreg $0x0  }
0xa8: {  	s4 =	sshll.u32 s28, $0x1;
	[dreg:$0x2] =	wrdreg s2  }
0xa9: {  	[dreg:$0x3] =	wrdreg s4  }
0xaa: {  	[dreg:$0x4] =	wrdreg $0xC0  }
0xab: {  	_ =	task [dreg:s6], $0x5FFFF  }
0xac: {  	[dreg:$0x1] =	wrdreg $0xFFFFFFFF  }
0xad: {  	[dreg:$0x0] =	wrdreg $0x60  }
0xae: {  	[dreg:$0x2] =	wrdreg s24  }
0xaf: {  	[dreg:$0x3] =	wrdreg $0x0  }
0xb0: {  	[dreg:$0x4] =	wrdreg $0x80000  }
0xb1: {  	[dreg:$0x5] =	wrdreg $0x100000  }
0xb2: {  	[dreg:$0x6] =	wrdreg $0x9  }
0xb3: {  	_ =	task.clear_ibuf [dreg:s6], $0x7FFFF;
	_ =	strace $0x90000046  }
0xb4: {  	s29 =	simm.s32 $0x9;
	_ =	strace $0x80000048  }
0xb5: {  	_ =	swait.ge [sflag:s29], $0x1  }
0xb6: {  	[sflag:s29] =	ssyncadd.s32 $0xFFFFFFFF  }
0xb7: {  	_ =	strace $0x90000048  }
0xb8: {  	_ =	sfence  }
0xb9: {  	s30 =	sld [smem:$0x0];
	_ =	sdelay $0x2  }
0xba: {  	s31 =	sshll.u32 s1, $0xD;
	s1 =	sshrl.u32 s1, $0x2  }
0xbb: {  	s3 =	sand.u32 $0x4000, s31;
	s1 =	sadd.s32 s1, s30  }
0xbc: {  	s0 =	sor.u32 s3, s0;
	s1 =	sshll.u32 s1, $0x11  }
0xbd: {  	s0 =	sor.u32 s1, s0  }
0xbe: {  	s0 =	sadd.s32 $0x8F2B, s0  }
0xbf: {  	[sflag:s0] =	ssyncadd.remote.s32 $0x1  }
0xc0: {  	_ =	sfence.sel $0xFFFF  }
0xc1: {  	[dreg:$0x0] =	wrdreg $0xFFFFFFFF;
	(pc) =	sbr.abs _section_cstart, $3  }
0xc2: {  	[dreg:$0x1] =	wrdreg $0xFFFFFFFF  }
0xc3: {  	_ =	task.clear_ibuf [dreg:s6], $0x2FFFF;
	_ =	strace $0x9FFFFFFF  }
0xc4: {  	(tm) =	ssettm $0x7FFFFFFF  }
0xc5: {  	_ =	shalt  }
tec
execute0_lowered:
.L_overlay_start_1:
0x0: {  	(tag) =	ssettag $0x1  }
0x1: {  	s8 =	rddreg [dreg:$0x0]  }
0x2: {  	s1 =	rddreg [dreg:$0x1]  }
0x3: {  	s2 =	rddreg [dreg:$0x2]  }
0x4: {  	s3 =	rddreg [dreg:$0x3]  }
0x5: {  	s0 =	rddreg [dreg:$0x4];
	s5 =	simm.s32 $0x0;
	s6 =	srdreg.scid  }
0x6: {  	s4 =	stileid.u32;
	s16 =	simm.s32 $0x18000;
	s17 =	simm.s32 $0x1  }
0x7: {  	s18 =	simm.s32 $0x18800;
	s19 =	simm.s32 $0x19000;
	s20 =	simm.s32 $0x19400  }
0x8: {  	s21 =	simm.s32 $0x19800;
	s22 =	simm.s32 $0x19C00;
	s23 =	simm.s32 $0x20  }
0x9: {  	s24 =	simm.s32 $0x10;
	[smem:$0x7FF] =	sst s5;
	s9 =	sand.u32 $0x1, s6  }
0xa: {  	s7 =	sshll.u32 s4, $0xD;
	s6 =	sadd.s32 $0x81E00, s8;
	s31 =	sshll.u32 s4, $0xE  }
0xb: {  	s14 =	sshll.u32 s4, $0xF;
	_ =	strace $0x80000047;
	s10 =	sshll.u32 s9, $0x4  }
0xc: {  	s11 =	ssub.s32 $0x2, s9;
	s30 =	sshll.u32 s9, $0x12;
	s12 =	sadd.s32 s14, s2  }
0xd: {  	s10 =	sor.u32 s10, s7;
	s7 =	sadd.s32 $0x1E00, s8;
	s29 =	sshrl.u32 s11, $0x1  }
0xe: {  	s13 =	sadd.s32 s10, s8;
	s15 =	ssub.s32 s11, s29;
	s8 =	sor.u32 s31, s30  }
0xf: {  	s10 =	sadd.s32 s14, s1;
	s14 =	sadd.s32 s14, s3;
	s9 =	sadd.s32 $0x101E00, s13  }
0x10: {  	v0 =	vimm.f32 $0.0e+00;
	v1 =	vimm.f32 $1.000000000e+00;
	s11 =	sadd.s32 $0x141E00, s13;
	s13 =	sadd.s32 $0x121E00, s13;
	s15 =	smax.u32 s15, $0x1  }
.LBB2_1:
0x11: {  	s25 =	simm.s32 $0x40;
	s26 =	simm.s32 $0x0  }
.LBB2_2:
0x12: {  	p0 =	sne.s32 s25, $0x1FC0;
	[tilespmem:s26+$0x18000] =	vst v0;
	s26 =	smov.u32 s25;
	s25 =	sadd.s32 $0x40, s25  }
.Ltmp0:
0x13: {  	(pc) =	sbr.rel @p0 .LBB2_2-.Ltmp0, $2  }
0x14: {  	_ =	sdelay $0x2  }
0x15: {  	s26 =	sshra.s32 s26, $0x2  }
0x16: {  	[tilespmem:s26+$0x18000] =	vst v0;
	s25 =	simm.s32 $0x40;
	s26 =	simm.s32 $0x0  }
.LBB2_4:
0x17: {  	p0 =	sne.s32 s25, $0xFC0;
	[tilespmem:s26+$0x19C00] =	vst v1;
	s26 =	smov.u32 s25;
	s25 =	sadd.s32 $0x40, s25  }
.Ltmp1:
0x18: {  	(pc) =	sbr.rel @p0 .LBB2_4-.Ltmp1, $2  }
0x19: {  	_ =	sdelay $0x2  }
0x1a: {  	s26 =	sshra.s32 s26, $0x2  }
0x1b: {  	[tilespmem:s26+$0x19C00] =	vst v1;
	s25 =	sadd.s32 $0x0, s10  }
0x1c: {  	[spmem:s25] =	stream.linear.scatter [tilespmem:s16], [sflag:$0x1], $0x800, $0x38;
	[tilespmem:$0x1A000] =	vst v63  }
0x1d: {  	_ =	swait.ge [sflag:s17], $0x800  }
0x1e: {  	[sflag:s17] =	ssyncset.done $0x0  }
0x1f: {  	s30 =	sadd.s32 $0x0, s12;
	[sflag:s17] =	ssyncadd.s32 $0xFFFFF800  }
0x20: {  	[spmem:s30] =	stream.linear.scatter [tilespmem:s16], [sflag:$0x1], $0x800, $0x38;
	[tilespmem:$0x1A000] =	vst v63  }
0x21: {  	_ =	swait.ge [sflag:s17], $0x800  }
0x22: {  	[sflag:s17] =	ssyncset.done $0x0  }
0x23: {  	s31 =	sadd.s32 $0x0, s14;
	[sflag:s17] =	ssyncadd.s32 $0xFFFFF800  }
0x24: {  	[spmem:s31] =	stream.linear.scatter [tilespmem:s16], [sflag:$0x1], $0x800, $0x38;
	[tilespmem:$0x1A000] =	vst v63  }
0x25: {  	_ =	swait.ge [sflag:s17], $0x800  }
0x26: {  	s26 =	simm.s32 $0x4000;
	s25 =	simm.s32 $0x800;
	[sflag:s17] =	ssyncset.done $0x0  }
.LBB2_6:
0x27: {  	s28 =	sadd.s32 s25, s10  }
0x28: {  	[sflag:s17] =	ssyncadd.s32 $0xFFFFF800;
	s29 =	smov.u32 s26;
	s30 =	sadd.s32 $0x2000, s26  }
0x29: {  	[spmem:s28] =	stream.linear.scatter [tilespmem:s16], [sflag:$0x1], $0x800, $0x38;
	[tilespmem:$0x1A000] =	vst v63  }
0x2a: {  	p0 =	sne.s32 s26, $0x1E000;
	_ =	swait.ge [sflag:s17], $0x800  }
0x2b: {  	[sflag:s17] =	ssyncset.done $0x0  }
0x2c: {  	s26 =	sadd.s32 s25, s12;
	[sflag:s17] =	ssyncadd.s32 $0xFFFFF800  }
0x2d: {  	[spmem:s26] =	stream.linear.scatter [tilespmem:s16], [sflag:$0x1], $0x800, $0x38;
	[tilespmem:$0x1A000] =	vst v63  }
0x2e: {  	_ =	swait.ge [sflag:s17], $0x800  }
.Ltmp2:
0x2f: {  	[sflag:s17] =	ssyncset.done $0x0;
	(pc) =	sbr.rel @p0 .LBB2_6-.Ltmp2, $4  }
0x30: {  	s25 =	sadd.s32 s25, s14;
	[sflag:s17] =	ssyncadd.s32 $0xFFFFF800  }
0x31: {  	[spmem:s25] =	stream.linear.scatter [tilespmem:s16], [sflag:$0x1], $0x800, $0x38;
	[tilespmem:$0x1A000] =	vst v63  }
0x32: {  	_ =	swait.ge [sflag:s17], $0x800  }
0x33: {  	s26 =	smov.u32 s30;
	s25 =	sshra.s32 s29, $0x2;
	[sflag:s17] =	ssyncset.done $0x0  }
0x34: {  	s26 =	sadd.s32 s25, s10;
	[sflag:s17] =	ssyncadd.s32 $0xFFFFF800  }
0x35: {  	[spmem:s26] =	stream.linear.scatter [tilespmem:s16], [sflag:$0x1], $0x800, $0x38;
	[tilespmem:$0x1A000] =	vst v63  }
0x36: {  	_ =	swait.ge [sflag:s17], $0x800  }
0x37: {  	[sflag:s17] =	ssyncset.done $0x0  }
0x38: {  	s30 =	sadd.s32 s25, s12;
	[sflag:s17] =	ssyncadd.s32 $0xFFFFF800  }
0x39: {  	[spmem:s30] =	stream.linear.scatter [tilespmem:s16], [sflag:$0x1], $0x800, $0x38;
	[tilespmem:$0x1A000] =	vst v63  }
0x3a: {  	_ =	swait.ge [sflag:s17], $0x800  }
0x3b: {  	[sflag:s17] =	ssyncset.done $0x0  }
0x3c: {  	s31 =	sadd.s32 s25, s14;
	[sflag:s17] =	ssyncadd.s32 $0xFFFFF800  }
0x3d: {  	[spmem:s31] =	stream.linear.scatter [tilespmem:s16], [sflag:$0x1], $0x800, $0x38;
	[tilespmem:$0x1A000] =	vst v63  }
0x3e: {  	_ =	swait.ge [sflag:s17], $0x800  }
0x3f: {  	[sflag:s17] =	ssyncset.done $0x0  }
0x40: {  	[sflag:s17] =	ssyncadd.s32 $0xFFFFF800  }
0x41: {  	s25 =	simm.s32 $0x0;
	s26 =	simm.s32 $0x0;
	[bflag:$0x0] =	sbarrier.arrive $0xFFFF  }
.LBB2_8:
0x42: {  	s28 =	sshll.u32 s26, $0x8  }
0x43: {  	s28 =	sadd.s32 s8, s28  }
0x44: {  	s29 =	sadd.s32 s6, s28  }
0x45: {  	[tilespmem:s16], [sflag:$0x1] =	stream.linear.gather [hbm4b:s29+s25], $0x800, $0x38;
	[tilespmem:$0x1A000] =	vst v63  }
0x46: {  	_ =	swait.ge [sflag:s17], $0x800  }
0x47: {  	[sflag:s17] =	ssyncset.done $0x0  }
0x48: {  	s28 =	sadd.s32 s7, s28;
	[sflag:s17] =	ssyncadd.s32 $0xFFFFF800  }
0x49: {  	[tilespmem:s18], [sflag:$0x1] =	stream.linear.gather [hbm4b:s28+s25], $0x800, $0x38;
	[tilespmem:$0x1A000] =	vst v63  }
0x4a: {  	_ =	swait.ge [sflag:s17], $0x800  }
0x4b: {  	[sflag:s17] =	ssyncset.done $0x0  }
0x4c: {  	p0 =	por $0x1, $0x1;
	s28 =	simm.s32 $0x0;
	[sflag:s17] =	ssyncadd.s32 $0xFFFFF800  }
.LBB2_9:
0x4d: {  	v2 =	vld [tilespmem:s28+$0x18800];
	_ =	sdelay $0x3  }
0x4e: {  	v3 =	vld [tilespmem:s28+$0x18000]  }
0x4f: {  	v4 =	vadd.f32 v2, v2;
	_ =	sdelay $0x1  }
0x50: {  	v4 =	vadd.f32 $-1.000000000e+00, v4;
	_ =	sdelay $0x1  }
0x51: {  	v3 =	vmul.f32 v4, v3;
	_ =	sdelay $0x1  }
0x52: {  	v3 =	vsub.f32 $1.000000000e+00, v3;
	_ =	sdelay $0x1  }
0x53: {  	[tilespmem:$0x19800] =	vst v2;
	vm0 =	vgt.f32 v3, $0.0e+00;
	v49 =	vshrl.u32 v3, $0xC;
	v3 =	vmax.f32 v3, $0.0e+00  }
0x54: {  	v4 =	vnsel vm0, $0x0, v49;
	[tilespmem:$0x19400] =	vst v3  }
0x55: {  	[tilespmem:$0x19000] =	vst v4  }
0x56: {  	v2 =	vld [tilespmem:s28+$0x18810];
	_ =	sdelay $0x3  }
0x57: {  	v3 =	vld [tilespmem:s28+$0x18010]  }
0x58: {  	v50 =	vadd.f32 v2, v2;
	_ =	sdelay $0x1  }
0x59: {  	v4 =	vadd.f32 $-1.000000000e+00, v50;
	_ =	sdelay $0x1  }
0x5a: {  	v3 =	vmul.f32 v4, v3;
	_ =	sdelay $0x1  }
0x5b: {  	v3 =	vsub.f32 $1.000000000e+00, v3;
	_ =	sdelay $0x1  }
0x5c: {  	[tilespmem:$0x19810] =	vst v2;
	vm13 =	vgt.f32 v3, $0.0e+00;
	v51 =	vshrl.u32 v3, $0xC;
	v3 =	vmax.f32 v3, $0.0e+00  }
0x5d: {  	v4 =	vnsel vm13, $0x0, v51;
	[tilespmem:$0x19410] =	vst v3  }
0x5e: {  	[tilespmem:$0x19010] =	vst v4  }
0x5f: {  	v2 =	vld [tilespmem:s28+$0x18820];
	_ =	sdelay $0x3  }
0x60: {  	v3 =	vld [tilespmem:s28+$0x18020]  }
0x61: {  	v52 =	vadd.f32 v2, v2;
	_ =	sdelay $0x1  }
0x62: {  	v4 =	vadd.f32 $-1.000000000e+00, v52;
	_ =	sdelay $0x1  }
0x63: {  	v3 =	vmul.f32 v4, v3;
	_ =	sdelay $0x1  }
0x64: {  	v3 =	vsub.f32 $1.000000000e+00, v3;
	_ =	sdelay $0x1  }
0x65: {  	[tilespmem:$0x19820] =	vst v2;
	vm14 =	vgt.f32 v3, $0.0e+00;
	v53 =	vshrl.u32 v3, $0xC;
	v3 =	vmax.f32 v3, $0.0e+00  }
0x66: {  	v4 =	vnsel vm14, $0x0, v53;
	[tilespmem:$0x19420] =	vst v3  }
0x67: {  	[tilespmem:$0x19020] =	vst v4  }
0x68: {  	v2 =	vld [tilespmem:s28+$0x18830];
	_ =	sdelay $0x3  }
0x69: {  	v3 =	vld [tilespmem:s28+$0x18030]  }
0x6a: {  	v54 =	vadd.f32 v2, v2;
	_ =	sdelay $0x1  }
0x6b: {  	v4 =	vadd.f32 $-1.000000000e+00, v54;
	_ =	sdelay $0x1  }
0x6c: {  	v3 =	vmul.f32 v4, v3;
	_ =	sdelay $0x1  }
0x6d: {  	v3 =	vsub.f32 $1.000000000e+00, v3;
	_ =	sdelay $0x1  }
0x6e: {  	[tilespmem:$0x19830] =	vst v2;
	vm15 =	vgt.f32 v3, $0.0e+00;
	v55 =	vshrl.u32 v3, $0xC;
	v3 =	vmax.f32 v3, $0.0e+00  }
0x6f: {  	v4 =	vnsel vm15, $0x0, v55;
	[tilespmem:$0x19430] =	vst v3  }
0x70: {  	[tilespmem:$0x19030] =	vst v4  }
0x71: {  	v2 =	vld [tilespmem:s28+$0x18840];
	_ =	sdelay $0x3  }
0x72: {  	v3 =	vld [tilespmem:s28+$0x18040]  }
0x73: {  	v56 =	vadd.f32 v2, v2;
	_ =	sdelay $0x1  }
0x74: {  	v4 =	vadd.f32 $-1.000000000e+00, v56;
	_ =	sdelay $0x1  }
0x75: {  	v3 =	vmul.f32 v4, v3;
	_ =	sdelay $0x1  }
0x76: {  	v3 =	vsub.f32 $1.000000000e+00, v3;
	_ =	sdelay $0x1  }
0x77: {  	[tilespmem:$0x19840] =	vst v2;
	vm4 =	vgt.f32 v3, $0.0e+00;
	v57 =	vshrl.u32 v3, $0xC;
	v3 =	vmax.f32 v3, $0.0e+00  }
0x78: {  	v4 =	vnsel vm4, $0x0, v57;
	[tilespmem:$0x19440] =	vst v3  }
0x79: {  	[tilespmem:$0x19040] =	vst v4  }
0x7a: {  	v2 =	vld [tilespmem:s28+$0x18850];
	_ =	sdelay $0x3  }
0x7b: {  	v3 =	vld [tilespmem:s28+$0x18050]  }
0x7c: {  	v58 =	vadd.f32 v2, v2;
	_ =	sdelay $0x1  }
0x7d: {  	v4 =	vadd.f32 $-1.000000000e+00, v58;
	_ =	sdelay $0x1  }
0x7e: {  	v3 =	vmul.f32 v4, v3;
	_ =	sdelay $0x1  }
0x7f: {  	v3 =	vsub.f32 $1.000000000e+00, v3;
	_ =	sdelay $0x1  }
0x80: {  	[tilespmem:$0x19850] =	vst v2;
	vm5 =	vgt.f32 v3, $0.0e+00;
	v59 =	vshrl.u32 v3, $0xC;
	v3 =	vmax.f32 v3, $0.0e+00  }
0x81: {  	v4 =	vnsel vm5, $0x0, v59;
	[tilespmem:$0x19450] =	vst v3  }
0x82: {  	[tilespmem:$0x19050] =	vst v4  }
0x83: {  	v2 =	vld [tilespmem:s28+$0x18860];
	_ =	sdelay $0x3  }
0x84: {  	v3 =	vld [tilespmem:s28+$0x18060]  }
0x85: {  	v60 =	vadd.f32 v2, v2;
	_ =	sdelay $0x1  }
0x86: {  	v4 =	vadd.f32 $-1.000000000e+00, v60;
	_ =	sdelay $0x1  }
0x87: {  	v3 =	vmul.f32 v4, v3;
	_ =	sdelay $0x1  }
0x88: {  	v3 =	vsub.f32 $1.000000000e+00, v3;
	_ =	sdelay $0x1  }
0x89: {  	[tilespmem:$0x19860] =	vst v2;
	vm6 =	vgt.f32 v3, $0.0e+00;
	v61 =	vshrl.u32 v3, $0xC;
	v3 =	vmax.f32 v3, $0.0e+00  }
0x8a: {  	v4 =	vnsel vm6, $0x0, v61;
	[tilespmem:$0x19460] =	vst v3  }
0x8b: {  	[tilespmem:$0x19060] =	vst v4  }
0x8c: {  	v2 =	vld [tilespmem:s28+$0x18870];
	_ =	sdelay $0x3  }
0x8d: {  	v3 =	vld [tilespmem:s28+$0x18070]  }
0x8e: {  	v62 =	vadd.f32 v2, v2;
	_ =	sdelay $0x1  }
0x8f: {  	v4 =	vadd.f32 $-1.000000000e+00, v62;
	_ =	sdelay $0x1  }
0x90: {  	v3 =	vmul.f32 v4, v3;
	_ =	sdelay $0x1  }
0x91: {  	v3 =	vsub.f32 $1.000000000e+00, v3;
	_ =	sdelay $0x1  }
0x92: {  	[tilespmem:$0x19870] =	vst v2;
	vm7 =	vgt.f32 v3, $0.0e+00;
	v63 =	vshrl.u32 v3, $0xC;
	v3 =	vmax.f32 v3, $0.0e+00  }
0x93: {  	v4 =	vnsel vm7, $0x0, v63;
	[tilespmem:$0x19470] =	vst v3  }
0x94: {  	[tilespmem:$0x19070] =	vst v4  }
0x95: {  	v2 =	vld [tilespmem:s28+$0x18880];
	_ =	sdelay $0x3  }
0x96: {  	v3 =	vld [tilespmem:s28+$0x18080]  }
0x97: {  	v8 =	vadd.f32 v2, v2;
	_ =	sdelay $0x1  }
0x98: {  	v4 =	vadd.f32 $-1.000000000e+00, v8;
	_ =	sdelay $0x1  }
0x99: {  	v3 =	vmul.f32 v4, v3;
	_ =	sdelay $0x1  }
0x9a: {  	v3 =	vsub.f32 $1.000000000e+00, v3;
	_ =	sdelay $0x1  }
0x9b: {  	[tilespmem:$0x19880] =	vst v2;
	vm8 =	vgt.f32 v3, $0.0e+00;
	v9 =	vshrl.u32 v3, $0xC;
	v3 =	vmax.f32 v3, $0.0e+00  }
0x9c: {  	v4 =	vnsel vm8, $0x0, v9;
	[tilespmem:$0x19480] =	vst v3  }
0x9d: {  	[tilespmem:$0x19080] =	vst v4  }
0x9e: {  	v2 =	vld [tilespmem:s28+$0x18890];
	_ =	sdelay $0x3  }
0x9f: {  	v3 =	vld [tilespmem:s28+$0x18090]  }
0xa0: {  	v10 =	vadd.f32 v2, v2;
	_ =	sdelay $0x1  }
0xa1: {  	v4 =	vadd.f32 $-1.000000000e+00, v10;
	_ =	sdelay $0x1  }
0xa2: {  	v3 =	vmul.f32 v4, v3;
	_ =	sdelay $0x1  }
0xa3: {  	v3 =	vsub.f32 $1.000000000e+00, v3;
	_ =	sdelay $0x1  }
0xa4: {  	[tilespmem:$0x19890] =	vst v2;
	vm9 =	vgt.f32 v3, $0.0e+00;
	v11 =	vshrl.u32 v3, $0xC;
	v3 =	vmax.f32 v3, $0.0e+00  }
0xa5: {  	v4 =	vnsel vm9, $0x0, v11;
	[tilespmem:$0x19490] =	vst v3  }
0xa6: {  	[tilespmem:$0x19090] =	vst v4  }
0xa7: {  	v2 =	vld [tilespmem:s28+$0x188A0];
	_ =	sdelay $0x3  }
0xa8: {  	v3 =	vld [tilespmem:s28+$0x180A0]  }
0xa9: {  	v12 =	vadd.f32 v2, v2;
	_ =	sdelay $0x1  }
0xaa: {  	v4 =	vadd.f32 $-1.000000000e+00, v12;
	_ =	sdelay $0x1  }
0xab: {  	v3 =	vmul.f32 v4, v3;
	_ =	sdelay $0x1  }
0xac: {  	v3 =	vsub.f32 $1.000000000e+00, v3;
	_ =	sdelay $0x1  }
0xad: {  	[tilespmem:$0x198A0] =	vst v2;
	vm10 =	vgt.f32 v3, $0.0e+00;
	v13 =	vshrl.u32 v3, $0xC;
	v3 =	vmax.f32 v3, $0.0e+00  }
0xae: {  	v4 =	vnsel vm10, $0x0, v13;
	[tilespmem:$0x194A0] =	vst v3  }
0xaf: {  	[tilespmem:$0x190A0] =	vst v4  }
0xb0: {  	v2 =	vld [tilespmem:s28+$0x188B0];
	_ =	sdelay $0x3  }
0xb1: {  	v3 =	vld [tilespmem:s28+$0x180B0]  }
0xb2: {  	v14 =	vadd.f32 v2, v2;
	_ =	sdelay $0x1  }
0xb3: {  	v4 =	vadd.f32 $-1.000000000e+00, v14;
	_ =	sdelay $0x1  }
0xb4: {  	v3 =	vmul.f32 v4, v3;
	_ =	sdelay $0x1  }
0xb5: {  	v3 =	vsub.f32 $1.000000000e+00, v3;
	_ =	sdelay $0x1  }
0xb6: {  	[tilespmem:$0x198B0] =	vst v2;
	vm11 =	vgt.f32 v3, $0.0e+00;
	v15 =	vshrl.u32 v3, $0xC;
	v3 =	vmax.f32 v3, $0.0e+00  }
0xb7: {  	v4 =	vnsel vm11, $0x0, v15;
	[tilespmem:$0x194B0] =	vst v3  }
0xb8: {  	[tilespmem:$0x190B0] =	vst v4  }
0xb9: {  	v2 =	vld [tilespmem:s28+$0x188C0];
	_ =	sdelay $0x3  }
0xba: {  	v3 =	vld [tilespmem:s28+$0x180C0]  }
0xbb: {  	v16 =	vadd.f32 v2, v2;
	_ =	sdelay $0x1  }
0xbc: {  	v4 =	vadd.f32 $-1.000000000e+00, v16;
	_ =	sdelay $0x1  }
0xbd: {  	v3 =	vmul.f32 v4, v3;
	_ =	sdelay $0x1  }
0xbe: {  	v3 =	vsub.f32 $1.000000000e+00, v3;
	_ =	sdelay $0x1  }
0xbf: {  	[tilespmem:$0x198C0] =	vst v2;
	vm12 =	vgt.f32 v3, $0.0e+00;
	v17 =	vshrl.u32 v3, $0xC;
	v3 =	vmax.f32 v3, $0.0e+00  }
0xc0: {  	v4 =	vnsel vm12, $0x0, v17;
	[tilespmem:$0x194C0] =	vst v3  }
0xc1: {  	[tilespmem:$0x190C0] =	vst v4  }
0xc2: {  	v2 =	vld [tilespmem:s28+$0x188D0];
	_ =	sdelay $0x3  }
0xc3: {  	v3 =	vld [tilespmem:s28+$0x180D0]  }
0xc4: {  	v18 =	vadd.f32 v2, v2;
	_ =	sdelay $0x1  }
0xc5: {  	v4 =	vadd.f32 $-1.000000000e+00, v18;
	_ =	sdelay $0x1  }
0xc6: {  	v3 =	vmul.f32 v4, v3;
	_ =	sdelay $0x1  }
0xc7: {  	v3 =	vsub.f32 $1.000000000e+00, v3;
	_ =	sdelay $0x1  }
0xc8: {  	[tilespmem:$0x198D0] =	vst v2;
	vm13 =	vgt.f32 v3, $0.0e+00;
	v19 =	vshrl.u32 v3, $0xC;
	v3 =	vmax.f32 v3, $0.0e+00  }
0xc9: {  	v4 =	vnsel vm13, $0x0, v19;
	[tilespmem:$0x194D0] =	vst v3  }
0xca: {  	[tilespmem:$0x190D0] =	vst v4  }
0xcb: {  	v2 =	vld [tilespmem:s28+$0x188E0];
	_ =	sdelay $0x3  }
0xcc: {  	v3 =	vld [tilespmem:s28+$0x180E0]  }
0xcd: {  	v20 =	vadd.f32 v2, v2;
	_ =	sdelay $0x1  }
0xce: {  	v4 =	vadd.f32 $-1.000000000e+00, v20;
	_ =	sdelay $0x1  }
0xcf: {  	v3 =	vmul.f32 v4, v3;
	_ =	sdelay $0x1  }
0xd0: {  	v3 =	vsub.f32 $1.000000000e+00, v3;
	_ =	sdelay $0x1  }
0xd1: {  	[tilespmem:$0x198E0] =	vst v2;
	vm14 =	vgt.f32 v3, $0.0e+00;
	v21 =	vshrl.u32 v3, $0xC;
	v3 =	vmax.f32 v3, $0.0e+00  }
0xd2: {  	v4 =	vnsel vm14, $0x0, v21;
	[tilespmem:$0x194E0] =	vst v3  }
0xd3: {  	[tilespmem:$0x190E0] =	vst v4  }
0xd4: {  	v2 =	vld [tilespmem:s28+$0x188F0];
	_ =	sdelay $0x3  }
0xd5: {  	v3 =	vld [tilespmem:s28+$0x180F0]  }
0xd6: {  	v22 =	vadd.f32 v2, v2;
	_ =	sdelay $0x1  }
0xd7: {  	v4 =	vadd.f32 $-1.000000000e+00, v22;
	_ =	sdelay $0x1  }
0xd8: {  	v3 =	vmul.f32 v4, v3;
	_ =	sdelay $0x1  }
0xd9: {  	v3 =	vsub.f32 $1.000000000e+00, v3;
	_ =	sdelay $0x1  }
0xda: {  	[tilespmem:$0x198F0] =	vst v2;
	vm15 =	vgt.f32 v3, $0.0e+00;
	v23 =	vshrl.u32 v3, $0xC;
	v3 =	vmax.f32 v3, $0.0e+00  }
0xdb: {  	v4 =	vnsel vm15, $0x0, v23;
	[tilespmem:$0x194F0] =	vst v3  }
0xdc: {  	[tilespmem:$0x190F0] =	vst v4  }
0xdd: {  	v2 =	vld [tilespmem:s28+$0x18900];
	_ =	sdelay $0x3  }
0xde: {  	v3 =	vld [tilespmem:s28+$0x18100]  }
0xdf: {  	v24 =	vadd.f32 v2, v2;
	_ =	sdelay $0x1  }
0xe0: {  	v4 =	vadd.f32 $-1.000000000e+00, v24;
	_ =	sdelay $0x1  }
0xe1: {  	v3 =	vmul.f32 v4, v3;
	_ =	sdelay $0x1  }
0xe2: {  	v3 =	vsub.f32 $1.000000000e+00, v3;
	_ =	sdelay $0x1  }
0xe3: {  	[tilespmem:$0x19900] =	vst v2;
	vm4 =	vgt.f32 v3, $0.0e+00;
	v25 =	vshrl.u32 v3, $0xC;
	v3 =	vmax.f32 v3, $0.0e+00  }
0xe4: {  	v4 =	vnsel vm4, $0x0, v25;
	[tilespmem:$0x19500] =	vst v3  }
0xe5: {  	[tilespmem:$0x19100] =	vst v4  }
0xe6: {  	v2 =	vld [tilespmem:s28+$0x18910];
	_ =	sdelay $0x3  }
0xe7: {  	v3 =	vld [tilespmem:s28+$0x18110]  }
0xe8: {  	v26 =	vadd.f32 v2, v2;
	_ =	sdelay $0x1  }
0xe9: {  	v4 =	vadd.f32 $-1.000000000e+00, v26;
	_ =	sdelay $0x1  }
0xea: {  	v3 =	vmul.f32 v4, v3;
	_ =	sdelay $0x1  }
0xeb: {  	v3 =	vsub.f32 $1.000000000e+00, v3;
	_ =	sdelay $0x1  }
0xec: {  	[tilespmem:$0x19910] =	vst v2;
	vm5 =	vgt.f32 v3, $0.0e+00;
	v27 =	vshrl.u32 v3, $0xC;
	v3 =	vmax.f32 v3, $0.0e+00  }
0xed: {  	v4 =	vnsel vm5, $0x0, v27;
	[tilespmem:$0x19510] =	vst v3  }
0xee: {  	[tilespmem:$0x19110] =	vst v4  }
0xef: {  	v2 =	vld [tilespmem:s28+$0x18920];
	_ =	sdelay $0x3  }
0xf0: {  	v3 =	vld [tilespmem:s28+$0x18120]  }
0xf1: {  	v28 =	vadd.f32 v2, v2;
	_ =	sdelay $0x1  }
0xf2: {  	v4 =	vadd.f32 $-1.000000000e+00, v28;
	_ =	sdelay $0x1  }
0xf3: {  	v3 =	vmul.f32 v4, v3;
	_ =	sdelay $0x1  }
0xf4: {  	v3 =	vsub.f32 $1.000000000e+00, v3;
	_ =	sdelay $0x1  }
0xf5: {  	[tilespmem:$0x19920] =	vst v2;
	vm6 =	vgt.f32 v3, $0.0e+00;
	v29 =	vshrl.u32 v3, $0xC;
	v3 =	vmax.f32 v3, $0.0e+00  }
0xf6: {  	v4 =	vnsel vm6, $0x0, v29;
	[tilespmem:$0x19520] =	vst v3  }
0xf7: {  	[tilespmem:$0x19120] =	vst v4  }
0xf8: {  	v2 =	vld [tilespmem:s28+$0x18930];
	_ =	sdelay $0x3  }
0xf9: {  	v3 =	vld [tilespmem:s28+$0x18130]  }
0xfa: {  	v30 =	vadd.f32 v2, v2;
	_ =	sdelay $0x1  }
0xfb: {  	v4 =	vadd.f32 $-1.000000000e+00, v30;
	_ =	sdelay $0x1  }
0xfc: {  	v3 =	vmul.f32 v4, v3;
	_ =	sdelay $0x1  }
0xfd: {  	v3 =	vsub.f32 $1.000000000e+00, v3;
	_ =	sdelay $0x1  }
0xfe: {  	[tilespmem:$0x19930] =	vst v2;
	vm7 =	vgt.f32 v3, $0.0e+00;
	v31 =	vshrl.u32 v3, $0xC;
	v3 =	vmax.f32 v3, $0.0e+00  }
0xff: {  	v4 =	vnsel vm7, $0x0, v31;
	[tilespmem:$0x19530] =	vst v3  }
0x100: {  	[tilespmem:$0x19130] =	vst v4  }
0x101: {  	v2 =	vld [tilespmem:s28+$0x18940];
	_ =	sdelay $0x3  }
0x102: {  	v3 =	vld [tilespmem:s28+$0x18140]  }
0x103: {  	v32 =	vadd.f32 v2, v2;
	_ =	sdelay $0x1  }
0x104: {  	v4 =	vadd.f32 $-1.000000000e+00, v32;
	_ =	sdelay $0x1  }
0x105: {  	v3 =	vmul.f32 v4, v3;
	_ =	sdelay $0x1  }
0x106: {  	v3 =	vsub.f32 $1.000000000e+00, v3;
	_ =	sdelay $0x1  }
0x107: {  	[tilespmem:$0x19940] =	vst v2;
	vm8 =	vgt.f32 v3, $0.0e+00;
	v33 =	vshrl.u32 v3, $0xC;
	v3 =	vmax.f32 v3, $0.0e+00  }
0x108: {  	v4 =	vnsel vm8, $0x0, v33;
	[tilespmem:$0x19540] =	vst v3  }
0x109: {  	[tilespmem:$0x19140] =	vst v4  }
0x10a: {  	v2 =	vld [tilespmem:s28+$0x18950];
	_ =	sdelay $0x3  }
0x10b: {  	v3 =	vld [tilespmem:s28+$0x18150]  }
0x10c: {  	v34 =	vadd.f32 v2, v2;
	_ =	sdelay $0x1  }
0x10d: {  	v4 =	vadd.f32 $-1.000000000e+00, v34;
	_ =	sdelay $0x1  }
0x10e: {  	v3 =	vmul.f32 v4, v3;
	_ =	sdelay $0x1  }
0x10f: {  	v3 =	vsub.f32 $1.000000000e+00, v3;
	_ =	sdelay $0x1  }
0x110: {  	[tilespmem:$0x19950] =	vst v2;
	vm9 =	vgt.f32 v3, $0.0e+00;
	v35 =	vshrl.u32 v3, $0xC;
	v3 =	vmax.f32 v3, $0.0e+00  }
0x111: {  	v4 =	vnsel vm9, $0x0, v35;
	[tilespmem:$0x19550] =	vst v3  }
0x112: {  	[tilespmem:$0x19150] =	vst v4  }
0x113: {  	v2 =	vld [tilespmem:s28+$0x18960];
	_ =	sdelay $0x3  }
0x114: {  	v3 =	vld [tilespmem:s28+$0x18160]  }
0x115: {  	v36 =	vadd.f32 v2, v2;
	_ =	sdelay $0x1  }
0x116: {  	v4 =	vadd.f32 $-1.000000000e+00, v36;
	_ =	sdelay $0x1  }
0x117: {  	v3 =	vmul.f32 v4, v3;
	_ =	sdelay $0x1  }
0x118: {  	v3 =	vsub.f32 $1.000000000e+00, v3;
	_ =	sdelay $0x1  }
0x119: {  	[tilespmem:$0x19960] =	vst v2;
	vm10 =	vgt.f32 v3, $0.0e+00;
	v37 =	vshrl.u32 v3, $0xC;
	v3 =	vmax.f32 v3, $0.0e+00  }
0x11a: {  	v4 =	vnsel vm10, $0x0, v37;
	[tilespmem:$0x19560] =	vst v3  }
0x11b: {  	[tilespmem:$0x19160] =	vst v4  }
0x11c: {  	v2 =	vld [tilespmem:s28+$0x18970];
	_ =	sdelay $0x3  }
0x11d: {  	v3 =	vld [tilespmem:s28+$0x18170]  }
0x11e: {  	v38 =	vadd.f32 v2, v2;
	_ =	sdelay $0x1  }
0x11f: {  	v4 =	vadd.f32 $-1.000000000e+00, v38;
	_ =	sdelay $0x1  }
0x120: {  	v3 =	vmul.f32 v4, v3;
	_ =	sdelay $0x1  }
0x121: {  	v3 =	vsub.f32 $1.000000000e+00, v3;
	_ =	sdelay $0x1  }
0x122: {  	[tilespmem:$0x19970] =	vst v2;
	vm11 =	vgt.f32 v3, $0.0e+00;
	v39 =	vshrl.u32 v3, $0xC;
	v3 =	vmax.f32 v3, $0.0e+00  }
0x123: {  	v4 =	vnsel vm11, $0x0, v39;
	[tilespmem:$0x19570] =	vst v3  }
0x124: {  	[tilespmem:$0x19170] =	vst v4  }
0x125: {  	v2 =	vld [tilespmem:s28+$0x18980];
	_ =	sdelay $0x3  }
0x126: {  	v3 =	vld [tilespmem:s28+$0x18180]  }
0x127: {  	v40 =	vadd.f32 v2, v2;
	_ =	sdelay $0x1  }
0x128: {  	v4 =	vadd.f32 $-1.000000000e+00, v40;
	_ =	sdelay $0x1  }
0x129: {  	v3 =	vmul.f32 v4, v3;
	_ =	sdelay $0x1  }
0x12a: {  	v3 =	vsub.f32 $1.000000000e+00, v3;
	_ =	sdelay $0x1  }
0x12b: {  	[tilespmem:$0x19980] =	vst v2;
	vm12 =	vgt.f32 v3, $0.0e+00;
	v41 =	vshrl.u32 v3, $0xC;
	v3 =	vmax.f32 v3, $0.0e+00  }
0x12c: {  	v4 =	vnsel vm12, $0x0, v41;
	[tilespmem:$0x19580] =	vst v3  }
0x12d: {  	[tilespmem:$0x19180] =	vst v4  }
0x12e: {  	v2 =	vld [tilespmem:s28+$0x18990];
	_ =	sdelay $0x3  }
0x12f: {  	v3 =	vld [tilespmem:s28+$0x18190]  }
0x130: {  	v42 =	vadd.f32 v2, v2;
	_ =	sdelay $0x1  }
0x131: {  	v4 =	vadd.f32 $-1.000000000e+00, v42;
	_ =	sdelay $0x1  }
0x132: {  	v3 =	vmul.f32 v4, v3;
	_ =	sdelay $0x1  }
0x133: {  	v3 =	vsub.f32 $1.000000000e+00, v3;
	_ =	sdelay $0x1  }
0x134: {  	[tilespmem:$0x19990] =	vst v2;
	vm13 =	vgt.f32 v3, $0.0e+00;
	v43 =	vshrl.u32 v3, $0xC;
	v3 =	vmax.f32 v3, $0.0e+00  }
0x135: {  	v4 =	vnsel vm13, $0x0, v43;
	[tilespmem:$0x19590] =	vst v3  }
0x136: {  	[tilespmem:$0x19190] =	vst v4  }
0x137: {  	v2 =	vld [tilespmem:s28+$0x189A0];
	_ =	sdelay $0x3  }
0x138: {  	v3 =	vld [tilespmem:s28+$0x181A0]  }
0x139: {  	v44 =	vadd.f32 v2, v2;
	_ =	sdelay $0x1  }
0x13a: {  	v4 =	vadd.f32 $-1.000000000e+00, v44;
	_ =	sdelay $0x1  }
0x13b: {  	v3 =	vmul.f32 v4, v3;
	_ =	sdelay $0x1  }
0x13c: {  	v3 =	vsub.f32 $1.000000000e+00, v3;
	_ =	sdelay $0x1  }
0x13d: {  	[tilespmem:$0x199A0] =	vst v2;
	vm14 =	vgt.f32 v3, $0.0e+00;
	v45 =	vshrl.u32 v3, $0xC;
	v3 =	vmax.f32 v3, $0.0e+00  }
0x13e: {  	v4 =	vnsel vm14, $0x0, v45;
	[tilespmem:$0x195A0] =	vst v3  }
0x13f: {  	[tilespmem:$0x191A0] =	vst v4  }
0x140: {  	v2 =	vld [tilespmem:s28+$0x189B0];
	_ =	sdelay $0x3  }
0x141: {  	v3 =	vld [tilespmem:s28+$0x181B0]  }
0x142: {  	v46 =	vadd.f32 v2, v2;
	_ =	sdelay $0x1  }
0x143: {  	v4 =	vadd.f32 $-1.000000000e+00, v46;
	_ =	sdelay $0x1  }
0x144: {  	v3 =	vmul.f32 v4, v3;
	_ =	sdelay $0x1  }
0x145: {  	v3 =	vsub.f32 $1.000000000e+00, v3;
	_ =	sdelay $0x1  }
0x146: {  	[tilespmem:$0x199B0] =	vst v2;
	vm15 =	vgt.f32 v3, $0.0e+00;
	v47 =	vshrl.u32 v3, $0xC;
	v3 =	vmax.f32 v3, $0.0e+00  }
0x147: {  	v4 =	vnsel vm15, $0x0, v47;
	[tilespmem:$0x195B0] =	vst v3  }
0x148: {  	[tilespmem:$0x191B0] =	vst v4  }
0x149: {  	v2 =	vld [tilespmem:s28+$0x189C0];
	_ =	sdelay $0x3  }
0x14a: {  	v3 =	vld [tilespmem:s28+$0x181C0]  }
0x14b: {  	v48 =	vadd.f32 v2, v2;
	_ =	sdelay $0x1  }
0x14c: {  	v4 =	vadd.f32 $-1.000000000e+00, v48;
	_ =	sdelay $0x1  }
0x14d: {  	v3 =	vmul.f32 v4, v3;
	_ =	sdelay $0x1  }
0x14e: {  	v3 =	vsub.f32 $1.000000000e+00, v3;
	_ =	sdelay $0x1  }
0x14f: {  	[tilespmem:$0x199C0] =	vst v2;
	vm4 =	vgt.f32 v3, $0.0e+00;
	v49 =	vshrl.u32 v3, $0xC;
	v3 =	vmax.f32 v3, $0.0e+00  }
0x150: {  	v4 =	vnsel vm4, $0x0, v49;
	[tilespmem:$0x195C0] =	vst v3  }
0x151: {  	[tilespmem:$0x191C0] =	vst v4  }
0x152: {  	v2 =	vld [tilespmem:s28+$0x189D0];
	_ =	sdelay $0x3  }
0x153: {  	v3 =	vld [tilespmem:s28+$0x181D0]  }
0x154: {  	v50 =	vadd.f32 v2, v2;
	_ =	sdelay $0x1  }
0x155: {  	v4 =	vadd.f32 $-1.000000000e+00, v50;
	_ =	sdelay $0x1  }
0x156: {  	v3 =	vmul.f32 v4, v3;
	_ =	sdelay $0x1  }
0x157: {  	v3 =	vsub.f32 $1.000000000e+00, v3;
	_ =	sdelay $0x1  }
0x158: {  	[tilespmem:$0x199D0] =	vst v2;
	vm5 =	vgt.f32 v3, $0.0e+00;
	v51 =	vshrl.u32 v3, $0xC;
	v3 =	vmax.f32 v3, $0.0e+00  }
0x159: {  	v4 =	vnsel vm5, $0x0, v51;
	[tilespmem:$0x195D0] =	vst v3  }
0x15a: {  	[tilespmem:$0x191D0] =	vst v4  }
0x15b: {  	v2 =	vld [tilespmem:s28+$0x189E0];
	_ =	sdelay $0x3  }
0x15c: {  	v3 =	vld [tilespmem:s28+$0x181E0]  }
0x15d: {  	v52 =	vadd.f32 v2, v2;
	_ =	sdelay $0x1  }
0x15e: {  	v4 =	vadd.f32 $-1.000000000e+00, v52;
	_ =	sdelay $0x1  }
0x15f: {  	v3 =	vmul.f32 v4, v3;
	_ =	sdelay $0x1  }
0x160: {  	v3 =	vsub.f32 $1.000000000e+00, v3;
	_ =	sdelay $0x1  }
0x161: {  	[tilespmem:$0x199E0] =	vst v2;
	vm6 =	vgt.f32 v3, $0.0e+00;
	v53 =	vshrl.u32 v3, $0xC;
	v3 =	vmax.f32 v3, $0.0e+00  }
0x162: {  	v4 =	vnsel vm6, $0x0, v53;
	[tilespmem:$0x195E0] =	vst v3  }
0x163: {  	[tilespmem:$0x191E0] =	vst v4  }
0x164: {  	v2 =	vld [tilespmem:s28+$0x189F0];
	_ =	sdelay $0x3  }
0x165: {  	v3 =	vld [tilespmem:s28+$0x181F0]  }
0x166: {  	v54 =	vadd.f32 v2, v2;
	_ =	sdelay $0x1  }
0x167: {  	v4 =	vadd.f32 $-1.000000000e+00, v54;
	_ =	sdelay $0x1  }
0x168: {  	v3 =	vmul.f32 v4, v3;
	_ =	sdelay $0x1  }
0x169: {  	v3 =	vsub.f32 $1.000000000e+00, v3;
	_ =	sdelay $0x1  }
0x16a: {  	[tilespmem:$0x199F0] =	vst v2;
	vm7 =	vgt.f32 v3, $0.0e+00;
	v55 =	vshrl.u32 v3, $0xC;
	v3 =	vmax.f32 v3, $0.0e+00  }
0x16b: {  	v4 =	vnsel vm7, $0x0, v55;
	[tilespmem:$0x195F0] =	vst v3  }
0x16c: {  	[tilespmem:$0x191F0] =	vst v4  }
0x16d: {  	v2 =	vld [tilespmem:s28+$0x18A00];
	_ =	sdelay $0x3  }
0x16e: {  	v3 =	vld [tilespmem:s28+$0x18200]  }
0x16f: {  	v56 =	vadd.f32 v2, v2;
	_ =	sdelay $0x1  }
0x170: {  	v4 =	vadd.f32 $-1.000000000e+00, v56;
	_ =	sdelay $0x1  }
0x171: {  	v3 =	vmul.f32 v4, v3;
	_ =	sdelay $0x1  }
0x172: {  	v3 =	vsub.f32 $1.000000000e+00, v3;
	_ =	sdelay $0x1  }
0x173: {  	[tilespmem:$0x19A00] =	vst v2;
	vm8 =	vgt.f32 v3, $0.0e+00;
	v57 =	vshrl.u32 v3, $0xC;
	v3 =	vmax.f32 v3, $0.0e+00  }
0x174: {  	v4 =	vnsel vm8, $0x0, v57;
	[tilespmem:$0x19600] =	vst v3  }
0x175: {  	[tilespmem:$0x19200] =	vst v4  }
0x176: {  	v2 =	vld [tilespmem:s28+$0x18A10];
	_ =	sdelay $0x3  }
0x177: {  	v3 =	vld [tilespmem:s28+$0x18210]  }
0x178: {  	v58 =	vadd.f32 v2, v2;
	_ =	sdelay $0x1  }
0x179: {  	v4 =	vadd.f32 $-1.000000000e+00, v58;
	_ =	sdelay $0x1  }
0x17a: {  	v3 =	vmul.f32 v4, v3;
	_ =	sdelay $0x1  }
0x17b: {  	v3 =	vsub.f32 $1.000000000e+00, v3;
	_ =	sdelay $0x1  }
0x17c: {  	[tilespmem:$0x19A10] =	vst v2;
	vm9 =	vgt.f32 v3, $0.0e+00;
	v59 =	vshrl.u32 v3, $0xC;
	v3 =	vmax.f32 v3, $0.0e+00  }
0x17d: {  	v4 =	vnsel vm9, $0x0, v59;
	[tilespmem:$0x19610] =	vst v3  }
0x17e: {  	[tilespmem:$0x19210] =	vst v4  }
0x17f: {  	v2 =	vld [tilespmem:s28+$0x18A20];
	_ =	sdelay $0x3  }
0x180: {  	v3 =	vld [tilespmem:s28+$0x18220]  }
0x181: {  	v60 =	vadd.f32 v2, v2;
	_ =	sdelay $0x1  }
0x182: {  	v4 =	vadd.f32 $-1.000000000e+00, v60;
	_ =	sdelay $0x1  }
0x183: {  	v3 =	vmul.f32 v4, v3;
	_ =	sdelay $0x1  }
0x184: {  	v3 =	vsub.f32 $1.000000000e+00, v3;
	_ =	sdelay $0x1  }
0x185: {  	[tilespmem:$0x19A20] =	vst v2;
	vm10 =	vgt.f32 v3, $0.0e+00;
	v61 =	vshrl.u32 v3, $0xC;
	v3 =	vmax.f32 v3, $0.0e+00  }
0x186: {  	v4 =	vnsel vm10, $0x0, v61;
	[tilespmem:$0x19620] =	vst v3  }
0x187: {  	[tilespmem:$0x19220] =	vst v4  }
0x188: {  	v2 =	vld [tilespmem:s28+$0x18A30];
	_ =	sdelay $0x3  }
0x189: {  	v3 =	vld [tilespmem:s28+$0x18230]  }
0x18a: {  	v62 =	vadd.f32 v2, v2;
	_ =	sdelay $0x1  }
0x18b: {  	v4 =	vadd.f32 $-1.000000000e+00, v62;
	_ =	sdelay $0x1  }
0x18c: {  	v3 =	vmul.f32 v4, v3;
	_ =	sdelay $0x1  }
0x18d: {  	v3 =	vsub.f32 $1.000000000e+00, v3;
	_ =	sdelay $0x1  }
0x18e: {  	[tilespmem:$0x19A30] =	vst v2;
	vm11 =	vgt.f32 v3, $0.0e+00;
	v63 =	vshrl.u32 v3, $0xC;
	v3 =	vmax.f32 v3, $0.0e+00  }
0x18f: {  	v4 =	vnsel vm11, $0x0, v63;
	[tilespmem:$0x19630] =	vst v3  }
0x190: {  	[tilespmem:$0x19230] =	vst v4  }
0x191: {  	v2 =	vld [tilespmem:s28+$0x18A40];
	_ =	sdelay $0x3  }
0x192: {  	v3 =	vld [tilespmem:s28+$0x18240]  }
0x193: {  	v8 =	vadd.f32 v2, v2;
	_ =	sdelay $0x1  }
0x194: {  	v4 =	vadd.f32 $-1.000000000e+00, v8;
	_ =	sdelay $0x1  }
0x195: {  	v3 =	vmul.f32 v4, v3;
	_ =	sdelay $0x1  }
0x196: {  	v3 =	vsub.f32 $1.000000000e+00, v3;
	_ =	sdelay $0x1  }
0x197: {  	[tilespmem:$0x19A40] =	vst v2;
	vm12 =	vgt.f32 v3, $0.0e+00;
	v9 =	vshrl.u32 v3, $0xC;
	v3 =	vmax.f32 v3, $0.0e+00  }
0x198: {  	v4 =	vnsel vm12, $0x0, v9;
	[tilespmem:$0x19640] =	vst v3  }
0x199: {  	[tilespmem:$0x19240] =	vst v4  }
0x19a: {  	v2 =	vld [tilespmem:s28+$0x18A50];
	_ =	sdelay $0x3  }
0x19b: {  	v3 =	vld [tilespmem:s28+$0x18250]  }
0x19c: {  	v10 =	vadd.f32 v2, v2;
	_ =	sdelay $0x1  }
0x19d: {  	v4 =	vadd.f32 $-1.000000000e+00, v10;
	_ =	sdelay $0x1  }
0x19e: {  	v3 =	vmul.f32 v4, v3;
	_ =	sdelay $0x1  }
0x19f: {  	v3 =	vsub.f32 $1.000000000e+00, v3;
	_ =	sdelay $0x1  }
0x1a0: {  	[tilespmem:$0x19A50] =	vst v2;
	vm13 =	vgt.f32 v3, $0.0e+00;
	v11 =	vshrl.u32 v3, $0xC;
	v3 =	vmax.f32 v3, $0.0e+00  }
0x1a1: {  	v4 =	vnsel vm13, $0x0, v11;
	[tilespmem:$0x19650] =	vst v3  }
0x1a2: {  	[tilespmem:$0x19250] =	vst v4  }
0x1a3: {  	v2 =	vld [tilespmem:s28+$0x18A60];
	_ =	sdelay $0x3  }
0x1a4: {  	v3 =	vld [tilespmem:s28+$0x18260]  }
0x1a5: {  	v12 =	vadd.f32 v2, v2;
	_ =	sdelay $0x1  }
0x1a6: {  	v4 =	vadd.f32 $-1.000000000e+00, v12;
	_ =	sdelay $0x1  }
0x1a7: {  	v3 =	vmul.f32 v4, v3;
	_ =	sdelay $0x1  }
0x1a8: {  	v3 =	vsub.f32 $1.000000000e+00, v3;
	_ =	sdelay $0x1  }
0x1a9: {  	[tilespmem:$0x19A60] =	vst v2;
	vm14 =	vgt.f32 v3, $0.0e+00;
	v13 =	vshrl.u32 v3, $0xC;
	v3 =	vmax.f32 v3, $0.0e+00  }
0x1aa: {  	v4 =	vnsel vm14, $0x0, v13;
	[tilespmem:$0x19660] =	vst v3  }
0x1ab: {  	[tilespmem:$0x19260] =	vst v4  }
0x1ac: {  	v2 =	vld [tilespmem:s28+$0x18A70];
	_ =	sdelay $0x3  }
0x1ad: {  	v3 =	vld [tilespmem:s28+$0x18270]  }
0x1ae: {  	v14 =	vadd.f32 v2, v2;
	_ =	sdelay $0x1  }
0x1af: {  	v4 =	vadd.f32 $-1.000000000e+00, v14;
	_ =	sdelay $0x1  }
0x1b0: {  	v3 =	vmul.f32 v4, v3;
	_ =	sdelay $0x1  }
0x1b1: {  	v3 =	vsub.f32 $1.000000000e+00, v3;
	_ =	sdelay $0x1  }
0x1b2: {  	[tilespmem:$0x19A70] =	vst v2;
	vm15 =	vgt.f32 v3, $0.0e+00;
	v15 =	vshrl.u32 v3, $0xC;
	v3 =	vmax.f32 v3, $0.0e+00  }
0x1b3: {  	v4 =	vnsel vm15, $0x0, v15;
	[tilespmem:$0x19670] =	vst v3  }
0x1b4: {  	[tilespmem:$0x19270] =	vst v4  }
0x1b5: {  	v2 =	vld [tilespmem:s28+$0x18A80];
	_ =	sdelay $0x3  }
0x1b6: {  	v3 =	vld [tilespmem:s28+$0x18280]  }
0x1b7: {  	v16 =	vadd.f32 v2, v2;
	_ =	sdelay $0x1  }
0x1b8: {  	v4 =	vadd.f32 $-1.000000000e+00, v16;
	_ =	sdelay $0x1  }
0x1b9: {  	v3 =	vmul.f32 v4, v3;
	_ =	sdelay $0x1  }
0x1ba: {  	v3 =	vsub.f32 $1.000000000e+00, v3;
	_ =	sdelay $0x1  }
0x1bb: {  	[tilespmem:$0x19A80] =	vst v2;
	vm4 =	vgt.f32 v3, $0.0e+00;
	v17 =	vshrl.u32 v3, $0xC;
	v3 =	vmax.f32 v3, $0.0e+00  }
0x1bc: {  	v4 =	vnsel vm4, $0x0, v17;
	[tilespmem:$0x19680] =	vst v3  }
0x1bd: {  	[tilespmem:$0x19280] =	vst v4  }
0x1be: {  	v2 =	vld [tilespmem:s28+$0x18A90];
	_ =	sdelay $0x3  }
0x1bf: {  	v3 =	vld [tilespmem:s28+$0x18290]  }
0x1c0: {  	v18 =	vadd.f32 v2, v2;
	_ =	sdelay $0x1  }
0x1c1: {  	v4 =	vadd.f32 $-1.000000000e+00, v18;
	_ =	sdelay $0x1  }
0x1c2: {  	v3 =	vmul.f32 v4, v3;
	_ =	sdelay $0x1  }
0x1c3: {  	v3 =	vsub.f32 $1.000000000e+00, v3;
	_ =	sdelay $0x1  }
0x1c4: {  	[tilespmem:$0x19A90] =	vst v2;
	vm5 =	vgt.f32 v3, $0.0e+00;
	v19 =	vshrl.u32 v3, $0xC;
	v3 =	vmax.f32 v3, $0.0e+00  }
0x1c5: {  	v4 =	vnsel vm5, $0x0, v19;
	[tilespmem:$0x19690] =	vst v3  }
0x1c6: {  	[tilespmem:$0x19290] =	vst v4  }
0x1c7: {  	v2 =	vld [tilespmem:s28+$0x18AA0];
	_ =	sdelay $0x3  }
0x1c8: {  	v3 =	vld [tilespmem:s28+$0x182A0]  }
0x1c9: {  	v20 =	vadd.f32 v2, v2;
	_ =	sdelay $0x1  }
0x1ca: {  	v4 =	vadd.f32 $-1.000000000e+00, v20;
	_ =	sdelay $0x1  }
0x1cb: {  	v3 =	vmul.f32 v4, v3;
	_ =	sdelay $0x1  }
0x1cc: {  	v3 =	vsub.f32 $1.000000000e+00, v3;
	_ =	sdelay $0x1  }
0x1cd: {  	[tilespmem:$0x19AA0] =	vst v2;
	vm6 =	vgt.f32 v3, $0.0e+00;
	v21 =	vshrl.u32 v3, $0xC;
	v3 =	vmax.f32 v3, $0.0e+00  }
0x1ce: {  	v4 =	vnsel vm6, $0x0, v21;
	[tilespmem:$0x196A0] =	vst v3  }
0x1cf: {  	[tilespmem:$0x192A0] =	vst v4  }
0x1d0: {  	v2 =	vld [tilespmem:s28+$0x18AB0];
	_ =	sdelay $0x3  }
0x1d1: {  	v3 =	vld [tilespmem:s28+$0x182B0]  }
0x1d2: {  	v22 =	vadd.f32 v2, v2;
	_ =	sdelay $0x1  }
0x1d3: {  	v4 =	vadd.f32 $-1.000000000e+00, v22;
	_ =	sdelay $0x1  }
0x1d4: {  	v3 =	vmul.f32 v4, v3;
	_ =	sdelay $0x1  }
0x1d5: {  	v3 =	vsub.f32 $1.000000000e+00, v3;
	_ =	sdelay $0x1  }
0x1d6: {  	[tilespmem:$0x19AB0] =	vst v2;
	vm7 =	vgt.f32 v3, $0.0e+00;
	v23 =	vshrl.u32 v3, $0xC;
	v3 =	vmax.f32 v3, $0.0e+00  }
0x1d7: {  	v4 =	vnsel vm7, $0x0, v23;
	[tilespmem:$0x196B0] =	vst v3  }
0x1d8: {  	[tilespmem:$0x192B0] =	vst v4  }
0x1d9: {  	v2 =	vld [tilespmem:s28+$0x18AC0];
	_ =	sdelay $0x3  }
0x1da: {  	v3 =	vld [tilespmem:s28+$0x182C0]  }
0x1db: {  	v24 =	vadd.f32 v2, v2;
	_ =	sdelay $0x1  }
0x1dc: {  	v4 =	vadd.f32 $-1.000000000e+00, v24;
	_ =	sdelay $0x1  }
0x1dd: {  	v3 =	vmul.f32 v4, v3;
	_ =	sdelay $0x1  }
0x1de: {  	v3 =	vsub.f32 $1.000000000e+00, v3;
	_ =	sdelay $0x1  }
0x1df: {  	[tilespmem:$0x19AC0] =	vst v2;
	vm8 =	vgt.f32 v3, $0.0e+00;
	v25 =	vshrl.u32 v3, $0xC;
	v3 =	vmax.f32 v3, $0.0e+00  }
0x1e0: {  	v4 =	vnsel vm8, $0x0, v25;
	[tilespmem:$0x196C0] =	vst v3  }
0x1e1: {  	[tilespmem:$0x192C0] =	vst v4  }
0x1e2: {  	v2 =	vld [tilespmem:s28+$0x18AD0];
	_ =	sdelay $0x3  }
0x1e3: {  	v3 =	vld [tilespmem:s28+$0x182D0]  }
0x1e4: {  	v26 =	vadd.f32 v2, v2;
	_ =	sdelay $0x1  }
0x1e5: {  	v4 =	vadd.f32 $-1.000000000e+00, v26;
	_ =	sdelay $0x1  }
0x1e6: {  	v3 =	vmul.f32 v4, v3;
	_ =	sdelay $0x1  }
0x1e7: {  	v3 =	vsub.f32 $1.000000000e+00, v3;
	_ =	sdelay $0x1  }
0x1e8: {  	[tilespmem:$0x19AD0] =	vst v2;
	vm9 =	vgt.f32 v3, $0.0e+00;
	v27 =	vshrl.u32 v3, $0xC;
	v3 =	vmax.f32 v3, $0.0e+00  }
0x1e9: {  	v4 =	vnsel vm9, $0x0, v27;
	[tilespmem:$0x196D0] =	vst v3  }
0x1ea: {  	[tilespmem:$0x192D0] =	vst v4  }
0x1eb: {  	v2 =	vld [tilespmem:s28+$0x18AE0];
	_ =	sdelay $0x3  }
0x1ec: {  	v3 =	vld [tilespmem:s28+$0x182E0]  }
0x1ed: {  	v28 =	vadd.f32 v2, v2;
	_ =	sdelay $0x1  }
0x1ee: {  	v4 =	vadd.f32 $-1.000000000e+00, v28;
	_ =	sdelay $0x1  }
0x1ef: {  	v3 =	vmul.f32 v4, v3;
	_ =	sdelay $0x1  }
0x1f0: {  	v3 =	vsub.f32 $1.000000000e+00, v3;
	_ =	sdelay $0x1  }
0x1f1: {  	[tilespmem:$0x19AE0] =	vst v2;
	vm10 =	vgt.f32 v3, $0.0e+00;
	v29 =	vshrl.u32 v3, $0xC;
	v3 =	vmax.f32 v3, $0.0e+00  }
0x1f2: {  	v4 =	vnsel vm10, $0x0, v29;
	[tilespmem:$0x196E0] =	vst v3  }
0x1f3: {  	[tilespmem:$0x192E0] =	vst v4  }
0x1f4: {  	v2 =	vld [tilespmem:s28+$0x18AF0];
	_ =	sdelay $0x3  }
0x1f5: {  	v3 =	vld [tilespmem:s28+$0x182F0]  }
0x1f6: {  	v30 =	vadd.f32 v2, v2;
	_ =	sdelay $0x1  }
0x1f7: {  	v4 =	vadd.f32 $-1.000000000e+00, v30;
	_ =	sdelay $0x1  }
0x1f8: {  	v3 =	vmul.f32 v4, v3;
	_ =	sdelay $0x1  }
0x1f9: {  	v3 =	vsub.f32 $1.000000000e+00, v3;
	_ =	sdelay $0x1  }
0x1fa: {  	[tilespmem:$0x19AF0] =	vst v2;
	vm11 =	vgt.f32 v3, $0.0e+00;
	v31 =	vshrl.u32 v3, $0xC;
	v3 =	vmax.f32 v3, $0.0e+00  }
0x1fb: {  	v4 =	vnsel vm11, $0x0, v31;
	[tilespmem:$0x196F0] =	vst v3  }
0x1fc: {  	[tilespmem:$0x192F0] =	vst v4  }
0x1fd: {  	v2 =	vld [tilespmem:s28+$0x18B00];
	_ =	sdelay $0x3  }
0x1fe: {  	v3 =	vld [tilespmem:s28+$0x18300]  }
0x1ff: {  	v32 =	vadd.f32 v2, v2;
	_ =	sdelay $0x1  }
0x200: {  	v4 =	vadd.f32 $-1.000000000e+00, v32;
	_ =	sdelay $0x1  }
0x201: {  	v3 =	vmul.f32 v4, v3;
	_ =	sdelay $0x1  }
0x202: {  	v3 =	vsub.f32 $1.000000000e+00, v3;
	_ =	sdelay $0x1  }
0x203: {  	[tilespmem:$0x19B00] =	vst v2;
	vm12 =	vgt.f32 v3, $0.0e+00;
	v33 =	vshrl.u32 v3, $0xC;
	v3 =	vmax.f32 v3, $0.0e+00  }
0x204: {  	v4 =	vnsel vm12, $0x0, v33;
	[tilespmem:$0x19700] =	vst v3  }
0x205: {  	[tilespmem:$0x19300] =	vst v4  }
0x206: {  	v2 =	vld [tilespmem:s28+$0x18B10];
	_ =	sdelay $0x3  }
0x207: {  	v3 =	vld [tilespmem:s28+$0x18310]  }
0x208: {  	v34 =	vadd.f32 v2, v2;
	_ =	sdelay $0x1  }
0x209: {  	v4 =	vadd.f32 $-1.000000000e+00, v34;
	_ =	sdelay $0x1  }
0x20a: {  	v3 =	vmul.f32 v4, v3;
	_ =	sdelay $0x1  }
0x20b: {  	v3 =	vsub.f32 $1.000000000e+00, v3;
	_ =	sdelay $0x1  }
0x20c: {  	[tilespmem:$0x19B10] =	vst v2;
	vm13 =	vgt.f32 v3, $0.0e+00;
	v35 =	vshrl.u32 v3, $0xC;
	v3 =	vmax.f32 v3, $0.0e+00  }
0x20d: {  	v4 =	vnsel vm13, $0x0, v35;
	[tilespmem:$0x19710] =	vst v3  }
0x20e: {  	[tilespmem:$0x19310] =	vst v4  }
0x20f: {  	v2 =	vld [tilespmem:s28+$0x18B20];
	_ =	sdelay $0x3  }
0x210: {  	v3 =	vld [tilespmem:s28+$0x18320]  }
0x211: {  	v36 =	vadd.f32 v2, v2;
	_ =	sdelay $0x1  }
0x212: {  	v4 =	vadd.f32 $-1.000000000e+00, v36;
	_ =	sdelay $0x1  }
0x213: {  	v3 =	vmul.f32 v4, v3;
	_ =	sdelay $0x1  }
0x214: {  	v3 =	vsub.f32 $1.000000000e+00, v3;
	_ =	sdelay $0x1  }
0x215: {  	[tilespmem:$0x19B20] =	vst v2;
	vm14 =	vgt.f32 v3, $0.0e+00;
	v37 =	vshrl.u32 v3, $0xC;
	v3 =	vmax.f32 v3, $0.0e+00  }
0x216: {  	v4 =	vnsel vm14, $0x0, v37;
	[tilespmem:$0x19720] =	vst v3  }
0x217: {  	[tilespmem:$0x19320] =	vst v4  }
0x218: {  	v2 =	vld [tilespmem:s28+$0x18B30];
	_ =	sdelay $0x3  }
0x219: {  	v3 =	vld [tilespmem:s28+$0x18330]  }
0x21a: {  	v38 =	vadd.f32 v2, v2;
	_ =	sdelay $0x1  }
0x21b: {  	v4 =	vadd.f32 $-1.000000000e+00, v38;
	_ =	sdelay $0x1  }
0x21c: {  	v3 =	vmul.f32 v4, v3;
	_ =	sdelay $0x1  }
0x21d: {  	v3 =	vsub.f32 $1.000000000e+00, v3;
	_ =	sdelay $0x1  }
0x21e: {  	[tilespmem:$0x19B30] =	vst v2;
	vm15 =	vgt.f32 v3, $0.0e+00;
	v39 =	vshrl.u32 v3, $0xC;
	v3 =	vmax.f32 v3, $0.0e+00  }
0x21f: {  	v4 =	vnsel vm15, $0x0, v39;
	[tilespmem:$0x19730] =	vst v3  }
0x220: {  	[tilespmem:$0x19330] =	vst v4  }
0x221: {  	v2 =	vld [tilespmem:s28+$0x18B40];
	_ =	sdelay $0x3  }
0x222: {  	v3 =	vld [tilespmem:s28+$0x18340]  }
0x223: {  	v40 =	vadd.f32 v2, v2;
	_ =	sdelay $0x1  }
0x224: {  	v4 =	vadd.f32 $-1.000000000e+00, v40;
	_ =	sdelay $0x1  }
0x225: {  	v3 =	vmul.f32 v4, v3;
	_ =	sdelay $0x1  }
0x226: {  	v3 =	vsub.f32 $1.000000000e+00, v3;
	_ =	sdelay $0x1  }
0x227: {  	[tilespmem:$0x19B40] =	vst v2;
	vm4 =	vgt.f32 v3, $0.0e+00;
	v41 =	vshrl.u32 v3, $0xC;
	v3 =	vmax.f32 v3, $0.0e+00  }
0x228: {  	v4 =	vnsel vm4, $0x0, v41;
	[tilespmem:$0x19740] =	vst v3  }
0x229: {  	[tilespmem:$0x19340] =	vst v4  }
0x22a: {  	v2 =	vld [tilespmem:s28+$0x18B50];
	_ =	sdelay $0x3  }
0x22b: {  	v3 =	vld [tilespmem:s28+$0x18350]  }
0x22c: {  	v42 =	vadd.f32 v2, v2;
	_ =	sdelay $0x1  }
0x22d: {  	v4 =	vadd.f32 $-1.000000000e+00, v42;
	_ =	sdelay $0x1  }
0x22e: {  	v3 =	vmul.f32 v4, v3;
	_ =	sdelay $0x1  }
0x22f: {  	v3 =	vsub.f32 $1.000000000e+00, v3;
	_ =	sdelay $0x1  }
0x230: {  	[tilespmem:$0x19B50] =	vst v2;
	vm5 =	vgt.f32 v3, $0.0e+00;
	v43 =	vshrl.u32 v3, $0xC;
	v3 =	vmax.f32 v3, $0.0e+00  }
0x231: {  	v4 =	vnsel vm5, $0x0, v43;
	[tilespmem:$0x19750] =	vst v3  }
0x232: {  	[tilespmem:$0x19350] =	vst v4  }
0x233: {  	v2 =	vld [tilespmem:s28+$0x18B60];
	_ =	sdelay $0x3  }
0x234: {  	v3 =	vld [tilespmem:s28+$0x18360]  }
0x235: {  	v44 =	vadd.f32 v2, v2;
	_ =	sdelay $0x1  }
0x236: {  	v4 =	vadd.f32 $-1.000000000e+00, v44;
	_ =	sdelay $0x1  }
0x237: {  	v3 =	vmul.f32 v4, v3;
	_ =	sdelay $0x1  }
0x238: {  	v3 =	vsub.f32 $1.000000000e+00, v3;
	_ =	sdelay $0x1  }
0x239: {  	[tilespmem:$0x19B60] =	vst v2;
	vm6 =	vgt.f32 v3, $0.0e+00;
	v45 =	vshrl.u32 v3, $0xC;
	v3 =	vmax.f32 v3, $0.0e+00  }
0x23a: {  	v4 =	vnsel vm6, $0x0, v45;
	[tilespmem:$0x19760] =	vst v3  }
0x23b: {  	[tilespmem:$0x19360] =	vst v4  }
0x23c: {  	v2 =	vld [tilespmem:s28+$0x18B70];
	_ =	sdelay $0x3  }
0x23d: {  	v3 =	vld [tilespmem:s28+$0x18370]  }
0x23e: {  	v46 =	vadd.f32 v2, v2;
	_ =	sdelay $0x1  }
0x23f: {  	v4 =	vadd.f32 $-1.000000000e+00, v46;
	_ =	sdelay $0x1  }
0x240: {  	v3 =	vmul.f32 v4, v3;
	_ =	sdelay $0x1  }
0x241: {  	v3 =	vsub.f32 $1.000000000e+00, v3;
	_ =	sdelay $0x1  }
0x242: {  	[tilespmem:$0x19B70] =	vst v2;
	vm7 =	vgt.f32 v3, $0.0e+00;
	v47 =	vshrl.u32 v3, $0xC;
	v3 =	vmax.f32 v3, $0.0e+00  }
0x243: {  	v4 =	vnsel vm7, $0x0, v47;
	[tilespmem:$0x19770] =	vst v3  }
0x244: {  	[tilespmem:$0x19370] =	vst v4  }
0x245: {  	v2 =	vld [tilespmem:s28+$0x18B80];
	_ =	sdelay $0x3  }
0x246: {  	v3 =	vld [tilespmem:s28+$0x18380]  }
0x247: {  	v48 =	vadd.f32 v2, v2;
	_ =	sdelay $0x1  }
0x248: {  	v4 =	vadd.f32 $-1.000000000e+00, v48;
	_ =	sdelay $0x1  }
0x249: {  	v3 =	vmul.f32 v4, v3;
	_ =	sdelay $0x1  }
0x24a: {  	v3 =	vsub.f32 $1.000000000e+00, v3;
	_ =	sdelay $0x1  }
0x24b: {  	[tilespmem:$0x19B80] =	vst v2;
	vm8 =	vgt.f32 v3, $0.0e+00;
	v49 =	vshrl.u32 v3, $0xC;
	v3 =	vmax.f32 v3, $0.0e+00  }
0x24c: {  	v4 =	vnsel vm8, $0x0, v49;
	[tilespmem:$0x19780] =	vst v3  }
0x24d: {  	[tilespmem:$0x19380] =	vst v4  }
0x24e: {  	v2 =	vld [tilespmem:s28+$0x18B90];
	_ =	sdelay $0x3  }
0x24f: {  	v3 =	vld [tilespmem:s28+$0x18390]  }
0x250: {  	v50 =	vadd.f32 v2, v2;
	_ =	sdelay $0x1  }
0x251: {  	v4 =	vadd.f32 $-1.000000000e+00, v50;
	_ =	sdelay $0x1  }
0x252: {  	v3 =	vmul.f32 v4, v3;
	_ =	sdelay $0x1  }
0x253: {  	v3 =	vsub.f32 $1.000000000e+00, v3;
	_ =	sdelay $0x1  }
0x254: {  	[tilespmem:$0x19B90] =	vst v2;
	vm9 =	vgt.f32 v3, $0.0e+00;
	v51 =	vshrl.u32 v3, $0xC;
	v3 =	vmax.f32 v3, $0.0e+00  }
0x255: {  	v4 =	vnsel vm9, $0x0, v51;
	[tilespmem:$0x19790] =	vst v3  }
0x256: {  	[tilespmem:$0x19390] =	vst v4  }
0x257: {  	v2 =	vld [tilespmem:s28+$0x18BA0];
	_ =	sdelay $0x3  }
0x258: {  	v3 =	vld [tilespmem:s28+$0x183A0]  }
0x259: {  	v52 =	vadd.f32 v2, v2;
	_ =	sdelay $0x1  }
0x25a: {  	v4 =	vadd.f32 $-1.000000000e+00, v52;
	_ =	sdelay $0x1  }
0x25b: {  	v3 =	vmul.f32 v4, v3;
	_ =	sdelay $0x1  }
0x25c: {  	v3 =	vsub.f32 $1.000000000e+00, v3;
	_ =	sdelay $0x1  }
0x25d: {  	[tilespmem:$0x19BA0] =	vst v2;
	vm10 =	vgt.f32 v3, $0.0e+00;
	v53 =	vshrl.u32 v3, $0xC;
	v3 =	vmax.f32 v3, $0.0e+00  }
0x25e: {  	v4 =	vnsel vm10, $0x0, v53;
	[tilespmem:$0x197A0] =	vst v3  }
0x25f: {  	[tilespmem:$0x193A0] =	vst v4  }
0x260: {  	v2 =	vld [tilespmem:s28+$0x18BB0];
	_ =	sdelay $0x3  }
0x261: {  	v3 =	vld [tilespmem:s28+$0x183B0]  }
0x262: {  	v54 =	vadd.f32 v2, v2;
	_ =	sdelay $0x1  }
0x263: {  	v4 =	vadd.f32 $-1.000000000e+00, v54;
	_ =	sdelay $0x1  }
0x264: {  	v3 =	vmul.f32 v4, v3;
	_ =	sdelay $0x1  }
0x265: {  	v3 =	vsub.f32 $1.000000000e+00, v3;
	_ =	sdelay $0x1  }
0x266: {  	[tilespmem:$0x19BB0] =	vst v2;
	vm11 =	vgt.f32 v3, $0.0e+00;
	v55 =	vshrl.u32 v3, $0xC;
	v3 =	vmax.f32 v3, $0.0e+00  }
0x267: {  	v4 =	vnsel vm11, $0x0, v55;
	[tilespmem:$0x197B0] =	vst v3  }
0x268: {  	[tilespmem:$0x193B0] =	vst v4  }
0x269: {  	v2 =	vld [tilespmem:s28+$0x18BC0];
	_ =	sdelay $0x3  }
0x26a: {  	v3 =	vld [tilespmem:s28+$0x183C0]  }
0x26b: {  	v56 =	vadd.f32 v2, v2;
	_ =	sdelay $0x1  }
0x26c: {  	v4 =	vadd.f32 $-1.000000000e+00, v56;
	_ =	sdelay $0x1  }
0x26d: {  	v3 =	vmul.f32 v4, v3;
	_ =	sdelay $0x1  }
0x26e: {  	v3 =	vsub.f32 $1.000000000e+00, v3;
	_ =	sdelay $0x1  }
0x26f: {  	[tilespmem:$0x19BC0] =	vst v2;
	vm12 =	vgt.f32 v3, $0.0e+00;
	v57 =	vshrl.u32 v3, $0xC;
	v3 =	vmax.f32 v3, $0.0e+00  }
0x270: {  	v4 =	vnsel vm12, $0x0, v57;
	[tilespmem:$0x197C0] =	vst v3  }
0x271: {  	[tilespmem:$0x193C0] =	vst v4  }
0x272: {  	v2 =	vld [tilespmem:s28+$0x18BD0];
	_ =	sdelay $0x3  }
0x273: {  	v3 =	vld [tilespmem:s28+$0x183D0]  }
0x274: {  	v58 =	vadd.f32 v2, v2;
	_ =	sdelay $0x1  }
0x275: {  	v4 =	vadd.f32 $-1.000000000e+00, v58;
	_ =	sdelay $0x1  }
0x276: {  	v3 =	vmul.f32 v4, v3;
	_ =	sdelay $0x1  }
0x277: {  	v3 =	vsub.f32 $1.000000000e+00, v3;
	_ =	sdelay $0x1  }
0x278: {  	[tilespmem:$0x19BD0] =	vst v2;
	vm13 =	vgt.f32 v3, $0.0e+00;
	v59 =	vshrl.u32 v3, $0xC;
	v3 =	vmax.f32 v3, $0.0e+00  }
0x279: {  	v4 =	vnsel vm13, $0x0, v59;
	[tilespmem:$0x197D0] =	vst v3  }
0x27a: {  	[tilespmem:$0x193D0] =	vst v4  }
0x27b: {  	v2 =	vld [tilespmem:s28+$0x18BE0];
	_ =	sdelay $0x3  }
0x27c: {  	v3 =	vld [tilespmem:s28+$0x183E0]  }
0x27d: {  	v60 =	vadd.f32 v2, v2;
	_ =	sdelay $0x1  }
0x27e: {  	v4 =	vadd.f32 $-1.000000000e+00, v60;
	_ =	sdelay $0x1  }
0x27f: {  	v3 =	vmul.f32 v4, v3;
	_ =	sdelay $0x1  }
0x280: {  	v3 =	vsub.f32 $1.000000000e+00, v3;
	_ =	sdelay $0x1  }
0x281: {  	[tilespmem:$0x19BE0] =	vst v2;
	vm14 =	vgt.f32 v3, $0.0e+00;
	v61 =	vshrl.u32 v3, $0xC;
	v3 =	vmax.f32 v3, $0.0e+00  }
0x282: {  	v4 =	vnsel vm14, $0x0, v61;
	[tilespmem:$0x197E0] =	vst v3  }
0x283: {  	[tilespmem:$0x193E0] =	vst v4  }
0x284: {  	v2 =	vld [tilespmem:s28+$0x18BF0];
	_ =	sdelay $0x3  }
0x285: {  	v3 =	vld [tilespmem:s28+$0x183F0]  }
0x286: {  	v62 =	vadd.f32 v2, v2;
	_ =	sdelay $0x1  }
0x287: {  	v4 =	vadd.f32 $-1.000000000e+00, v62;
	_ =	sdelay $0x1  }
0x288: {  	v3 =	vmul.f32 v4, v3;
	_ =	sdelay $0x1  }
0x289: {  	v3 =	vsub.f32 $1.000000000e+00, v3;
	_ =	sdelay $0x1  }
0x28a: {  	[tilespmem:$0x19BF0] =	vst v2;
	vm15 =	vgt.f32 v3, $0.0e+00;
	v63 =	vshrl.u32 v3, $0xC;
	v3 =	vmax.f32 v3, $0.0e+00  }
0x28b: {  	v4 =	vnsel vm15, $0x0, v63;
	[tilespmem:$0x197F0] =	vst v3  }
0x28c: {  	s28 =	simm.s32 $0x400;
	[tilespmem:$0x193F0] =	vst v4  }
0x28d: {  	[spmem:s3] =	stream.indirect.scatter.add.f32 [tilespmem:s20], [sflag:$0x1], $0x1, s19, s28, $0xb8;
	[tilespmem:$0x1A000] =	vst v63  }
0x28e: {  	_ =	swait.ge [sflag:s17], $0x400  }
0x28f: {  	[sflag:s17] =	ssyncset.done $0x0  }
0x290: {  	[sflag:s17] =	ssyncadd.s32 $0xFFFFFC00  }
0x291: {  	[spmem:s1] =	stream.indirect.scatter.add.f32 [tilespmem:s21], [sflag:$0x1], $0x1, s19, s28, $0xb8;
	[tilespmem:$0x1A000] =	vst v63  }
0x292: {  	_ =	swait.ge [sflag:s17], $0x400  }
0x293: {  	p1 =	por p0, p0;
	[sflag:s17] =	ssyncset.done $0x0  }
.Ltmp3:
0x294: {  	[sflag:s17] =	ssyncadd.s32 $0xFFFFFC00;
	(pc) =	sbr.rel @p1 .LBB2_9-.Ltmp3, $4  }
0x295: {  	[spmem:s2] =	stream.indirect.scatter.add.f32 [tilespmem:s22], [sflag:$0x1], $0x1, s19, s28, $0xb8;
	[tilespmem:$0x1A000] =	vst v63  }
0x296: {  	_ =	swait.ge [sflag:s17], $0x400  }
0x297: {  	[sflag:s17] =	ssyncset.done $0x0  }
0x298: {  	p0 =	por $0x0, $0x0;
	[sflag:s17] =	ssyncadd.s32 $0xFFFFFC00  }
0x299: {  	s26 =	sadd.s32 $0x1, s26  }
0x29a: {  	p0 =	sne.s32 s26, $0x40  }
.Ltmp4:
0x29b: {  	_ = 	snop;
	(pc) =	sbr.rel @p0 .LBB2_8-.Ltmp4, $1  }
0x29c: {  	_ =	sdelay $0x3  }
0x29d: {  	s25 =	sshll.u32 s4, $0x6  }
0x29e: {  	[bflag:$0x0] =	sbarrier.arrive $0xFFFF;
	s26 =	sshrl.u32 s10, $0x3;
	s25 =	sor.u32 $0x1C01, s25  }
0x29f: {  	[hbm:s9@s23], [sflag:s25] =	dma.strided [spmem:s26@s24], $0x1000, s17, $0x10   }
0x2a0: {  	_ =	swait.ge [sflag:s17], $0x1000  }
0x2a1: {  	[sflag:s17] =	ssyncset.done $0x0  }
0x2a2: {  	s30 =	sshrl.u32 s12, $0x3;
	[sflag:s17] =	ssyncadd.s32 $0xFFFFF000  }
0x2a3: {  	[hbm:s11@s23], [sflag:s25] =	dma.strided [spmem:s30@s24], $0x1000, s17, $0x10   }
0x2a4: {  	s5 =	sadd.s32 $0x1, s5;
	_ =	swait.ge [sflag:s17], $0x1000  }
0x2a5: {  	p0 =	sne.s32 s5, s15;
	[sflag:s17] =	ssyncset.done $0x0  }
.Ltmp5:
0x2a6: {  	s31 =	sshrl.u32 s14, $0x3;
	[sflag:s17] =	ssyncadd.s32 $0xFFFFF000;
	(pc) =	sbr.rel @p0 .LBB2_1-.Ltmp5, $4  }
0x2a7: {  	[hbm:s13@s23], [sflag:s25] =	dma.strided [spmem:s31@s24], $0x1000, s17, $0x10   }
0x2a8: {  	_ =	swait.ge [sflag:s17], $0x1000  }
0x2a9: {  	[sflag:s17] =	ssyncset.done $0x0  }
0x2aa: {  	[sflag:s17] =	ssyncadd.s32 $0xFFFFF000  }
0x2ab: {  	_ =	sfence.sel $0x180000  }
0x2ac: {  	[bflag:$0x0] =	sbarrier.arrive $0xFFFF  }
0x2ad: {  	p0 =	sne.s32 s4, $0x0;
	_ =	strace $0x90000047  }
0x2ae: {  	s0 =	sadd.s32 @!p0 $0x100000, s0;
	[bflag:$0x2] =	sbarrier.arrive $0xFFFF  }
0x2af: {  	[sflag:s0] =	ssyncadd.tile.s32 @!p0 $0x1;
	_ =	shalt  }
.Lfunc_end2:
_tile_overlayer_lowered:
.L_overlay_start_2:
0x2b0: {  	(tag) =	ssettag $0x2  }
0x2b1: {  	s0 =	rddreg [dreg:$0x0];
	s2 =	stileid.u32  }
0x2b2: {  	s1 =	rddreg [dreg:$0x1];
	p0 =	sne.s32 s2, $0x0  }
0x2b3: {  	s3 =	rddreg [dreg:$0x2];
	[bflag:$0x3] =	sbarrier.arrive $0xFFFF;
	s2 =	simm.s32 @!p0 $0x1C01  }
0x2b4: {  	[timem:s3], [sflag:s2] =	dma.local @!p0 [hbm:s0], s1  }
0x2b5: {  	s0 =	simm.s32 @!p0 $0x1  }
0x2b6: {  	_ =	swait.ge @!p0 [sflag:s0], s1  }
0x2b7: {  	s1 =	ssub.s32 @!p0 $0x0, s1;
	[sflag:s0] =	ssyncset.done @!p0 $0x0  }
0x2b8: {  	[sflag:s0] =	ssyncadd.s32 @!p0 s1  }
0x2b9: {  	[bflag:$0x3] =	sbarrier.arrive $0xFFFF  }
0x2ba: {  	_ =	shalt  }

</sc_bundles>
